<compile_context>
chip_gen: v7x
topology: tpu7x:2x2x1
jax: 0.10.2.dev20260603
libtpu: 0.0.44.dev20260713+nightly
codegen_flags: <defaults>
</compile_context>

<pallas_src>
import functools

import jax
import jax.numpy as jnp
from jax import lax
from jax.experimental import pallas as pl
from jax.experimental.pallas import tpu as pltpu
from jax.experimental.pallas import tpu_sc as plsc

DIM = 64
TBL = 1000
B = 16384
MARGIN = 1.0

NC, NS, L = 2, 16, 16
NW = NC * NS
BPW = B // NW
C = 128


def _prep_body(ent_ref, rel_ref, nv_ref, pos_ref, neg_ref, take_ref,
               entP_ref, rn_ref, idx_ref, takef_ref):
    def norm_rows(x):
        n = jnp.sqrt(jnp.sum(x * x, axis=-1, keepdims=True))
        return x / jnp.maximum(n, 1e-12)

    entP_ref[...] = norm_rows(ent_ref[...])
    rn_ref[:, :DIM] = norm_rows(rel_ref[...])
    rn_ref[:, DIM:] = norm_rows(nv_ref[...])
    for k in range(3):
        idx_ref[pl.ds(k * B, B)] = pos_ref[k, :]
        idx_ref[pl.ds((3 + k) * B, B)] = neg_ref[k, :]
    takef_ref[...] = take_ref[...].astype(jnp.float32)


def _final_body(parts_ref, loss_ref):
    loss_ref[...] = jnp.sum(parts_ref[...])[None, None]


_GDN = lax.GatherDimensionNumbers(
    offset_dims=(), collapsed_slice_dims=(0,), start_index_map=(0,))


def _allsum(x):
    lane = lax.broadcasted_iota(jnp.int32, (L,), 0)
    for k in (8, 4, 2, 1):
        idx = jnp.reshape((lane + k) % L, (L, 1))
        x = x + lax.gather(x, idx, _GDN, (1,),
                           mode=lax.GatherScatterMode.PROMISE_IN_BOUNDS)
    return x


def _sc_body(idx_h, take_h, entP, rn,
             nneg_out, lossp_out,
             ph_i, pr_i, pt_i, nh_i, nr_i, nt_i, take_v,
             h_v0, t_v0, rn_v0, h_v1, t_v1, rn_v1,
             ps_v, ns_v, part_v,
             sem_s, sem0, sem1):
    core = lax.axis_index("c")
    sid = lax.axis_index("s")
    wid = sid * NC + core
    base = wid * BPW

    cps = [pltpu.async_copy(idx_h.at[pl.ds(k * B + base, BPW)], dst, sem_s)
           for k, dst in enumerate((ph_i, pr_i, pt_i, nh_i, nr_i, nt_i))]
    cps.append(pltpu.async_copy(take_h.at[pl.ds(base, BPW)], take_v, sem_s))
    for cp in cps:
        cp.wait()

    bufs = ((h_v0, t_v0, rn_v0, sem0), (h_v1, t_v1, rn_v1, sem1))
    chunks = []
    for hi, ri, ti, sv in ((ph_i, pr_i, pt_i, ps_v),
                           (nh_i, nr_i, nt_i, ns_v)):
        for c in range(BPW // C):
            chunks.append((hi, ri, ti, sv, c))

    def issue(k):
        hi, ri, ti, _, c = chunks[k]
        h_v, t_v, rn_v, sem = bufs[k % 2]
        sl = pl.ds(c * C, C)
        return [pltpu.async_copy(entP.at[hi.at[sl]], h_v, sem),
                pltpu.async_copy(entP.at[ti.at[sl]], t_v, sem),
                pltpu.async_copy(rn.at[ri.at[sl]], rn_v, sem)]

    lane = lax.broadcasted_iota(jnp.int32, (L,), 0)
    pending = issue(0)
    for k in range(len(chunks)):
        nxt = issue(k + 1) if k + 1 < len(chunks) else []
        for cp in pending:
            cp.wait()
        pending = nxt
        _, _, _, sv, c = chunks[k]
        h_v, t_v, rn_v, _ = bufs[k % 2]

        def grp_body(g, _, c=c, sv=sv, h_v=h_v, t_v=t_v, rn_v=rn_v):
            def row_body(q, acc, g=g, h_v=h_v, t_v=t_v, rn_v=rn_v):
                j = g * L + q
                h = [h_v[j, pl.ds(k * L, L)] for k in range(4)]
                t = [t_v[j, pl.ds(k * L, L)] for k in range(4)]
                r = [rn_v[j, pl.ds(k * L, L)] for k in range(4)]
                n = [rn_v[j, pl.ds(DIM + k * L, L)] for k in range(4)]
                d = [h[k] - t[k] for k in range(4)]
                cb = _allsum(d[0] * n[0] + d[1] * n[1]
                             + d[2] * n[2] + d[3] * n[3])
                s = jnp.abs(d[0] + r[0] - cb * n[0])
                for k in range(1, 4):
                    s = s + jnp.abs(d[k] + r[k] - cb * n[k])
                return jnp.where(lane == q, _allsum(s), acc)

            acc = lax.fori_loop(0, L, row_body, jnp.zeros((L,), jnp.float32))
            sv[pl.ds(c * C + g * L, L)] = acc
            return 0

        lax.fori_loop(0, C // L, grp_body, 0)

    def hinge_body(j, acc):
        ps = ps_v[pl.ds(j * L, L)]
        ns = ns_v[pl.ds(j * L, L)]
        tk = take_v[pl.ds(j * L, L)]
        return acc + tk * jnp.maximum(ps - ns + MARGIN, 0.0)

    part_v[...] = lax.fori_loop(0, BPW // L, hinge_body,
                                jnp.zeros((L,), jnp.float32))

    def neg_body(j, _):
        ps_v[pl.ds(j * L, L)] = -ns_v[pl.ds(j * L, L)]
        return 0

    lax.fori_loop(0, BPW // L, neg_body, 0)
    pltpu.sync_copy(ps_v, nneg_out.at[pl.ds(base, BPW)])

    pltpu.sync_copy(part_v, lossp_out.at[pl.ds(wid * L, L)])


@jax.jit
def _run(pos, neg, take, ent_emb, rel_emb, norm_vector):
    ent_s = jax.lax.slice(ent_emb, (0, 0), (TBL, DIM))
    entP, rn, idxcat, takef = pl.pallas_call(
        _prep_body,
        in_specs=[pl.BlockSpec((TBL, DIM), lambda: (0, 0))] * 3
        + [pl.BlockSpec((3, B), lambda: (0, 0)),
           pl.BlockSpec((3, B), lambda: (0, 0)),
           pl.BlockSpec((B,), lambda: (0,))],
        out_specs=[pl.BlockSpec((TBL, DIM), lambda: (0, 0)),
                   pl.BlockSpec((TBL, 2 * DIM), lambda: (0, 0)),
                   pl.BlockSpec((6 * B,), lambda: (0,)),
                   pl.BlockSpec((B,), lambda: (0,))],
        out_shape=[jax.ShapeDtypeStruct((TBL, DIM), jnp.float32),
                   jax.ShapeDtypeStruct((TBL, 2 * DIM), jnp.float32),
                   jax.ShapeDtypeStruct((6 * B,), jnp.int32),
                   jax.ShapeDtypeStruct((B,), jnp.float32)],
    )(ent_s, rel_emb, norm_vector, pos, neg, take)

    mesh = plsc.VectorSubcoreMesh(core_axis_name="c", subcore_axis_name="s")
    nneg, lossp = pl.kernel(
        _sc_body,
        mesh=mesh,
        compiler_params=pltpu.CompilerParams(use_tc_tiling_on_sc=False),
        out_type=[
            jax.ShapeDtypeStruct((B,), jnp.float32),
            jax.ShapeDtypeStruct((NW * L,), jnp.float32),
        ],
        scratch_types=[
            pltpu.VMEM((BPW,), jnp.int32),
            pltpu.VMEM((BPW,), jnp.int32),
            pltpu.VMEM((BPW,), jnp.int32),
            pltpu.VMEM((BPW,), jnp.int32),
            pltpu.VMEM((BPW,), jnp.int32),
            pltpu.VMEM((BPW,), jnp.int32),
            pltpu.VMEM((BPW,), jnp.float32),
            pltpu.VMEM((C, DIM), jnp.float32),
            pltpu.VMEM((C, DIM), jnp.float32),
            pltpu.VMEM((C, 2 * DIM), jnp.float32),
            pltpu.VMEM((C, DIM), jnp.float32),
            pltpu.VMEM((C, DIM), jnp.float32),
            pltpu.VMEM((C, 2 * DIM), jnp.float32),
            pltpu.VMEM((BPW,), jnp.float32),
            pltpu.VMEM((BPW,), jnp.float32),
            pltpu.VMEM((L,), jnp.float32),
            pltpu.SemaphoreType.DMA,
            pltpu.SemaphoreType.DMA,
            pltpu.SemaphoreType.DMA,
        ],
    )(idxcat, takef, entP, rn)

    loss = pl.pallas_call(
        _final_body,
        in_specs=[pl.BlockSpec((4, 128), lambda: (0, 0))],
        out_specs=pl.BlockSpec((1, 1), lambda: (0, 0)),
        out_shape=jax.ShapeDtypeStruct((1, 1), jnp.float32),
    )(lossp.reshape(4, 128))
    return loss.reshape(()), nneg


def kernel(pos, neg, take, ent_emb, rel_emb, norm_vector):
    return _run(pos, neg, take, ent_emb, rel_emb, norm_vector)

# --- scband reference (transcript-rebuilt; emitter-appended) ---
"""Pipeline reference for scband-discriminator-14276471292050 (READ-ONLY COPY).

The authoritative reference and input builder live on the scoring server;
editing this copy changes nothing except your own understanding.
"""

import jax, jax.numpy as jnp
import numpy as np

ENT_SIZE = 1000000
REL_SIZE = 1000
DIM = 64
B = 16384
MARGIN = 1.0


def _normalize(x):
    n = jnp.linalg.norm(x, ord=2, axis=-1, keepdims=True)
    return x / jnp.maximum(n, 1e-12)


def _transfer(e, norm):
    return e - jnp.sum(e * norm, axis=-1, keepdims=True) * norm


def setup_inputs(seed: int = 0) -> dict:
    key = jax.random.key(seed)
    k = jax.random.split(key, 6)
    pos = jax.random.randint(k[0], (3, B), 0, REL_SIZE, dtype=jnp.int32)
    neg = jax.random.randint(k[1], (3, B), 0, REL_SIZE, dtype=jnp.int32)
    take = jax.random.randint(k[2], (B,), 0, 2, dtype=jnp.int32).astype(bool)
    ent_scale = float(np.sqrt(6.0 / (ENT_SIZE + DIM)))
    rel_scale = float(np.sqrt(6.0 / (REL_SIZE + DIM)))
    ent_emb = jax.random.normal(k[3], (ENT_SIZE, DIM), dtype=jnp.float32) * ent_scale
    rel_emb = jax.random.normal(k[4], (REL_SIZE, DIM), dtype=jnp.float32) * rel_scale
    norm_vector = jax.random.normal(k[5], (REL_SIZE, DIM), dtype=jnp.float32) * rel_scale
    return {"pos": pos, "neg": neg, "take": take, "ent_emb": ent_emb, "rel_emb": rel_emb, "norm_vector": norm_vector}


def reference(pos, neg, take, ent_emb, rel_emb, norm_vector):
    p_h, p_r, p_t = pos[0], pos[1], pos[2]
    n_h, n_r, n_t = neg[0], neg[1], neg[2]
    p_h_e = _normalize(jnp.take(ent_emb, p_h, axis=0))
    p_t_e = _normalize(jnp.take(ent_emb, p_t, axis=0))
    p_r_e = _normalize(jnp.take(rel_emb, p_r, axis=0))
    n_h_e = _normalize(jnp.take(ent_emb, n_h, axis=0))
    n_t_e = _normalize(jnp.take(ent_emb, n_t, axis=0))
    n_r_e = _normalize(jnp.take(rel_emb, n_r, axis=0))
    p_norm = _normalize(jnp.take(norm_vector, p_r, axis=0))
    n_norm = _normalize(jnp.take(norm_vector, n_r, axis=0))
    ph = _transfer(p_h_e, p_norm)
    pt = _transfer(p_t_e, p_norm)
    nh = _transfer(n_h_e, n_norm)
    nt = _transfer(n_t_e, n_norm)
    p_score = jnp.sum(jnp.abs(ph + p_r_e - pt), axis=-1)
    n_score = jnp.sum(jnp.abs(nh + n_r_e - nt), axis=-1)
    # masked_select(take).view(-1,1).sum(-1) yields the selected scores themselves;
    # MarginRankingLoss(y=-1, reduction='sum') = sum(max(0, p - n + margin)) over selected.
    loss = jnp.sum(jnp.where(take, jnp.maximum(p_score - n_score + MARGIN, 0.0), 0.0))
    return (loss, -n_score)

if __name__ == "__main__":
    import jax
    _d = setup_inputs()
    print(jax.jit(kernel)(*tuple(_d.values())))

</pallas_src>

<mosaic_0001>
#map = affine_map<(d0, d1) -> (0)>
#map1 = affine_map<(d0, d1) -> (0, 0)>
module attributes {stable_mosaic.version = 14 : i64} {
  func.func @_sc_body(%arg0: i32, %arg1: i32, %arg2: memref<98304xi32, #tpu.memory_space<hbm>>, %arg3: memref<16384xf32, #tpu.memory_space<hbm>>, %arg4: memref<1000x64xf32, #tpu.memory_space<hbm>>, %arg5: memref<1000x128xf32, #tpu.memory_space<hbm>>, %arg6: memref<16384xf32, #tpu.memory_space<hbm>>, %arg7: memref<512xf32, #tpu.memory_space<hbm>>, %arg8: memref<512xi32, #tpu.memory_space<vmem>>, %arg9: memref<512xi32, #tpu.memory_space<vmem>>, %arg10: memref<512xi32, #tpu.memory_space<vmem>>, %arg11: memref<512xi32, #tpu.memory_space<vmem>>, %arg12: memref<512xi32, #tpu.memory_space<vmem>>, %arg13: memref<512xi32, #tpu.memory_space<vmem>>, %arg14: memref<512xf32, #tpu.memory_space<vmem>>, %arg15: memref<128x64xf32, #tpu.memory_space<vmem>>, %arg16: memref<128x64xf32, #tpu.memory_space<vmem>>, %arg17: memref<128x128xf32, #tpu.memory_space<vmem>>, %arg18: memref<128x64xf32, #tpu.memory_space<vmem>>, %arg19: memref<128x64xf32, #tpu.memory_space<vmem>>, %arg20: memref<128x128xf32, #tpu.memory_space<vmem>>, %arg21: memref<512xf32, #tpu.memory_space<vmem>>, %arg22: memref<512xf32, #tpu.memory_space<vmem>>, %arg23: memref<16xf32, #tpu.memory_space<vmem>>, %arg24: memref<!tpu.dma_semaphore, #tpu.memory_space<semaphore_mem>>, %arg25: memref<!tpu.dma_semaphore, #tpu.memory_space<semaphore_mem>>, %arg26: memref<!tpu.dma_semaphore, #tpu.memory_space<semaphore_mem>>) attributes {dimension_semantics = [#tpu.dimension_semantics<core_parallel>, #tpu.dimension_semantics<subcore_parallel>], iteration_bounds = array<i64: 2, 16>, scalar_prefetch = 0 : i64, scratch_operands = 19 : i64, tpu.core_type = #tpu.core_type<sc_vector_subcore>, window_params = [{transform_indices = #map}, {transform_indices = #map}, {transform_indices = #map1}, {transform_indices = #map1}, {transform_indices = #map}, {transform_indices = #map}]} {
    %mul3A = arith.constant 2 : i32
    %mul3A_0 = arith.muli %arg1, %mul3A : i32
    %add3A = arith.addi %mul3A_0, %arg0 : i32
    %mul3A_1 = arith.constant 512 : i32
    %mul3A_2 = arith.muli %add3A, %mul3A_1 : i32
    %add3A_3 = arith.constant 0 : i32
    %add3A_4 = arith.addi %add3A_3, %mul3A_2 : i32
    %dma_start3A = tpu.memref_slice %arg2[%add3A_4] : memref<98304xi32, #tpu.memory_space<hbm>> -> memref<512xi32, #tpu.memory_space<hbm>>
    %dma_start3A_5 = tpu.memref_slice %arg2[%add3A_4] : memref<98304xi32, #tpu.memory_space<hbm>> -> memref<512xi32, #tpu.memory_space<hbm>>
    tpu.enqueue_dma source(%dma_start3A_5 : memref<512xi32, #tpu.memory_space<hbm>>) target(%arg8 : memref<512xi32, #tpu.memory_space<vmem>>) target_semaphore(%arg24 : memref<!tpu.dma_semaphore, #tpu.memory_space<semaphore_mem>>)
    %add3A_6 = arith.constant 16384 : i32
    %add3A_7 = arith.addi %add3A_6, %mul3A_2 : i32
    %dma_start3A_8 = tpu.memref_slice %arg2[%add3A_7] : memref<98304xi32, #tpu.memory_space<hbm>> -> memref<512xi32, #tpu.memory_space<hbm>>
    %dma_start3A_9 = tpu.memref_slice %arg2[%add3A_7] : memref<98304xi32, #tpu.memory_space<hbm>> -> memref<512xi32, #tpu.memory_space<hbm>>
    tpu.enqueue_dma source(%dma_start3A_9 : memref<512xi32, #tpu.memory_space<hbm>>) target(%arg9 : memref<512xi32, #tpu.memory_space<vmem>>) target_semaphore(%arg24 : memref<!tpu.dma_semaphore, #tpu.memory_space<semaphore_mem>>)
    %add3A_10 = arith.constant 32768 : i32
    %add3A_11 = arith.addi %add3A_10, %mul3A_2 : i32
    %dma_start3A_12 = tpu.memref_slice %arg2[%add3A_11] : memref<98304xi32, #tpu.memory_space<hbm>> -> memref<512xi32, #tpu.memory_space<hbm>>
    %dma_start3A_13 = tpu.memref_slice %arg2[%add3A_11] : memref<98304xi32, #tpu.memory_space<hbm>> -> memref<512xi32, #tpu.memory_space<hbm>>
    tpu.enqueue_dma source(%dma_start3A_13 : memref<512xi32, #tpu.memory_space<hbm>>) target(%arg10 : memref<512xi32, #tpu.memory_space<vmem>>) target_semaphore(%arg24 : memref<!tpu.dma_semaphore, #tpu.memory_space<semaphore_mem>>)
    %add3A_14 = arith.constant 49152 : i32
    %add3A_15 = arith.addi %add3A_14, %mul3A_2 : i32
    %dma_start3A_16 = tpu.memref_slice %arg2[%add3A_15] : memref<98304xi32, #tpu.memory_space<hbm>> -> memref<512xi32, #tpu.memory_space<hbm>>
    %dma_start3A_17 = tpu.memref_slice %arg2[%add3A_15] : memref<98304xi32, #tpu.memory_space<hbm>> -> memref<512xi32, #tpu.memory_space<hbm>>
    tpu.enqueue_dma source(%dma_start3A_17 : memref<512xi32, #tpu.memory_space<hbm>>) target(%arg11 : memref<512xi32, #tpu.memory_space<vmem>>) target_semaphore(%arg24 : memref<!tpu.dma_semaphore, #tpu.memory_space<semaphore_mem>>)
    %add3A_18 = arith.constant 65536 : i32
    %add3A_19 = arith.addi %add3A_18, %mul3A_2 : i32
    %dma_start3A_20 = tpu.memref_slice %arg2[%add3A_19] : memref<98304xi32, #tpu.memory_space<hbm>> -> memref<512xi32, #tpu.memory_space<hbm>>
    %dma_start3A_21 = tpu.memref_slice %arg2[%add3A_19] : memref<98304xi32, #tpu.memory_space<hbm>> -> memref<512xi32, #tpu.memory_space<hbm>>
    tpu.enqueue_dma source(%dma_start3A_21 : memref<512xi32, #tpu.memory_space<hbm>>) target(%arg12 : memref<512xi32, #tpu.memory_space<vmem>>) target_semaphore(%arg24 : memref<!tpu.dma_semaphore, #tpu.memory_space<semaphore_mem>>)
    %add3A_22 = arith.constant 81920 : i32
    %add3A_23 = arith.addi %add3A_22, %mul3A_2 : i32
    %dma_start3A_24 = tpu.memref_slice %arg2[%add3A_23] : memref<98304xi32, #tpu.memory_space<hbm>> -> memref<512xi32, #tpu.memory_space<hbm>>
    %dma_start3A_25 = tpu.memref_slice %arg2[%add3A_23] : memref<98304xi32, #tpu.memory_space<hbm>> -> memref<512xi32, #tpu.memory_space<hbm>>
    tpu.enqueue_dma source(%dma_start3A_25 : memref<512xi32, #tpu.memory_space<hbm>>) target(%arg13 : memref<512xi32, #tpu.memory_space<vmem>>) target_semaphore(%arg24 : memref<!tpu.dma_semaphore, #tpu.memory_space<semaphore_mem>>)
    %dma_start3A_26 = tpu.memref_slice %arg3[%mul3A_2] : memref<16384xf32, #tpu.memory_space<hbm>> -> memref<512xf32, #tpu.memory_space<hbm>>
    %dma_start3A_27 = tpu.memref_slice %arg3[%mul3A_2] : memref<16384xf32, #tpu.memory_space<hbm>> -> memref<512xf32, #tpu.memory_space<hbm>>
    tpu.enqueue_dma source(%dma_start3A_27 : memref<512xf32, #tpu.memory_space<hbm>>) target(%arg14 : memref<512xf32, #tpu.memory_space<vmem>>) target_semaphore(%arg24 : memref<!tpu.dma_semaphore, #tpu.memory_space<semaphore_mem>>)
    %dma_wait3A = tpu.memref_slice %arg2[%add3A_4] : memref<98304xi32, #tpu.memory_space<hbm>> -> memref<512xi32, #tpu.memory_space<hbm>>
    %dma_wait3A_28 = tpu.memref_slice %arg2[%add3A_4] : memref<98304xi32, #tpu.memory_space<hbm>> -> memref<512xi32, #tpu.memory_space<hbm>>
    tpu.wait_dma2 semaphore(%arg24 : memref<!tpu.dma_semaphore, #tpu.memory_space<semaphore_mem>>) src(%dma_wait3A_28 : memref<512xi32, #tpu.memory_space<hbm>>) dst(%arg8 : memref<512xi32, #tpu.memory_space<vmem>>)
    %dma_wait3A_29 = tpu.memref_slice %arg2[%add3A_7] : memref<98304xi32, #tpu.memory_space<hbm>> -> memref<512xi32, #tpu.memory_space<hbm>>
    %dma_wait3A_30 = tpu.memref_slice %arg2[%add3A_7] : memref<98304xi32, #tpu.memory_space<hbm>> -> memref<512xi32, #tpu.memory_space<hbm>>
    tpu.wait_dma2 semaphore(%arg24 : memref<!tpu.dma_semaphore, #tpu.memory_space<semaphore_mem>>) src(%dma_wait3A_30 : memref<512xi32, #tpu.memory_space<hbm>>) dst(%arg9 : memref<512xi32, #tpu.memory_space<vmem>>)
    %dma_wait3A_31 = tpu.memref_slice %arg2[%add3A_11] : memref<98304xi32, #tpu.memory_space<hbm>> -> memref<512xi32, #tpu.memory_space<hbm>>
    %dma_wait3A_32 = tpu.memref_slice %arg2[%add3A_11] : memref<98304xi32, #tpu.memory_space<hbm>> -> memref<512xi32, #tpu.memory_space<hbm>>
    tpu.wait_dma2 semaphore(%arg24 : memref<!tpu.dma_semaphore, #tpu.memory_space<semaphore_mem>>) src(%dma_wait3A_32 : memref<512xi32, #tpu.memory_space<hbm>>) dst(%arg10 : memref<512xi32, #tpu.memory_space<vmem>>)
    %dma_wait3A_33 = tpu.memref_slice %arg2[%add3A_15] : memref<98304xi32, #tpu.memory_space<hbm>> -> memref<512xi32, #tpu.memory_space<hbm>>
    %dma_wait3A_34 = tpu.memref_slice %arg2[%add3A_15] : memref<98304xi32, #tpu.memory_space<hbm>> -> memref<512xi32, #tpu.memory_space<hbm>>
    tpu.wait_dma2 semaphore(%arg24 : memref<!tpu.dma_semaphore, #tpu.memory_space<semaphore_mem>>) src(%dma_wait3A_34 : memref<512xi32, #tpu.memory_space<hbm>>) dst(%arg11 : memref<512xi32, #tpu.memory_space<vmem>>)
    %dma_wait3A_35 = tpu.memref_slice %arg2[%add3A_19] : memref<98304xi32, #tpu.memory_space<hbm>> -> memref<512xi32, #tpu.memory_space<hbm>>
    %dma_wait3A_36 = tpu.memref_slice %arg2[%add3A_19] : memref<98304xi32, #tpu.memory_space<hbm>> -> memref<512xi32, #tpu.memory_space<hbm>>
    tpu.wait_dma2 semaphore(%arg24 : memref<!tpu.dma_semaphore, #tpu.memory_space<semaphore_mem>>) src(%dma_wait3A_36 : memref<512xi32, #tpu.memory_space<hbm>>) dst(%arg12 : memref<512xi32, #tpu.memory_space<vmem>>)
    %dma_wait3A_37 = tpu.memref_slice %arg2[%add3A_23] : memref<98304xi32, #tpu.memory_space<hbm>> -> memref<512xi32, #tpu.memory_space<hbm>>
    %dma_wait3A_38 = tpu.memref_slice %arg2[%add3A_23] : memref<98304xi32, #tpu.memory_space<hbm>> -> memref<512xi32, #tpu.memory_space<hbm>>
    tpu.wait_dma2 semaphore(%arg24 : memref<!tpu.dma_semaphore, #tpu.memory_space<semaphore_mem>>) src(%dma_wait3A_38 : memref<512xi32, #tpu.memory_space<hbm>>) dst(%arg13 : memref<512xi32, #tpu.memory_space<vmem>>)
    %dma_wait3A_39 = tpu.memref_slice %arg3[%mul3A_2] : memref<16384xf32, #tpu.memory_space<hbm>> -> memref<512xf32, #tpu.memory_space<hbm>>
    %dma_wait3A_40 = tpu.memref_slice %arg3[%mul3A_2] : memref<16384xf32, #tpu.memory_space<hbm>> -> memref<512xf32, #tpu.memory_space<hbm>>
    tpu.wait_dma2 semaphore(%arg24 : memref<!tpu.dma_semaphore, #tpu.memory_space<semaphore_mem>>) src(%dma_wait3A_40 : memref<512xf32, #tpu.memory_space<hbm>>) dst(%arg14 : memref<512xf32, #tpu.memory_space<vmem>>)
    %iota3A = tpu.iota {dimensions = array<i32: 0>} : vector<16xi32>
    %dma_start3A_41 = arith.constant 0 : i32
    %dma_start3A_42 = tpu.memref_slice %arg8[%dma_start3A_41] : memref<512xi32, #tpu.memory_space<vmem>> -> memref<128xi32, #tpu.memory_space<vmem>>
    %dma_start3A_43 = arith.constant 0 : i32
    %dma_start3A_44 = arith.constant 0 : i32
    %dma_start3A_45 = tpu.memref_slice %arg4[%dma_start3A_43, %dma_start3A_44] : memref<1000x64xf32, #tpu.memory_space<hbm>> -> memref<1000x64xf32, #tpu.memory_space<hbm>>
    tpu.enqueue_indirect_dma source(%dma_start3A_45 : memref<1000x64xf32, #tpu.memory_space<hbm>>) target(%arg15 : memref<128x64xf32, #tpu.memory_space<vmem>>) offsets(%dma_start3A_42 : memref<128xi32, #tpu.memory_space<vmem>>) semaphore(%arg25 : memref<!tpu.dma_semaphore, #tpu.memory_space<semaphore_mem>>)
    %dma_start3A_46 = arith.constant 0 : i32
    %dma_start3A_47 = tpu.memref_slice %arg10[%dma_start3A_46] : memref<512xi32, #tpu.memory_space<vmem>> -> memref<128xi32, #tpu.memory_space<vmem>>
    %dma_start3A_48 = arith.constant 0 : i32
    %dma_start3A_49 = arith.constant 0 : i32
    %dma_start3A_50 = tpu.memref_slice %arg4[%dma_start3A_48, %dma_start3A_49] : memref<1000x64xf32, #tpu.memory_space<hbm>> -> memref<1000x64xf32, #tpu.memory_space<hbm>>
    tpu.enqueue_indirect_dma source(%dma_start3A_50 : memref<1000x64xf32, #tpu.memory_space<hbm>>) target(%arg16 : memref<128x64xf32, #tpu.memory_space<vmem>>) offsets(%dma_start3A_47 : memref<128xi32, #tpu.memory_space<vmem>>) semaphore(%arg25 : memref<!tpu.dma_semaphore, #tpu.memory_space<semaphore_mem>>)
    %dma_start3A_51 = arith.constant 0 : i32
    %dma_start3A_52 = tpu.memref_slice %arg9[%dma_start3A_51] : memref<512xi32, #tpu.memory_space<vmem>> -> memref<128xi32, #tpu.memory_space<vmem>>
    %dma_start3A_53 = arith.constant 0 : i32
    %dma_start3A_54 = arith.constant 0 : i32
    %dma_start3A_55 = tpu.memref_slice %arg5[%dma_start3A_53, %dma_start3A_54] : memref<1000x128xf32, #tpu.memory_space<hbm>> -> memref<1000x128xf32, #tpu.memory_space<hbm>>
    tpu.enqueue_indirect_dma source(%dma_start3A_55 : memref<1000x128xf32, #tpu.memory_space<hbm>>) target(%arg17 : memref<128x128xf32, #tpu.memory_space<vmem>>) offsets(%dma_start3A_52 : memref<128xi32, #tpu.memory_space<vmem>>) semaphore(%arg25 : memref<!tpu.dma_semaphore, #tpu.memory_space<semaphore_mem>>)
    %dma_start3A_56 = arith.constant 128 : i32
    %dma_start3A_57 = tpu.memref_slice %arg8[%dma_start3A_56] : memref<512xi32, #tpu.memory_space<vmem>> -> memref<128xi32, #tpu.memory_space<vmem>>
    %dma_start3A_58 = arith.constant 0 : i32
    %dma_start3A_59 = arith.constant 0 : i32
    %dma_start3A_60 = tpu.memref_slice %arg4[%dma_start3A_58, %dma_start3A_59] : memref<1000x64xf32, #tpu.memory_space<hbm>> -> memref<1000x64xf32, #tpu.memory_space<hbm>>
    tpu.enqueue_indirect_dma source(%dma_start3A_60 : memref<1000x64xf32, #tpu.memory_space<hbm>>) target(%arg18 : memref<128x64xf32, #tpu.memory_space<vmem>>) offsets(%dma_start3A_57 : memref<128xi32, #tpu.memory_space<vmem>>) semaphore(%arg26 : memref<!tpu.dma_semaphore, #tpu.memory_space<semaphore_mem>>)
    %dma_start3A_61 = arith.constant 128 : i32
    %dma_start3A_62 = tpu.memref_slice %arg10[%dma_start3A_61] : memref<512xi32, #tpu.memory_space<vmem>> -> memref<128xi32, #tpu.memory_space<vmem>>
    %dma_start3A_63 = arith.constant 0 : i32
    %dma_start3A_64 = arith.constant 0 : i32
    %dma_start3A_65 = tpu.memref_slice %arg4[%dma_start3A_63, %dma_start3A_64] : memref<1000x64xf32, #tpu.memory_space<hbm>> -> memref<1000x64xf32, #tpu.memory_space<hbm>>
    tpu.enqueue_indirect_dma source(%dma_start3A_65 : memref<1000x64xf32, #tpu.memory_space<hbm>>) target(%arg19 : memref<128x64xf32, #tpu.memory_space<vmem>>) offsets(%dma_start3A_62 : memref<128xi32, #tpu.memory_space<vmem>>) semaphore(%arg26 : memref<!tpu.dma_semaphore, #tpu.memory_space<semaphore_mem>>)
    %dma_start3A_66 = arith.constant 128 : i32
    %dma_start3A_67 = tpu.memref_slice %arg9[%dma_start3A_66] : memref<512xi32, #tpu.memory_space<vmem>> -> memref<128xi32, #tpu.memory_space<vmem>>
    %dma_start3A_68 = arith.constant 0 : i32
    %dma_start3A_69 = arith.constant 0 : i32
    %dma_start3A_70 = tpu.memref_slice %arg5[%dma_start3A_68, %dma_start3A_69] : memref<1000x128xf32, #tpu.memory_space<hbm>> -> memref<1000x128xf32, #tpu.memory_space<hbm>>
    tpu.enqueue_indirect_dma source(%dma_start3A_70 : memref<1000x128xf32, #tpu.memory_space<hbm>>) target(%arg20 : memref<128x128xf32, #tpu.memory_space<vmem>>) offsets(%dma_start3A_67 : memref<128xi32, #tpu.memory_space<vmem>>) semaphore(%arg26 : memref<!tpu.dma_semaphore, #tpu.memory_space<semaphore_mem>>)
    %dma_wait3A_71 = arith.constant 0 : i32
    %dma_wait3A_72 = tpu.memref_slice %arg8[%dma_wait3A_71] : memref<512xi32, #tpu.memory_space<vmem>> -> memref<128xi32, #tpu.memory_space<vmem>>
    %dma_wait3A_73 = arith.constant 0 : i32
    %dma_wait3A_74 = arith.constant 0 : i32
    %dma_wait3A_75 = tpu.memref_slice %arg4[%dma_wait3A_73, %dma_wait3A_74] : memref<1000x64xf32, #tpu.memory_space<hbm>> -> memref<1000x64xf32, #tpu.memory_space<hbm>>
    tpu.wait_indirect_dma semaphore(%arg25 : memref<!tpu.dma_semaphore, #tpu.memory_space<semaphore_mem>>) src(%dma_wait3A_75 : memref<1000x64xf32, #tpu.memory_space<hbm>>) dst(%arg15 : memref<128x64xf32, #tpu.memory_space<vmem>>)
    %dma_wait3A_76 = arith.constant 0 : i32
    %dma_wait3A_77 = tpu.memref_slice %arg10[%dma_wait3A_76] : memref<512xi32, #tpu.memory_space<vmem>> -> memref<128xi32, #tpu.memory_space<vmem>>
    %dma_wait3A_78 = arith.constant 0 : i32
    %dma_wait3A_79 = arith.constant 0 : i32
    %dma_wait3A_80 = tpu.memref_slice %arg4[%dma_wait3A_78, %dma_wait3A_79] : memref<1000x64xf32, #tpu.memory_space<hbm>> -> memref<1000x64xf32, #tpu.memory_space<hbm>>
    tpu.wait_indirect_dma semaphore(%arg25 : memref<!tpu.dma_semaphore, #tpu.memory_space<semaphore_mem>>) src(%dma_wait3A_80 : memref<1000x64xf32, #tpu.memory_space<hbm>>) dst(%arg16 : memref<128x64xf32, #tpu.memory_space<vmem>>)
    %dma_wait3A_81 = arith.constant 0 : i32
    %dma_wait3A_82 = tpu.memref_slice %arg9[%dma_wait3A_81] : memref<512xi32, #tpu.memory_space<vmem>> -> memref<128xi32, #tpu.memory_space<vmem>>
    %dma_wait3A_83 = arith.constant 0 : i32
    %dma_wait3A_84 = arith.constant 0 : i32
    %dma_wait3A_85 = tpu.memref_slice %arg5[%dma_wait3A_83, %dma_wait3A_84] : memref<1000x128xf32, #tpu.memory_space<hbm>> -> memref<1000x128xf32, #tpu.memory_space<hbm>>
    tpu.wait_indirect_dma semaphore(%arg25 : memref<!tpu.dma_semaphore, #tpu.memory_space<semaphore_mem>>) src(%dma_wait3A_85 : memref<1000x128xf32, #tpu.memory_space<hbm>>) dst(%arg17 : memref<128x128xf32, #tpu.memory_space<vmem>>)
    %scan3A = arith.constant 0 : i32
    %scan3A_86 = arith.constant 0 : i32
    %scan3A_87 = arith.constant 8 : i32
    %scan3A_88 = arith.addi %scan3A_86, %scan3A_87 : i32
    %scan3A_89 = arith.constant 1 : i32
    %scan3A_90 = scf.for %scan3A_355 = %scan3A_86 to %scan3A_88 step %scan3A_89 iter_args(%scan3A_356 = %scan3A) -> (i32)  : i32 {
      %broadcast_in_dim3A_357 = arith.constant 0.000000e+00 : f32
      %broadcast_in_dim3A_358 = vector.broadcast %broadcast_in_dim3A_357 : f32 to vector<16xf32>
      %scan3A_359 = arith.constant 0 : i32
      %scan3A_360 = arith.constant 16 : i32
      %scan3A_361 = arith.addi %scan3A_359, %scan3A_360 : i32
      %scan3A_362 = arith.constant 1 : i32
      %scan3A_363 = scf.for %scan3A_374 = %scan3A_359 to %scan3A_361 step %scan3A_362 iter_args(%scan3A_375 = %broadcast_in_dim3A_358) -> (vector<16xf32>)  : i32 {
        %mul3A_376 = arith.constant 16 : i32
        %mul3A_377 = arith.muli %scan3A_355, %mul3A_376 : i32
        %add3A_378 = arith.addi %mul3A_377, %scan3A_374 : i32
        %get3A = arith.index_cast %add3A_378 : i32 to index
        %get3A_379 = arith.constant 0 : index
        %get3A_380 = tpu.vector_load %arg15[%get3A, %get3A_379] {strides = array<i32>} : memref<128x64xf32, #tpu.memory_space<vmem>>, vector<1x16xf32>,
        %get3A_381 = vector.shape_cast %get3A_380 : vector<1x16xf32> to vector<16xf32>
        %get3A_382 = arith.index_cast %add3A_378 : i32 to index
        %get3A_383 = arith.constant 16 : index
        %get3A_384 = tpu.vector_load %arg15[%get3A_382, %get3A_383] {strides = array<i32>} : memref<128x64xf32, #tpu.memory_space<vmem>>, vector<1x16xf32>,
        %get3A_385 = vector.shape_cast %get3A_384 : vector<1x16xf32> to vector<16xf32>
        %get3A_386 = arith.index_cast %add3A_378 : i32 to index
        %get3A_387 = arith.constant 32 : index
        %get3A_388 = tpu.vector_load %arg15[%get3A_386, %get3A_387] {strides = array<i32>} : memref<128x64xf32, #tpu.memory_space<vmem>>, vector<1x16xf32>,
        %get3A_389 = vector.shape_cast %get3A_388 : vector<1x16xf32> to vector<16xf32>
        %get3A_390 = arith.index_cast %add3A_378 : i32 to index
        %get3A_391 = arith.constant 48 : index
        %get3A_392 = tpu.vector_load %arg15[%get3A_390, %get3A_391] {strides = array<i32>} : memref<128x64xf32, #tpu.memory_space<vmem>>, vector<1x16xf32>,
        %get3A_393 = vector.shape_cast %get3A_392 : vector<1x16xf32> to vector<16xf32>
        %get3A_394 = arith.index_cast %add3A_378 : i32 to index
        %get3A_395 = arith.constant 0 : index
        %get3A_396 = tpu.vector_load %arg16[%get3A_394, %get3A_395] {strides = array<i32>} : memref<128x64xf32, #tpu.memory_space<vmem>>, vector<1x16xf32>,
        %get3A_397 = vector.shape_cast %get3A_396 : vector<1x16xf32> to vector<16xf32>
        %get3A_398 = arith.index_cast %add3A_378 : i32 to index
        %get3A_399 = arith.constant 16 : index
        %get3A_400 = tpu.vector_load %arg16[%get3A_398, %get3A_399] {strides = array<i32>} : memref<128x64xf32, #tpu.memory_space<vmem>>, vector<1x16xf32>,
        %get3A_401 = vector.shape_cast %get3A_400 : vector<1x16xf32> to vector<16xf32>
        %get3A_402 = arith.index_cast %add3A_378 : i32 to index
        %get3A_403 = arith.constant 32 : index
        %get3A_404 = tpu.vector_load %arg16[%get3A_402, %get3A_403] {strides = array<i32>} : memref<128x64xf32, #tpu.memory_space<vmem>>, vector<1x16xf32>,
        %get3A_405 = vector.shape_cast %get3A_404 : vector<1x16xf32> to vector<16xf32>
        %get3A_406 = arith.index_cast %add3A_378 : i32 to index
        %get3A_407 = arith.constant 48 : index
        %get3A_408 = tpu.vector_load %arg16[%get3A_406, %get3A_407] {strides = array<i32>} : memref<128x64xf32, #tpu.memory_space<vmem>>, vector<1x16xf32>,
        %get3A_409 = vector.shape_cast %get3A_408 : vector<1x16xf32> to vector<16xf32>
        %get3A_410 = arith.index_cast %add3A_378 : i32 to index
        %get3A_411 = arith.constant 0 : index
        %get3A_412 = tpu.vector_load %arg17[%get3A_410, %get3A_411] {strides = array<i32>} : memref<128x128xf32, #tpu.memory_space<vmem>>, vector<1x16xf32>,
        %get3A_413 = vector.shape_cast %get3A_412 : vector<1x16xf32> to vector<16xf32>
        %get3A_414 = arith.index_cast %add3A_378 : i32 to index
        %get3A_415 = arith.constant 16 : index
        %get3A_416 = tpu.vector_load %arg17[%get3A_414, %get3A_415] {strides = array<i32>} : memref<128x128xf32, #tpu.memory_space<vmem>>, vector<1x16xf32>,
        %get3A_417 = vector.shape_cast %get3A_416 : vector<1x16xf32> to vector<16xf32>
        %get3A_418 = arith.index_cast %add3A_378 : i32 to index
        %get3A_419 = arith.constant 32 : index
        %get3A_420 = tpu.vector_load %arg17[%get3A_418, %get3A_419] {strides = array<i32>} : memref<128x128xf32, #tpu.memory_space<vmem>>, vector<1x16xf32>,
        %get3A_421 = vector.shape_cast %get3A_420 : vector<1x16xf32> to vector<16xf32>
        %get3A_422 = arith.index_cast %add3A_378 : i32 to index
        %get3A_423 = arith.constant 48 : index
        %get3A_424 = tpu.vector_load %arg17[%get3A_422, %get3A_423] {strides = array<i32>} : memref<128x128xf32, #tpu.memory_space<vmem>>, vector<1x16xf32>,
        %get3A_425 = vector.shape_cast %get3A_424 : vector<1x16xf32> to vector<16xf32>
        %get3A_426 = arith.index_cast %add3A_378 : i32 to index
        %get3A_427 = arith.constant 64 : index
        %get3A_428 = tpu.vector_load %arg17[%get3A_426, %get3A_427] {strides = array<i32>} : memref<128x128xf32, #tpu.memory_space<vmem>>, vector<1x16xf32>,
        %get3A_429 = vector.shape_cast %get3A_428 : vector<1x16xf32> to vector<16xf32>
        %get3A_430 = arith.index_cast %add3A_378 : i32 to index
        %get3A_431 = arith.constant 80 : index
        %get3A_432 = tpu.vector_load %arg17[%get3A_430, %get3A_431] {strides = array<i32>} : memref<128x128xf32, #tpu.memory_space<vmem>>, vector<1x16xf32>,
        %get3A_433 = vector.shape_cast %get3A_432 : vector<1x16xf32> to vector<16xf32>
        %get3A_434 = arith.index_cast %add3A_378 : i32 to index
        %get3A_435 = arith.constant 96 : index
        %get3A_436 = tpu.vector_load %arg17[%get3A_434, %get3A_435] {strides = array<i32>} : memref<128x128xf32, #tpu.memory_space<vmem>>, vector<1x16xf32>,
        %get3A_437 = vector.shape_cast %get3A_436 : vector<1x16xf32> to vector<16xf32>
        %get3A_438 = arith.index_cast %add3A_378 : i32 to index
        %get3A_439 = arith.constant 112 : index
        %get3A_440 = tpu.vector_load %arg17[%get3A_438, %get3A_439] {strides = array<i32>} : memref<128x128xf32, #tpu.memory_space<vmem>>, vector<1x16xf32>,
        %get3A_441 = vector.shape_cast %get3A_440 : vector<1x16xf32> to vector<16xf32>
        %sub3A = arith.subf %get3A_381, %get3A_397 : vector<16xf32>
        %sub3A_442 = arith.subf %get3A_385, %get3A_401 : vector<16xf32>
        %sub3A_443 = arith.subf %get3A_389, %get3A_405 : vector<16xf32>
        %sub3A_444 = arith.subf %get3A_393, %get3A_409 : vector<16xf32>
        %mul3A_445 = arith.mulf %sub3A, %get3A_429 : vector<16xf32>
        %mul3A_446 = arith.mulf %sub3A_442, %get3A_433 : vector<16xf32>
        %add3A_447 = arith.addf %mul3A_445, %mul3A_446 : vector<16xf32>
        %mul3A_448 = arith.mulf %sub3A_443, %get3A_437 : vector<16xf32>
        %add3A_449 = arith.addf %add3A_447, %mul3A_448 : vector<16xf32>
        %mul3A_450 = arith.mulf %sub3A_444, %get3A_441 : vector<16xf32>
        %add3A_451 = arith.addf %add3A_449, %mul3A_450 : vector<16xf32>
        %iota3A_452 = tpu.iota {dimensions = array<i32: 0>} : vector<16xi32>
        %add3A_453 = arith.constant 8 : i32
        %add3A_454 = vector.broadcast %add3A_453 : i32 to vector<16xi32>
        %add3A_455 = arith.addi %iota3A_452, %add3A_454 : vector<16xi32>
        %jit3A = arith.constant 16 : i32
        %eq3A = arith.constant 0 : i32
        %eq3A_456 = arith.cmpi eq, %jit3A, %eq3A : i32
        %jit3A_457 = arith.constant 1 : i32
        %select_n3A = arith.select %eq3A_456, %jit3A_457, %jit3A : i32
        %rem3A = vector.broadcast %select_n3A : i32 to vector<16xi32>
        %rem3A_458 = arith.remsi %add3A_455, %rem3A : vector<16xi32>
        %ne3A = arith.constant 0 : i32
        %ne3A_459 = vector.broadcast %ne3A : i32 to vector<16xi32>
        %ne3A_460 = arith.cmpi ne, %rem3A_458, %ne3A_459 : vector<16xi32>
        %lt3A = arith.constant 0 : i32
        %lt3A_461 = vector.broadcast %lt3A : i32 to vector<16xi32>
        %lt3A_462 = arith.cmpi slt, %rem3A_458, %lt3A_461 : vector<16xi32>
        %lt3A_463 = arith.constant 0 : i32
        %lt3A_464 = arith.cmpi slt, %select_n3A, %lt3A_463 : i32
        %ne3A_465 = vector.broadcast %lt3A_464 : i1 to vector<16xi1>
        %ne3A_466 = vector.broadcast %ne3A_465 : vector<16xi1> to vector<16xi1>
        %ne3A_467 = arith.xori %lt3A_462, %ne3A_466 : vector<16xi1>
        %and3A = arith.andi %ne3A_467, %ne3A_460 : vector<16xi1>
        %add3A_468 = vector.broadcast %select_n3A : i32 to vector<16xi32>
        %add3A_469 = arith.addi %rem3A_458, %add3A_468 : vector<16xi32>
        %select_n3A_470 = arith.select %and3A, %add3A_469, %rem3A_458 : vector<16xi1>, vector<16xi32>
        %reshape3A = vector.shape_cast %select_n3A_470 : vector<16xi32> to vector<16x1xi32>
        %gather3A = vector.shape_cast %reshape3A : vector<16x1xi32> to vector<16xi32>
        %gather3A_471 = tpu.dynamic_gather %add3A_451[%gather3A] in [0] : vector<16xf32>, vector<16xi32> -> vector<16xf32>
        %add3A_472 = arith.addf %add3A_451, %gather3A_471 : vector<16xf32>
        %add3A_473 = arith.constant 4 : i32
        %add3A_474 = vector.broadcast %add3A_473 : i32 to vector<16xi32>
        %add3A_475 = arith.addi %iota3A_452, %add3A_474 : vector<16xi32>
        %jit3A_476 = arith.constant 16 : i32
        %eq3A_477 = arith.constant 0 : i32
        %eq3A_478 = arith.cmpi eq, %jit3A_476, %eq3A_477 : i32
        %jit3A_479 = arith.constant 1 : i32
        %select_n3A_480 = arith.select %eq3A_478, %jit3A_479, %jit3A_476 : i32
        %rem3A_481 = vector.broadcast %select_n3A_480 : i32 to vector<16xi32>
        %rem3A_482 = arith.remsi %add3A_475, %rem3A_481 : vector<16xi32>
        %ne3A_483 = arith.constant 0 : i32
        %ne3A_484 = vector.broadcast %ne3A_483 : i32 to vector<16xi32>
        %ne3A_485 = arith.cmpi ne, %rem3A_482, %ne3A_484 : vector<16xi32>
        %lt3A_486 = arith.constant 0 : i32
        %lt3A_487 = vector.broadcast %lt3A_486 : i32 to vector<16xi32>
        %lt3A_488 = arith.cmpi slt, %rem3A_482, %lt3A_487 : vector<16xi32>
        %lt3A_489 = arith.constant 0 : i32
        %lt3A_490 = arith.cmpi slt, %select_n3A_480, %lt3A_489 : i32
        %ne3A_491 = vector.broadcast %lt3A_490 : i1 to vector<16xi1>
        %ne3A_492 = vector.broadcast %ne3A_491 : vector<16xi1> to vector<16xi1>
        %ne3A_493 = arith.xori %lt3A_488, %ne3A_492 : vector<16xi1>
        %and3A_494 = arith.andi %ne3A_493, %ne3A_485 : vector<16xi1>
        %add3A_495 = vector.broadcast %select_n3A_480 : i32 to vector<16xi32>
        %add3A_496 = arith.addi %rem3A_482, %add3A_495 : vector<16xi32>
        %select_n3A_497 = arith.select %and3A_494, %add3A_496, %rem3A_482 : vector<16xi1>, vector<16xi32>
        %reshape3A_498 = vector.shape_cast %select_n3A_497 : vector<16xi32> to vector<16x1xi32>
        %gather3A_499 = vector.shape_cast %reshape3A_498 : vector<16x1xi32> to vector<16xi32>
        %gather3A_500 = tpu.dynamic_gather %add3A_472[%gather3A_499] in [0] : vector<16xf32>, vector<16xi32> -> vector<16xf32>
        %add3A_501 = arith.addf %add3A_472, %gather3A_500 : vector<16xf32>
        %add3A_502 = arith.constant 2 : i32
        %add3A_503 = vector.broadcast %add3A_502 : i32 to vector<16xi32>
        %add3A_504 = arith.addi %iota3A_452, %add3A_503 : vector<16xi32>
        %jit3A_505 = arith.constant 16 : i32
        %eq3A_506 = arith.constant 0 : i32
        %eq3A_507 = arith.cmpi eq, %jit3A_505, %eq3A_506 : i32
        %jit3A_508 = arith.constant 1 : i32
        %select_n3A_509 = arith.select %eq3A_507, %jit3A_508, %jit3A_505 : i32
        %rem3A_510 = vector.broadcast %select_n3A_509 : i32 to vector<16xi32>
        %rem3A_511 = arith.remsi %add3A_504, %rem3A_510 : vector<16xi32>
        %ne3A_512 = arith.constant 0 : i32
        %ne3A_513 = vector.broadcast %ne3A_512 : i32 to vector<16xi32>
        %ne3A_514 = arith.cmpi ne, %rem3A_511, %ne3A_513 : vector<16xi32>
        %lt3A_515 = arith.constant 0 : i32
        %lt3A_516 = vector.broadcast %lt3A_515 : i32 to vector<16xi32>
        %lt3A_517 = arith.cmpi slt, %rem3A_511, %lt3A_516 : vector<16xi32>
        %lt3A_518 = arith.constant 0 : i32
        %lt3A_519 = arith.cmpi slt, %select_n3A_509, %lt3A_518 : i32
        %ne3A_520 = vector.broadcast %lt3A_519 : i1 to vector<16xi1>
        %ne3A_521 = vector.broadcast %ne3A_520 : vector<16xi1> to vector<16xi1>
        %ne3A_522 = arith.xori %lt3A_517, %ne3A_521 : vector<16xi1>
        %and3A_523 = arith.andi %ne3A_522, %ne3A_514 : vector<16xi1>
        %add3A_524 = vector.broadcast %select_n3A_509 : i32 to vector<16xi32>
        %add3A_525 = arith.addi %rem3A_511, %add3A_524 : vector<16xi32>
        %select_n3A_526 = arith.select %and3A_523, %add3A_525, %rem3A_511 : vector<16xi1>, vector<16xi32>
        %reshape3A_527 = vector.shape_cast %select_n3A_526 : vector<16xi32> to vector<16x1xi32>
        %gather3A_528 = vector.shape_cast %reshape3A_527 : vector<16x1xi32> to vector<16xi32>
        %gather3A_529 = tpu.dynamic_gather %add3A_501[%gather3A_528] in [0] : vector<16xf32>, vector<16xi32> -> vector<16xf32>
        %add3A_530 = arith.addf %add3A_501, %gather3A_529 : vector<16xf32>
        %add3A_531 = arith.constant 1 : i32
        %add3A_532 = vector.broadcast %add3A_531 : i32 to vector<16xi32>
        %add3A_533 = arith.addi %iota3A_452, %add3A_532 : vector<16xi32>
        %jit3A_534 = arith.constant 16 : i32
        %eq3A_535 = arith.constant 0 : i32
        %eq3A_536 = arith.cmpi eq, %jit3A_534, %eq3A_535 : i32
        %jit3A_537 = arith.constant 1 : i32
        %select_n3A_538 = arith.select %eq3A_536, %jit3A_537, %jit3A_534 : i32
        %rem3A_539 = vector.broadcast %select_n3A_538 : i32 to vector<16xi32>
        %rem3A_540 = arith.remsi %add3A_533, %rem3A_539 : vector<16xi32>
        %ne3A_541 = arith.constant 0 : i32
        %ne3A_542 = vector.broadcast %ne3A_541 : i32 to vector<16xi32>
        %ne3A_543 = arith.cmpi ne, %rem3A_540, %ne3A_542 : vector<16xi32>
        %lt3A_544 = arith.constant 0 : i32
        %lt3A_545 = vector.broadcast %lt3A_544 : i32 to vector<16xi32>
        %lt3A_546 = arith.cmpi slt, %rem3A_540, %lt3A_545 : vector<16xi32>
        %lt3A_547 = arith.constant 0 : i32
        %lt3A_548 = arith.cmpi slt, %select_n3A_538, %lt3A_547 : i32
        %ne3A_549 = vector.broadcast %lt3A_548 : i1 to vector<16xi1>
        %ne3A_550 = vector.broadcast %ne3A_549 : vector<16xi1> to vector<16xi1>
        %ne3A_551 = arith.xori %lt3A_546, %ne3A_550 : vector<16xi1>
        %and3A_552 = arith.andi %ne3A_551, %ne3A_543 : vector<16xi1>
        %add3A_553 = vector.broadcast %select_n3A_538 : i32 to vector<16xi32>
        %add3A_554 = arith.addi %rem3A_540, %add3A_553 : vector<16xi32>
        %select_n3A_555 = arith.select %and3A_552, %add3A_554, %rem3A_540 : vector<16xi1>, vector<16xi32>
        %reshape3A_556 = vector.shape_cast %select_n3A_555 : vector<16xi32> to vector<16x1xi32>
        %gather3A_557 = vector.shape_cast %reshape3A_556 : vector<16x1xi32> to vector<16xi32>
        %gather3A_558 = tpu.dynamic_gather %add3A_530[%gather3A_557] in [0] : vector<16xf32>, vector<16xi32> -> vector<16xf32>
        %add3A_559 = arith.addf %add3A_530, %gather3A_558 : vector<16xf32>
        %add3A_560 = arith.addf %sub3A, %get3A_413 : vector<16xf32>
        %mul3A_561 = arith.mulf %add3A_559, %get3A_429 : vector<16xf32>
        %sub3A_562 = arith.subf %add3A_560, %mul3A_561 : vector<16xf32>
        %abs3A = math.absf %sub3A_562 : vector<16xf32>
        %add3A_563 = arith.addf %sub3A_442, %get3A_417 : vector<16xf32>
        %mul3A_564 = arith.mulf %add3A_559, %get3A_433 : vector<16xf32>
        %sub3A_565 = arith.subf %add3A_563, %mul3A_564 : vector<16xf32>
        %abs3A_566 = math.absf %sub3A_565 : vector<16xf32>
        %add3A_567 = arith.addf %abs3A, %abs3A_566 : vector<16xf32>
        %add3A_568 = arith.addf %sub3A_443, %get3A_421 : vector<16xf32>
        %mul3A_569 = arith.mulf %add3A_559, %get3A_437 : vector<16xf32>
        %sub3A_570 = arith.subf %add3A_568, %mul3A_569 : vector<16xf32>
        %abs3A_571 = math.absf %sub3A_570 : vector<16xf32>
        %add3A_572 = arith.addf %add3A_567, %abs3A_571 : vector<16xf32>
        %add3A_573 = arith.addf %sub3A_444, %get3A_425 : vector<16xf32>
        %mul3A_574 = arith.mulf %add3A_559, %get3A_441 : vector<16xf32>
        %sub3A_575 = arith.subf %add3A_573, %mul3A_574 : vector<16xf32>
        %abs3A_576 = math.absf %sub3A_575 : vector<16xf32>
        %add3A_577 = arith.addf %add3A_572, %abs3A_576 : vector<16xf32>
        %eq3A_578 = vector.broadcast %scan3A_374 : i32 to vector<16xi32>
        %eq3A_579 = arith.cmpi eq, %iota3A, %eq3A_578 : vector<16xi32>
        %iota3A_580 = tpu.iota {dimensions = array<i32: 0>} : vector<16xi32>
        %add3A_581 = arith.constant 8 : i32
        %add3A_582 = vector.broadcast %add3A_581 : i32 to vector<16xi32>
        %add3A_583 = arith.addi %iota3A_580, %add3A_582 : vector<16xi32>
        %jit3A_584 = arith.constant 16 : i32
        %eq3A_585 = arith.constant 0 : i32
        %eq3A_586 = arith.cmpi eq, %jit3A_584, %eq3A_585 : i32
        %jit3A_587 = arith.constant 1 : i32
        %select_n3A_588 = arith.select %eq3A_586, %jit3A_587, %jit3A_584 : i32
        %rem3A_589 = vector.broadcast %select_n3A_588 : i32 to vector<16xi32>
        %rem3A_590 = arith.remsi %add3A_583, %rem3A_589 : vector<16xi32>
        %ne3A_591 = arith.constant 0 : i32
        %ne3A_592 = vector.broadcast %ne3A_591 : i32 to vector<16xi32>
        %ne3A_593 = arith.cmpi ne, %rem3A_590, %ne3A_592 : vector<16xi32>
        %lt3A_594 = arith.constant 0 : i32
        %lt3A_595 = vector.broadcast %lt3A_594 : i32 to vector<16xi32>
        %lt3A_596 = arith.cmpi slt, %rem3A_590, %lt3A_595 : vector<16xi32>
        %lt3A_597 = arith.constant 0 : i32
        %lt3A_598 = arith.cmpi slt, %select_n3A_588, %lt3A_597 : i32
        %ne3A_599 = vector.broadcast %lt3A_598 : i1 to vector<16xi1>
        %ne3A_600 = vector.broadcast %ne3A_599 : vector<16xi1> to vector<16xi1>
        %ne3A_601 = arith.xori %lt3A_596, %ne3A_600 : vector<16xi1>
        %and3A_602 = arith.andi %ne3A_601, %ne3A_593 : vector<16xi1>
        %add3A_603 = vector.broadcast %select_n3A_588 : i32 to vector<16xi32>
        %add3A_604 = arith.addi %rem3A_590, %add3A_603 : vector<16xi32>
        %select_n3A_605 = arith.select %and3A_602, %add3A_604, %rem3A_590 : vector<16xi1>, vector<16xi32>
        %reshape3A_606 = vector.shape_cast %select_n3A_605 : vector<16xi32> to vector<16x1xi32>
        %gather3A_607 = vector.shape_cast %reshape3A_606 : vector<16x1xi32> to vector<16xi32>
        %gather3A_608 = tpu.dynamic_gather %add3A_577[%gather3A_607] in [0] : vector<16xf32>, vector<16xi32> -> vector<16xf32>
        %add3A_609 = arith.addf %add3A_577, %gather3A_608 : vector<16xf32>
        %add3A_610 = arith.constant 4 : i32
        %add3A_611 = vector.broadcast %add3A_610 : i32 to vector<16xi32>
        %add3A_612 = arith.addi %iota3A_580, %add3A_611 : vector<16xi32>
        %jit3A_613 = arith.constant 16 : i32
        %eq3A_614 = arith.constant 0 : i32
        %eq3A_615 = arith.cmpi eq, %jit3A_613, %eq3A_614 : i32
        %jit3A_616 = arith.constant 1 : i32
        %select_n3A_617 = arith.select %eq3A_615, %jit3A_616, %jit3A_613 : i32
        %rem3A_618 = vector.broadcast %select_n3A_617 : i32 to vector<16xi32>
        %rem3A_619 = arith.remsi %add3A_612, %rem3A_618 : vector<16xi32>
        %ne3A_620 = arith.constant 0 : i32
        %ne3A_621 = vector.broadcast %ne3A_620 : i32 to vector<16xi32>
        %ne3A_622 = arith.cmpi ne, %rem3A_619, %ne3A_621 : vector<16xi32>
        %lt3A_623 = arith.constant 0 : i32
        %lt3A_624 = vector.broadcast %lt3A_623 : i32 to vector<16xi32>
        %lt3A_625 = arith.cmpi slt, %rem3A_619, %lt3A_624 : vector<16xi32>
        %lt3A_626 = arith.constant 0 : i32
        %lt3A_627 = arith.cmpi slt, %select_n3A_617, %lt3A_626 : i32
        %ne3A_628 = vector.broadcast %lt3A_627 : i1 to vector<16xi1>
        %ne3A_629 = vector.broadcast %ne3A_628 : vector<16xi1> to vector<16xi1>
        %ne3A_630 = arith.xori %lt3A_625, %ne3A_629 : vector<16xi1>
        %and3A_631 = arith.andi %ne3A_630, %ne3A_622 : vector<16xi1>
        %add3A_632 = vector.broadcast %select_n3A_617 : i32 to vector<16xi32>
        %add3A_633 = arith.addi %rem3A_619, %add3A_632 : vector<16xi32>
        %select_n3A_634 = arith.select %and3A_631, %add3A_633, %rem3A_619 : vector<16xi1>, vector<16xi32>
        %reshape3A_635 = vector.shape_cast %select_n3A_634 : vector<16xi32> to vector<16x1xi32>
        %gather3A_636 = vector.shape_cast %reshape3A_635 : vector<16x1xi32> to vector<16xi32>
        %gather3A_637 = tpu.dynamic_gather %add3A_609[%gather3A_636] in [0] : vector<16xf32>, vector<16xi32> -> vector<16xf32>
        %add3A_638 = arith.addf %add3A_609, %gather3A_637 : vector<16xf32>
        %add3A_639 = arith.constant 2 : i32
        %add3A_640 = vector.broadcast %add3A_639 : i32 to vector<16xi32>
        %add3A_641 = arith.addi %iota3A_580, %add3A_640 : vector<16xi32>
        %jit3A_642 = arith.constant 16 : i32
        %eq3A_643 = arith.constant 0 : i32
        %eq3A_644 = arith.cmpi eq, %jit3A_642, %eq3A_643 : i32
        %jit3A_645 = arith.constant 1 : i32
        %select_n3A_646 = arith.select %eq3A_644, %jit3A_645, %jit3A_642 : i32
        %rem3A_647 = vector.broadcast %select_n3A_646 : i32 to vector<16xi32>
        %rem3A_648 = arith.remsi %add3A_641, %rem3A_647 : vector<16xi32>
        %ne3A_649 = arith.constant 0 : i32
        %ne3A_650 = vector.broadcast %ne3A_649 : i32 to vector<16xi32>
        %ne3A_651 = arith.cmpi ne, %rem3A_648, %ne3A_650 : vector<16xi32>
        %lt3A_652 = arith.constant 0 : i32
        %lt3A_653 = vector.broadcast %lt3A_652 : i32 to vector<16xi32>
        %lt3A_654 = arith.cmpi slt, %rem3A_648, %lt3A_653 : vector<16xi32>
        %lt3A_655 = arith.constant 0 : i32
        %lt3A_656 = arith.cmpi slt, %select_n3A_646, %lt3A_655 : i32
        %ne3A_657 = vector.broadcast %lt3A_656 : i1 to vector<16xi1>
        %ne3A_658 = vector.broadcast %ne3A_657 : vector<16xi1> to vector<16xi1>
        %ne3A_659 = arith.xori %lt3A_654, %ne3A_658 : vector<16xi1>
        %and3A_660 = arith.andi %ne3A_659, %ne3A_651 : vector<16xi1>
        %add3A_661 = vector.broadcast %select_n3A_646 : i32 to vector<16xi32>
        %add3A_662 = arith.addi %rem3A_648, %add3A_661 : vector<16xi32>
        %select_n3A_663 = arith.select %and3A_660, %add3A_662, %rem3A_648 : vector<16xi1>, vector<16xi32>
        %reshape3A_664 = vector.shape_cast %select_n3A_663 : vector<16xi32> to vector<16x1xi32>
        %gather3A_665 = vector.shape_cast %reshape3A_664 : vector<16x1xi32> to vector<16xi32>
        %gather3A_666 = tpu.dynamic_gather %add3A_638[%gather3A_665] in [0] : vector<16xf32>, vector<16xi32> -> vector<16xf32>
        %add3A_667 = arith.addf %add3A_638, %gather3A_666 : vector<16xf32>
        %add3A_668 = arith.constant 1 : i32
        %add3A_669 = vector.broadcast %add3A_668 : i32 to vector<16xi32>
        %add3A_670 = arith.addi %iota3A_580, %add3A_669 : vector<16xi32>
        %jit3A_671 = arith.constant 16 : i32
        %eq3A_672 = arith.constant 0 : i32
        %eq3A_673 = arith.cmpi eq, %jit3A_671, %eq3A_672 : i32
        %jit3A_674 = arith.constant 1 : i32
        %select_n3A_675 = arith.select %eq3A_673, %jit3A_674, %jit3A_671 : i32
        %rem3A_676 = vector.broadcast %select_n3A_675 : i32 to vector<16xi32>
        %rem3A_677 = arith.remsi %add3A_670, %rem3A_676 : vector<16xi32>
        %ne3A_678 = arith.constant 0 : i32
        %ne3A_679 = vector.broadcast %ne3A_678 : i32 to vector<16xi32>
        %ne3A_680 = arith.cmpi ne, %rem3A_677, %ne3A_679 : vector<16xi32>
        %lt3A_681 = arith.constant 0 : i32
        %lt3A_682 = vector.broadcast %lt3A_681 : i32 to vector<16xi32>
        %lt3A_683 = arith.cmpi slt, %rem3A_677, %lt3A_682 : vector<16xi32>
        %lt3A_684 = arith.constant 0 : i32
        %lt3A_685 = arith.cmpi slt, %select_n3A_675, %lt3A_684 : i32
        %ne3A_686 = vector.broadcast %lt3A_685 : i1 to vector<16xi1>
        %ne3A_687 = vector.broadcast %ne3A_686 : vector<16xi1> to vector<16xi1>
        %ne3A_688 = arith.xori %lt3A_683, %ne3A_687 : vector<16xi1>
        %and3A_689 = arith.andi %ne3A_688, %ne3A_680 : vector<16xi1>
        %add3A_690 = vector.broadcast %select_n3A_675 : i32 to vector<16xi32>
        %add3A_691 = arith.addi %rem3A_677, %add3A_690 : vector<16xi32>
        %select_n3A_692 = arith.select %and3A_689, %add3A_691, %rem3A_677 : vector<16xi1>, vector<16xi32>
        %reshape3A_693 = vector.shape_cast %select_n3A_692 : vector<16xi32> to vector<16x1xi32>
        %gather3A_694 = vector.shape_cast %reshape3A_693 : vector<16x1xi32> to vector<16xi32>
        %gather3A_695 = tpu.dynamic_gather %add3A_667[%gather3A_694] in [0] : vector<16xf32>, vector<16xi32> -> vector<16xf32>
        %add3A_696 = arith.addf %add3A_667, %gather3A_695 : vector<16xf32>
        %select_n3A_697 = arith.select %eq3A_579, %add3A_696, %scan3A_375 : vector<16xi1>, vector<16xf32>
        scf.yield %select_n3A_697 : vector<16xf32>
      }
      %scan3A_364 = arith.constant 16 : i32
      %mul3A_365 = arith.constant 16 : i32
      %mul3A_366 = arith.muli %scan3A_355, %mul3A_365 : i32
      %add3A_367 = arith.constant 0 : i32
      %add3A_368 = arith.addi %add3A_367, %mul3A_366 : i32
      %swap3A_369 = arith.index_cast %add3A_368 : i32 to index
      %swap3A_370 = tpu.vector_load %arg21[%swap3A_369] {strides = array<i32>} : memref<512xf32, #tpu.memory_space<vmem>>, vector<16xf32>,
      %swap3A_371 = vector.shape_cast %swap3A_370 : vector<16xf32> to vector<16xf32>
      %swap3A_372 = vector.shape_cast %scan3A_363 : vector<16xf32> to vector<16xf32>
      tpu.vector_store %arg21[%swap3A_369], %swap3A_372 {strides = array<i32>} : memref<512xf32, #tpu.memory_space<vmem>>, vector<16xf32>,
      %scan3A_373 = arith.constant 0 : i32
      scf.yield %scan3A_373 : i32
    }
    %scan3A_91 = arith.constant 8 : i32
    %dma_start3A_92 = arith.constant 256 : i32
    %dma_start3A_93 = tpu.memref_slice %arg8[%dma_start3A_92] : memref<512xi32, #tpu.memory_space<vmem>> -> memref<128xi32, #tpu.memory_space<vmem>>
    %dma_start3A_94 = arith.constant 0 : i32
    %dma_start3A_95 = arith.constant 0 : i32
    %dma_start3A_96 = tpu.memref_slice %arg4[%dma_start3A_94, %dma_start3A_95] : memref<1000x64xf32, #tpu.memory_space<hbm>> -> memref<1000x64xf32, #tpu.memory_space<hbm>>
    tpu.enqueue_indirect_dma source(%dma_start3A_96 : memref<1000x64xf32, #tpu.memory_space<hbm>>) target(%arg15 : memref<128x64xf32, #tpu.memory_space<vmem>>) offsets(%dma_start3A_93 : memref<128xi32, #tpu.memory_space<vmem>>) semaphore(%arg25 : memref<!tpu.dma_semaphore, #tpu.memory_space<semaphore_mem>>)
    %dma_start3A_97 = arith.constant 256 : i32
    %dma_start3A_98 = tpu.memref_slice %arg10[%dma_start3A_97] : memref<512xi32, #tpu.memory_space<vmem>> -> memref<128xi32, #tpu.memory_space<vmem>>
    %dma_start3A_99 = arith.constant 0 : i32
    %dma_start3A_100 = arith.constant 0 : i32
    %dma_start3A_101 = tpu.memref_slice %arg4[%dma_start3A_99, %dma_start3A_100] : memref<1000x64xf32, #tpu.memory_space<hbm>> -> memref<1000x64xf32, #tpu.memory_space<hbm>>
    tpu.enqueue_indirect_dma source(%dma_start3A_101 : memref<1000x64xf32, #tpu.memory_space<hbm>>) target(%arg16 : memref<128x64xf32, #tpu.memory_space<vmem>>) offsets(%dma_start3A_98 : memref<128xi32, #tpu.memory_space<vmem>>) semaphore(%arg25 : memref<!tpu.dma_semaphore, #tpu.memory_space<semaphore_mem>>)
    %dma_start3A_102 = arith.constant 256 : i32
    %dma_start3A_103 = tpu.memref_slice %arg9[%dma_start3A_102] : memref<512xi32, #tpu.memory_space<vmem>> -> memref<128xi32, #tpu.memory_space<vmem>>
    %dma_start3A_104 = arith.constant 0 : i32
    %dma_start3A_105 = arith.constant 0 : i32
    %dma_start3A_106 = tpu.memref_slice %arg5[%dma_start3A_104, %dma_start3A_105] : memref<1000x128xf32, #tpu.memory_space<hbm>> -> memref<1000x128xf32, #tpu.memory_space<hbm>>
    tpu.enqueue_indirect_dma source(%dma_start3A_106 : memref<1000x128xf32, #tpu.memory_space<hbm>>) target(%arg17 : memref<128x128xf32, #tpu.memory_space<vmem>>) offsets(%dma_start3A_103 : memref<128xi32, #tpu.memory_space<vmem>>) semaphore(%arg25 : memref<!tpu.dma_semaphore, #tpu.memory_space<semaphore_mem>>)
    %dma_wait3A_107 = arith.constant 128 : i32
    %dma_wait3A_108 = tpu.memref_slice %arg8[%dma_wait3A_107] : memref<512xi32, #tpu.memory_space<vmem>> -> memref<128xi32, #tpu.memory_space<vmem>>
    %dma_wait3A_109 = arith.constant 0 : i32
    %dma_wait3A_110 = arith.constant 0 : i32
    %dma_wait3A_111 = tpu.memref_slice %arg4[%dma_wait3A_109, %dma_wait3A_110] : memref<1000x64xf32, #tpu.memory_space<hbm>> -> memref<1000x64xf32, #tpu.memory_space<hbm>>
    tpu.wait_indirect_dma semaphore(%arg26 : memref<!tpu.dma_semaphore, #tpu.memory_space<semaphore_mem>>) src(%dma_wait3A_111 : memref<1000x64xf32, #tpu.memory_space<hbm>>) dst(%arg18 : memref<128x64xf32, #tpu.memory_space<vmem>>)
    %dma_wait3A_112 = arith.constant 128 : i32
    %dma_wait3A_113 = tpu.memref_slice %arg10[%dma_wait3A_112] : memref<512xi32, #tpu.memory_space<vmem>> -> memref<128xi32, #tpu.memory_space<vmem>>
    %dma_wait3A_114 = arith.constant 0 : i32
    %dma_wait3A_115 = arith.constant 0 : i32
    %dma_wait3A_116 = tpu.memref_slice %arg4[%dma_wait3A_114, %dma_wait3A_115] : memref<1000x64xf32, #tpu.memory_space<hbm>> -> memref<1000x64xf32, #tpu.memory_space<hbm>>
    tpu.wait_indirect_dma semaphore(%arg26 : memref<!tpu.dma_semaphore, #tpu.memory_space<semaphore_mem>>) src(%dma_wait3A_116 : memref<1000x64xf32, #tpu.memory_space<hbm>>) dst(%arg19 : memref<128x64xf32, #tpu.memory_space<vmem>>)
    %dma_wait3A_117 = arith.constant 128 : i32
    %dma_wait3A_118 = tpu.memref_slice %arg9[%dma_wait3A_117] : memref<512xi32, #tpu.memory_space<vmem>> -> memref<128xi32, #tpu.memory_space<vmem>>
    %dma_wait3A_119 = arith.constant 0 : i32
    %dma_wait3A_120 = arith.constant 0 : i32
    %dma_wait3A_121 = tpu.memref_slice %arg5[%dma_wait3A_119, %dma_wait3A_120] : memref<1000x128xf32, #tpu.memory_space<hbm>> -> memref<1000x128xf32, #tpu.memory_space<hbm>>
    tpu.wait_indirect_dma semaphore(%arg26 : memref<!tpu.dma_semaphore, #tpu.memory_space<semaphore_mem>>) src(%dma_wait3A_121 : memref<1000x128xf32, #tpu.memory_space<hbm>>) dst(%arg20 : memref<128x128xf32, #tpu.memory_space<vmem>>)
    %scan3A_122 = arith.constant 0 : i32
    %scan3A_123 = arith.constant 0 : i32
    %scan3A_124 = arith.constant 8 : i32
    %scan3A_125 = arith.addi %scan3A_123, %scan3A_124 : i32
    %scan3A_126 = arith.constant 1 : i32
    %scan3A_127 = scf.for %scan3A_355 = %scan3A_123 to %scan3A_125 step %scan3A_126 iter_args(%scan3A_356 = %scan3A_122) -> (i32)  : i32 {
      %broadcast_in_dim3A_357 = arith.constant 0.000000e+00 : f32
      %broadcast_in_dim3A_358 = vector.broadcast %broadcast_in_dim3A_357 : f32 to vector<16xf32>
      %scan3A_359 = arith.constant 0 : i32
      %scan3A_360 = arith.constant 16 : i32
      %scan3A_361 = arith.addi %scan3A_359, %scan3A_360 : i32
      %scan3A_362 = arith.constant 1 : i32
      %scan3A_363 = scf.for %scan3A_374 = %scan3A_359 to %scan3A_361 step %scan3A_362 iter_args(%scan3A_375 = %broadcast_in_dim3A_358) -> (vector<16xf32>)  : i32 {
        %mul3A_376 = arith.constant 16 : i32
        %mul3A_377 = arith.muli %scan3A_355, %mul3A_376 : i32
        %add3A_378 = arith.addi %mul3A_377, %scan3A_374 : i32
        %get3A = arith.index_cast %add3A_378 : i32 to index
        %get3A_379 = arith.constant 0 : index
        %get3A_380 = tpu.vector_load %arg18[%get3A, %get3A_379] {strides = array<i32>} : memref<128x64xf32, #tpu.memory_space<vmem>>, vector<1x16xf32>,
        %get3A_381 = vector.shape_cast %get3A_380 : vector<1x16xf32> to vector<16xf32>
        %get3A_382 = arith.index_cast %add3A_378 : i32 to index
        %get3A_383 = arith.constant 16 : index
        %get3A_384 = tpu.vector_load %arg18[%get3A_382, %get3A_383] {strides = array<i32>} : memref<128x64xf32, #tpu.memory_space<vmem>>, vector<1x16xf32>,
        %get3A_385 = vector.shape_cast %get3A_384 : vector<1x16xf32> to vector<16xf32>
        %get3A_386 = arith.index_cast %add3A_378 : i32 to index
        %get3A_387 = arith.constant 32 : index
        %get3A_388 = tpu.vector_load %arg18[%get3A_386, %get3A_387] {strides = array<i32>} : memref<128x64xf32, #tpu.memory_space<vmem>>, vector<1x16xf32>,
        %get3A_389 = vector.shape_cast %get3A_388 : vector<1x16xf32> to vector<16xf32>
        %get3A_390 = arith.index_cast %add3A_378 : i32 to index
        %get3A_391 = arith.constant 48 : index
        %get3A_392 = tpu.vector_load %arg18[%get3A_390, %get3A_391] {strides = array<i32>} : memref<128x64xf32, #tpu.memory_space<vmem>>, vector<1x16xf32>,
        %get3A_393 = vector.shape_cast %get3A_392 : vector<1x16xf32> to vector<16xf32>
        %get3A_394 = arith.index_cast %add3A_378 : i32 to index
        %get3A_395 = arith.constant 0 : index
        %get3A_396 = tpu.vector_load %arg19[%get3A_394, %get3A_395] {strides = array<i32>} : memref<128x64xf32, #tpu.memory_space<vmem>>, vector<1x16xf32>,
        %get3A_397 = vector.shape_cast %get3A_396 : vector<1x16xf32> to vector<16xf32>
        %get3A_398 = arith.index_cast %add3A_378 : i32 to index
        %get3A_399 = arith.constant 16 : index
        %get3A_400 = tpu.vector_load %arg19[%get3A_398, %get3A_399] {strides = array<i32>} : memref<128x64xf32, #tpu.memory_space<vmem>>, vector<1x16xf32>,
        %get3A_401 = vector.shape_cast %get3A_400 : vector<1x16xf32> to vector<16xf32>
        %get3A_402 = arith.index_cast %add3A_378 : i32 to index
        %get3A_403 = arith.constant 32 : index
        %get3A_404 = tpu.vector_load %arg19[%get3A_402, %get3A_403] {strides = array<i32>} : memref<128x64xf32, #tpu.memory_space<vmem>>, vector<1x16xf32>,
        %get3A_405 = vector.shape_cast %get3A_404 : vector<1x16xf32> to vector<16xf32>
        %get3A_406 = arith.index_cast %add3A_378 : i32 to index
        %get3A_407 = arith.constant 48 : index
        %get3A_408 = tpu.vector_load %arg19[%get3A_406, %get3A_407] {strides = array<i32>} : memref<128x64xf32, #tpu.memory_space<vmem>>, vector<1x16xf32>,
        %get3A_409 = vector.shape_cast %get3A_408 : vector<1x16xf32> to vector<16xf32>
        %get3A_410 = arith.index_cast %add3A_378 : i32 to index
        %get3A_411 = arith.constant 0 : index
        %get3A_412 = tpu.vector_load %arg20[%get3A_410, %get3A_411] {strides = array<i32>} : memref<128x128xf32, #tpu.memory_space<vmem>>, vector<1x16xf32>,
        %get3A_413 = vector.shape_cast %get3A_412 : vector<1x16xf32> to vector<16xf32>
        %get3A_414 = arith.index_cast %add3A_378 : i32 to index
        %get3A_415 = arith.constant 16 : index
        %get3A_416 = tpu.vector_load %arg20[%get3A_414, %get3A_415] {strides = array<i32>} : memref<128x128xf32, #tpu.memory_space<vmem>>, vector<1x16xf32>,
        %get3A_417 = vector.shape_cast %get3A_416 : vector<1x16xf32> to vector<16xf32>
        %get3A_418 = arith.index_cast %add3A_378 : i32 to index
        %get3A_419 = arith.constant 32 : index
        %get3A_420 = tpu.vector_load %arg20[%get3A_418, %get3A_419] {strides = array<i32>} : memref<128x128xf32, #tpu.memory_space<vmem>>, vector<1x16xf32>,
        %get3A_421 = vector.shape_cast %get3A_420 : vector<1x16xf32> to vector<16xf32>
        %get3A_422 = arith.index_cast %add3A_378 : i32 to index
        %get3A_423 = arith.constant 48 : index
        %get3A_424 = tpu.vector_load %arg20[%get3A_422, %get3A_423] {strides = array<i32>} : memref<128x128xf32, #tpu.memory_space<vmem>>, vector<1x16xf32>,
        %get3A_425 = vector.shape_cast %get3A_424 : vector<1x16xf32> to vector<16xf32>
        %get3A_426 = arith.index_cast %add3A_378 : i32 to index
        %get3A_427 = arith.constant 64 : index
        %get3A_428 = tpu.vector_load %arg20[%get3A_426, %get3A_427] {strides = array<i32>} : memref<128x128xf32, #tpu.memory_space<vmem>>, vector<1x16xf32>,
        %get3A_429 = vector.shape_cast %get3A_428 : vector<1x16xf32> to vector<16xf32>
        %get3A_430 = arith.index_cast %add3A_378 : i32 to index
        %get3A_431 = arith.constant 80 : index
        %get3A_432 = tpu.vector_load %arg20[%get3A_430, %get3A_431] {strides = array<i32>} : memref<128x128xf32, #tpu.memory_space<vmem>>, vector<1x16xf32>,
        %get3A_433 = vector.shape_cast %get3A_432 : vector<1x16xf32> to vector<16xf32>
        %get3A_434 = arith.index_cast %add3A_378 : i32 to index
        %get3A_435 = arith.constant 96 : index
        %get3A_436 = tpu.vector_load %arg20[%get3A_434, %get3A_435] {strides = array<i32>} : memref<128x128xf32, #tpu.memory_space<vmem>>, vector<1x16xf32>,
        %get3A_437 = vector.shape_cast %get3A_436 : vector<1x16xf32> to vector<16xf32>
        %get3A_438 = arith.index_cast %add3A_378 : i32 to index
        %get3A_439 = arith.constant 112 : index
        %get3A_440 = tpu.vector_load %arg20[%get3A_438, %get3A_439] {strides = array<i32>} : memref<128x128xf32, #tpu.memory_space<vmem>>, vector<1x16xf32>,
        %get3A_441 = vector.shape_cast %get3A_440 : vector<1x16xf32> to vector<16xf32>
        %sub3A = arith.subf %get3A_381, %get3A_397 : vector<16xf32>
        %sub3A_442 = arith.subf %get3A_385, %get3A_401 : vector<16xf32>
        %sub3A_443 = arith.subf %get3A_389, %get3A_405 : vector<16xf32>
        %sub3A_444 = arith.subf %get3A_393, %get3A_409 : vector<16xf32>
        %mul3A_445 = arith.mulf %sub3A, %get3A_429 : vector<16xf32>
        %mul3A_446 = arith.mulf %sub3A_442, %get3A_433 : vector<16xf32>
        %add3A_447 = arith.addf %mul3A_445, %mul3A_446 : vector<16xf32>
        %mul3A_448 = arith.mulf %sub3A_443, %get3A_437 : vector<16xf32>
        %add3A_449 = arith.addf %add3A_447, %mul3A_448 : vector<16xf32>
        %mul3A_450 = arith.mulf %sub3A_444, %get3A_441 : vector<16xf32>
        %add3A_451 = arith.addf %add3A_449, %mul3A_450 : vector<16xf32>
        %iota3A_452 = tpu.iota {dimensions = array<i32: 0>} : vector<16xi32>
        %add3A_453 = arith.constant 8 : i32
        %add3A_454 = vector.broadcast %add3A_453 : i32 to vector<16xi32>
        %add3A_455 = arith.addi %iota3A_452, %add3A_454 : vector<16xi32>
        %jit3A = arith.constant 16 : i32
        %eq3A = arith.constant 0 : i32
        %eq3A_456 = arith.cmpi eq, %jit3A, %eq3A : i32
        %jit3A_457 = arith.constant 1 : i32
        %select_n3A = arith.select %eq3A_456, %jit3A_457, %jit3A : i32
        %rem3A = vector.broadcast %select_n3A : i32 to vector<16xi32>
        %rem3A_458 = arith.remsi %add3A_455, %rem3A : vector<16xi32>
        %ne3A = arith.constant 0 : i32
        %ne3A_459 = vector.broadcast %ne3A : i32 to vector<16xi32>
        %ne3A_460 = arith.cmpi ne, %rem3A_458, %ne3A_459 : vector<16xi32>
        %lt3A = arith.constant 0 : i32
        %lt3A_461 = vector.broadcast %lt3A : i32 to vector<16xi32>
        %lt3A_462 = arith.cmpi slt, %rem3A_458, %lt3A_461 : vector<16xi32>
        %lt3A_463 = arith.constant 0 : i32
        %lt3A_464 = arith.cmpi slt, %select_n3A, %lt3A_463 : i32
        %ne3A_465 = vector.broadcast %lt3A_464 : i1 to vector<16xi1>
        %ne3A_466 = vector.broadcast %ne3A_465 : vector<16xi1> to vector<16xi1>
        %ne3A_467 = arith.xori %lt3A_462, %ne3A_466 : vector<16xi1>
        %and3A = arith.andi %ne3A_467, %ne3A_460 : vector<16xi1>
        %add3A_468 = vector.broadcast %select_n3A : i32 to vector<16xi32>
        %add3A_469 = arith.addi %rem3A_458, %add3A_468 : vector<16xi32>
        %select_n3A_470 = arith.select %and3A, %add3A_469, %rem3A_458 : vector<16xi1>, vector<16xi32>
        %reshape3A = vector.shape_cast %select_n3A_470 : vector<16xi32> to vector<16x1xi32>
        %gather3A = vector.shape_cast %reshape3A : vector<16x1xi32> to vector<16xi32>
        %gather3A_471 = tpu.dynamic_gather %add3A_451[%gather3A] in [0] : vector<16xf32>, vector<16xi32> -> vector<16xf32>
        %add3A_472 = arith.addf %add3A_451, %gather3A_471 : vector<16xf32>
        %add3A_473 = arith.constant 4 : i32
        %add3A_474 = vector.broadcast %add3A_473 : i32 to vector<16xi32>
        %add3A_475 = arith.addi %iota3A_452, %add3A_474 : vector<16xi32>
        %jit3A_476 = arith.constant 16 : i32
        %eq3A_477 = arith.constant 0 : i32
        %eq3A_478 = arith.cmpi eq, %jit3A_476, %eq3A_477 : i32
        %jit3A_479 = arith.constant 1 : i32
        %select_n3A_480 = arith.select %eq3A_478, %jit3A_479, %jit3A_476 : i32
        %rem3A_481 = vector.broadcast %select_n3A_480 : i32 to vector<16xi32>
        %rem3A_482 = arith.remsi %add3A_475, %rem3A_481 : vector<16xi32>
        %ne3A_483 = arith.constant 0 : i32
        %ne3A_484 = vector.broadcast %ne3A_483 : i32 to vector<16xi32>
        %ne3A_485 = arith.cmpi ne, %rem3A_482, %ne3A_484 : vector<16xi32>
        %lt3A_486 = arith.constant 0 : i32
        %lt3A_487 = vector.broadcast %lt3A_486 : i32 to vector<16xi32>
        %lt3A_488 = arith.cmpi slt, %rem3A_482, %lt3A_487 : vector<16xi32>
        %lt3A_489 = arith.constant 0 : i32
        %lt3A_490 = arith.cmpi slt, %select_n3A_480, %lt3A_489 : i32
        %ne3A_491 = vector.broadcast %lt3A_490 : i1 to vector<16xi1>
        %ne3A_492 = vector.broadcast %ne3A_491 : vector<16xi1> to vector<16xi1>
        %ne3A_493 = arith.xori %lt3A_488, %ne3A_492 : vector<16xi1>
        %and3A_494 = arith.andi %ne3A_493, %ne3A_485 : vector<16xi1>
        %add3A_495 = vector.broadcast %select_n3A_480 : i32 to vector<16xi32>
        %add3A_496 = arith.addi %rem3A_482, %add3A_495 : vector<16xi32>
        %select_n3A_497 = arith.select %and3A_494, %add3A_496, %rem3A_482 : vector<16xi1>, vector<16xi32>
        %reshape3A_498 = vector.shape_cast %select_n3A_497 : vector<16xi32> to vector<16x1xi32>
        %gather3A_499 = vector.shape_cast %reshape3A_498 : vector<16x1xi32> to vector<16xi32>
        %gather3A_500 = tpu.dynamic_gather %add3A_472[%gather3A_499] in [0] : vector<16xf32>, vector<16xi32> -> vector<16xf32>
        %add3A_501 = arith.addf %add3A_472, %gather3A_500 : vector<16xf32>
        %add3A_502 = arith.constant 2 : i32
        %add3A_503 = vector.broadcast %add3A_502 : i32 to vector<16xi32>
        %add3A_504 = arith.addi %iota3A_452, %add3A_503 : vector<16xi32>
        %jit3A_505 = arith.constant 16 : i32
        %eq3A_506 = arith.constant 0 : i32
        %eq3A_507 = arith.cmpi eq, %jit3A_505, %eq3A_506 : i32
        %jit3A_508 = arith.constant 1 : i32
        %select_n3A_509 = arith.select %eq3A_507, %jit3A_508, %jit3A_505 : i32
        %rem3A_510 = vector.broadcast %select_n3A_509 : i32 to vector<16xi32>
        %rem3A_511 = arith.remsi %add3A_504, %rem3A_510 : vector<16xi32>
        %ne3A_512 = arith.constant 0 : i32
        %ne3A_513 = vector.broadcast %ne3A_512 : i32 to vector<16xi32>
        %ne3A_514 = arith.cmpi ne, %rem3A_511, %ne3A_513 : vector<16xi32>
        %lt3A_515 = arith.constant 0 : i32
        %lt3A_516 = vector.broadcast %lt3A_515 : i32 to vector<16xi32>
        %lt3A_517 = arith.cmpi slt, %rem3A_511, %lt3A_516 : vector<16xi32>
        %lt3A_518 = arith.constant 0 : i32
        %lt3A_519 = arith.cmpi slt, %select_n3A_509, %lt3A_518 : i32
        %ne3A_520 = vector.broadcast %lt3A_519 : i1 to vector<16xi1>
        %ne3A_521 = vector.broadcast %ne3A_520 : vector<16xi1> to vector<16xi1>
        %ne3A_522 = arith.xori %lt3A_517, %ne3A_521 : vector<16xi1>
        %and3A_523 = arith.andi %ne3A_522, %ne3A_514 : vector<16xi1>
        %add3A_524 = vector.broadcast %select_n3A_509 : i32 to vector<16xi32>
        %add3A_525 = arith.addi %rem3A_511, %add3A_524 : vector<16xi32>
        %select_n3A_526 = arith.select %and3A_523, %add3A_525, %rem3A_511 : vector<16xi1>, vector<16xi32>
        %reshape3A_527 = vector.shape_cast %select_n3A_526 : vector<16xi32> to vector<16x1xi32>
        %gather3A_528 = vector.shape_cast %reshape3A_527 : vector<16x1xi32> to vector<16xi32>
        %gather3A_529 = tpu.dynamic_gather %add3A_501[%gather3A_528] in [0] : vector<16xf32>, vector<16xi32> -> vector<16xf32>
        %add3A_530 = arith.addf %add3A_501, %gather3A_529 : vector<16xf32>
        %add3A_531 = arith.constant 1 : i32
        %add3A_532 = vector.broadcast %add3A_531 : i32 to vector<16xi32>
        %add3A_533 = arith.addi %iota3A_452, %add3A_532 : vector<16xi32>
        %jit3A_534 = arith.constant 16 : i32
        %eq3A_535 = arith.constant 0 : i32
        %eq3A_536 = arith.cmpi eq, %jit3A_534, %eq3A_535 : i32
        %jit3A_537 = arith.constant 1 : i32
        %select_n3A_538 = arith.select %eq3A_536, %jit3A_537, %jit3A_534 : i32
        %rem3A_539 = vector.broadcast %select_n3A_538 : i32 to vector<16xi32>
        %rem3A_540 = arith.remsi %add3A_533, %rem3A_539 : vector<16xi32>
        %ne3A_541 = arith.constant 0 : i32
        %ne3A_542 = vector.broadcast %ne3A_541 : i32 to vector<16xi32>
        %ne3A_543 = arith.cmpi ne, %rem3A_540, %ne3A_542 : vector<16xi32>
        %lt3A_544 = arith.constant 0 : i32
        %lt3A_545 = vector.broadcast %lt3A_544 : i32 to vector<16xi32>
        %lt3A_546 = arith.cmpi slt, %rem3A_540, %lt3A_545 : vector<16xi32>
        %lt3A_547 = arith.constant 0 : i32
        %lt3A_548 = arith.cmpi slt, %select_n3A_538, %lt3A_547 : i32
        %ne3A_549 = vector.broadcast %lt3A_548 : i1 to vector<16xi1>
        %ne3A_550 = vector.broadcast %ne3A_549 : vector<16xi1> to vector<16xi1>
        %ne3A_551 = arith.xori %lt3A_546, %ne3A_550 : vector<16xi1>
        %and3A_552 = arith.andi %ne3A_551, %ne3A_543 : vector<16xi1>
        %add3A_553 = vector.broadcast %select_n3A_538 : i32 to vector<16xi32>
        %add3A_554 = arith.addi %rem3A_540, %add3A_553 : vector<16xi32>
        %select_n3A_555 = arith.select %and3A_552, %add3A_554, %rem3A_540 : vector<16xi1>, vector<16xi32>
        %reshape3A_556 = vector.shape_cast %select_n3A_555 : vector<16xi32> to vector<16x1xi32>
        %gather3A_557 = vector.shape_cast %reshape3A_556 : vector<16x1xi32> to vector<16xi32>
        %gather3A_558 = tpu.dynamic_gather %add3A_530[%gather3A_557] in [0] : vector<16xf32>, vector<16xi32> -> vector<16xf32>
        %add3A_559 = arith.addf %add3A_530, %gather3A_558 : vector<16xf32>
        %add3A_560 = arith.addf %sub3A, %get3A_413 : vector<16xf32>
        %mul3A_561 = arith.mulf %add3A_559, %get3A_429 : vector<16xf32>
        %sub3A_562 = arith.subf %add3A_560, %mul3A_561 : vector<16xf32>
        %abs3A = math.absf %sub3A_562 : vector<16xf32>
        %add3A_563 = arith.addf %sub3A_442, %get3A_417 : vector<16xf32>
        %mul3A_564 = arith.mulf %add3A_559, %get3A_433 : vector<16xf32>
        %sub3A_565 = arith.subf %add3A_563, %mul3A_564 : vector<16xf32>
        %abs3A_566 = math.absf %sub3A_565 : vector<16xf32>
        %add3A_567 = arith.addf %abs3A, %abs3A_566 : vector<16xf32>
        %add3A_568 = arith.addf %sub3A_443, %get3A_421 : vector<16xf32>
        %mul3A_569 = arith.mulf %add3A_559, %get3A_437 : vector<16xf32>
        %sub3A_570 = arith.subf %add3A_568, %mul3A_569 : vector<16xf32>
        %abs3A_571 = math.absf %sub3A_570 : vector<16xf32>
        %add3A_572 = arith.addf %add3A_567, %abs3A_571 : vector<16xf32>
        %add3A_573 = arith.addf %sub3A_444, %get3A_425 : vector<16xf32>
        %mul3A_574 = arith.mulf %add3A_559, %get3A_441 : vector<16xf32>
        %sub3A_575 = arith.subf %add3A_573, %mul3A_574 : vector<16xf32>
        %abs3A_576 = math.absf %sub3A_575 : vector<16xf32>
        %add3A_577 = arith.addf %add3A_572, %abs3A_576 : vector<16xf32>
        %eq3A_578 = vector.broadcast %scan3A_374 : i32 to vector<16xi32>
        %eq3A_579 = arith.cmpi eq, %iota3A, %eq3A_578 : vector<16xi32>
        %iota3A_580 = tpu.iota {dimensions = array<i32: 0>} : vector<16xi32>
        %add3A_581 = arith.constant 8 : i32
        %add3A_582 = vector.broadcast %add3A_581 : i32 to vector<16xi32>
        %add3A_583 = arith.addi %iota3A_580, %add3A_582 : vector<16xi32>
        %jit3A_584 = arith.constant 16 : i32
        %eq3A_585 = arith.constant 0 : i32
        %eq3A_586 = arith.cmpi eq, %jit3A_584, %eq3A_585 : i32
        %jit3A_587 = arith.constant 1 : i32
        %select_n3A_588 = arith.select %eq3A_586, %jit3A_587, %jit3A_584 : i32
        %rem3A_589 = vector.broadcast %select_n3A_588 : i32 to vector<16xi32>
        %rem3A_590 = arith.remsi %add3A_583, %rem3A_589 : vector<16xi32>
        %ne3A_591 = arith.constant 0 : i32
        %ne3A_592 = vector.broadcast %ne3A_591 : i32 to vector<16xi32>
        %ne3A_593 = arith.cmpi ne, %rem3A_590, %ne3A_592 : vector<16xi32>
        %lt3A_594 = arith.constant 0 : i32
        %lt3A_595 = vector.broadcast %lt3A_594 : i32 to vector<16xi32>
        %lt3A_596 = arith.cmpi slt, %rem3A_590, %lt3A_595 : vector<16xi32>
        %lt3A_597 = arith.constant 0 : i32
        %lt3A_598 = arith.cmpi slt, %select_n3A_588, %lt3A_597 : i32
        %ne3A_599 = vector.broadcast %lt3A_598 : i1 to vector<16xi1>
        %ne3A_600 = vector.broadcast %ne3A_599 : vector<16xi1> to vector<16xi1>
        %ne3A_601 = arith.xori %lt3A_596, %ne3A_600 : vector<16xi1>
        %and3A_602 = arith.andi %ne3A_601, %ne3A_593 : vector<16xi1>
        %add3A_603 = vector.broadcast %select_n3A_588 : i32 to vector<16xi32>
        %add3A_604 = arith.addi %rem3A_590, %add3A_603 : vector<16xi32>
        %select_n3A_605 = arith.select %and3A_602, %add3A_604, %rem3A_590 : vector<16xi1>, vector<16xi32>
        %reshape3A_606 = vector.shape_cast %select_n3A_605 : vector<16xi32> to vector<16x1xi32>
        %gather3A_607 = vector.shape_cast %reshape3A_606 : vector<16x1xi32> to vector<16xi32>
        %gather3A_608 = tpu.dynamic_gather %add3A_577[%gather3A_607] in [0] : vector<16xf32>, vector<16xi32> -> vector<16xf32>
        %add3A_609 = arith.addf %add3A_577, %gather3A_608 : vector<16xf32>
        %add3A_610 = arith.constant 4 : i32
        %add3A_611 = vector.broadcast %add3A_610 : i32 to vector<16xi32>
        %add3A_612 = arith.addi %iota3A_580, %add3A_611 : vector<16xi32>
        %jit3A_613 = arith.constant 16 : i32
        %eq3A_614 = arith.constant 0 : i32
        %eq3A_615 = arith.cmpi eq, %jit3A_613, %eq3A_614 : i32
        %jit3A_616 = arith.constant 1 : i32
        %select_n3A_617 = arith.select %eq3A_615, %jit3A_616, %jit3A_613 : i32
        %rem3A_618 = vector.broadcast %select_n3A_617 : i32 to vector<16xi32>
        %rem3A_619 = arith.remsi %add3A_612, %rem3A_618 : vector<16xi32>
        %ne3A_620 = arith.constant 0 : i32
        %ne3A_621 = vector.broadcast %ne3A_620 : i32 to vector<16xi32>
        %ne3A_622 = arith.cmpi ne, %rem3A_619, %ne3A_621 : vector<16xi32>
        %lt3A_623 = arith.constant 0 : i32
        %lt3A_624 = vector.broadcast %lt3A_623 : i32 to vector<16xi32>
        %lt3A_625 = arith.cmpi slt, %rem3A_619, %lt3A_624 : vector<16xi32>
        %lt3A_626 = arith.constant 0 : i32
        %lt3A_627 = arith.cmpi slt, %select_n3A_617, %lt3A_626 : i32
        %ne3A_628 = vector.broadcast %lt3A_627 : i1 to vector<16xi1>
        %ne3A_629 = vector.broadcast %ne3A_628 : vector<16xi1> to vector<16xi1>
        %ne3A_630 = arith.xori %lt3A_625, %ne3A_629 : vector<16xi1>
        %and3A_631 = arith.andi %ne3A_630, %ne3A_622 : vector<16xi1>
        %add3A_632 = vector.broadcast %select_n3A_617 : i32 to vector<16xi32>
        %add3A_633 = arith.addi %rem3A_619, %add3A_632 : vector<16xi32>
        %select_n3A_634 = arith.select %and3A_631, %add3A_633, %rem3A_619 : vector<16xi1>, vector<16xi32>
        %reshape3A_635 = vector.shape_cast %select_n3A_634 : vector<16xi32> to vector<16x1xi32>
        %gather3A_636 = vector.shape_cast %reshape3A_635 : vector<16x1xi32> to vector<16xi32>
        %gather3A_637 = tpu.dynamic_gather %add3A_609[%gather3A_636] in [0] : vector<16xf32>, vector<16xi32> -> vector<16xf32>
        %add3A_638 = arith.addf %add3A_609, %gather3A_637 : vector<16xf32>
        %add3A_639 = arith.constant 2 : i32
        %add3A_640 = vector.broadcast %add3A_639 : i32 to vector<16xi32>
        %add3A_641 = arith.addi %iota3A_580, %add3A_640 : vector<16xi32>
        %jit3A_642 = arith.constant 16 : i32
        %eq3A_643 = arith.constant 0 : i32
        %eq3A_644 = arith.cmpi eq, %jit3A_642, %eq3A_643 : i32
        %jit3A_645 = arith.constant 1 : i32
        %select_n3A_646 = arith.select %eq3A_644, %jit3A_645, %jit3A_642 : i32
        %rem3A_647 = vector.broadcast %select_n3A_646 : i32 to vector<16xi32>
        %rem3A_648 = arith.remsi %add3A_641, %rem3A_647 : vector<16xi32>
        %ne3A_649 = arith.constant 0 : i32
        %ne3A_650 = vector.broadcast %ne3A_649 : i32 to vector<16xi32>
        %ne3A_651 = arith.cmpi ne, %rem3A_648, %ne3A_650 : vector<16xi32>
        %lt3A_652 = arith.constant 0 : i32
        %lt3A_653 = vector.broadcast %lt3A_652 : i32 to vector<16xi32>
        %lt3A_654 = arith.cmpi slt, %rem3A_648, %lt3A_653 : vector<16xi32>
        %lt3A_655 = arith.constant 0 : i32
        %lt3A_656 = arith.cmpi slt, %select_n3A_646, %lt3A_655 : i32
        %ne3A_657 = vector.broadcast %lt3A_656 : i1 to vector<16xi1>
        %ne3A_658 = vector.broadcast %ne3A_657 : vector<16xi1> to vector<16xi1>
        %ne3A_659 = arith.xori %lt3A_654, %ne3A_658 : vector<16xi1>
        %and3A_660 = arith.andi %ne3A_659, %ne3A_651 : vector<16xi1>
        %add3A_661 = vector.broadcast %select_n3A_646 : i32 to vector<16xi32>
        %add3A_662 = arith.addi %rem3A_648, %add3A_661 : vector<16xi32>
        %select_n3A_663 = arith.select %and3A_660, %add3A_662, %rem3A_648 : vector<16xi1>, vector<16xi32>
        %reshape3A_664 = vector.shape_cast %select_n3A_663 : vector<16xi32> to vector<16x1xi32>
        %gather3A_665 = vector.shape_cast %reshape3A_664 : vector<16x1xi32> to vector<16xi32>
        %gather3A_666 = tpu.dynamic_gather %add3A_638[%gather3A_665] in [0] : vector<16xf32>, vector<16xi32> -> vector<16xf32>
        %add3A_667 = arith.addf %add3A_638, %gather3A_666 : vector<16xf32>
        %add3A_668 = arith.constant 1 : i32
        %add3A_669 = vector.broadcast %add3A_668 : i32 to vector<16xi32>
        %add3A_670 = arith.addi %iota3A_580, %add3A_669 : vector<16xi32>
        %jit3A_671 = arith.constant 16 : i32
        %eq3A_672 = arith.constant 0 : i32
        %eq3A_673 = arith.cmpi eq, %jit3A_671, %eq3A_672 : i32
        %jit3A_674 = arith.constant 1 : i32
        %select_n3A_675 = arith.select %eq3A_673, %jit3A_674, %jit3A_671 : i32
        %rem3A_676 = vector.broadcast %select_n3A_675 : i32 to vector<16xi32>
        %rem3A_677 = arith.remsi %add3A_670, %rem3A_676 : vector<16xi32>
        %ne3A_678 = arith.constant 0 : i32
        %ne3A_679 = vector.broadcast %ne3A_678 : i32 to vector<16xi32>
        %ne3A_680 = arith.cmpi ne, %rem3A_677, %ne3A_679 : vector<16xi32>
        %lt3A_681 = arith.constant 0 : i32
        %lt3A_682 = vector.broadcast %lt3A_681 : i32 to vector<16xi32>
        %lt3A_683 = arith.cmpi slt, %rem3A_677, %lt3A_682 : vector<16xi32>
        %lt3A_684 = arith.constant 0 : i32
        %lt3A_685 = arith.cmpi slt, %select_n3A_675, %lt3A_684 : i32
        %ne3A_686 = vector.broadcast %lt3A_685 : i1 to vector<16xi1>
        %ne3A_687 = vector.broadcast %ne3A_686 : vector<16xi1> to vector<16xi1>
        %ne3A_688 = arith.xori %lt3A_683, %ne3A_687 : vector<16xi1>
        %and3A_689 = arith.andi %ne3A_688, %ne3A_680 : vector<16xi1>
        %add3A_690 = vector.broadcast %select_n3A_675 : i32 to vector<16xi32>
        %add3A_691 = arith.addi %rem3A_677, %add3A_690 : vector<16xi32>
        %select_n3A_692 = arith.select %and3A_689, %add3A_691, %rem3A_677 : vector<16xi1>, vector<16xi32>
        %reshape3A_693 = vector.shape_cast %select_n3A_692 : vector<16xi32> to vector<16x1xi32>
        %gather3A_694 = vector.shape_cast %reshape3A_693 : vector<16x1xi32> to vector<16xi32>
        %gather3A_695 = tpu.dynamic_gather %add3A_667[%gather3A_694] in [0] : vector<16xf32>, vector<16xi32> -> vector<16xf32>
        %add3A_696 = arith.addf %add3A_667, %gather3A_695 : vector<16xf32>
        %select_n3A_697 = arith.select %eq3A_579, %add3A_696, %scan3A_375 : vector<16xi1>, vector<16xf32>
        scf.yield %select_n3A_697 : vector<16xf32>
      }
      %scan3A_364 = arith.constant 16 : i32
      %mul3A_365 = arith.constant 16 : i32
      %mul3A_366 = arith.muli %scan3A_355, %mul3A_365 : i32
      %add3A_367 = arith.constant 128 : i32
      %add3A_368 = arith.addi %add3A_367, %mul3A_366 : i32
      %swap3A_369 = arith.index_cast %add3A_368 : i32 to index
      %swap3A_370 = tpu.vector_load %arg21[%swap3A_369] {strides = array<i32>} : memref<512xf32, #tpu.memory_space<vmem>>, vector<16xf32>,
      %swap3A_371 = vector.shape_cast %swap3A_370 : vector<16xf32> to vector<16xf32>
      %swap3A_372 = vector.shape_cast %scan3A_363 : vector<16xf32> to vector<16xf32>
      tpu.vector_store %arg21[%swap3A_369], %swap3A_372 {strides = array<i32>} : memref<512xf32, #tpu.memory_space<vmem>>, vector<16xf32>,
      %scan3A_373 = arith.constant 0 : i32
      scf.yield %scan3A_373 : i32
    }
    %scan3A_128 = arith.constant 8 : i32
    %dma_start3A_129 = arith.constant 384 : i32
    %dma_start3A_130 = tpu.memref_slice %arg8[%dma_start3A_129] : memref<512xi32, #tpu.memory_space<vmem>> -> memref<128xi32, #tpu.memory_space<vmem>>
    %dma_start3A_131 = arith.constant 0 : i32
    %dma_start3A_132 = arith.constant 0 : i32
    %dma_start3A_133 = tpu.memref_slice %arg4[%dma_start3A_131, %dma_start3A_132] : memref<1000x64xf32, #tpu.memory_space<hbm>> -> memref<1000x64xf32, #tpu.memory_space<hbm>>
    tpu.enqueue_indirect_dma source(%dma_start3A_133 : memref<1000x64xf32, #tpu.memory_space<hbm>>) target(%arg18 : memref<128x64xf32, #tpu.memory_space<vmem>>) offsets(%dma_start3A_130 : memref<128xi32, #tpu.memory_space<vmem>>) semaphore(%arg26 : memref<!tpu.dma_semaphore, #tpu.memory_space<semaphore_mem>>)
    %dma_start3A_134 = arith.constant 384 : i32
    %dma_start3A_135 = tpu.memref_slice %arg10[%dma_start3A_134] : memref<512xi32, #tpu.memory_space<vmem>> -> memref<128xi32, #tpu.memory_space<vmem>>
    %dma_start3A_136 = arith.constant 0 : i32
    %dma_start3A_137 = arith.constant 0 : i32
    %dma_start3A_138 = tpu.memref_slice %arg4[%dma_start3A_136, %dma_start3A_137] : memref<1000x64xf32, #tpu.memory_space<hbm>> -> memref<1000x64xf32, #tpu.memory_space<hbm>>
    tpu.enqueue_indirect_dma source(%dma_start3A_138 : memref<1000x64xf32, #tpu.memory_space<hbm>>) target(%arg19 : memref<128x64xf32, #tpu.memory_space<vmem>>) offsets(%dma_start3A_135 : memref<128xi32, #tpu.memory_space<vmem>>) semaphore(%arg26 : memref<!tpu.dma_semaphore, #tpu.memory_space<semaphore_mem>>)
    %dma_start3A_139 = arith.constant 384 : i32
    %dma_start3A_140 = tpu.memref_slice %arg9[%dma_start3A_139] : memref<512xi32, #tpu.memory_space<vmem>> -> memref<128xi32, #tpu.memory_space<vmem>>
    %dma_start3A_141 = arith.constant 0 : i32
    %dma_start3A_142 = arith.constant 0 : i32
    %dma_start3A_143 = tpu.memref_slice %arg5[%dma_start3A_141, %dma_start3A_142] : memref<1000x128xf32, #tpu.memory_space<hbm>> -> memref<1000x128xf32, #tpu.memory_space<hbm>>
    tpu.enqueue_indirect_dma source(%dma_start3A_143 : memref<1000x128xf32, #tpu.memory_space<hbm>>) target(%arg20 : memref<128x128xf32, #tpu.memory_space<vmem>>) offsets(%dma_start3A_140 : memref<128xi32, #tpu.memory_space<vmem>>) semaphore(%arg26 : memref<!tpu.dma_semaphore, #tpu.memory_space<semaphore_mem>>)
    %dma_wait3A_144 = arith.constant 256 : i32
    %dma_wait3A_145 = tpu.memref_slice %arg8[%dma_wait3A_144] : memref<512xi32, #tpu.memory_space<vmem>> -> memref<128xi32, #tpu.memory_space<vmem>>
    %dma_wait3A_146 = arith.constant 0 : i32
    %dma_wait3A_147 = arith.constant 0 : i32
    %dma_wait3A_148 = tpu.memref_slice %arg4[%dma_wait3A_146, %dma_wait3A_147] : memref<1000x64xf32, #tpu.memory_space<hbm>> -> memref<1000x64xf32, #tpu.memory_space<hbm>>
    tpu.wait_indirect_dma semaphore(%arg25 : memref<!tpu.dma_semaphore, #tpu.memory_space<semaphore_mem>>) src(%dma_wait3A_148 : memref<1000x64xf32, #tpu.memory_space<hbm>>) dst(%arg15 : memref<128x64xf32, #tpu.memory_space<vmem>>)
    %dma_wait3A_149 = arith.constant 256 : i32
    %dma_wait3A_150 = tpu.memref_slice %arg10[%dma_wait3A_149] : memref<512xi32, #tpu.memory_space<vmem>> -> memref<128xi32, #tpu.memory_space<vmem>>
    %dma_wait3A_151 = arith.constant 0 : i32
    %dma_wait3A_152 = arith.constant 0 : i32
    %dma_wait3A_153 = tpu.memref_slice %arg4[%dma_wait3A_151, %dma_wait3A_152] : memref<1000x64xf32, #tpu.memory_space<hbm>> -> memref<1000x64xf32, #tpu.memory_space<hbm>>
    tpu.wait_indirect_dma semaphore(%arg25 : memref<!tpu.dma_semaphore, #tpu.memory_space<semaphore_mem>>) src(%dma_wait3A_153 : memref<1000x64xf32, #tpu.memory_space<hbm>>) dst(%arg16 : memref<128x64xf32, #tpu.memory_space<vmem>>)
    %dma_wait3A_154 = arith.constant 256 : i32
    %dma_wait3A_155 = tpu.memref_slice %arg9[%dma_wait3A_154] : memref<512xi32, #tpu.memory_space<vmem>> -> memref<128xi32, #tpu.memory_space<vmem>>
    %dma_wait3A_156 = arith.constant 0 : i32
    %dma_wait3A_157 = arith.constant 0 : i32
    %dma_wait3A_158 = tpu.memref_slice %arg5[%dma_wait3A_156, %dma_wait3A_157] : memref<1000x128xf32, #tpu.memory_space<hbm>> -> memref<1000x128xf32, #tpu.memory_space<hbm>>
    tpu.wait_indirect_dma semaphore(%arg25 : memref<!tpu.dma_semaphore, #tpu.memory_space<semaphore_mem>>) src(%dma_wait3A_158 : memref<1000x128xf32, #tpu.memory_space<hbm>>) dst(%arg17 : memref<128x128xf32, #tpu.memory_space<vmem>>)
    %scan3A_159 = arith.constant 0 : i32
    %scan3A_160 = arith.constant 0 : i32
    %scan3A_161 = arith.constant 8 : i32
    %scan3A_162 = arith.addi %scan3A_160, %scan3A_161 : i32
    %scan3A_163 = arith.constant 1 : i32
    %scan3A_164 = scf.for %scan3A_355 = %scan3A_160 to %scan3A_162 step %scan3A_163 iter_args(%scan3A_356 = %scan3A_159) -> (i32)  : i32 {
      %broadcast_in_dim3A_357 = arith.constant 0.000000e+00 : f32
      %broadcast_in_dim3A_358 = vector.broadcast %broadcast_in_dim3A_357 : f32 to vector<16xf32>
      %scan3A_359 = arith.constant 0 : i32
      %scan3A_360 = arith.constant 16 : i32
      %scan3A_361 = arith.addi %scan3A_359, %scan3A_360 : i32
      %scan3A_362 = arith.constant 1 : i32
      %scan3A_363 = scf.for %scan3A_374 = %scan3A_359 to %scan3A_361 step %scan3A_362 iter_args(%scan3A_375 = %broadcast_in_dim3A_358) -> (vector<16xf32>)  : i32 {
        %mul3A_376 = arith.constant 16 : i32
        %mul3A_377 = arith.muli %scan3A_355, %mul3A_376 : i32
        %add3A_378 = arith.addi %mul3A_377, %scan3A_374 : i32
        %get3A = arith.index_cast %add3A_378 : i32 to index
        %get3A_379 = arith.constant 0 : index
        %get3A_380 = tpu.vector_load %arg15[%get3A, %get3A_379] {strides = array<i32>} : memref<128x64xf32, #tpu.memory_space<vmem>>, vector<1x16xf32>,
        %get3A_381 = vector.shape_cast %get3A_380 : vector<1x16xf32> to vector<16xf32>
        %get3A_382 = arith.index_cast %add3A_378 : i32 to index
        %get3A_383 = arith.constant 16 : index
        %get3A_384 = tpu.vector_load %arg15[%get3A_382, %get3A_383] {strides = array<i32>} : memref<128x64xf32, #tpu.memory_space<vmem>>, vector<1x16xf32>,
        %get3A_385 = vector.shape_cast %get3A_384 : vector<1x16xf32> to vector<16xf32>
        %get3A_386 = arith.index_cast %add3A_378 : i32 to index
        %get3A_387 = arith.constant 32 : index
        %get3A_388 = tpu.vector_load %arg15[%get3A_386, %get3A_387] {strides = array<i32>} : memref<128x64xf32, #tpu.memory_space<vmem>>, vector<1x16xf32>,
        %get3A_389 = vector.shape_cast %get3A_388 : vector<1x16xf32> to vector<16xf32>
        %get3A_390 = arith.index_cast %add3A_378 : i32 to index
        %get3A_391 = arith.constant 48 : index
        %get3A_392 = tpu.vector_load %arg15[%get3A_390, %get3A_391] {strides = array<i32>} : memref<128x64xf32, #tpu.memory_space<vmem>>, vector<1x16xf32>,
        %get3A_393 = vector.shape_cast %get3A_392 : vector<1x16xf32> to vector<16xf32>
        %get3A_394 = arith.index_cast %add3A_378 : i32 to index
        %get3A_395 = arith.constant 0 : index
        %get3A_396 = tpu.vector_load %arg16[%get3A_394, %get3A_395] {strides = array<i32>} : memref<128x64xf32, #tpu.memory_space<vmem>>, vector<1x16xf32>,
        %get3A_397 = vector.shape_cast %get3A_396 : vector<1x16xf32> to vector<16xf32>
        %get3A_398 = arith.index_cast %add3A_378 : i32 to index
        %get3A_399 = arith.constant 16 : index
        %get3A_400 = tpu.vector_load %arg16[%get3A_398, %get3A_399] {strides = array<i32>} : memref<128x64xf32, #tpu.memory_space<vmem>>, vector<1x16xf32>,
        %get3A_401 = vector.shape_cast %get3A_400 : vector<1x16xf32> to vector<16xf32>
        %get3A_402 = arith.index_cast %add3A_378 : i32 to index
        %get3A_403 = arith.constant 32 : index
        %get3A_404 = tpu.vector_load %arg16[%get3A_402, %get3A_403] {strides = array<i32>} : memref<128x64xf32, #tpu.memory_space<vmem>>, vector<1x16xf32>,
        %get3A_405 = vector.shape_cast %get3A_404 : vector<1x16xf32> to vector<16xf32>
        %get3A_406 = arith.index_cast %add3A_378 : i32 to index
        %get3A_407 = arith.constant 48 : index
        %get3A_408 = tpu.vector_load %arg16[%get3A_406, %get3A_407] {strides = array<i32>} : memref<128x64xf32, #tpu.memory_space<vmem>>, vector<1x16xf32>,
        %get3A_409 = vector.shape_cast %get3A_408 : vector<1x16xf32> to vector<16xf32>
        %get3A_410 = arith.index_cast %add3A_378 : i32 to index
        %get3A_411 = arith.constant 0 : index
        %get3A_412 = tpu.vector_load %arg17[%get3A_410, %get3A_411] {strides = array<i32>} : memref<128x128xf32, #tpu.memory_space<vmem>>, vector<1x16xf32>,
        %get3A_413 = vector.shape_cast %get3A_412 : vector<1x16xf32> to vector<16xf32>
        %get3A_414 = arith.index_cast %add3A_378 : i32 to index
        %get3A_415 = arith.constant 16 : index
        %get3A_416 = tpu.vector_load %arg17[%get3A_414, %get3A_415] {strides = array<i32>} : memref<128x128xf32, #tpu.memory_space<vmem>>, vector<1x16xf32>,
        %get3A_417 = vector.shape_cast %get3A_416 : vector<1x16xf32> to vector<16xf32>
        %get3A_418 = arith.index_cast %add3A_378 : i32 to index
        %get3A_419 = arith.constant 32 : index
        %get3A_420 = tpu.vector_load %arg17[%get3A_418, %get3A_419] {strides = array<i32>} : memref<128x128xf32, #tpu.memory_space<vmem>>, vector<1x16xf32>,
        %get3A_421 = vector.shape_cast %get3A_420 : vector<1x16xf32> to vector<16xf32>
        %get3A_422 = arith.index_cast %add3A_378 : i32 to index
        %get3A_423 = arith.constant 48 : index
        %get3A_424 = tpu.vector_load %arg17[%get3A_422, %get3A_423] {strides = array<i32>} : memref<128x128xf32, #tpu.memory_space<vmem>>, vector<1x16xf32>,
        %get3A_425 = vector.shape_cast %get3A_424 : vector<1x16xf32> to vector<16xf32>
        %get3A_426 = arith.index_cast %add3A_378 : i32 to index
        %get3A_427 = arith.constant 64 : index
        %get3A_428 = tpu.vector_load %arg17[%get3A_426, %get3A_427] {strides = array<i32>} : memref<128x128xf32, #tpu.memory_space<vmem>>, vector<1x16xf32>,
        %get3A_429 = vector.shape_cast %get3A_428 : vector<1x16xf32> to vector<16xf32>
        %get3A_430 = arith.index_cast %add3A_378 : i32 to index
        %get3A_431 = arith.constant 80 : index
        %get3A_432 = tpu.vector_load %arg17[%get3A_430, %get3A_431] {strides = array<i32>} : memref<128x128xf32, #tpu.memory_space<vmem>>, vector<1x16xf32>,
        %get3A_433 = vector.shape_cast %get3A_432 : vector<1x16xf32> to vector<16xf32>
        %get3A_434 = arith.index_cast %add3A_378 : i32 to index
        %get3A_435 = arith.constant 96 : index
        %get3A_436 = tpu.vector_load %arg17[%get3A_434, %get3A_435] {strides = array<i32>} : memref<128x128xf32, #tpu.memory_space<vmem>>, vector<1x16xf32>,
        %get3A_437 = vector.shape_cast %get3A_436 : vector<1x16xf32> to vector<16xf32>
        %get3A_438 = arith.index_cast %add3A_378 : i32 to index
        %get3A_439 = arith.constant 112 : index
        %get3A_440 = tpu.vector_load %arg17[%get3A_438, %get3A_439] {strides = array<i32>} : memref<128x128xf32, #tpu.memory_space<vmem>>, vector<1x16xf32>,
        %get3A_441 = vector.shape_cast %get3A_440 : vector<1x16xf32> to vector<16xf32>
        %sub3A = arith.subf %get3A_381, %get3A_397 : vector<16xf32>
        %sub3A_442 = arith.subf %get3A_385, %get3A_401 : vector<16xf32>
        %sub3A_443 = arith.subf %get3A_389, %get3A_405 : vector<16xf32>
        %sub3A_444 = arith.subf %get3A_393, %get3A_409 : vector<16xf32>
        %mul3A_445 = arith.mulf %sub3A, %get3A_429 : vector<16xf32>
        %mul3A_446 = arith.mulf %sub3A_442, %get3A_433 : vector<16xf32>
        %add3A_447 = arith.addf %mul3A_445, %mul3A_446 : vector<16xf32>
        %mul3A_448 = arith.mulf %sub3A_443, %get3A_437 : vector<16xf32>
        %add3A_449 = arith.addf %add3A_447, %mul3A_448 : vector<16xf32>
        %mul3A_450 = arith.mulf %sub3A_444, %get3A_441 : vector<16xf32>
        %add3A_451 = arith.addf %add3A_449, %mul3A_450 : vector<16xf32>
        %iota3A_452 = tpu.iota {dimensions = array<i32: 0>} : vector<16xi32>
        %add3A_453 = arith.constant 8 : i32
        %add3A_454 = vector.broadcast %add3A_453 : i32 to vector<16xi32>
        %add3A_455 = arith.addi %iota3A_452, %add3A_454 : vector<16xi32>
        %jit3A = arith.constant 16 : i32
        %eq3A = arith.constant 0 : i32
        %eq3A_456 = arith.cmpi eq, %jit3A, %eq3A : i32
        %jit3A_457 = arith.constant 1 : i32
        %select_n3A = arith.select %eq3A_456, %jit3A_457, %jit3A : i32
        %rem3A = vector.broadcast %select_n3A : i32 to vector<16xi32>
        %rem3A_458 = arith.remsi %add3A_455, %rem3A : vector<16xi32>
        %ne3A = arith.constant 0 : i32
        %ne3A_459 = vector.broadcast %ne3A : i32 to vector<16xi32>
        %ne3A_460 = arith.cmpi ne, %rem3A_458, %ne3A_459 : vector<16xi32>
        %lt3A = arith.constant 0 : i32
        %lt3A_461 = vector.broadcast %lt3A : i32 to vector<16xi32>
        %lt3A_462 = arith.cmpi slt, %rem3A_458, %lt3A_461 : vector<16xi32>
        %lt3A_463 = arith.constant 0 : i32
        %lt3A_464 = arith.cmpi slt, %select_n3A, %lt3A_463 : i32
        %ne3A_465 = vector.broadcast %lt3A_464 : i1 to vector<16xi1>
        %ne3A_466 = vector.broadcast %ne3A_465 : vector<16xi1> to vector<16xi1>
        %ne3A_467 = arith.xori %lt3A_462, %ne3A_466 : vector<16xi1>
        %and3A = arith.andi %ne3A_467, %ne3A_460 : vector<16xi1>
        %add3A_468 = vector.broadcast %select_n3A : i32 to vector<16xi32>
        %add3A_469 = arith.addi %rem3A_458, %add3A_468 : vector<16xi32>
        %select_n3A_470 = arith.select %and3A, %add3A_469, %rem3A_458 : vector<16xi1>, vector<16xi32>
        %reshape3A = vector.shape_cast %select_n3A_470 : vector<16xi32> to vector<16x1xi32>
        %gather3A = vector.shape_cast %reshape3A : vector<16x1xi32> to vector<16xi32>
        %gather3A_471 = tpu.dynamic_gather %add3A_451[%gather3A] in [0] : vector<16xf32>, vector<16xi32> -> vector<16xf32>
        %add3A_472 = arith.addf %add3A_451, %gather3A_471 : vector<16xf32>
        %add3A_473 = arith.constant 4 : i32
        %add3A_474 = vector.broadcast %add3A_473 : i32 to vector<16xi32>
        %add3A_475 = arith.addi %iota3A_452, %add3A_474 : vector<16xi32>
        %jit3A_476 = arith.constant 16 : i32
        %eq3A_477 = arith.constant 0 : i32
        %eq3A_478 = arith.cmpi eq, %jit3A_476, %eq3A_477 : i32
        %jit3A_479 = arith.constant 1 : i32
        %select_n3A_480 = arith.select %eq3A_478, %jit3A_479, %jit3A_476 : i32
        %rem3A_481 = vector.broadcast %select_n3A_480 : i32 to vector<16xi32>
        %rem3A_482 = arith.remsi %add3A_475, %rem3A_481 : vector<16xi32>
        %ne3A_483 = arith.constant 0 : i32
        %ne3A_484 = vector.broadcast %ne3A_483 : i32 to vector<16xi32>
        %ne3A_485 = arith.cmpi ne, %rem3A_482, %ne3A_484 : vector<16xi32>
        %lt3A_486 = arith.constant 0 : i32
        %lt3A_487 = vector.broadcast %lt3A_486 : i32 to vector<16xi32>
        %lt3A_488 = arith.cmpi slt, %rem3A_482, %lt3A_487 : vector<16xi32>
        %lt3A_489 = arith.constant 0 : i32
        %lt3A_490 = arith.cmpi slt, %select_n3A_480, %lt3A_489 : i32
        %ne3A_491 = vector.broadcast %lt3A_490 : i1 to vector<16xi1>
        %ne3A_492 = vector.broadcast %ne3A_491 : vector<16xi1> to vector<16xi1>
        %ne3A_493 = arith.xori %lt3A_488, %ne3A_492 : vector<16xi1>
        %and3A_494 = arith.andi %ne3A_493, %ne3A_485 : vector<16xi1>
        %add3A_495 = vector.broadcast %select_n3A_480 : i32 to vector<16xi32>
        %add3A_496 = arith.addi %rem3A_482, %add3A_495 : vector<16xi32>
        %select_n3A_497 = arith.select %and3A_494, %add3A_496, %rem3A_482 : vector<16xi1>, vector<16xi32>
        %reshape3A_498 = vector.shape_cast %select_n3A_497 : vector<16xi32> to vector<16x1xi32>
        %gather3A_499 = vector.shape_cast %reshape3A_498 : vector<16x1xi32> to vector<16xi32>
        %gather3A_500 = tpu.dynamic_gather %add3A_472[%gather3A_499] in [0] : vector<16xf32>, vector<16xi32> -> vector<16xf32>
        %add3A_501 = arith.addf %add3A_472, %gather3A_500 : vector<16xf32>
        %add3A_502 = arith.constant 2 : i32
        %add3A_503 = vector.broadcast %add3A_502 : i32 to vector<16xi32>
        %add3A_504 = arith.addi %iota3A_452, %add3A_503 : vector<16xi32>
        %jit3A_505 = arith.constant 16 : i32
        %eq3A_506 = arith.constant 0 : i32
        %eq3A_507 = arith.cmpi eq, %jit3A_505, %eq3A_506 : i32
        %jit3A_508 = arith.constant 1 : i32
        %select_n3A_509 = arith.select %eq3A_507, %jit3A_508, %jit3A_505 : i32
        %rem3A_510 = vector.broadcast %select_n3A_509 : i32 to vector<16xi32>
        %rem3A_511 = arith.remsi %add3A_504, %rem3A_510 : vector<16xi32>
        %ne3A_512 = arith.constant 0 : i32
        %ne3A_513 = vector.broadcast %ne3A_512 : i32 to vector<16xi32>
        %ne3A_514 = arith.cmpi ne, %rem3A_511, %ne3A_513 : vector<16xi32>
        %lt3A_515 = arith.constant 0 : i32
        %lt3A_516 = vector.broadcast %lt3A_515 : i32 to vector<16xi32>
        %lt3A_517 = arith.cmpi slt, %rem3A_511, %lt3A_516 : vector<16xi32>
        %lt3A_518 = arith.constant 0 : i32
        %lt3A_519 = arith.cmpi slt, %select_n3A_509, %lt3A_518 : i32
        %ne3A_520 = vector.broadcast %lt3A_519 : i1 to vector<16xi1>
        %ne3A_521 = vector.broadcast %ne3A_520 : vector<16xi1> to vector<16xi1>
        %ne3A_522 = arith.xori %lt3A_517, %ne3A_521 : vector<16xi1>
        %and3A_523 = arith.andi %ne3A_522, %ne3A_514 : vector<16xi1>
        %add3A_524 = vector.broadcast %select_n3A_509 : i32 to vector<16xi32>
        %add3A_525 = arith.addi %rem3A_511, %add3A_524 : vector<16xi32>
        %select_n3A_526 = arith.select %and3A_523, %add3A_525, %rem3A_511 : vector<16xi1>, vector<16xi32>
        %reshape3A_527 = vector.shape_cast %select_n3A_526 : vector<16xi32> to vector<16x1xi32>
        %gather3A_528 = vector.shape_cast %reshape3A_527 : vector<16x1xi32> to vector<16xi32>
        %gather3A_529 = tpu.dynamic_gather %add3A_501[%gather3A_528] in [0] : vector<16xf32>, vector<16xi32> -> vector<16xf32>
        %add3A_530 = arith.addf %add3A_501, %gather3A_529 : vector<16xf32>
        %add3A_531 = arith.constant 1 : i32
        %add3A_532 = vector.broadcast %add3A_531 : i32 to vector<16xi32>
        %add3A_533 = arith.addi %iota3A_452, %add3A_532 : vector<16xi32>
        %jit3A_534 = arith.constant 16 : i32
        %eq3A_535 = arith.constant 0 : i32
        %eq3A_536 = arith.cmpi eq, %jit3A_534, %eq3A_535 : i32
        %jit3A_537 = arith.constant 1 : i32
        %select_n3A_538 = arith.select %eq3A_536, %jit3A_537, %jit3A_534 : i32
        %rem3A_539 = vector.broadcast %select_n3A_538 : i32 to vector<16xi32>
        %rem3A_540 = arith.remsi %add3A_533, %rem3A_539 : vector<16xi32>
        %ne3A_541 = arith.constant 0 : i32
        %ne3A_542 = vector.broadcast %ne3A_541 : i32 to vector<16xi32>
        %ne3A_543 = arith.cmpi ne, %rem3A_540, %ne3A_542 : vector<16xi32>
        %lt3A_544 = arith.constant 0 : i32
        %lt3A_545 = vector.broadcast %lt3A_544 : i32 to vector<16xi32>
        %lt3A_546 = arith.cmpi slt, %rem3A_540, %lt3A_545 : vector<16xi32>
        %lt3A_547 = arith.constant 0 : i32
        %lt3A_548 = arith.cmpi slt, %select_n3A_538, %lt3A_547 : i32
        %ne3A_549 = vector.broadcast %lt3A_548 : i1 to vector<16xi1>
        %ne3A_550 = vector.broadcast %ne3A_549 : vector<16xi1> to vector<16xi1>
        %ne3A_551 = arith.xori %lt3A_546, %ne3A_550 : vector<16xi1>
        %and3A_552 = arith.andi %ne3A_551, %ne3A_543 : vector<16xi1>
        %add3A_553 = vector.broadcast %select_n3A_538 : i32 to vector<16xi32>
        %add3A_554 = arith.addi %rem3A_540, %add3A_553 : vector<16xi32>
        %select_n3A_555 = arith.select %and3A_552, %add3A_554, %rem3A_540 : vector<16xi1>, vector<16xi32>
        %reshape3A_556 = vector.shape_cast %select_n3A_555 : vector<16xi32> to vector<16x1xi32>
        %gather3A_557 = vector.shape_cast %reshape3A_556 : vector<16x1xi32> to vector<16xi32>
        %gather3A_558 = tpu.dynamic_gather %add3A_530[%gather3A_557] in [0] : vector<16xf32>, vector<16xi32> -> vector<16xf32>
        %add3A_559 = arith.addf %add3A_530, %gather3A_558 : vector<16xf32>
        %add3A_560 = arith.addf %sub3A, %get3A_413 : vector<16xf32>
        %mul3A_561 = arith.mulf %add3A_559, %get3A_429 : vector<16xf32>
        %sub3A_562 = arith.subf %add3A_560, %mul3A_561 : vector<16xf32>
        %abs3A = math.absf %sub3A_562 : vector<16xf32>
        %add3A_563 = arith.addf %sub3A_442, %get3A_417 : vector<16xf32>
        %mul3A_564 = arith.mulf %add3A_559, %get3A_433 : vector<16xf32>
        %sub3A_565 = arith.subf %add3A_563, %mul3A_564 : vector<16xf32>
        %abs3A_566 = math.absf %sub3A_565 : vector<16xf32>
        %add3A_567 = arith.addf %abs3A, %abs3A_566 : vector<16xf32>
        %add3A_568 = arith.addf %sub3A_443, %get3A_421 : vector<16xf32>
        %mul3A_569 = arith.mulf %add3A_559, %get3A_437 : vector<16xf32>
        %sub3A_570 = arith.subf %add3A_568, %mul3A_569 : vector<16xf32>
        %abs3A_571 = math.absf %sub3A_570 : vector<16xf32>
        %add3A_572 = arith.addf %add3A_567, %abs3A_571 : vector<16xf32>
        %add3A_573 = arith.addf %sub3A_444, %get3A_425 : vector<16xf32>
        %mul3A_574 = arith.mulf %add3A_559, %get3A_441 : vector<16xf32>
        %sub3A_575 = arith.subf %add3A_573, %mul3A_574 : vector<16xf32>
        %abs3A_576 = math.absf %sub3A_575 : vector<16xf32>
        %add3A_577 = arith.addf %add3A_572, %abs3A_576 : vector<16xf32>
        %eq3A_578 = vector.broadcast %scan3A_374 : i32 to vector<16xi32>
        %eq3A_579 = arith.cmpi eq, %iota3A, %eq3A_578 : vector<16xi32>
        %iota3A_580 = tpu.iota {dimensions = array<i32: 0>} : vector<16xi32>
        %add3A_581 = arith.constant 8 : i32
        %add3A_582 = vector.broadcast %add3A_581 : i32 to vector<16xi32>
        %add3A_583 = arith.addi %iota3A_580, %add3A_582 : vector<16xi32>
        %jit3A_584 = arith.constant 16 : i32
        %eq3A_585 = arith.constant 0 : i32
        %eq3A_586 = arith.cmpi eq, %jit3A_584, %eq3A_585 : i32
        %jit3A_587 = arith.constant 1 : i32
        %select_n3A_588 = arith.select %eq3A_586, %jit3A_587, %jit3A_584 : i32
        %rem3A_589 = vector.broadcast %select_n3A_588 : i32 to vector<16xi32>
        %rem3A_590 = arith.remsi %add3A_583, %rem3A_589 : vector<16xi32>
        %ne3A_591 = arith.constant 0 : i32
        %ne3A_592 = vector.broadcast %ne3A_591 : i32 to vector<16xi32>
        %ne3A_593 = arith.cmpi ne, %rem3A_590, %ne3A_592 : vector<16xi32>
        %lt3A_594 = arith.constant 0 : i32
        %lt3A_595 = vector.broadcast %lt3A_594 : i32 to vector<16xi32>
        %lt3A_596 = arith.cmpi slt, %rem3A_590, %lt3A_595 : vector<16xi32>
        %lt3A_597 = arith.constant 0 : i32
        %lt3A_598 = arith.cmpi slt, %select_n3A_588, %lt3A_597 : i32
        %ne3A_599 = vector.broadcast %lt3A_598 : i1 to vector<16xi1>
        %ne3A_600 = vector.broadcast %ne3A_599 : vector<16xi1> to vector<16xi1>
        %ne3A_601 = arith.xori %lt3A_596, %ne3A_600 : vector<16xi1>
        %and3A_602 = arith.andi %ne3A_601, %ne3A_593 : vector<16xi1>
        %add3A_603 = vector.broadcast %select_n3A_588 : i32 to vector<16xi32>
        %add3A_604 = arith.addi %rem3A_590, %add3A_603 : vector<16xi32>
        %select_n3A_605 = arith.select %and3A_602, %add3A_604, %rem3A_590 : vector<16xi1>, vector<16xi32>
        %reshape3A_606 = vector.shape_cast %select_n3A_605 : vector<16xi32> to vector<16x1xi32>
        %gather3A_607 = vector.shape_cast %reshape3A_606 : vector<16x1xi32> to vector<16xi32>
        %gather3A_608 = tpu.dynamic_gather %add3A_577[%gather3A_607] in [0] : vector<16xf32>, vector<16xi32> -> vector<16xf32>
        %add3A_609 = arith.addf %add3A_577, %gather3A_608 : vector<16xf32>
        %add3A_610 = arith.constant 4 : i32
        %add3A_611 = vector.broadcast %add3A_610 : i32 to vector<16xi32>
        %add3A_612 = arith.addi %iota3A_580, %add3A_611 : vector<16xi32>
        %jit3A_613 = arith.constant 16 : i32
        %eq3A_614 = arith.constant 0 : i32
        %eq3A_615 = arith.cmpi eq, %jit3A_613, %eq3A_614 : i32
        %jit3A_616 = arith.constant 1 : i32
        %select_n3A_617 = arith.select %eq3A_615, %jit3A_616, %jit3A_613 : i32
        %rem3A_618 = vector.broadcast %select_n3A_617 : i32 to vector<16xi32>
        %rem3A_619 = arith.remsi %add3A_612, %rem3A_618 : vector<16xi32>
        %ne3A_620 = arith.constant 0 : i32
        %ne3A_621 = vector.broadcast %ne3A_620 : i32 to vector<16xi32>
        %ne3A_622 = arith.cmpi ne, %rem3A_619, %ne3A_621 : vector<16xi32>
        %lt3A_623 = arith.constant 0 : i32
        %lt3A_624 = vector.broadcast %lt3A_623 : i32 to vector<16xi32>
        %lt3A_625 = arith.cmpi slt, %rem3A_619, %lt3A_624 : vector<16xi32>
        %lt3A_626 = arith.constant 0 : i32
        %lt3A_627 = arith.cmpi slt, %select_n3A_617, %lt3A_626 : i32
        %ne3A_628 = vector.broadcast %lt3A_627 : i1 to vector<16xi1>
        %ne3A_629 = vector.broadcast %ne3A_628 : vector<16xi1> to vector<16xi1>
        %ne3A_630 = arith.xori %lt3A_625, %ne3A_629 : vector<16xi1>
        %and3A_631 = arith.andi %ne3A_630, %ne3A_622 : vector<16xi1>
        %add3A_632 = vector.broadcast %select_n3A_617 : i32 to vector<16xi32>
        %add3A_633 = arith.addi %rem3A_619, %add3A_632 : vector<16xi32>
        %select_n3A_634 = arith.select %and3A_631, %add3A_633, %rem3A_619 : vector<16xi1>, vector<16xi32>
        %reshape3A_635 = vector.shape_cast %select_n3A_634 : vector<16xi32> to vector<16x1xi32>
        %gather3A_636 = vector.shape_cast %reshape3A_635 : vector<16x1xi32> to vector<16xi32>
        %gather3A_637 = tpu.dynamic_gather %add3A_609[%gather3A_636] in [0] : vector<16xf32>, vector<16xi32> -> vector<16xf32>
        %add3A_638 = arith.addf %add3A_609, %gather3A_637 : vector<16xf32>
        %add3A_639 = arith.constant 2 : i32
        %add3A_640 = vector.broadcast %add3A_639 : i32 to vector<16xi32>
        %add3A_641 = arith.addi %iota3A_580, %add3A_640 : vector<16xi32>
        %jit3A_642 = arith.constant 16 : i32
        %eq3A_643 = arith.constant 0 : i32
        %eq3A_644 = arith.cmpi eq, %jit3A_642, %eq3A_643 : i32
        %jit3A_645 = arith.constant 1 : i32
        %select_n3A_646 = arith.select %eq3A_644, %jit3A_645, %jit3A_642 : i32
        %rem3A_647 = vector.broadcast %select_n3A_646 : i32 to vector<16xi32>
        %rem3A_648 = arith.remsi %add3A_641, %rem3A_647 : vector<16xi32>
        %ne3A_649 = arith.constant 0 : i32
        %ne3A_650 = vector.broadcast %ne3A_649 : i32 to vector<16xi32>
        %ne3A_651 = arith.cmpi ne, %rem3A_648, %ne3A_650 : vector<16xi32>
        %lt3A_652 = arith.constant 0 : i32
        %lt3A_653 = vector.broadcast %lt3A_652 : i32 to vector<16xi32>
        %lt3A_654 = arith.cmpi slt, %rem3A_648, %lt3A_653 : vector<16xi32>
        %lt3A_655 = arith.constant 0 : i32
        %lt3A_656 = arith.cmpi slt, %select_n3A_646, %lt3A_655 : i32
        %ne3A_657 = vector.broadcast %lt3A_656 : i1 to vector<16xi1>
        %ne3A_658 = vector.broadcast %ne3A_657 : vector<16xi1> to vector<16xi1>
        %ne3A_659 = arith.xori %lt3A_654, %ne3A_658 : vector<16xi1>
        %and3A_660 = arith.andi %ne3A_659, %ne3A_651 : vector<16xi1>
        %add3A_661 = vector.broadcast %select_n3A_646 : i32 to vector<16xi32>
        %add3A_662 = arith.addi %rem3A_648, %add3A_661 : vector<16xi32>
        %select_n3A_663 = arith.select %and3A_660, %add3A_662, %rem3A_648 : vector<16xi1>, vector<16xi32>
        %reshape3A_664 = vector.shape_cast %select_n3A_663 : vector<16xi32> to vector<16x1xi32>
        %gather3A_665 = vector.shape_cast %reshape3A_664 : vector<16x1xi32> to vector<16xi32>
        %gather3A_666 = tpu.dynamic_gather %add3A_638[%gather3A_665] in [0] : vector<16xf32>, vector<16xi32> -> vector<16xf32>
        %add3A_667 = arith.addf %add3A_638, %gather3A_666 : vector<16xf32>
        %add3A_668 = arith.constant 1 : i32
        %add3A_669 = vector.broadcast %add3A_668 : i32 to vector<16xi32>
        %add3A_670 = arith.addi %iota3A_580, %add3A_669 : vector<16xi32>
        %jit3A_671 = arith.constant 16 : i32
        %eq3A_672 = arith.constant 0 : i32
        %eq3A_673 = arith.cmpi eq, %jit3A_671, %eq3A_672 : i32
        %jit3A_674 = arith.constant 1 : i32
        %select_n3A_675 = arith.select %eq3A_673, %jit3A_674, %jit3A_671 : i32
        %rem3A_676 = vector.broadcast %select_n3A_675 : i32 to vector<16xi32>
        %rem3A_677 = arith.remsi %add3A_670, %rem3A_676 : vector<16xi32>
        %ne3A_678 = arith.constant 0 : i32
        %ne3A_679 = vector.broadcast %ne3A_678 : i32 to vector<16xi32>
        %ne3A_680 = arith.cmpi ne, %rem3A_677, %ne3A_679 : vector<16xi32>
        %lt3A_681 = arith.constant 0 : i32
        %lt3A_682 = vector.broadcast %lt3A_681 : i32 to vector<16xi32>
        %lt3A_683 = arith.cmpi slt, %rem3A_677, %lt3A_682 : vector<16xi32>
        %lt3A_684 = arith.constant 0 : i32
        %lt3A_685 = arith.cmpi slt, %select_n3A_675, %lt3A_684 : i32
        %ne3A_686 = vector.broadcast %lt3A_685 : i1 to vector<16xi1>
        %ne3A_687 = vector.broadcast %ne3A_686 : vector<16xi1> to vector<16xi1>
        %ne3A_688 = arith.xori %lt3A_683, %ne3A_687 : vector<16xi1>
        %and3A_689 = arith.andi %ne3A_688, %ne3A_680 : vector<16xi1>
        %add3A_690 = vector.broadcast %select_n3A_675 : i32 to vector<16xi32>
        %add3A_691 = arith.addi %rem3A_677, %add3A_690 : vector<16xi32>
        %select_n3A_692 = arith.select %and3A_689, %add3A_691, %rem3A_677 : vector<16xi1>, vector<16xi32>
        %reshape3A_693 = vector.shape_cast %select_n3A_692 : vector<16xi32> to vector<16x1xi32>
        %gather3A_694 = vector.shape_cast %reshape3A_693 : vector<16x1xi32> to vector<16xi32>
        %gather3A_695 = tpu.dynamic_gather %add3A_667[%gather3A_694] in [0] : vector<16xf32>, vector<16xi32> -> vector<16xf32>
        %add3A_696 = arith.addf %add3A_667, %gather3A_695 : vector<16xf32>
        %select_n3A_697 = arith.select %eq3A_579, %add3A_696, %scan3A_375 : vector<16xi1>, vector<16xf32>
        scf.yield %select_n3A_697 : vector<16xf32>
      }
      %scan3A_364 = arith.constant 16 : i32
      %mul3A_365 = arith.constant 16 : i32
      %mul3A_366 = arith.muli %scan3A_355, %mul3A_365 : i32
      %add3A_367 = arith.constant 256 : i32
      %add3A_368 = arith.addi %add3A_367, %mul3A_366 : i32
      %swap3A_369 = arith.index_cast %add3A_368 : i32 to index
      %swap3A_370 = tpu.vector_load %arg21[%swap3A_369] {strides = array<i32>} : memref<512xf32, #tpu.memory_space<vmem>>, vector<16xf32>,
      %swap3A_371 = vector.shape_cast %swap3A_370 : vector<16xf32> to vector<16xf32>
      %swap3A_372 = vector.shape_cast %scan3A_363 : vector<16xf32> to vector<16xf32>
      tpu.vector_store %arg21[%swap3A_369], %swap3A_372 {strides = array<i32>} : memref<512xf32, #tpu.memory_space<vmem>>, vector<16xf32>,
      %scan3A_373 = arith.constant 0 : i32
      scf.yield %scan3A_373 : i32
    }
    %scan3A_165 = arith.constant 8 : i32
    %dma_start3A_166 = arith.constant 0 : i32
    %dma_start3A_167 = tpu.memref_slice %arg11[%dma_start3A_166] : memref<512xi32, #tpu.memory_space<vmem>> -> memref<128xi32, #tpu.memory_space<vmem>>
    %dma_start3A_168 = arith.constant 0 : i32
    %dma_start3A_169 = arith.constant 0 : i32
    %dma_start3A_170 = tpu.memref_slice %arg4[%dma_start3A_168, %dma_start3A_169] : memref<1000x64xf32, #tpu.memory_space<hbm>> -> memref<1000x64xf32, #tpu.memory_space<hbm>>
    tpu.enqueue_indirect_dma source(%dma_start3A_170 : memref<1000x64xf32, #tpu.memory_space<hbm>>) target(%arg15 : memref<128x64xf32, #tpu.memory_space<vmem>>) offsets(%dma_start3A_167 : memref<128xi32, #tpu.memory_space<vmem>>) semaphore(%arg25 : memref<!tpu.dma_semaphore, #tpu.memory_space<semaphore_mem>>)
    %dma_start3A_171 = arith.constant 0 : i32
    %dma_start3A_172 = tpu.memref_slice %arg13[%dma_start3A_171] : memref<512xi32, #tpu.memory_space<vmem>> -> memref<128xi32, #tpu.memory_space<vmem>>
    %dma_start3A_173 = arith.constant 0 : i32
    %dma_start3A_174 = arith.constant 0 : i32
    %dma_start3A_175 = tpu.memref_slice %arg4[%dma_start3A_173, %dma_start3A_174] : memref<1000x64xf32, #tpu.memory_space<hbm>> -> memref<1000x64xf32, #tpu.memory_space<hbm>>
    tpu.enqueue_indirect_dma source(%dma_start3A_175 : memref<1000x64xf32, #tpu.memory_space<hbm>>) target(%arg16 : memref<128x64xf32, #tpu.memory_space<vmem>>) offsets(%dma_start3A_172 : memref<128xi32, #tpu.memory_space<vmem>>) semaphore(%arg25 : memref<!tpu.dma_semaphore, #tpu.memory_space<semaphore_mem>>)
    %dma_start3A_176 = arith.constant 0 : i32
    %dma_start3A_177 = tpu.memref_slice %arg12[%dma_start3A_176] : memref<512xi32, #tpu.memory_space<vmem>> -> memref<128xi32, #tpu.memory_space<vmem>>
    %dma_start3A_178 = arith.constant 0 : i32
    %dma_start3A_179 = arith.constant 0 : i32
    %dma_start3A_180 = tpu.memref_slice %arg5[%dma_start3A_178, %dma_start3A_179] : memref<1000x128xf32, #tpu.memory_space<hbm>> -> memref<1000x128xf32, #tpu.memory_space<hbm>>
    tpu.enqueue_indirect_dma source(%dma_start3A_180 : memref<1000x128xf32, #tpu.memory_space<hbm>>) target(%arg17 : memref<128x128xf32, #tpu.memory_space<vmem>>) offsets(%dma_start3A_177 : memref<128xi32, #tpu.memory_space<vmem>>) semaphore(%arg25 : memref<!tpu.dma_semaphore, #tpu.memory_space<semaphore_mem>>)
    %dma_wait3A_181 = arith.constant 384 : i32
    %dma_wait3A_182 = tpu.memref_slice %arg8[%dma_wait3A_181] : memref<512xi32, #tpu.memory_space<vmem>> -> memref<128xi32, #tpu.memory_space<vmem>>
    %dma_wait3A_183 = arith.constant 0 : i32
    %dma_wait3A_184 = arith.constant 0 : i32
    %dma_wait3A_185 = tpu.memref_slice %arg4[%dma_wait3A_183, %dma_wait3A_184] : memref<1000x64xf32, #tpu.memory_space<hbm>> -> memref<1000x64xf32, #tpu.memory_space<hbm>>
    tpu.wait_indirect_dma semaphore(%arg26 : memref<!tpu.dma_semaphore, #tpu.memory_space<semaphore_mem>>) src(%dma_wait3A_185 : memref<1000x64xf32, #tpu.memory_space<hbm>>) dst(%arg18 : memref<128x64xf32, #tpu.memory_space<vmem>>)
    %dma_wait3A_186 = arith.constant 384 : i32
    %dma_wait3A_187 = tpu.memref_slice %arg10[%dma_wait3A_186] : memref<512xi32, #tpu.memory_space<vmem>> -> memref<128xi32, #tpu.memory_space<vmem>>
    %dma_wait3A_188 = arith.constant 0 : i32
    %dma_wait3A_189 = arith.constant 0 : i32
    %dma_wait3A_190 = tpu.memref_slice %arg4[%dma_wait3A_188, %dma_wait3A_189] : memref<1000x64xf32, #tpu.memory_space<hbm>> -> memref<1000x64xf32, #tpu.memory_space<hbm>>
    tpu.wait_indirect_dma semaphore(%arg26 : memref<!tpu.dma_semaphore, #tpu.memory_space<semaphore_mem>>) src(%dma_wait3A_190 : memref<1000x64xf32, #tpu.memory_space<hbm>>) dst(%arg19 : memref<128x64xf32, #tpu.memory_space<vmem>>)
    %dma_wait3A_191 = arith.constant 384 : i32
    %dma_wait3A_192 = tpu.memref_slice %arg9[%dma_wait3A_191] : memref<512xi32, #tpu.memory_space<vmem>> -> memref<128xi32, #tpu.memory_space<vmem>>
    %dma_wait3A_193 = arith.constant 0 : i32
    %dma_wait3A_194 = arith.constant 0 : i32
    %dma_wait3A_195 = tpu.memref_slice %arg5[%dma_wait3A_193, %dma_wait3A_194] : memref<1000x128xf32, #tpu.memory_space<hbm>> -> memref<1000x128xf32, #tpu.memory_space<hbm>>
    tpu.wait_indirect_dma semaphore(%arg26 : memref<!tpu.dma_semaphore, #tpu.memory_space<semaphore_mem>>) src(%dma_wait3A_195 : memref<1000x128xf32, #tpu.memory_space<hbm>>) dst(%arg20 : memref<128x128xf32, #tpu.memory_space<vmem>>)
    %scan3A_196 = arith.constant 0 : i32
    %scan3A_197 = arith.constant 0 : i32
    %scan3A_198 = arith.constant 8 : i32
    %scan3A_199 = arith.addi %scan3A_197, %scan3A_198 : i32
    %scan3A_200 = arith.constant 1 : i32
    %scan3A_201 = scf.for %scan3A_355 = %scan3A_197 to %scan3A_199 step %scan3A_200 iter_args(%scan3A_356 = %scan3A_196) -> (i32)  : i32 {
      %broadcast_in_dim3A_357 = arith.constant 0.000000e+00 : f32
      %broadcast_in_dim3A_358 = vector.broadcast %broadcast_in_dim3A_357 : f32 to vector<16xf32>
      %scan3A_359 = arith.constant 0 : i32
      %scan3A_360 = arith.constant 16 : i32
      %scan3A_361 = arith.addi %scan3A_359, %scan3A_360 : i32
      %scan3A_362 = arith.constant 1 : i32
      %scan3A_363 = scf.for %scan3A_374 = %scan3A_359 to %scan3A_361 step %scan3A_362 iter_args(%scan3A_375 = %broadcast_in_dim3A_358) -> (vector<16xf32>)  : i32 {
        %mul3A_376 = arith.constant 16 : i32
        %mul3A_377 = arith.muli %scan3A_355, %mul3A_376 : i32
        %add3A_378 = arith.addi %mul3A_377, %scan3A_374 : i32
        %get3A = arith.index_cast %add3A_378 : i32 to index
        %get3A_379 = arith.constant 0 : index
        %get3A_380 = tpu.vector_load %arg18[%get3A, %get3A_379] {strides = array<i32>} : memref<128x64xf32, #tpu.memory_space<vmem>>, vector<1x16xf32>,
        %get3A_381 = vector.shape_cast %get3A_380 : vector<1x16xf32> to vector<16xf32>
        %get3A_382 = arith.index_cast %add3A_378 : i32 to index
        %get3A_383 = arith.constant 16 : index
        %get3A_384 = tpu.vector_load %arg18[%get3A_382, %get3A_383] {strides = array<i32>} : memref<128x64xf32, #tpu.memory_space<vmem>>, vector<1x16xf32>,
        %get3A_385 = vector.shape_cast %get3A_384 : vector<1x16xf32> to vector<16xf32>
        %get3A_386 = arith.index_cast %add3A_378 : i32 to index
        %get3A_387 = arith.constant 32 : index
        %get3A_388 = tpu.vector_load %arg18[%get3A_386, %get3A_387] {strides = array<i32>} : memref<128x64xf32, #tpu.memory_space<vmem>>, vector<1x16xf32>,
        %get3A_389 = vector.shape_cast %get3A_388 : vector<1x16xf32> to vector<16xf32>
        %get3A_390 = arith.index_cast %add3A_378 : i32 to index
        %get3A_391 = arith.constant 48 : index
        %get3A_392 = tpu.vector_load %arg18[%get3A_390, %get3A_391] {strides = array<i32>} : memref<128x64xf32, #tpu.memory_space<vmem>>, vector<1x16xf32>,
        %get3A_393 = vector.shape_cast %get3A_392 : vector<1x16xf32> to vector<16xf32>
        %get3A_394 = arith.index_cast %add3A_378 : i32 to index
        %get3A_395 = arith.constant 0 : index
        %get3A_396 = tpu.vector_load %arg19[%get3A_394, %get3A_395] {strides = array<i32>} : memref<128x64xf32, #tpu.memory_space<vmem>>, vector<1x16xf32>,
        %get3A_397 = vector.shape_cast %get3A_396 : vector<1x16xf32> to vector<16xf32>
        %get3A_398 = arith.index_cast %add3A_378 : i32 to index
        %get3A_399 = arith.constant 16 : index
        %get3A_400 = tpu.vector_load %arg19[%get3A_398, %get3A_399] {strides = array<i32>} : memref<128x64xf32, #tpu.memory_space<vmem>>, vector<1x16xf32>,
        %get3A_401 = vector.shape_cast %get3A_400 : vector<1x16xf32> to vector<16xf32>
        %get3A_402 = arith.index_cast %add3A_378 : i32 to index
        %get3A_403 = arith.constant 32 : index
        %get3A_404 = tpu.vector_load %arg19[%get3A_402, %get3A_403] {strides = array<i32>} : memref<128x64xf32, #tpu.memory_space<vmem>>, vector<1x16xf32>,
        %get3A_405 = vector.shape_cast %get3A_404 : vector<1x16xf32> to vector<16xf32>
        %get3A_406 = arith.index_cast %add3A_378 : i32 to index
        %get3A_407 = arith.constant 48 : index
        %get3A_408 = tpu.vector_load %arg19[%get3A_406, %get3A_407] {strides = array<i32>} : memref<128x64xf32, #tpu.memory_space<vmem>>, vector<1x16xf32>,
        %get3A_409 = vector.shape_cast %get3A_408 : vector<1x16xf32> to vector<16xf32>
        %get3A_410 = arith.index_cast %add3A_378 : i32 to index
        %get3A_411 = arith.constant 0 : index
        %get3A_412 = tpu.vector_load %arg20[%get3A_410, %get3A_411] {strides = array<i32>} : memref<128x128xf32, #tpu.memory_space<vmem>>, vector<1x16xf32>,
        %get3A_413 = vector.shape_cast %get3A_412 : vector<1x16xf32> to vector<16xf32>
        %get3A_414 = arith.index_cast %add3A_378 : i32 to index
        %get3A_415 = arith.constant 16 : index
        %get3A_416 = tpu.vector_load %arg20[%get3A_414, %get3A_415] {strides = array<i32>} : memref<128x128xf32, #tpu.memory_space<vmem>>, vector<1x16xf32>,
        %get3A_417 = vector.shape_cast %get3A_416 : vector<1x16xf32> to vector<16xf32>
        %get3A_418 = arith.index_cast %add3A_378 : i32 to index
        %get3A_419 = arith.constant 32 : index
        %get3A_420 = tpu.vector_load %arg20[%get3A_418, %get3A_419] {strides = array<i32>} : memref<128x128xf32, #tpu.memory_space<vmem>>, vector<1x16xf32>,
        %get3A_421 = vector.shape_cast %get3A_420 : vector<1x16xf32> to vector<16xf32>
        %get3A_422 = arith.index_cast %add3A_378 : i32 to index
        %get3A_423 = arith.constant 48 : index
        %get3A_424 = tpu.vector_load %arg20[%get3A_422, %get3A_423] {strides = array<i32>} : memref<128x128xf32, #tpu.memory_space<vmem>>, vector<1x16xf32>,
        %get3A_425 = vector.shape_cast %get3A_424 : vector<1x16xf32> to vector<16xf32>
        %get3A_426 = arith.index_cast %add3A_378 : i32 to index
        %get3A_427 = arith.constant 64 : index
        %get3A_428 = tpu.vector_load %arg20[%get3A_426, %get3A_427] {strides = array<i32>} : memref<128x128xf32, #tpu.memory_space<vmem>>, vector<1x16xf32>,
        %get3A_429 = vector.shape_cast %get3A_428 : vector<1x16xf32> to vector<16xf32>
        %get3A_430 = arith.index_cast %add3A_378 : i32 to index
        %get3A_431 = arith.constant 80 : index
        %get3A_432 = tpu.vector_load %arg20[%get3A_430, %get3A_431] {strides = array<i32>} : memref<128x128xf32, #tpu.memory_space<vmem>>, vector<1x16xf32>,
        %get3A_433 = vector.shape_cast %get3A_432 : vector<1x16xf32> to vector<16xf32>
        %get3A_434 = arith.index_cast %add3A_378 : i32 to index
        %get3A_435 = arith.constant 96 : index
        %get3A_436 = tpu.vector_load %arg20[%get3A_434, %get3A_435] {strides = array<i32>} : memref<128x128xf32, #tpu.memory_space<vmem>>, vector<1x16xf32>,
        %get3A_437 = vector.shape_cast %get3A_436 : vector<1x16xf32> to vector<16xf32>
        %get3A_438 = arith.index_cast %add3A_378 : i32 to index
        %get3A_439 = arith.constant 112 : index
        %get3A_440 = tpu.vector_load %arg20[%get3A_438, %get3A_439] {strides = array<i32>} : memref<128x128xf32, #tpu.memory_space<vmem>>, vector<1x16xf32>,
        %get3A_441 = vector.shape_cast %get3A_440 : vector<1x16xf32> to vector<16xf32>
        %sub3A = arith.subf %get3A_381, %get3A_397 : vector<16xf32>
        %sub3A_442 = arith.subf %get3A_385, %get3A_401 : vector<16xf32>
        %sub3A_443 = arith.subf %get3A_389, %get3A_405 : vector<16xf32>
        %sub3A_444 = arith.subf %get3A_393, %get3A_409 : vector<16xf32>
        %mul3A_445 = arith.mulf %sub3A, %get3A_429 : vector<16xf32>
        %mul3A_446 = arith.mulf %sub3A_442, %get3A_433 : vector<16xf32>
        %add3A_447 = arith.addf %mul3A_445, %mul3A_446 : vector<16xf32>
        %mul3A_448 = arith.mulf %sub3A_443, %get3A_437 : vector<16xf32>
        %add3A_449 = arith.addf %add3A_447, %mul3A_448 : vector<16xf32>
        %mul3A_450 = arith.mulf %sub3A_444, %get3A_441 : vector<16xf32>
        %add3A_451 = arith.addf %add3A_449, %mul3A_450 : vector<16xf32>
        %iota3A_452 = tpu.iota {dimensions = array<i32: 0>} : vector<16xi32>
        %add3A_453 = arith.constant 8 : i32
        %add3A_454 = vector.broadcast %add3A_453 : i32 to vector<16xi32>
        %add3A_455 = arith.addi %iota3A_452, %add3A_454 : vector<16xi32>
        %jit3A = arith.constant 16 : i32
        %eq3A = arith.constant 0 : i32
        %eq3A_456 = arith.cmpi eq, %jit3A, %eq3A : i32
        %jit3A_457 = arith.constant 1 : i32
        %select_n3A = arith.select %eq3A_456, %jit3A_457, %jit3A : i32
        %rem3A = vector.broadcast %select_n3A : i32 to vector<16xi32>
        %rem3A_458 = arith.remsi %add3A_455, %rem3A : vector<16xi32>
        %ne3A = arith.constant 0 : i32
        %ne3A_459 = vector.broadcast %ne3A : i32 to vector<16xi32>
        %ne3A_460 = arith.cmpi ne, %rem3A_458, %ne3A_459 : vector<16xi32>
        %lt3A = arith.constant 0 : i32
        %lt3A_461 = vector.broadcast %lt3A : i32 to vector<16xi32>
        %lt3A_462 = arith.cmpi slt, %rem3A_458, %lt3A_461 : vector<16xi32>
        %lt3A_463 = arith.constant 0 : i32
        %lt3A_464 = arith.cmpi slt, %select_n3A, %lt3A_463 : i32
        %ne3A_465 = vector.broadcast %lt3A_464 : i1 to vector<16xi1>
        %ne3A_466 = vector.broadcast %ne3A_465 : vector<16xi1> to vector<16xi1>
        %ne3A_467 = arith.xori %lt3A_462, %ne3A_466 : vector<16xi1>
        %and3A = arith.andi %ne3A_467, %ne3A_460 : vector<16xi1>
        %add3A_468 = vector.broadcast %select_n3A : i32 to vector<16xi32>
        %add3A_469 = arith.addi %rem3A_458, %add3A_468 : vector<16xi32>
        %select_n3A_470 = arith.select %and3A, %add3A_469, %rem3A_458 : vector<16xi1>, vector<16xi32>
        %reshape3A = vector.shape_cast %select_n3A_470 : vector<16xi32> to vector<16x1xi32>
        %gather3A = vector.shape_cast %reshape3A : vector<16x1xi32> to vector<16xi32>
        %gather3A_471 = tpu.dynamic_gather %add3A_451[%gather3A] in [0] : vector<16xf32>, vector<16xi32> -> vector<16xf32>
        %add3A_472 = arith.addf %add3A_451, %gather3A_471 : vector<16xf32>
        %add3A_473 = arith.constant 4 : i32
        %add3A_474 = vector.broadcast %add3A_473 : i32 to vector<16xi32>
        %add3A_475 = arith.addi %iota3A_452, %add3A_474 : vector<16xi32>
        %jit3A_476 = arith.constant 16 : i32
        %eq3A_477 = arith.constant 0 : i32
        %eq3A_478 = arith.cmpi eq, %jit3A_476, %eq3A_477 : i32
        %jit3A_479 = arith.constant 1 : i32
        %select_n3A_480 = arith.select %eq3A_478, %jit3A_479, %jit3A_476 : i32
        %rem3A_481 = vector.broadcast %select_n3A_480 : i32 to vector<16xi32>
        %rem3A_482 = arith.remsi %add3A_475, %rem3A_481 : vector<16xi32>
        %ne3A_483 = arith.constant 0 : i32
        %ne3A_484 = vector.broadcast %ne3A_483 : i32 to vector<16xi32>
        %ne3A_485 = arith.cmpi ne, %rem3A_482, %ne3A_484 : vector<16xi32>
        %lt3A_486 = arith.constant 0 : i32
        %lt3A_487 = vector.broadcast %lt3A_486 : i32 to vector<16xi32>
        %lt3A_488 = arith.cmpi slt, %rem3A_482, %lt3A_487 : vector<16xi32>
        %lt3A_489 = arith.constant 0 : i32
        %lt3A_490 = arith.cmpi slt, %select_n3A_480, %lt3A_489 : i32
        %ne3A_491 = vector.broadcast %lt3A_490 : i1 to vector<16xi1>
        %ne3A_492 = vector.broadcast %ne3A_491 : vector<16xi1> to vector<16xi1>
        %ne3A_493 = arith.xori %lt3A_488, %ne3A_492 : vector<16xi1>
        %and3A_494 = arith.andi %ne3A_493, %ne3A_485 : vector<16xi1>
        %add3A_495 = vector.broadcast %select_n3A_480 : i32 to vector<16xi32>
        %add3A_496 = arith.addi %rem3A_482, %add3A_495 : vector<16xi32>
        %select_n3A_497 = arith.select %and3A_494, %add3A_496, %rem3A_482 : vector<16xi1>, vector<16xi32>
        %reshape3A_498 = vector.shape_cast %select_n3A_497 : vector<16xi32> to vector<16x1xi32>
        %gather3A_499 = vector.shape_cast %reshape3A_498 : vector<16x1xi32> to vector<16xi32>
        %gather3A_500 = tpu.dynamic_gather %add3A_472[%gather3A_499] in [0] : vector<16xf32>, vector<16xi32> -> vector<16xf32>
        %add3A_501 = arith.addf %add3A_472, %gather3A_500 : vector<16xf32>
        %add3A_502 = arith.constant 2 : i32
        %add3A_503 = vector.broadcast %add3A_502 : i32 to vector<16xi32>
        %add3A_504 = arith.addi %iota3A_452, %add3A_503 : vector<16xi32>
        %jit3A_505 = arith.constant 16 : i32
        %eq3A_506 = arith.constant 0 : i32
        %eq3A_507 = arith.cmpi eq, %jit3A_505, %eq3A_506 : i32
        %jit3A_508 = arith.constant 1 : i32
        %select_n3A_509 = arith.select %eq3A_507, %jit3A_508, %jit3A_505 : i32
        %rem3A_510 = vector.broadcast %select_n3A_509 : i32 to vector<16xi32>
        %rem3A_511 = arith.remsi %add3A_504, %rem3A_510 : vector<16xi32>
        %ne3A_512 = arith.constant 0 : i32
        %ne3A_513 = vector.broadcast %ne3A_512 : i32 to vector<16xi32>
        %ne3A_514 = arith.cmpi ne, %rem3A_511, %ne3A_513 : vector<16xi32>
        %lt3A_515 = arith.constant 0 : i32
        %lt3A_516 = vector.broadcast %lt3A_515 : i32 to vector<16xi32>
        %lt3A_517 = arith.cmpi slt, %rem3A_511, %lt3A_516 : vector<16xi32>
        %lt3A_518 = arith.constant 0 : i32
        %lt3A_519 = arith.cmpi slt, %select_n3A_509, %lt3A_518 : i32
        %ne3A_520 = vector.broadcast %lt3A_519 : i1 to vector<16xi1>
        %ne3A_521 = vector.broadcast %ne3A_520 : vector<16xi1> to vector<16xi1>
        %ne3A_522 = arith.xori %lt3A_517, %ne3A_521 : vector<16xi1>
        %and3A_523 = arith.andi %ne3A_522, %ne3A_514 : vector<16xi1>
        %add3A_524 = vector.broadcast %select_n3A_509 : i32 to vector<16xi32>
        %add3A_525 = arith.addi %rem3A_511, %add3A_524 : vector<16xi32>
        %select_n3A_526 = arith.select %and3A_523, %add3A_525, %rem3A_511 : vector<16xi1>, vector<16xi32>
        %reshape3A_527 = vector.shape_cast %select_n3A_526 : vector<16xi32> to vector<16x1xi32>
        %gather3A_528 = vector.shape_cast %reshape3A_527 : vector<16x1xi32> to vector<16xi32>
        %gather3A_529 = tpu.dynamic_gather %add3A_501[%gather3A_528] in [0] : vector<16xf32>, vector<16xi32> -> vector<16xf32>
        %add3A_530 = arith.addf %add3A_501, %gather3A_529 : vector<16xf32>
        %add3A_531 = arith.constant 1 : i32
        %add3A_532 = vector.broadcast %add3A_531 : i32 to vector<16xi32>
        %add3A_533 = arith.addi %iota3A_452, %add3A_532 : vector<16xi32>
        %jit3A_534 = arith.constant 16 : i32
        %eq3A_535 = arith.constant 0 : i32
        %eq3A_536 = arith.cmpi eq, %jit3A_534, %eq3A_535 : i32
        %jit3A_537 = arith.constant 1 : i32
        %select_n3A_538 = arith.select %eq3A_536, %jit3A_537, %jit3A_534 : i32
        %rem3A_539 = vector.broadcast %select_n3A_538 : i32 to vector<16xi32>
        %rem3A_540 = arith.remsi %add3A_533, %rem3A_539 : vector<16xi32>
        %ne3A_541 = arith.constant 0 : i32
        %ne3A_542 = vector.broadcast %ne3A_541 : i32 to vector<16xi32>
        %ne3A_543 = arith.cmpi ne, %rem3A_540, %ne3A_542 : vector<16xi32>
        %lt3A_544 = arith.constant 0 : i32
        %lt3A_545 = vector.broadcast %lt3A_544 : i32 to vector<16xi32>
        %lt3A_546 = arith.cmpi slt, %rem3A_540, %lt3A_545 : vector<16xi32>
        %lt3A_547 = arith.constant 0 : i32
        %lt3A_548 = arith.cmpi slt, %select_n3A_538, %lt3A_547 : i32
        %ne3A_549 = vector.broadcast %lt3A_548 : i1 to vector<16xi1>
        %ne3A_550 = vector.broadcast %ne3A_549 : vector<16xi1> to vector<16xi1>
        %ne3A_551 = arith.xori %lt3A_546, %ne3A_550 : vector<16xi1>
        %and3A_552 = arith.andi %ne3A_551, %ne3A_543 : vector<16xi1>
        %add3A_553 = vector.broadcast %select_n3A_538 : i32 to vector<16xi32>
        %add3A_554 = arith.addi %rem3A_540, %add3A_553 : vector<16xi32>
        %select_n3A_555 = arith.select %and3A_552, %add3A_554, %rem3A_540 : vector<16xi1>, vector<16xi32>
        %reshape3A_556 = vector.shape_cast %select_n3A_555 : vector<16xi32> to vector<16x1xi32>
        %gather3A_557 = vector.shape_cast %reshape3A_556 : vector<16x1xi32> to vector<16xi32>
        %gather3A_558 = tpu.dynamic_gather %add3A_530[%gather3A_557] in [0] : vector<16xf32>, vector<16xi32> -> vector<16xf32>
        %add3A_559 = arith.addf %add3A_530, %gather3A_558 : vector<16xf32>
        %add3A_560 = arith.addf %sub3A, %get3A_413 : vector<16xf32>
        %mul3A_561 = arith.mulf %add3A_559, %get3A_429 : vector<16xf32>
        %sub3A_562 = arith.subf %add3A_560, %mul3A_561 : vector<16xf32>
        %abs3A = math.absf %sub3A_562 : vector<16xf32>
        %add3A_563 = arith.addf %sub3A_442, %get3A_417 : vector<16xf32>
        %mul3A_564 = arith.mulf %add3A_559, %get3A_433 : vector<16xf32>
        %sub3A_565 = arith.subf %add3A_563, %mul3A_564 : vector<16xf32>
        %abs3A_566 = math.absf %sub3A_565 : vector<16xf32>
        %add3A_567 = arith.addf %abs3A, %abs3A_566 : vector<16xf32>
        %add3A_568 = arith.addf %sub3A_443, %get3A_421 : vector<16xf32>
        %mul3A_569 = arith.mulf %add3A_559, %get3A_437 : vector<16xf32>
        %sub3A_570 = arith.subf %add3A_568, %mul3A_569 : vector<16xf32>
        %abs3A_571 = math.absf %sub3A_570 : vector<16xf32>
        %add3A_572 = arith.addf %add3A_567, %abs3A_571 : vector<16xf32>
        %add3A_573 = arith.addf %sub3A_444, %get3A_425 : vector<16xf32>
        %mul3A_574 = arith.mulf %add3A_559, %get3A_441 : vector<16xf32>
        %sub3A_575 = arith.subf %add3A_573, %mul3A_574 : vector<16xf32>
        %abs3A_576 = math.absf %sub3A_575 : vector<16xf32>
        %add3A_577 = arith.addf %add3A_572, %abs3A_576 : vector<16xf32>
        %eq3A_578 = vector.broadcast %scan3A_374 : i32 to vector<16xi32>
        %eq3A_579 = arith.cmpi eq, %iota3A, %eq3A_578 : vector<16xi32>
        %iota3A_580 = tpu.iota {dimensions = array<i32: 0>} : vector<16xi32>
        %add3A_581 = arith.constant 8 : i32
        %add3A_582 = vector.broadcast %add3A_581 : i32 to vector<16xi32>
        %add3A_583 = arith.addi %iota3A_580, %add3A_582 : vector<16xi32>
        %jit3A_584 = arith.constant 16 : i32
        %eq3A_585 = arith.constant 0 : i32
        %eq3A_586 = arith.cmpi eq, %jit3A_584, %eq3A_585 : i32
        %jit3A_587 = arith.constant 1 : i32
        %select_n3A_588 = arith.select %eq3A_586, %jit3A_587, %jit3A_584 : i32
        %rem3A_589 = vector.broadcast %select_n3A_588 : i32 to vector<16xi32>
        %rem3A_590 = arith.remsi %add3A_583, %rem3A_589 : vector<16xi32>
        %ne3A_591 = arith.constant 0 : i32
        %ne3A_592 = vector.broadcast %ne3A_591 : i32 to vector<16xi32>
        %ne3A_593 = arith.cmpi ne, %rem3A_590, %ne3A_592 : vector<16xi32>
        %lt3A_594 = arith.constant 0 : i32
        %lt3A_595 = vector.broadcast %lt3A_594 : i32 to vector<16xi32>
        %lt3A_596 = arith.cmpi slt, %rem3A_590, %lt3A_595 : vector<16xi32>
        %lt3A_597 = arith.constant 0 : i32
        %lt3A_598 = arith.cmpi slt, %select_n3A_588, %lt3A_597 : i32
        %ne3A_599 = vector.broadcast %lt3A_598 : i1 to vector<16xi1>
        %ne3A_600 = vector.broadcast %ne3A_599 : vector<16xi1> to vector<16xi1>
        %ne3A_601 = arith.xori %lt3A_596, %ne3A_600 : vector<16xi1>
        %and3A_602 = arith.andi %ne3A_601, %ne3A_593 : vector<16xi1>
        %add3A_603 = vector.broadcast %select_n3A_588 : i32 to vector<16xi32>
        %add3A_604 = arith.addi %rem3A_590, %add3A_603 : vector<16xi32>
        %select_n3A_605 = arith.select %and3A_602, %add3A_604, %rem3A_590 : vector<16xi1>, vector<16xi32>
        %reshape3A_606 = vector.shape_cast %select_n3A_605 : vector<16xi32> to vector<16x1xi32>
        %gather3A_607 = vector.shape_cast %reshape3A_606 : vector<16x1xi32> to vector<16xi32>
        %gather3A_608 = tpu.dynamic_gather %add3A_577[%gather3A_607] in [0] : vector<16xf32>, vector<16xi32> -> vector<16xf32>
        %add3A_609 = arith.addf %add3A_577, %gather3A_608 : vector<16xf32>
        %add3A_610 = arith.constant 4 : i32
        %add3A_611 = vector.broadcast %add3A_610 : i32 to vector<16xi32>
        %add3A_612 = arith.addi %iota3A_580, %add3A_611 : vector<16xi32>
        %jit3A_613 = arith.constant 16 : i32
        %eq3A_614 = arith.constant 0 : i32
        %eq3A_615 = arith.cmpi eq, %jit3A_613, %eq3A_614 : i32
        %jit3A_616 = arith.constant 1 : i32
        %select_n3A_617 = arith.select %eq3A_615, %jit3A_616, %jit3A_613 : i32
        %rem3A_618 = vector.broadcast %select_n3A_617 : i32 to vector<16xi32>
        %rem3A_619 = arith.remsi %add3A_612, %rem3A_618 : vector<16xi32>
        %ne3A_620 = arith.constant 0 : i32
        %ne3A_621 = vector.broadcast %ne3A_620 : i32 to vector<16xi32>
        %ne3A_622 = arith.cmpi ne, %rem3A_619, %ne3A_621 : vector<16xi32>
        %lt3A_623 = arith.constant 0 : i32
        %lt3A_624 = vector.broadcast %lt3A_623 : i32 to vector<16xi32>
        %lt3A_625 = arith.cmpi slt, %rem3A_619, %lt3A_624 : vector<16xi32>
        %lt3A_626 = arith.constant 0 : i32
        %lt3A_627 = arith.cmpi slt, %select_n3A_617, %lt3A_626 : i32
        %ne3A_628 = vector.broadcast %lt3A_627 : i1 to vector<16xi1>
        %ne3A_629 = vector.broadcast %ne3A_628 : vector<16xi1> to vector<16xi1>
        %ne3A_630 = arith.xori %lt3A_625, %ne3A_629 : vector<16xi1>
        %and3A_631 = arith.andi %ne3A_630, %ne3A_622 : vector<16xi1>
        %add3A_632 = vector.broadcast %select_n3A_617 : i32 to vector<16xi32>
        %add3A_633 = arith.addi %rem3A_619, %add3A_632 : vector<16xi32>
        %select_n3A_634 = arith.select %and3A_631, %add3A_633, %rem3A_619 : vector<16xi1>, vector<16xi32>
        %reshape3A_635 = vector.shape_cast %select_n3A_634 : vector<16xi32> to vector<16x1xi32>
        %gather3A_636 = vector.shape_cast %reshape3A_635 : vector<16x1xi32> to vector<16xi32>
        %gather3A_637 = tpu.dynamic_gather %add3A_609[%gather3A_636] in [0] : vector<16xf32>, vector<16xi32> -> vector<16xf32>
        %add3A_638 = arith.addf %add3A_609, %gather3A_637 : vector<16xf32>
        %add3A_639 = arith.constant 2 : i32
        %add3A_640 = vector.broadcast %add3A_639 : i32 to vector<16xi32>
        %add3A_641 = arith.addi %iota3A_580, %add3A_640 : vector<16xi32>
        %jit3A_642 = arith.constant 16 : i32
        %eq3A_643 = arith.constant 0 : i32
        %eq3A_644 = arith.cmpi eq, %jit3A_642, %eq3A_643 : i32
        %jit3A_645 = arith.constant 1 : i32
        %select_n3A_646 = arith.select %eq3A_644, %jit3A_645, %jit3A_642 : i32
        %rem3A_647 = vector.broadcast %select_n3A_646 : i32 to vector<16xi32>
        %rem3A_648 = arith.remsi %add3A_641, %rem3A_647 : vector<16xi32>
        %ne3A_649 = arith.constant 0 : i32
        %ne3A_650 = vector.broadcast %ne3A_649 : i32 to vector<16xi32>
        %ne3A_651 = arith.cmpi ne, %rem3A_648, %ne3A_650 : vector<16xi32>
        %lt3A_652 = arith.constant 0 : i32
        %lt3A_653 = vector.broadcast %lt3A_652 : i32 to vector<16xi32>
        %lt3A_654 = arith.cmpi slt, %rem3A_648, %lt3A_653 : vector<16xi32>
        %lt3A_655 = arith.constant 0 : i32
        %lt3A_656 = arith.cmpi slt, %select_n3A_646, %lt3A_655 : i32
        %ne3A_657 = vector.broadcast %lt3A_656 : i1 to vector<16xi1>
        %ne3A_658 = vector.broadcast %ne3A_657 : vector<16xi1> to vector<16xi1>
        %ne3A_659 = arith.xori %lt3A_654, %ne3A_658 : vector<16xi1>
        %and3A_660 = arith.andi %ne3A_659, %ne3A_651 : vector<16xi1>
        %add3A_661 = vector.broadcast %select_n3A_646 : i32 to vector<16xi32>
        %add3A_662 = arith.addi %rem3A_648, %add3A_661 : vector<16xi32>
        %select_n3A_663 = arith.select %and3A_660, %add3A_662, %rem3A_648 : vector<16xi1>, vector<16xi32>
        %reshape3A_664 = vector.shape_cast %select_n3A_663 : vector<16xi32> to vector<16x1xi32>
        %gather3A_665 = vector.shape_cast %reshape3A_664 : vector<16x1xi32> to vector<16xi32>
        %gather3A_666 = tpu.dynamic_gather %add3A_638[%gather3A_665] in [0] : vector<16xf32>, vector<16xi32> -> vector<16xf32>
        %add3A_667 = arith.addf %add3A_638, %gather3A_666 : vector<16xf32>
        %add3A_668 = arith.constant 1 : i32
        %add3A_669 = vector.broadcast %add3A_668 : i32 to vector<16xi32>
        %add3A_670 = arith.addi %iota3A_580, %add3A_669 : vector<16xi32>
        %jit3A_671 = arith.constant 16 : i32
        %eq3A_672 = arith.constant 0 : i32
        %eq3A_673 = arith.cmpi eq, %jit3A_671, %eq3A_672 : i32
        %jit3A_674 = arith.constant 1 : i32
        %select_n3A_675 = arith.select %eq3A_673, %jit3A_674, %jit3A_671 : i32
        %rem3A_676 = vector.broadcast %select_n3A_675 : i32 to vector<16xi32>
        %rem3A_677 = arith.remsi %add3A_670, %rem3A_676 : vector<16xi32>
        %ne3A_678 = arith.constant 0 : i32
        %ne3A_679 = vector.broadcast %ne3A_678 : i32 to vector<16xi32>
        %ne3A_680 = arith.cmpi ne, %rem3A_677, %ne3A_679 : vector<16xi32>
        %lt3A_681 = arith.constant 0 : i32
        %lt3A_682 = vector.broadcast %lt3A_681 : i32 to vector<16xi32>
        %lt3A_683 = arith.cmpi slt, %rem3A_677, %lt3A_682 : vector<16xi32>
        %lt3A_684 = arith.constant 0 : i32
        %lt3A_685 = arith.cmpi slt, %select_n3A_675, %lt3A_684 : i32
        %ne3A_686 = vector.broadcast %lt3A_685 : i1 to vector<16xi1>
        %ne3A_687 = vector.broadcast %ne3A_686 : vector<16xi1> to vector<16xi1>
        %ne3A_688 = arith.xori %lt3A_683, %ne3A_687 : vector<16xi1>
        %and3A_689 = arith.andi %ne3A_688, %ne3A_680 : vector<16xi1>
        %add3A_690 = vector.broadcast %select_n3A_675 : i32 to vector<16xi32>
        %add3A_691 = arith.addi %rem3A_677, %add3A_690 : vector<16xi32>
        %select_n3A_692 = arith.select %and3A_689, %add3A_691, %rem3A_677 : vector<16xi1>, vector<16xi32>
        %reshape3A_693 = vector.shape_cast %select_n3A_692 : vector<16xi32> to vector<16x1xi32>
        %gather3A_694 = vector.shape_cast %reshape3A_693 : vector<16x1xi32> to vector<16xi32>
        %gather3A_695 = tpu.dynamic_gather %add3A_667[%gather3A_694] in [0] : vector<16xf32>, vector<16xi32> -> vector<16xf32>
        %add3A_696 = arith.addf %add3A_667, %gather3A_695 : vector<16xf32>
        %select_n3A_697 = arith.select %eq3A_579, %add3A_696, %scan3A_375 : vector<16xi1>, vector<16xf32>
        scf.yield %select_n3A_697 : vector<16xf32>
      }
      %scan3A_364 = arith.constant 16 : i32
      %mul3A_365 = arith.constant 16 : i32
      %mul3A_366 = arith.muli %scan3A_355, %mul3A_365 : i32
      %add3A_367 = arith.constant 384 : i32
      %add3A_368 = arith.addi %add3A_367, %mul3A_366 : i32
      %swap3A_369 = arith.index_cast %add3A_368 : i32 to index
      %swap3A_370 = tpu.vector_load %arg21[%swap3A_369] {strides = array<i32>} : memref<512xf32, #tpu.memory_space<vmem>>, vector<16xf32>,
      %swap3A_371 = vector.shape_cast %swap3A_370 : vector<16xf32> to vector<16xf32>
      %swap3A_372 = vector.shape_cast %scan3A_363 : vector<16xf32> to vector<16xf32>
      tpu.vector_store %arg21[%swap3A_369], %swap3A_372 {strides = array<i32>} : memref<512xf32, #tpu.memory_space<vmem>>, vector<16xf32>,
      %scan3A_373 = arith.constant 0 : i32
      scf.yield %scan3A_373 : i32
    }
    %scan3A_202 = arith.constant 8 : i32
    %dma_start3A_203 = arith.constant 128 : i32
    %dma_start3A_204 = tpu.memref_slice %arg11[%dma_start3A_203] : memref<512xi32, #tpu.memory_space<vmem>> -> memref<128xi32, #tpu.memory_space<vmem>>
    %dma_start3A_205 = arith.constant 0 : i32
    %dma_start3A_206 = arith.constant 0 : i32
    %dma_start3A_207 = tpu.memref_slice %arg4[%dma_start3A_205, %dma_start3A_206] : memref<1000x64xf32, #tpu.memory_space<hbm>> -> memref<1000x64xf32, #tpu.memory_space<hbm>>
    tpu.enqueue_indirect_dma source(%dma_start3A_207 : memref<1000x64xf32, #tpu.memory_space<hbm>>) target(%arg18 : memref<128x64xf32, #tpu.memory_space<vmem>>) offsets(%dma_start3A_204 : memref<128xi32, #tpu.memory_space<vmem>>) semaphore(%arg26 : memref<!tpu.dma_semaphore, #tpu.memory_space<semaphore_mem>>)
    %dma_start3A_208 = arith.constant 128 : i32
    %dma_start3A_209 = tpu.memref_slice %arg13[%dma_start3A_208] : memref<512xi32, #tpu.memory_space<vmem>> -> memref<128xi32, #tpu.memory_space<vmem>>
    %dma_start3A_210 = arith.constant 0 : i32
    %dma_start3A_211 = arith.constant 0 : i32
    %dma_start3A_212 = tpu.memref_slice %arg4[%dma_start3A_210, %dma_start3A_211] : memref<1000x64xf32, #tpu.memory_space<hbm>> -> memref<1000x64xf32, #tpu.memory_space<hbm>>
    tpu.enqueue_indirect_dma source(%dma_start3A_212 : memref<1000x64xf32, #tpu.memory_space<hbm>>) target(%arg19 : memref<128x64xf32, #tpu.memory_space<vmem>>) offsets(%dma_start3A_209 : memref<128xi32, #tpu.memory_space<vmem>>) semaphore(%arg26 : memref<!tpu.dma_semaphore, #tpu.memory_space<semaphore_mem>>)
    %dma_start3A_213 = arith.constant 128 : i32
    %dma_start3A_214 = tpu.memref_slice %arg12[%dma_start3A_213] : memref<512xi32, #tpu.memory_space<vmem>> -> memref<128xi32, #tpu.memory_space<vmem>>
    %dma_start3A_215 = arith.constant 0 : i32
    %dma_start3A_216 = arith.constant 0 : i32
    %dma_start3A_217 = tpu.memref_slice %arg5[%dma_start3A_215, %dma_start3A_216] : memref<1000x128xf32, #tpu.memory_space<hbm>> -> memref<1000x128xf32, #tpu.memory_space<hbm>>
    tpu.enqueue_indirect_dma source(%dma_start3A_217 : memref<1000x128xf32, #tpu.memory_space<hbm>>) target(%arg20 : memref<128x128xf32, #tpu.memory_space<vmem>>) offsets(%dma_start3A_214 : memref<128xi32, #tpu.memory_space<vmem>>) semaphore(%arg26 : memref<!tpu.dma_semaphore, #tpu.memory_space<semaphore_mem>>)
    %dma_wait3A_218 = arith.constant 0 : i32
    %dma_wait3A_219 = tpu.memref_slice %arg11[%dma_wait3A_218] : memref<512xi32, #tpu.memory_space<vmem>> -> memref<128xi32, #tpu.memory_space<vmem>>
    %dma_wait3A_220 = arith.constant 0 : i32
    %dma_wait3A_221 = arith.constant 0 : i32
    %dma_wait3A_222 = tpu.memref_slice %arg4[%dma_wait3A_220, %dma_wait3A_221] : memref<1000x64xf32, #tpu.memory_space<hbm>> -> memref<1000x64xf32, #tpu.memory_space<hbm>>
    tpu.wait_indirect_dma semaphore(%arg25 : memref<!tpu.dma_semaphore, #tpu.memory_space<semaphore_mem>>) src(%dma_wait3A_222 : memref<1000x64xf32, #tpu.memory_space<hbm>>) dst(%arg15 : memref<128x64xf32, #tpu.memory_space<vmem>>)
    %dma_wait3A_223 = arith.constant 0 : i32
    %dma_wait3A_224 = tpu.memref_slice %arg13[%dma_wait3A_223] : memref<512xi32, #tpu.memory_space<vmem>> -> memref<128xi32, #tpu.memory_space<vmem>>
    %dma_wait3A_225 = arith.constant 0 : i32
    %dma_wait3A_226 = arith.constant 0 : i32
    %dma_wait3A_227 = tpu.memref_slice %arg4[%dma_wait3A_225, %dma_wait3A_226] : memref<1000x64xf32, #tpu.memory_space<hbm>> -> memref<1000x64xf32, #tpu.memory_space<hbm>>
    tpu.wait_indirect_dma semaphore(%arg25 : memref<!tpu.dma_semaphore, #tpu.memory_space<semaphore_mem>>) src(%dma_wait3A_227 : memref<1000x64xf32, #tpu.memory_space<hbm>>) dst(%arg16 : memref<128x64xf32, #tpu.memory_space<vmem>>)
    %dma_wait3A_228 = arith.constant 0 : i32
    %dma_wait3A_229 = tpu.memref_slice %arg12[%dma_wait3A_228] : memref<512xi32, #tpu.memory_space<vmem>> -> memref<128xi32, #tpu.memory_space<vmem>>
    %dma_wait3A_230 = arith.constant 0 : i32
    %dma_wait3A_231 = arith.constant 0 : i32
    %dma_wait3A_232 = tpu.memref_slice %arg5[%dma_wait3A_230, %dma_wait3A_231] : memref<1000x128xf32, #tpu.memory_space<hbm>> -> memref<1000x128xf32, #tpu.memory_space<hbm>>
    tpu.wait_indirect_dma semaphore(%arg25 : memref<!tpu.dma_semaphore, #tpu.memory_space<semaphore_mem>>) src(%dma_wait3A_232 : memref<1000x128xf32, #tpu.memory_space<hbm>>) dst(%arg17 : memref<128x128xf32, #tpu.memory_space<vmem>>)
    %scan3A_233 = arith.constant 0 : i32
    %scan3A_234 = arith.constant 0 : i32
    %scan3A_235 = arith.constant 8 : i32
    %scan3A_236 = arith.addi %scan3A_234, %scan3A_235 : i32
    %scan3A_237 = arith.constant 1 : i32
    %scan3A_238 = scf.for %scan3A_355 = %scan3A_234 to %scan3A_236 step %scan3A_237 iter_args(%scan3A_356 = %scan3A_233) -> (i32)  : i32 {
      %broadcast_in_dim3A_357 = arith.constant 0.000000e+00 : f32
      %broadcast_in_dim3A_358 = vector.broadcast %broadcast_in_dim3A_357 : f32 to vector<16xf32>
      %scan3A_359 = arith.constant 0 : i32
      %scan3A_360 = arith.constant 16 : i32
      %scan3A_361 = arith.addi %scan3A_359, %scan3A_360 : i32
      %scan3A_362 = arith.constant 1 : i32
      %scan3A_363 = scf.for %scan3A_374 = %scan3A_359 to %scan3A_361 step %scan3A_362 iter_args(%scan3A_375 = %broadcast_in_dim3A_358) -> (vector<16xf32>)  : i32 {
        %mul3A_376 = arith.constant 16 : i32
        %mul3A_377 = arith.muli %scan3A_355, %mul3A_376 : i32
        %add3A_378 = arith.addi %mul3A_377, %scan3A_374 : i32
        %get3A = arith.index_cast %add3A_378 : i32 to index
        %get3A_379 = arith.constant 0 : index
        %get3A_380 = tpu.vector_load %arg15[%get3A, %get3A_379] {strides = array<i32>} : memref<128x64xf32, #tpu.memory_space<vmem>>, vector<1x16xf32>,
        %get3A_381 = vector.shape_cast %get3A_380 : vector<1x16xf32> to vector<16xf32>
        %get3A_382 = arith.index_cast %add3A_378 : i32 to index
        %get3A_383 = arith.constant 16 : index
        %get3A_384 = tpu.vector_load %arg15[%get3A_382, %get3A_383] {strides = array<i32>} : memref<128x64xf32, #tpu.memory_space<vmem>>, vector<1x16xf32>,
        %get3A_385 = vector.shape_cast %get3A_384 : vector<1x16xf32> to vector<16xf32>
        %get3A_386 = arith.index_cast %add3A_378 : i32 to index
        %get3A_387 = arith.constant 32 : index
        %get3A_388 = tpu.vector_load %arg15[%get3A_386, %get3A_387] {strides = array<i32>} : memref<128x64xf32, #tpu.memory_space<vmem>>, vector<1x16xf32>,
        %get3A_389 = vector.shape_cast %get3A_388 : vector<1x16xf32> to vector<16xf32>
        %get3A_390 = arith.index_cast %add3A_378 : i32 to index
        %get3A_391 = arith.constant 48 : index
        %get3A_392 = tpu.vector_load %arg15[%get3A_390, %get3A_391] {strides = array<i32>} : memref<128x64xf32, #tpu.memory_space<vmem>>, vector<1x16xf32>,
        %get3A_393 = vector.shape_cast %get3A_392 : vector<1x16xf32> to vector<16xf32>
        %get3A_394 = arith.index_cast %add3A_378 : i32 to index
        %get3A_395 = arith.constant 0 : index
        %get3A_396 = tpu.vector_load %arg16[%get3A_394, %get3A_395] {strides = array<i32>} : memref<128x64xf32, #tpu.memory_space<vmem>>, vector<1x16xf32>,
        %get3A_397 = vector.shape_cast %get3A_396 : vector<1x16xf32> to vector<16xf32>
        %get3A_398 = arith.index_cast %add3A_378 : i32 to index
        %get3A_399 = arith.constant 16 : index
        %get3A_400 = tpu.vector_load %arg16[%get3A_398, %get3A_399] {strides = array<i32>} : memref<128x64xf32, #tpu.memory_space<vmem>>, vector<1x16xf32>,
        %get3A_401 = vector.shape_cast %get3A_400 : vector<1x16xf32> to vector<16xf32>
        %get3A_402 = arith.index_cast %add3A_378 : i32 to index
        %get3A_403 = arith.constant 32 : index
        %get3A_404 = tpu.vector_load %arg16[%get3A_402, %get3A_403] {strides = array<i32>} : memref<128x64xf32, #tpu.memory_space<vmem>>, vector<1x16xf32>,
        %get3A_405 = vector.shape_cast %get3A_404 : vector<1x16xf32> to vector<16xf32>
        %get3A_406 = arith.index_cast %add3A_378 : i32 to index
        %get3A_407 = arith.constant 48 : index
        %get3A_408 = tpu.vector_load %arg16[%get3A_406, %get3A_407] {strides = array<i32>} : memref<128x64xf32, #tpu.memory_space<vmem>>, vector<1x16xf32>,
        %get3A_409 = vector.shape_cast %get3A_408 : vector<1x16xf32> to vector<16xf32>
        %get3A_410 = arith.index_cast %add3A_378 : i32 to index
        %get3A_411 = arith.constant 0 : index
        %get3A_412 = tpu.vector_load %arg17[%get3A_410, %get3A_411] {strides = array<i32>} : memref<128x128xf32, #tpu.memory_space<vmem>>, vector<1x16xf32>,
        %get3A_413 = vector.shape_cast %get3A_412 : vector<1x16xf32> to vector<16xf32>
        %get3A_414 = arith.index_cast %add3A_378 : i32 to index
        %get3A_415 = arith.constant 16 : index
        %get3A_416 = tpu.vector_load %arg17[%get3A_414, %get3A_415] {strides = array<i32>} : memref<128x128xf32, #tpu.memory_space<vmem>>, vector<1x16xf32>,
        %get3A_417 = vector.shape_cast %get3A_416 : vector<1x16xf32> to vector<16xf32>
        %get3A_418 = arith.index_cast %add3A_378 : i32 to index
        %get3A_419 = arith.constant 32 : index
        %get3A_420 = tpu.vector_load %arg17[%get3A_418, %get3A_419] {strides = array<i32>} : memref<128x128xf32, #tpu.memory_space<vmem>>, vector<1x16xf32>,
        %get3A_421 = vector.shape_cast %get3A_420 : vector<1x16xf32> to vector<16xf32>
        %get3A_422 = arith.index_cast %add3A_378 : i32 to index
        %get3A_423 = arith.constant 48 : index
        %get3A_424 = tpu.vector_load %arg17[%get3A_422, %get3A_423] {strides = array<i32>} : memref<128x128xf32, #tpu.memory_space<vmem>>, vector<1x16xf32>,
        %get3A_425 = vector.shape_cast %get3A_424 : vector<1x16xf32> to vector<16xf32>
        %get3A_426 = arith.index_cast %add3A_378 : i32 to index
        %get3A_427 = arith.constant 64 : index
        %get3A_428 = tpu.vector_load %arg17[%get3A_426, %get3A_427] {strides = array<i32>} : memref<128x128xf32, #tpu.memory_space<vmem>>, vector<1x16xf32>,
        %get3A_429 = vector.shape_cast %get3A_428 : vector<1x16xf32> to vector<16xf32>
        %get3A_430 = arith.index_cast %add3A_378 : i32 to index
        %get3A_431 = arith.constant 80 : index
        %get3A_432 = tpu.vector_load %arg17[%get3A_430, %get3A_431] {strides = array<i32>} : memref<128x128xf32, #tpu.memory_space<vmem>>, vector<1x16xf32>,
        %get3A_433 = vector.shape_cast %get3A_432 : vector<1x16xf32> to vector<16xf32>
        %get3A_434 = arith.index_cast %add3A_378 : i32 to index
        %get3A_435 = arith.constant 96 : index
        %get3A_436 = tpu.vector_load %arg17[%get3A_434, %get3A_435] {strides = array<i32>} : memref<128x128xf32, #tpu.memory_space<vmem>>, vector<1x16xf32>,
        %get3A_437 = vector.shape_cast %get3A_436 : vector<1x16xf32> to vector<16xf32>
        %get3A_438 = arith.index_cast %add3A_378 : i32 to index
        %get3A_439 = arith.constant 112 : index
        %get3A_440 = tpu.vector_load %arg17[%get3A_438, %get3A_439] {strides = array<i32>} : memref<128x128xf32, #tpu.memory_space<vmem>>, vector<1x16xf32>,
        %get3A_441 = vector.shape_cast %get3A_440 : vector<1x16xf32> to vector<16xf32>
        %sub3A = arith.subf %get3A_381, %get3A_397 : vector<16xf32>
        %sub3A_442 = arith.subf %get3A_385, %get3A_401 : vector<16xf32>
        %sub3A_443 = arith.subf %get3A_389, %get3A_405 : vector<16xf32>
        %sub3A_444 = arith.subf %get3A_393, %get3A_409 : vector<16xf32>
        %mul3A_445 = arith.mulf %sub3A, %get3A_429 : vector<16xf32>
        %mul3A_446 = arith.mulf %sub3A_442, %get3A_433 : vector<16xf32>
        %add3A_447 = arith.addf %mul3A_445, %mul3A_446 : vector<16xf32>
        %mul3A_448 = arith.mulf %sub3A_443, %get3A_437 : vector<16xf32>
        %add3A_449 = arith.addf %add3A_447, %mul3A_448 : vector<16xf32>
        %mul3A_450 = arith.mulf %sub3A_444, %get3A_441 : vector<16xf32>
        %add3A_451 = arith.addf %add3A_449, %mul3A_450 : vector<16xf32>
        %iota3A_452 = tpu.iota {dimensions = array<i32: 0>} : vector<16xi32>
        %add3A_453 = arith.constant 8 : i32
        %add3A_454 = vector.broadcast %add3A_453 : i32 to vector<16xi32>
        %add3A_455 = arith.addi %iota3A_452, %add3A_454 : vector<16xi32>
        %jit3A = arith.constant 16 : i32
        %eq3A = arith.constant 0 : i32
        %eq3A_456 = arith.cmpi eq, %jit3A, %eq3A : i32
        %jit3A_457 = arith.constant 1 : i32
        %select_n3A = arith.select %eq3A_456, %jit3A_457, %jit3A : i32
        %rem3A = vector.broadcast %select_n3A : i32 to vector<16xi32>
        %rem3A_458 = arith.remsi %add3A_455, %rem3A : vector<16xi32>
        %ne3A = arith.constant 0 : i32
        %ne3A_459 = vector.broadcast %ne3A : i32 to vector<16xi32>
        %ne3A_460 = arith.cmpi ne, %rem3A_458, %ne3A_459 : vector<16xi32>
        %lt3A = arith.constant 0 : i32
        %lt3A_461 = vector.broadcast %lt3A : i32 to vector<16xi32>
        %lt3A_462 = arith.cmpi slt, %rem3A_458, %lt3A_461 : vector<16xi32>
        %lt3A_463 = arith.constant 0 : i32
        %lt3A_464 = arith.cmpi slt, %select_n3A, %lt3A_463 : i32
        %ne3A_465 = vector.broadcast %lt3A_464 : i1 to vector<16xi1>
        %ne3A_466 = vector.broadcast %ne3A_465 : vector<16xi1> to vector<16xi1>
        %ne3A_467 = arith.xori %lt3A_462, %ne3A_466 : vector<16xi1>
        %and3A = arith.andi %ne3A_467, %ne3A_460 : vector<16xi1>
        %add3A_468 = vector.broadcast %select_n3A : i32 to vector<16xi32>
        %add3A_469 = arith.addi %rem3A_458, %add3A_468 : vector<16xi32>
        %select_n3A_470 = arith.select %and3A, %add3A_469, %rem3A_458 : vector<16xi1>, vector<16xi32>
        %reshape3A = vector.shape_cast %select_n3A_470 : vector<16xi32> to vector<16x1xi32>
        %gather3A = vector.shape_cast %reshape3A : vector<16x1xi32> to vector<16xi32>
        %gather3A_471 = tpu.dynamic_gather %add3A_451[%gather3A] in [0] : vector<16xf32>, vector<16xi32> -> vector<16xf32>
        %add3A_472 = arith.addf %add3A_451, %gather3A_471 : vector<16xf32>
        %add3A_473 = arith.constant 4 : i32
        %add3A_474 = vector.broadcast %add3A_473 : i32 to vector<16xi32>
        %add3A_475 = arith.addi %iota3A_452, %add3A_474 : vector<16xi32>
        %jit3A_476 = arith.constant 16 : i32
        %eq3A_477 = arith.constant 0 : i32
        %eq3A_478 = arith.cmpi eq, %jit3A_476, %eq3A_477 : i32
        %jit3A_479 = arith.constant 1 : i32
        %select_n3A_480 = arith.select %eq3A_478, %jit3A_479, %jit3A_476 : i32
        %rem3A_481 = vector.broadcast %select_n3A_480 : i32 to vector<16xi32>
        %rem3A_482 = arith.remsi %add3A_475, %rem3A_481 : vector<16xi32>
        %ne3A_483 = arith.constant 0 : i32
        %ne3A_484 = vector.broadcast %ne3A_483 : i32 to vector<16xi32>
        %ne3A_485 = arith.cmpi ne, %rem3A_482, %ne3A_484 : vector<16xi32>
        %lt3A_486 = arith.constant 0 : i32
        %lt3A_487 = vector.broadcast %lt3A_486 : i32 to vector<16xi32>
        %lt3A_488 = arith.cmpi slt, %rem3A_482, %lt3A_487 : vector<16xi32>
        %lt3A_489 = arith.constant 0 : i32
        %lt3A_490 = arith.cmpi slt, %select_n3A_480, %lt3A_489 : i32
        %ne3A_491 = vector.broadcast %lt3A_490 : i1 to vector<16xi1>
        %ne3A_492 = vector.broadcast %ne3A_491 : vector<16xi1> to vector<16xi1>
        %ne3A_493 = arith.xori %lt3A_488, %ne3A_492 : vector<16xi1>
        %and3A_494 = arith.andi %ne3A_493, %ne3A_485 : vector<16xi1>
        %add3A_495 = vector.broadcast %select_n3A_480 : i32 to vector<16xi32>
        %add3A_496 = arith.addi %rem3A_482, %add3A_495 : vector<16xi32>
        %select_n3A_497 = arith.select %and3A_494, %add3A_496, %rem3A_482 : vector<16xi1>, vector<16xi32>
        %reshape3A_498 = vector.shape_cast %select_n3A_497 : vector<16xi32> to vector<16x1xi32>
        %gather3A_499 = vector.shape_cast %reshape3A_498 : vector<16x1xi32> to vector<16xi32>
        %gather3A_500 = tpu.dynamic_gather %add3A_472[%gather3A_499] in [0] : vector<16xf32>, vector<16xi32> -> vector<16xf32>
        %add3A_501 = arith.addf %add3A_472, %gather3A_500 : vector<16xf32>
        %add3A_502 = arith.constant 2 : i32
        %add3A_503 = vector.broadcast %add3A_502 : i32 to vector<16xi32>
        %add3A_504 = arith.addi %iota3A_452, %add3A_503 : vector<16xi32>
        %jit3A_505 = arith.constant 16 : i32
        %eq3A_506 = arith.constant 0 : i32
        %eq3A_507 = arith.cmpi eq, %jit3A_505, %eq3A_506 : i32
        %jit3A_508 = arith.constant 1 : i32
        %select_n3A_509 = arith.select %eq3A_507, %jit3A_508, %jit3A_505 : i32
        %rem3A_510 = vector.broadcast %select_n3A_509 : i32 to vector<16xi32>
        %rem3A_511 = arith.remsi %add3A_504, %rem3A_510 : vector<16xi32>
        %ne3A_512 = arith.constant 0 : i32
        %ne3A_513 = vector.broadcast %ne3A_512 : i32 to vector<16xi32>
        %ne3A_514 = arith.cmpi ne, %rem3A_511, %ne3A_513 : vector<16xi32>
        %lt3A_515 = arith.constant 0 : i32
        %lt3A_516 = vector.broadcast %lt3A_515 : i32 to vector<16xi32>
        %lt3A_517 = arith.cmpi slt, %rem3A_511, %lt3A_516 : vector<16xi32>
        %lt3A_518 = arith.constant 0 : i32
        %lt3A_519 = arith.cmpi slt, %select_n3A_509, %lt3A_518 : i32
        %ne3A_520 = vector.broadcast %lt3A_519 : i1 to vector<16xi1>
        %ne3A_521 = vector.broadcast %ne3A_520 : vector<16xi1> to vector<16xi1>
        %ne3A_522 = arith.xori %lt3A_517, %ne3A_521 : vector<16xi1>
        %and3A_523 = arith.andi %ne3A_522, %ne3A_514 : vector<16xi1>
        %add3A_524 = vector.broadcast %select_n3A_509 : i32 to vector<16xi32>
        %add3A_525 = arith.addi %rem3A_511, %add3A_524 : vector<16xi32>
        %select_n3A_526 = arith.select %and3A_523, %add3A_525, %rem3A_511 : vector<16xi1>, vector<16xi32>
        %reshape3A_527 = vector.shape_cast %select_n3A_526 : vector<16xi32> to vector<16x1xi32>
        %gather3A_528 = vector.shape_cast %reshape3A_527 : vector<16x1xi32> to vector<16xi32>
        %gather3A_529 = tpu.dynamic_gather %add3A_501[%gather3A_528] in [0] : vector<16xf32>, vector<16xi32> -> vector<16xf32>
        %add3A_530 = arith.addf %add3A_501, %gather3A_529 : vector<16xf32>
        %add3A_531 = arith.constant 1 : i32
        %add3A_532 = vector.broadcast %add3A_531 : i32 to vector<16xi32>
        %add3A_533 = arith.addi %iota3A_452, %add3A_532 : vector<16xi32>
        %jit3A_534 = arith.constant 16 : i32
        %eq3A_535 = arith.constant 0 : i32
        %eq3A_536 = arith.cmpi eq, %jit3A_534, %eq3A_535 : i32
        %jit3A_537 = arith.constant 1 : i32
        %select_n3A_538 = arith.select %eq3A_536, %jit3A_537, %jit3A_534 : i32
        %rem3A_539 = vector.broadcast %select_n3A_538 : i32 to vector<16xi32>
        %rem3A_540 = arith.remsi %add3A_533, %rem3A_539 : vector<16xi32>
        %ne3A_541 = arith.constant 0 : i32
        %ne3A_542 = vector.broadcast %ne3A_541 : i32 to vector<16xi32>
        %ne3A_543 = arith.cmpi ne, %rem3A_540, %ne3A_542 : vector<16xi32>
        %lt3A_544 = arith.constant 0 : i32
        %lt3A_545 = vector.broadcast %lt3A_544 : i32 to vector<16xi32>
        %lt3A_546 = arith.cmpi slt, %rem3A_540, %lt3A_545 : vector<16xi32>
        %lt3A_547 = arith.constant 0 : i32
        %lt3A_548 = arith.cmpi slt, %select_n3A_538, %lt3A_547 : i32
        %ne3A_549 = vector.broadcast %lt3A_548 : i1 to vector<16xi1>
        %ne3A_550 = vector.broadcast %ne3A_549 : vector<16xi1> to vector<16xi1>
        %ne3A_551 = arith.xori %lt3A_546, %ne3A_550 : vector<16xi1>
        %and3A_552 = arith.andi %ne3A_551, %ne3A_543 : vector<16xi1>
        %add3A_553 = vector.broadcast %select_n3A_538 : i32 to vector<16xi32>
        %add3A_554 = arith.addi %rem3A_540, %add3A_553 : vector<16xi32>
        %select_n3A_555 = arith.select %and3A_552, %add3A_554, %rem3A_540 : vector<16xi1>, vector<16xi32>
        %reshape3A_556 = vector.shape_cast %select_n3A_555 : vector<16xi32> to vector<16x1xi32>
        %gather3A_557 = vector.shape_cast %reshape3A_556 : vector<16x1xi32> to vector<16xi32>
        %gather3A_558 = tpu.dynamic_gather %add3A_530[%gather3A_557] in [0] : vector<16xf32>, vector<16xi32> -> vector<16xf32>
        %add3A_559 = arith.addf %add3A_530, %gather3A_558 : vector<16xf32>
        %add3A_560 = arith.addf %sub3A, %get3A_413 : vector<16xf32>
        %mul3A_561 = arith.mulf %add3A_559, %get3A_429 : vector<16xf32>
        %sub3A_562 = arith.subf %add3A_560, %mul3A_561 : vector<16xf32>
        %abs3A = math.absf %sub3A_562 : vector<16xf32>
        %add3A_563 = arith.addf %sub3A_442, %get3A_417 : vector<16xf32>
        %mul3A_564 = arith.mulf %add3A_559, %get3A_433 : vector<16xf32>
        %sub3A_565 = arith.subf %add3A_563, %mul3A_564 : vector<16xf32>
        %abs3A_566 = math.absf %sub3A_565 : vector<16xf32>
        %add3A_567 = arith.addf %abs3A, %abs3A_566 : vector<16xf32>
        %add3A_568 = arith.addf %sub3A_443, %get3A_421 : vector<16xf32>
        %mul3A_569 = arith.mulf %add3A_559, %get3A_437 : vector<16xf32>
        %sub3A_570 = arith.subf %add3A_568, %mul3A_569 : vector<16xf32>
        %abs3A_571 = math.absf %sub3A_570 : vector<16xf32>
        %add3A_572 = arith.addf %add3A_567, %abs3A_571 : vector<16xf32>
        %add3A_573 = arith.addf %sub3A_444, %get3A_425 : vector<16xf32>
        %mul3A_574 = arith.mulf %add3A_559, %get3A_441 : vector<16xf32>
        %sub3A_575 = arith.subf %add3A_573, %mul3A_574 : vector<16xf32>
        %abs3A_576 = math.absf %sub3A_575 : vector<16xf32>
        %add3A_577 = arith.addf %add3A_572, %abs3A_576 : vector<16xf32>
        %eq3A_578 = vector.broadcast %scan3A_374 : i32 to vector<16xi32>
        %eq3A_579 = arith.cmpi eq, %iota3A, %eq3A_578 : vector<16xi32>
        %iota3A_580 = tpu.iota {dimensions = array<i32: 0>} : vector<16xi32>
        %add3A_581 = arith.constant 8 : i32
        %add3A_582 = vector.broadcast %add3A_581 : i32 to vector<16xi32>
        %add3A_583 = arith.addi %iota3A_580, %add3A_582 : vector<16xi32>
        %jit3A_584 = arith.constant 16 : i32
        %eq3A_585 = arith.constant 0 : i32
        %eq3A_586 = arith.cmpi eq, %jit3A_584, %eq3A_585 : i32
        %jit3A_587 = arith.constant 1 : i32
        %select_n3A_588 = arith.select %eq3A_586, %jit3A_587, %jit3A_584 : i32
        %rem3A_589 = vector.broadcast %select_n3A_588 : i32 to vector<16xi32>
        %rem3A_590 = arith.remsi %add3A_583, %rem3A_589 : vector<16xi32>
        %ne3A_591 = arith.constant 0 : i32
        %ne3A_592 = vector.broadcast %ne3A_591 : i32 to vector<16xi32>
        %ne3A_593 = arith.cmpi ne, %rem3A_590, %ne3A_592 : vector<16xi32>
        %lt3A_594 = arith.constant 0 : i32
        %lt3A_595 = vector.broadcast %lt3A_594 : i32 to vector<16xi32>
        %lt3A_596 = arith.cmpi slt, %rem3A_590, %lt3A_595 : vector<16xi32>
        %lt3A_597 = arith.constant 0 : i32
        %lt3A_598 = arith.cmpi slt, %select_n3A_588, %lt3A_597 : i32
        %ne3A_599 = vector.broadcast %lt3A_598 : i1 to vector<16xi1>
        %ne3A_600 = vector.broadcast %ne3A_599 : vector<16xi1> to vector<16xi1>
        %ne3A_601 = arith.xori %lt3A_596, %ne3A_600 : vector<16xi1>
        %and3A_602 = arith.andi %ne3A_601, %ne3A_593 : vector<16xi1>
        %add3A_603 = vector.broadcast %select_n3A_588 : i32 to vector<16xi32>
        %add3A_604 = arith.addi %rem3A_590, %add3A_603 : vector<16xi32>
        %select_n3A_605 = arith.select %and3A_602, %add3A_604, %rem3A_590 : vector<16xi1>, vector<16xi32>
        %reshape3A_606 = vector.shape_cast %select_n3A_605 : vector<16xi32> to vector<16x1xi32>
        %gather3A_607 = vector.shape_cast %reshape3A_606 : vector<16x1xi32> to vector<16xi32>
        %gather3A_608 = tpu.dynamic_gather %add3A_577[%gather3A_607] in [0] : vector<16xf32>, vector<16xi32> -> vector<16xf32>
        %add3A_609 = arith.addf %add3A_577, %gather3A_608 : vector<16xf32>
        %add3A_610 = arith.constant 4 : i32
        %add3A_611 = vector.broadcast %add3A_610 : i32 to vector<16xi32>
        %add3A_612 = arith.addi %iota3A_580, %add3A_611 : vector<16xi32>
        %jit3A_613 = arith.constant 16 : i32
        %eq3A_614 = arith.constant 0 : i32
        %eq3A_615 = arith.cmpi eq, %jit3A_613, %eq3A_614 : i32
        %jit3A_616 = arith.constant 1 : i32
        %select_n3A_617 = arith.select %eq3A_615, %jit3A_616, %jit3A_613 : i32
        %rem3A_618 = vector.broadcast %select_n3A_617 : i32 to vector<16xi32>
        %rem3A_619 = arith.remsi %add3A_612, %rem3A_618 : vector<16xi32>
        %ne3A_620 = arith.constant 0 : i32
        %ne3A_621 = vector.broadcast %ne3A_620 : i32 to vector<16xi32>
        %ne3A_622 = arith.cmpi ne, %rem3A_619, %ne3A_621 : vector<16xi32>
        %lt3A_623 = arith.constant 0 : i32
        %lt3A_624 = vector.broadcast %lt3A_623 : i32 to vector<16xi32>
        %lt3A_625 = arith.cmpi slt, %rem3A_619, %lt3A_624 : vector<16xi32>
        %lt3A_626 = arith.constant 0 : i32
        %lt3A_627 = arith.cmpi slt, %select_n3A_617, %lt3A_626 : i32
        %ne3A_628 = vector.broadcast %lt3A_627 : i1 to vector<16xi1>
        %ne3A_629 = vector.broadcast %ne3A_628 : vector<16xi1> to vector<16xi1>
        %ne3A_630 = arith.xori %lt3A_625, %ne3A_629 : vector<16xi1>
        %and3A_631 = arith.andi %ne3A_630, %ne3A_622 : vector<16xi1>
        %add3A_632 = vector.broadcast %select_n3A_617 : i32 to vector<16xi32>
        %add3A_633 = arith.addi %rem3A_619, %add3A_632 : vector<16xi32>
        %select_n3A_634 = arith.select %and3A_631, %add3A_633, %rem3A_619 : vector<16xi1>, vector<16xi32>
        %reshape3A_635 = vector.shape_cast %select_n3A_634 : vector<16xi32> to vector<16x1xi32>
        %gather3A_636 = vector.shape_cast %reshape3A_635 : vector<16x1xi32> to vector<16xi32>
        %gather3A_637 = tpu.dynamic_gather %add3A_609[%gather3A_636] in [0] : vector<16xf32>, vector<16xi32> -> vector<16xf32>
        %add3A_638 = arith.addf %add3A_609, %gather3A_637 : vector<16xf32>
        %add3A_639 = arith.constant 2 : i32
        %add3A_640 = vector.broadcast %add3A_639 : i32 to vector<16xi32>
        %add3A_641 = arith.addi %iota3A_580, %add3A_640 : vector<16xi32>
        %jit3A_642 = arith.constant 16 : i32
        %eq3A_643 = arith.constant 0 : i32
        %eq3A_644 = arith.cmpi eq, %jit3A_642, %eq3A_643 : i32
        %jit3A_645 = arith.constant 1 : i32
        %select_n3A_646 = arith.select %eq3A_644, %jit3A_645, %jit3A_642 : i32
        %rem3A_647 = vector.broadcast %select_n3A_646 : i32 to vector<16xi32>
        %rem3A_648 = arith.remsi %add3A_641, %rem3A_647 : vector<16xi32>
        %ne3A_649 = arith.constant 0 : i32
        %ne3A_650 = vector.broadcast %ne3A_649 : i32 to vector<16xi32>
        %ne3A_651 = arith.cmpi ne, %rem3A_648, %ne3A_650 : vector<16xi32>
        %lt3A_652 = arith.constant 0 : i32
        %lt3A_653 = vector.broadcast %lt3A_652 : i32 to vector<16xi32>
        %lt3A_654 = arith.cmpi slt, %rem3A_648, %lt3A_653 : vector<16xi32>
        %lt3A_655 = arith.constant 0 : i32
        %lt3A_656 = arith.cmpi slt, %select_n3A_646, %lt3A_655 : i32
        %ne3A_657 = vector.broadcast %lt3A_656 : i1 to vector<16xi1>
        %ne3A_658 = vector.broadcast %ne3A_657 : vector<16xi1> to vector<16xi1>
        %ne3A_659 = arith.xori %lt3A_654, %ne3A_658 : vector<16xi1>
        %and3A_660 = arith.andi %ne3A_659, %ne3A_651 : vector<16xi1>
        %add3A_661 = vector.broadcast %select_n3A_646 : i32 to vector<16xi32>
        %add3A_662 = arith.addi %rem3A_648, %add3A_661 : vector<16xi32>
        %select_n3A_663 = arith.select %and3A_660, %add3A_662, %rem3A_648 : vector<16xi1>, vector<16xi32>
        %reshape3A_664 = vector.shape_cast %select_n3A_663 : vector<16xi32> to vector<16x1xi32>
        %gather3A_665 = vector.shape_cast %reshape3A_664 : vector<16x1xi32> to vector<16xi32>
        %gather3A_666 = tpu.dynamic_gather %add3A_638[%gather3A_665] in [0] : vector<16xf32>, vector<16xi32> -> vector<16xf32>
        %add3A_667 = arith.addf %add3A_638, %gather3A_666 : vector<16xf32>
        %add3A_668 = arith.constant 1 : i32
        %add3A_669 = vector.broadcast %add3A_668 : i32 to vector<16xi32>
        %add3A_670 = arith.addi %iota3A_580, %add3A_669 : vector<16xi32>
        %jit3A_671 = arith.constant 16 : i32
        %eq3A_672 = arith.constant 0 : i32
        %eq3A_673 = arith.cmpi eq, %jit3A_671, %eq3A_672 : i32
        %jit3A_674 = arith.constant 1 : i32
        %select_n3A_675 = arith.select %eq3A_673, %jit3A_674, %jit3A_671 : i32
        %rem3A_676 = vector.broadcast %select_n3A_675 : i32 to vector<16xi32>
        %rem3A_677 = arith.remsi %add3A_670, %rem3A_676 : vector<16xi32>
        %ne3A_678 = arith.constant 0 : i32
        %ne3A_679 = vector.broadcast %ne3A_678 : i32 to vector<16xi32>
        %ne3A_680 = arith.cmpi ne, %rem3A_677, %ne3A_679 : vector<16xi32>
        %lt3A_681 = arith.constant 0 : i32
        %lt3A_682 = vector.broadcast %lt3A_681 : i32 to vector<16xi32>
        %lt3A_683 = arith.cmpi slt, %rem3A_677, %lt3A_682 : vector<16xi32>
        %lt3A_684 = arith.constant 0 : i32
        %lt3A_685 = arith.cmpi slt, %select_n3A_675, %lt3A_684 : i32
        %ne3A_686 = vector.broadcast %lt3A_685 : i1 to vector<16xi1>
        %ne3A_687 = vector.broadcast %ne3A_686 : vector<16xi1> to vector<16xi1>
        %ne3A_688 = arith.xori %lt3A_683, %ne3A_687 : vector<16xi1>
        %and3A_689 = arith.andi %ne3A_688, %ne3A_680 : vector<16xi1>
        %add3A_690 = vector.broadcast %select_n3A_675 : i32 to vector<16xi32>
        %add3A_691 = arith.addi %rem3A_677, %add3A_690 : vector<16xi32>
        %select_n3A_692 = arith.select %and3A_689, %add3A_691, %rem3A_677 : vector<16xi1>, vector<16xi32>
        %reshape3A_693 = vector.shape_cast %select_n3A_692 : vector<16xi32> to vector<16x1xi32>
        %gather3A_694 = vector.shape_cast %reshape3A_693 : vector<16x1xi32> to vector<16xi32>
        %gather3A_695 = tpu.dynamic_gather %add3A_667[%gather3A_694] in [0] : vector<16xf32>, vector<16xi32> -> vector<16xf32>
        %add3A_696 = arith.addf %add3A_667, %gather3A_695 : vector<16xf32>
        %select_n3A_697 = arith.select %eq3A_579, %add3A_696, %scan3A_375 : vector<16xi1>, vector<16xf32>
        scf.yield %select_n3A_697 : vector<16xf32>
      }
      %scan3A_364 = arith.constant 16 : i32
      %mul3A_365 = arith.constant 16 : i32
      %mul3A_366 = arith.muli %scan3A_355, %mul3A_365 : i32
      %add3A_367 = arith.constant 0 : i32
      %add3A_368 = arith.addi %add3A_367, %mul3A_366 : i32
      %swap3A_369 = arith.index_cast %add3A_368 : i32 to index
      %swap3A_370 = tpu.vector_load %arg22[%swap3A_369] {strides = array<i32>} : memref<512xf32, #tpu.memory_space<vmem>>, vector<16xf32>,
      %swap3A_371 = vector.shape_cast %swap3A_370 : vector<16xf32> to vector<16xf32>
      %swap3A_372 = vector.shape_cast %scan3A_363 : vector<16xf32> to vector<16xf32>
      tpu.vector_store %arg22[%swap3A_369], %swap3A_372 {strides = array<i32>} : memref<512xf32, #tpu.memory_space<vmem>>, vector<16xf32>,
      %scan3A_373 = arith.constant 0 : i32
      scf.yield %scan3A_373 : i32
    }
    %scan3A_239 = arith.constant 8 : i32
    %dma_start3A_240 = arith.constant 256 : i32
    %dma_start3A_241 = tpu.memref_slice %arg11[%dma_start3A_240] : memref<512xi32, #tpu.memory_space<vmem>> -> memref<128xi32, #tpu.memory_space<vmem>>
    %dma_start3A_242 = arith.constant 0 : i32
    %dma_start3A_243 = arith.constant 0 : i32
    %dma_start3A_244 = tpu.memref_slice %arg4[%dma_start3A_242, %dma_start3A_243] : memref<1000x64xf32, #tpu.memory_space<hbm>> -> memref<1000x64xf32, #tpu.memory_space<hbm>>
    tpu.enqueue_indirect_dma source(%dma_start3A_244 : memref<1000x64xf32, #tpu.memory_space<hbm>>) target(%arg15 : memref<128x64xf32, #tpu.memory_space<vmem>>) offsets(%dma_start3A_241 : memref<128xi32, #tpu.memory_space<vmem>>) semaphore(%arg25 : memref<!tpu.dma_semaphore, #tpu.memory_space<semaphore_mem>>)
    %dma_start3A_245 = arith.constant 256 : i32
    %dma_start3A_246 = tpu.memref_slice %arg13[%dma_start3A_245] : memref<512xi32, #tpu.memory_space<vmem>> -> memref<128xi32, #tpu.memory_space<vmem>>
    %dma_start3A_247 = arith.constant 0 : i32
    %dma_start3A_248 = arith.constant 0 : i32
    %dma_start3A_249 = tpu.memref_slice %arg4[%dma_start3A_247, %dma_start3A_248] : memref<1000x64xf32, #tpu.memory_space<hbm>> -> memref<1000x64xf32, #tpu.memory_space<hbm>>
    tpu.enqueue_indirect_dma source(%dma_start3A_249 : memref<1000x64xf32, #tpu.memory_space<hbm>>) target(%arg16 : memref<128x64xf32, #tpu.memory_space<vmem>>) offsets(%dma_start3A_246 : memref<128xi32, #tpu.memory_space<vmem>>) semaphore(%arg25 : memref<!tpu.dma_semaphore, #tpu.memory_space<semaphore_mem>>)
    %dma_start3A_250 = arith.constant 256 : i32
    %dma_start3A_251 = tpu.memref_slice %arg12[%dma_start3A_250] : memref<512xi32, #tpu.memory_space<vmem>> -> memref<128xi32, #tpu.memory_space<vmem>>
    %dma_start3A_252 = arith.constant 0 : i32
    %dma_start3A_253 = arith.constant 0 : i32
    %dma_start3A_254 = tpu.memref_slice %arg5[%dma_start3A_252, %dma_start3A_253] : memref<1000x128xf32, #tpu.memory_space<hbm>> -> memref<1000x128xf32, #tpu.memory_space<hbm>>
    tpu.enqueue_indirect_dma source(%dma_start3A_254 : memref<1000x128xf32, #tpu.memory_space<hbm>>) target(%arg17 : memref<128x128xf32, #tpu.memory_space<vmem>>) offsets(%dma_start3A_251 : memref<128xi32, #tpu.memory_space<vmem>>) semaphore(%arg25 : memref<!tpu.dma_semaphore, #tpu.memory_space<semaphore_mem>>)
    %dma_wait3A_255 = arith.constant 128 : i32
    %dma_wait3A_256 = tpu.memref_slice %arg11[%dma_wait3A_255] : memref<512xi32, #tpu.memory_space<vmem>> -> memref<128xi32, #tpu.memory_space<vmem>>
    %dma_wait3A_257 = arith.constant 0 : i32
    %dma_wait3A_258 = arith.constant 0 : i32
    %dma_wait3A_259 = tpu.memref_slice %arg4[%dma_wait3A_257, %dma_wait3A_258] : memref<1000x64xf32, #tpu.memory_space<hbm>> -> memref<1000x64xf32, #tpu.memory_space<hbm>>
    tpu.wait_indirect_dma semaphore(%arg26 : memref<!tpu.dma_semaphore, #tpu.memory_space<semaphore_mem>>) src(%dma_wait3A_259 : memref<1000x64xf32, #tpu.memory_space<hbm>>) dst(%arg18 : memref<128x64xf32, #tpu.memory_space<vmem>>)
    %dma_wait3A_260 = arith.constant 128 : i32
    %dma_wait3A_261 = tpu.memref_slice %arg13[%dma_wait3A_260] : memref<512xi32, #tpu.memory_space<vmem>> -> memref<128xi32, #tpu.memory_space<vmem>>
    %dma_wait3A_262 = arith.constant 0 : i32
    %dma_wait3A_263 = arith.constant 0 : i32
    %dma_wait3A_264 = tpu.memref_slice %arg4[%dma_wait3A_262, %dma_wait3A_263] : memref<1000x64xf32, #tpu.memory_space<hbm>> -> memref<1000x64xf32, #tpu.memory_space<hbm>>
    tpu.wait_indirect_dma semaphore(%arg26 : memref<!tpu.dma_semaphore, #tpu.memory_space<semaphore_mem>>) src(%dma_wait3A_264 : memref<1000x64xf32, #tpu.memory_space<hbm>>) dst(%arg19 : memref<128x64xf32, #tpu.memory_space<vmem>>)
    %dma_wait3A_265 = arith.constant 128 : i32
    %dma_wait3A_266 = tpu.memref_slice %arg12[%dma_wait3A_265] : memref<512xi32, #tpu.memory_space<vmem>> -> memref<128xi32, #tpu.memory_space<vmem>>
    %dma_wait3A_267 = arith.constant 0 : i32
    %dma_wait3A_268 = arith.constant 0 : i32
    %dma_wait3A_269 = tpu.memref_slice %arg5[%dma_wait3A_267, %dma_wait3A_268] : memref<1000x128xf32, #tpu.memory_space<hbm>> -> memref<1000x128xf32, #tpu.memory_space<hbm>>
    tpu.wait_indirect_dma semaphore(%arg26 : memref<!tpu.dma_semaphore, #tpu.memory_space<semaphore_mem>>) src(%dma_wait3A_269 : memref<1000x128xf32, #tpu.memory_space<hbm>>) dst(%arg20 : memref<128x128xf32, #tpu.memory_space<vmem>>)
    %scan3A_270 = arith.constant 0 : i32
    %scan3A_271 = arith.constant 0 : i32
    %scan3A_272 = arith.constant 8 : i32
    %scan3A_273 = arith.addi %scan3A_271, %scan3A_272 : i32
    %scan3A_274 = arith.constant 1 : i32
    %scan3A_275 = scf.for %scan3A_355 = %scan3A_271 to %scan3A_273 step %scan3A_274 iter_args(%scan3A_356 = %scan3A_270) -> (i32)  : i32 {
      %broadcast_in_dim3A_357 = arith.constant 0.000000e+00 : f32
      %broadcast_in_dim3A_358 = vector.broadcast %broadcast_in_dim3A_357 : f32 to vector<16xf32>
      %scan3A_359 = arith.constant 0 : i32
      %scan3A_360 = arith.constant 16 : i32
      %scan3A_361 = arith.addi %scan3A_359, %scan3A_360 : i32
      %scan3A_362 = arith.constant 1 : i32
      %scan3A_363 = scf.for %scan3A_374 = %scan3A_359 to %scan3A_361 step %scan3A_362 iter_args(%scan3A_375 = %broadcast_in_dim3A_358) -> (vector<16xf32>)  : i32 {
        %mul3A_376 = arith.constant 16 : i32
        %mul3A_377 = arith.muli %scan3A_355, %mul3A_376 : i32
        %add3A_378 = arith.addi %mul3A_377, %scan3A_374 : i32
        %get3A = arith.index_cast %add3A_378 : i32 to index
        %get3A_379 = arith.constant 0 : index
        %get3A_380 = tpu.vector_load %arg18[%get3A, %get3A_379] {strides = array<i32>} : memref<128x64xf32, #tpu.memory_space<vmem>>, vector<1x16xf32>,
        %get3A_381 = vector.shape_cast %get3A_380 : vector<1x16xf32> to vector<16xf32>
        %get3A_382 = arith.index_cast %add3A_378 : i32 to index
        %get3A_383 = arith.constant 16 : index
        %get3A_384 = tpu.vector_load %arg18[%get3A_382, %get3A_383] {strides = array<i32>} : memref<128x64xf32, #tpu.memory_space<vmem>>, vector<1x16xf32>,
        %get3A_385 = vector.shape_cast %get3A_384 : vector<1x16xf32> to vector<16xf32>
        %get3A_386 = arith.index_cast %add3A_378 : i32 to index
        %get3A_387 = arith.constant 32 : index
        %get3A_388 = tpu.vector_load %arg18[%get3A_386, %get3A_387] {strides = array<i32>} : memref<128x64xf32, #tpu.memory_space<vmem>>, vector<1x16xf32>,
        %get3A_389 = vector.shape_cast %get3A_388 : vector<1x16xf32> to vector<16xf32>
        %get3A_390 = arith.index_cast %add3A_378 : i32 to index
        %get3A_391 = arith.constant 48 : index
        %get3A_392 = tpu.vector_load %arg18[%get3A_390, %get3A_391] {strides = array<i32>} : memref<128x64xf32, #tpu.memory_space<vmem>>, vector<1x16xf32>,
        %get3A_393 = vector.shape_cast %get3A_392 : vector<1x16xf32> to vector<16xf32>
        %get3A_394 = arith.index_cast %add3A_378 : i32 to index
        %get3A_395 = arith.constant 0 : index
        %get3A_396 = tpu.vector_load %arg19[%get3A_394, %get3A_395] {strides = array<i32>} : memref<128x64xf32, #tpu.memory_space<vmem>>, vector<1x16xf32>,
        %get3A_397 = vector.shape_cast %get3A_396 : vector<1x16xf32> to vector<16xf32>
        %get3A_398 = arith.index_cast %add3A_378 : i32 to index
        %get3A_399 = arith.constant 16 : index
        %get3A_400 = tpu.vector_load %arg19[%get3A_398, %get3A_399] {strides = array<i32>} : memref<128x64xf32, #tpu.memory_space<vmem>>, vector<1x16xf32>,
        %get3A_401 = vector.shape_cast %get3A_400 : vector<1x16xf32> to vector<16xf32>
        %get3A_402 = arith.index_cast %add3A_378 : i32 to index
        %get3A_403 = arith.constant 32 : index
        %get3A_404 = tpu.vector_load %arg19[%get3A_402, %get3A_403] {strides = array<i32>} : memref<128x64xf32, #tpu.memory_space<vmem>>, vector<1x16xf32>,
        %get3A_405 = vector.shape_cast %get3A_404 : vector<1x16xf32> to vector<16xf32>
        %get3A_406 = arith.index_cast %add3A_378 : i32 to index
        %get3A_407 = arith.constant 48 : index
        %get3A_408 = tpu.vector_load %arg19[%get3A_406, %get3A_407] {strides = array<i32>} : memref<128x64xf32, #tpu.memory_space<vmem>>, vector<1x16xf32>,
        %get3A_409 = vector.shape_cast %get3A_408 : vector<1x16xf32> to vector<16xf32>
        %get3A_410 = arith.index_cast %add3A_378 : i32 to index
        %get3A_411 = arith.constant 0 : index
        %get3A_412 = tpu.vector_load %arg20[%get3A_410, %get3A_411] {strides = array<i32>} : memref<128x128xf32, #tpu.memory_space<vmem>>, vector<1x16xf32>,
        %get3A_413 = vector.shape_cast %get3A_412 : vector<1x16xf32> to vector<16xf32>
        %get3A_414 = arith.index_cast %add3A_378 : i32 to index
        %get3A_415 = arith.constant 16 : index
        %get3A_416 = tpu.vector_load %arg20[%get3A_414, %get3A_415] {strides = array<i32>} : memref<128x128xf32, #tpu.memory_space<vmem>>, vector<1x16xf32>,
        %get3A_417 = vector.shape_cast %get3A_416 : vector<1x16xf32> to vector<16xf32>
        %get3A_418 = arith.index_cast %add3A_378 : i32 to index
        %get3A_419 = arith.constant 32 : index
        %get3A_420 = tpu.vector_load %arg20[%get3A_418, %get3A_419] {strides = array<i32>} : memref<128x128xf32, #tpu.memory_space<vmem>>, vector<1x16xf32>,
        %get3A_421 = vector.shape_cast %get3A_420 : vector<1x16xf32> to vector<16xf32>
        %get3A_422 = arith.index_cast %add3A_378 : i32 to index
        %get3A_423 = arith.constant 48 : index
        %get3A_424 = tpu.vector_load %arg20[%get3A_422, %get3A_423] {strides = array<i32>} : memref<128x128xf32, #tpu.memory_space<vmem>>, vector<1x16xf32>,
        %get3A_425 = vector.shape_cast %get3A_424 : vector<1x16xf32> to vector<16xf32>
        %get3A_426 = arith.index_cast %add3A_378 : i32 to index
        %get3A_427 = arith.constant 64 : index
        %get3A_428 = tpu.vector_load %arg20[%get3A_426, %get3A_427] {strides = array<i32>} : memref<128x128xf32, #tpu.memory_space<vmem>>, vector<1x16xf32>,
        %get3A_429 = vector.shape_cast %get3A_428 : vector<1x16xf32> to vector<16xf32>
        %get3A_430 = arith.index_cast %add3A_378 : i32 to index
        %get3A_431 = arith.constant 80 : index
        %get3A_432 = tpu.vector_load %arg20[%get3A_430, %get3A_431] {strides = array<i32>} : memref<128x128xf32, #tpu.memory_space<vmem>>, vector<1x16xf32>,
        %get3A_433 = vector.shape_cast %get3A_432 : vector<1x16xf32> to vector<16xf32>
        %get3A_434 = arith.index_cast %add3A_378 : i32 to index
        %get3A_435 = arith.constant 96 : index
        %get3A_436 = tpu.vector_load %arg20[%get3A_434, %get3A_435] {strides = array<i32>} : memref<128x128xf32, #tpu.memory_space<vmem>>, vector<1x16xf32>,
        %get3A_437 = vector.shape_cast %get3A_436 : vector<1x16xf32> to vector<16xf32>
        %get3A_438 = arith.index_cast %add3A_378 : i32 to index
        %get3A_439 = arith.constant 112 : index
        %get3A_440 = tpu.vector_load %arg20[%get3A_438, %get3A_439] {strides = array<i32>} : memref<128x128xf32, #tpu.memory_space<vmem>>, vector<1x16xf32>,
        %get3A_441 = vector.shape_cast %get3A_440 : vector<1x16xf32> to vector<16xf32>
        %sub3A = arith.subf %get3A_381, %get3A_397 : vector<16xf32>
        %sub3A_442 = arith.subf %get3A_385, %get3A_401 : vector<16xf32>
        %sub3A_443 = arith.subf %get3A_389, %get3A_405 : vector<16xf32>
        %sub3A_444 = arith.subf %get3A_393, %get3A_409 : vector<16xf32>
        %mul3A_445 = arith.mulf %sub3A, %get3A_429 : vector<16xf32>
        %mul3A_446 = arith.mulf %sub3A_442, %get3A_433 : vector<16xf32>
        %add3A_447 = arith.addf %mul3A_445, %mul3A_446 : vector<16xf32>
        %mul3A_448 = arith.mulf %sub3A_443, %get3A_437 : vector<16xf32>
        %add3A_449 = arith.addf %add3A_447, %mul3A_448 : vector<16xf32>
        %mul3A_450 = arith.mulf %sub3A_444, %get3A_441 : vector<16xf32>
        %add3A_451 = arith.addf %add3A_449, %mul3A_450 : vector<16xf32>
        %iota3A_452 = tpu.iota {dimensions = array<i32: 0>} : vector<16xi32>
        %add3A_453 = arith.constant 8 : i32
        %add3A_454 = vector.broadcast %add3A_453 : i32 to vector<16xi32>
        %add3A_455 = arith.addi %iota3A_452, %add3A_454 : vector<16xi32>
        %jit3A = arith.constant 16 : i32
        %eq3A = arith.constant 0 : i32
        %eq3A_456 = arith.cmpi eq, %jit3A, %eq3A : i32
        %jit3A_457 = arith.constant 1 : i32
        %select_n3A = arith.select %eq3A_456, %jit3A_457, %jit3A : i32
        %rem3A = vector.broadcast %select_n3A : i32 to vector<16xi32>
        %rem3A_458 = arith.remsi %add3A_455, %rem3A : vector<16xi32>
        %ne3A = arith.constant 0 : i32
        %ne3A_459 = vector.broadcast %ne3A : i32 to vector<16xi32>
        %ne3A_460 = arith.cmpi ne, %rem3A_458, %ne3A_459 : vector<16xi32>
        %lt3A = arith.constant 0 : i32
        %lt3A_461 = vector.broadcast %lt3A : i32 to vector<16xi32>
        %lt3A_462 = arith.cmpi slt, %rem3A_458, %lt3A_461 : vector<16xi32>
        %lt3A_463 = arith.constant 0 : i32
        %lt3A_464 = arith.cmpi slt, %select_n3A, %lt3A_463 : i32
        %ne3A_465 = vector.broadcast %lt3A_464 : i1 to vector<16xi1>
        %ne3A_466 = vector.broadcast %ne3A_465 : vector<16xi1> to vector<16xi1>
        %ne3A_467 = arith.xori %lt3A_462, %ne3A_466 : vector<16xi1>
        %and3A = arith.andi %ne3A_467, %ne3A_460 : vector<16xi1>
        %add3A_468 = vector.broadcast %select_n3A : i32 to vector<16xi32>
        %add3A_469 = arith.addi %rem3A_458, %add3A_468 : vector<16xi32>
        %select_n3A_470 = arith.select %and3A, %add3A_469, %rem3A_458 : vector<16xi1>, vector<16xi32>
        %reshape3A = vector.shape_cast %select_n3A_470 : vector<16xi32> to vector<16x1xi32>
        %gather3A = vector.shape_cast %reshape3A : vector<16x1xi32> to vector<16xi32>
        %gather3A_471 = tpu.dynamic_gather %add3A_451[%gather3A] in [0] : vector<16xf32>, vector<16xi32> -> vector<16xf32>
        %add3A_472 = arith.addf %add3A_451, %gather3A_471 : vector<16xf32>
        %add3A_473 = arith.constant 4 : i32
        %add3A_474 = vector.broadcast %add3A_473 : i32 to vector<16xi32>
        %add3A_475 = arith.addi %iota3A_452, %add3A_474 : vector<16xi32>
        %jit3A_476 = arith.constant 16 : i32
        %eq3A_477 = arith.constant 0 : i32
        %eq3A_478 = arith.cmpi eq, %jit3A_476, %eq3A_477 : i32
        %jit3A_479 = arith.constant 1 : i32
        %select_n3A_480 = arith.select %eq3A_478, %jit3A_479, %jit3A_476 : i32
        %rem3A_481 = vector.broadcast %select_n3A_480 : i32 to vector<16xi32>
        %rem3A_482 = arith.remsi %add3A_475, %rem3A_481 : vector<16xi32>
        %ne3A_483 = arith.constant 0 : i32
        %ne3A_484 = vector.broadcast %ne3A_483 : i32 to vector<16xi32>
        %ne3A_485 = arith.cmpi ne, %rem3A_482, %ne3A_484 : vector<16xi32>
        %lt3A_486 = arith.constant 0 : i32
        %lt3A_487 = vector.broadcast %lt3A_486 : i32 to vector<16xi32>
        %lt3A_488 = arith.cmpi slt, %rem3A_482, %lt3A_487 : vector<16xi32>
        %lt3A_489 = arith.constant 0 : i32
        %lt3A_490 = arith.cmpi slt, %select_n3A_480, %lt3A_489 : i32
        %ne3A_491 = vector.broadcast %lt3A_490 : i1 to vector<16xi1>
        %ne3A_492 = vector.broadcast %ne3A_491 : vector<16xi1> to vector<16xi1>
        %ne3A_493 = arith.xori %lt3A_488, %ne3A_492 : vector<16xi1>
        %and3A_494 = arith.andi %ne3A_493, %ne3A_485 : vector<16xi1>
        %add3A_495 = vector.broadcast %select_n3A_480 : i32 to vector<16xi32>
        %add3A_496 = arith.addi %rem3A_482, %add3A_495 : vector<16xi32>
        %select_n3A_497 = arith.select %and3A_494, %add3A_496, %rem3A_482 : vector<16xi1>, vector<16xi32>
        %reshape3A_498 = vector.shape_cast %select_n3A_497 : vector<16xi32> to vector<16x1xi32>
        %gather3A_499 = vector.shape_cast %reshape3A_498 : vector<16x1xi32> to vector<16xi32>
        %gather3A_500 = tpu.dynamic_gather %add3A_472[%gather3A_499] in [0] : vector<16xf32>, vector<16xi32> -> vector<16xf32>
        %add3A_501 = arith.addf %add3A_472, %gather3A_500 : vector<16xf32>
        %add3A_502 = arith.constant 2 : i32
        %add3A_503 = vector.broadcast %add3A_502 : i32 to vector<16xi32>
        %add3A_504 = arith.addi %iota3A_452, %add3A_503 : vector<16xi32>
        %jit3A_505 = arith.constant 16 : i32
        %eq3A_506 = arith.constant 0 : i32
        %eq3A_507 = arith.cmpi eq, %jit3A_505, %eq3A_506 : i32
        %jit3A_508 = arith.constant 1 : i32
        %select_n3A_509 = arith.select %eq3A_507, %jit3A_508, %jit3A_505 : i32
        %rem3A_510 = vector.broadcast %select_n3A_509 : i32 to vector<16xi32>
        %rem3A_511 = arith.remsi %add3A_504, %rem3A_510 : vector<16xi32>
        %ne3A_512 = arith.constant 0 : i32
        %ne3A_513 = vector.broadcast %ne3A_512 : i32 to vector<16xi32>
        %ne3A_514 = arith.cmpi ne, %rem3A_511, %ne3A_513 : vector<16xi32>
        %lt3A_515 = arith.constant 0 : i32
        %lt3A_516 = vector.broadcast %lt3A_515 : i32 to vector<16xi32>
        %lt3A_517 = arith.cmpi slt, %rem3A_511, %lt3A_516 : vector<16xi32>
        %lt3A_518 = arith.constant 0 : i32
        %lt3A_519 = arith.cmpi slt, %select_n3A_509, %lt3A_518 : i32
        %ne3A_520 = vector.broadcast %lt3A_519 : i1 to vector<16xi1>
        %ne3A_521 = vector.broadcast %ne3A_520 : vector<16xi1> to vector<16xi1>
        %ne3A_522 = arith.xori %lt3A_517, %ne3A_521 : vector<16xi1>
        %and3A_523 = arith.andi %ne3A_522, %ne3A_514 : vector<16xi1>
        %add3A_524 = vector.broadcast %select_n3A_509 : i32 to vector<16xi32>
        %add3A_525 = arith.addi %rem3A_511, %add3A_524 : vector<16xi32>
        %select_n3A_526 = arith.select %and3A_523, %add3A_525, %rem3A_511 : vector<16xi1>, vector<16xi32>
        %reshape3A_527 = vector.shape_cast %select_n3A_526 : vector<16xi32> to vector<16x1xi32>
        %gather3A_528 = vector.shape_cast %reshape3A_527 : vector<16x1xi32> to vector<16xi32>
        %gather3A_529 = tpu.dynamic_gather %add3A_501[%gather3A_528] in [0] : vector<16xf32>, vector<16xi32> -> vector<16xf32>
        %add3A_530 = arith.addf %add3A_501, %gather3A_529 : vector<16xf32>
        %add3A_531 = arith.constant 1 : i32
        %add3A_532 = vector.broadcast %add3A_531 : i32 to vector<16xi32>
        %add3A_533 = arith.addi %iota3A_452, %add3A_532 : vector<16xi32>
        %jit3A_534 = arith.constant 16 : i32
        %eq3A_535 = arith.constant 0 : i32
        %eq3A_536 = arith.cmpi eq, %jit3A_534, %eq3A_535 : i32
        %jit3A_537 = arith.constant 1 : i32
        %select_n3A_538 = arith.select %eq3A_536, %jit3A_537, %jit3A_534 : i32
        %rem3A_539 = vector.broadcast %select_n3A_538 : i32 to vector<16xi32>
        %rem3A_540 = arith.remsi %add3A_533, %rem3A_539 : vector<16xi32>
        %ne3A_541 = arith.constant 0 : i32
        %ne3A_542 = vector.broadcast %ne3A_541 : i32 to vector<16xi32>
        %ne3A_543 = arith.cmpi ne, %rem3A_540, %ne3A_542 : vector<16xi32>
        %lt3A_544 = arith.constant 0 : i32
        %lt3A_545 = vector.broadcast %lt3A_544 : i32 to vector<16xi32>
        %lt3A_546 = arith.cmpi slt, %rem3A_540, %lt3A_545 : vector<16xi32>
        %lt3A_547 = arith.constant 0 : i32
        %lt3A_548 = arith.cmpi slt, %select_n3A_538, %lt3A_547 : i32
        %ne3A_549 = vector.broadcast %lt3A_548 : i1 to vector<16xi1>
        %ne3A_550 = vector.broadcast %ne3A_549 : vector<16xi1> to vector<16xi1>
        %ne3A_551 = arith.xori %lt3A_546, %ne3A_550 : vector<16xi1>
        %and3A_552 = arith.andi %ne3A_551, %ne3A_543 : vector<16xi1>
        %add3A_553 = vector.broadcast %select_n3A_538 : i32 to vector<16xi32>
        %add3A_554 = arith.addi %rem3A_540, %add3A_553 : vector<16xi32>
        %select_n3A_555 = arith.select %and3A_552, %add3A_554, %rem3A_540 : vector<16xi1>, vector<16xi32>
        %reshape3A_556 = vector.shape_cast %select_n3A_555 : vector<16xi32> to vector<16x1xi32>
        %gather3A_557 = vector.shape_cast %reshape3A_556 : vector<16x1xi32> to vector<16xi32>
        %gather3A_558 = tpu.dynamic_gather %add3A_530[%gather3A_557] in [0] : vector<16xf32>, vector<16xi32> -> vector<16xf32>
        %add3A_559 = arith.addf %add3A_530, %gather3A_558 : vector<16xf32>
        %add3A_560 = arith.addf %sub3A, %get3A_413 : vector<16xf32>
        %mul3A_561 = arith.mulf %add3A_559, %get3A_429 : vector<16xf32>
        %sub3A_562 = arith.subf %add3A_560, %mul3A_561 : vector<16xf32>
        %abs3A = math.absf %sub3A_562 : vector<16xf32>
        %add3A_563 = arith.addf %sub3A_442, %get3A_417 : vector<16xf32>
        %mul3A_564 = arith.mulf %add3A_559, %get3A_433 : vector<16xf32>
        %sub3A_565 = arith.subf %add3A_563, %mul3A_564 : vector<16xf32>
        %abs3A_566 = math.absf %sub3A_565 : vector<16xf32>
        %add3A_567 = arith.addf %abs3A, %abs3A_566 : vector<16xf32>
        %add3A_568 = arith.addf %sub3A_443, %get3A_421 : vector<16xf32>
        %mul3A_569 = arith.mulf %add3A_559, %get3A_437 : vector<16xf32>
        %sub3A_570 = arith.subf %add3A_568, %mul3A_569 : vector<16xf32>
        %abs3A_571 = math.absf %sub3A_570 : vector<16xf32>
        %add3A_572 = arith.addf %add3A_567, %abs3A_571 : vector<16xf32>
        %add3A_573 = arith.addf %sub3A_444, %get3A_425 : vector<16xf32>
        %mul3A_574 = arith.mulf %add3A_559, %get3A_441 : vector<16xf32>
        %sub3A_575 = arith.subf %add3A_573, %mul3A_574 : vector<16xf32>
        %abs3A_576 = math.absf %sub3A_575 : vector<16xf32>
        %add3A_577 = arith.addf %add3A_572, %abs3A_576 : vector<16xf32>
        %eq3A_578 = vector.broadcast %scan3A_374 : i32 to vector<16xi32>
        %eq3A_579 = arith.cmpi eq, %iota3A, %eq3A_578 : vector<16xi32>
        %iota3A_580 = tpu.iota {dimensions = array<i32: 0>} : vector<16xi32>
        %add3A_581 = arith.constant 8 : i32
        %add3A_582 = vector.broadcast %add3A_581 : i32 to vector<16xi32>
        %add3A_583 = arith.addi %iota3A_580, %add3A_582 : vector<16xi32>
        %jit3A_584 = arith.constant 16 : i32
        %eq3A_585 = arith.constant 0 : i32
        %eq3A_586 = arith.cmpi eq, %jit3A_584, %eq3A_585 : i32
        %jit3A_587 = arith.constant 1 : i32
        %select_n3A_588 = arith.select %eq3A_586, %jit3A_587, %jit3A_584 : i32
        %rem3A_589 = vector.broadcast %select_n3A_588 : i32 to vector<16xi32>
        %rem3A_590 = arith.remsi %add3A_583, %rem3A_589 : vector<16xi32>
        %ne3A_591 = arith.constant 0 : i32
        %ne3A_592 = vector.broadcast %ne3A_591 : i32 to vector<16xi32>
        %ne3A_593 = arith.cmpi ne, %rem3A_590, %ne3A_592 : vector<16xi32>
        %lt3A_594 = arith.constant 0 : i32
        %lt3A_595 = vector.broadcast %lt3A_594 : i32 to vector<16xi32>
        %lt3A_596 = arith.cmpi slt, %rem3A_590, %lt3A_595 : vector<16xi32>
        %lt3A_597 = arith.constant 0 : i32
        %lt3A_598 = arith.cmpi slt, %select_n3A_588, %lt3A_597 : i32
        %ne3A_599 = vector.broadcast %lt3A_598 : i1 to vector<16xi1>
        %ne3A_600 = vector.broadcast %ne3A_599 : vector<16xi1> to vector<16xi1>
        %ne3A_601 = arith.xori %lt3A_596, %ne3A_600 : vector<16xi1>
        %and3A_602 = arith.andi %ne3A_601, %ne3A_593 : vector<16xi1>
        %add3A_603 = vector.broadcast %select_n3A_588 : i32 to vector<16xi32>
        %add3A_604 = arith.addi %rem3A_590, %add3A_603 : vector<16xi32>
        %select_n3A_605 = arith.select %and3A_602, %add3A_604, %rem3A_590 : vector<16xi1>, vector<16xi32>
        %reshape3A_606 = vector.shape_cast %select_n3A_605 : vector<16xi32> to vector<16x1xi32>
        %gather3A_607 = vector.shape_cast %reshape3A_606 : vector<16x1xi32> to vector<16xi32>
        %gather3A_608 = tpu.dynamic_gather %add3A_577[%gather3A_607] in [0] : vector<16xf32>, vector<16xi32> -> vector<16xf32>
        %add3A_609 = arith.addf %add3A_577, %gather3A_608 : vector<16xf32>
        %add3A_610 = arith.constant 4 : i32
        %add3A_611 = vector.broadcast %add3A_610 : i32 to vector<16xi32>
        %add3A_612 = arith.addi %iota3A_580, %add3A_611 : vector<16xi32>
        %jit3A_613 = arith.constant 16 : i32
        %eq3A_614 = arith.constant 0 : i32
        %eq3A_615 = arith.cmpi eq, %jit3A_613, %eq3A_614 : i32
        %jit3A_616 = arith.constant 1 : i32
        %select_n3A_617 = arith.select %eq3A_615, %jit3A_616, %jit3A_613 : i32
        %rem3A_618 = vector.broadcast %select_n3A_617 : i32 to vector<16xi32>
        %rem3A_619 = arith.remsi %add3A_612, %rem3A_618 : vector<16xi32>
        %ne3A_620 = arith.constant 0 : i32
        %ne3A_621 = vector.broadcast %ne3A_620 : i32 to vector<16xi32>
        %ne3A_622 = arith.cmpi ne, %rem3A_619, %ne3A_621 : vector<16xi32>
        %lt3A_623 = arith.constant 0 : i32
        %lt3A_624 = vector.broadcast %lt3A_623 : i32 to vector<16xi32>
        %lt3A_625 = arith.cmpi slt, %rem3A_619, %lt3A_624 : vector<16xi32>
        %lt3A_626 = arith.constant 0 : i32
        %lt3A_627 = arith.cmpi slt, %select_n3A_617, %lt3A_626 : i32
        %ne3A_628 = vector.broadcast %lt3A_627 : i1 to vector<16xi1>
        %ne3A_629 = vector.broadcast %ne3A_628 : vector<16xi1> to vector<16xi1>
        %ne3A_630 = arith.xori %lt3A_625, %ne3A_629 : vector<16xi1>
        %and3A_631 = arith.andi %ne3A_630, %ne3A_622 : vector<16xi1>
        %add3A_632 = vector.broadcast %select_n3A_617 : i32 to vector<16xi32>
        %add3A_633 = arith.addi %rem3A_619, %add3A_632 : vector<16xi32>
        %select_n3A_634 = arith.select %and3A_631, %add3A_633, %rem3A_619 : vector<16xi1>, vector<16xi32>
        %reshape3A_635 = vector.shape_cast %select_n3A_634 : vector<16xi32> to vector<16x1xi32>
        %gather3A_636 = vector.shape_cast %reshape3A_635 : vector<16x1xi32> to vector<16xi32>
        %gather3A_637 = tpu.dynamic_gather %add3A_609[%gather3A_636] in [0] : vector<16xf32>, vector<16xi32> -> vector<16xf32>
        %add3A_638 = arith.addf %add3A_609, %gather3A_637 : vector<16xf32>
        %add3A_639 = arith.constant 2 : i32
        %add3A_640 = vector.broadcast %add3A_639 : i32 to vector<16xi32>
        %add3A_641 = arith.addi %iota3A_580, %add3A_640 : vector<16xi32>
        %jit3A_642 = arith.constant 16 : i32
        %eq3A_643 = arith.constant 0 : i32
        %eq3A_644 = arith.cmpi eq, %jit3A_642, %eq3A_643 : i32
        %jit3A_645 = arith.constant 1 : i32
        %select_n3A_646 = arith.select %eq3A_644, %jit3A_645, %jit3A_642 : i32
        %rem3A_647 = vector.broadcast %select_n3A_646 : i32 to vector<16xi32>
        %rem3A_648 = arith.remsi %add3A_641, %rem3A_647 : vector<16xi32>
        %ne3A_649 = arith.constant 0 : i32
        %ne3A_650 = vector.broadcast %ne3A_649 : i32 to vector<16xi32>
        %ne3A_651 = arith.cmpi ne, %rem3A_648, %ne3A_650 : vector<16xi32>
        %lt3A_652 = arith.constant 0 : i32
        %lt3A_653 = vector.broadcast %lt3A_652 : i32 to vector<16xi32>
        %lt3A_654 = arith.cmpi slt, %rem3A_648, %lt3A_653 : vector<16xi32>
        %lt3A_655 = arith.constant 0 : i32
        %lt3A_656 = arith.cmpi slt, %select_n3A_646, %lt3A_655 : i32
        %ne3A_657 = vector.broadcast %lt3A_656 : i1 to vector<16xi1>
        %ne3A_658 = vector.broadcast %ne3A_657 : vector<16xi1> to vector<16xi1>
        %ne3A_659 = arith.xori %lt3A_654, %ne3A_658 : vector<16xi1>
        %and3A_660 = arith.andi %ne3A_659, %ne3A_651 : vector<16xi1>
        %add3A_661 = vector.broadcast %select_n3A_646 : i32 to vector<16xi32>
        %add3A_662 = arith.addi %rem3A_648, %add3A_661 : vector<16xi32>
        %select_n3A_663 = arith.select %and3A_660, %add3A_662, %rem3A_648 : vector<16xi1>, vector<16xi32>
        %reshape3A_664 = vector.shape_cast %select_n3A_663 : vector<16xi32> to vector<16x1xi32>
        %gather3A_665 = vector.shape_cast %reshape3A_664 : vector<16x1xi32> to vector<16xi32>
        %gather3A_666 = tpu.dynamic_gather %add3A_638[%gather3A_665] in [0] : vector<16xf32>, vector<16xi32> -> vector<16xf32>
        %add3A_667 = arith.addf %add3A_638, %gather3A_666 : vector<16xf32>
        %add3A_668 = arith.constant 1 : i32
        %add3A_669 = vector.broadcast %add3A_668 : i32 to vector<16xi32>
        %add3A_670 = arith.addi %iota3A_580, %add3A_669 : vector<16xi32>
        %jit3A_671 = arith.constant 16 : i32
        %eq3A_672 = arith.constant 0 : i32
        %eq3A_673 = arith.cmpi eq, %jit3A_671, %eq3A_672 : i32
        %jit3A_674 = arith.constant 1 : i32
        %select_n3A_675 = arith.select %eq3A_673, %jit3A_674, %jit3A_671 : i32
        %rem3A_676 = vector.broadcast %select_n3A_675 : i32 to vector<16xi32>
        %rem3A_677 = arith.remsi %add3A_670, %rem3A_676 : vector<16xi32>
        %ne3A_678 = arith.constant 0 : i32
        %ne3A_679 = vector.broadcast %ne3A_678 : i32 to vector<16xi32>
        %ne3A_680 = arith.cmpi ne, %rem3A_677, %ne3A_679 : vector<16xi32>
        %lt3A_681 = arith.constant 0 : i32
        %lt3A_682 = vector.broadcast %lt3A_681 : i32 to vector<16xi32>
        %lt3A_683 = arith.cmpi slt, %rem3A_677, %lt3A_682 : vector<16xi32>
        %lt3A_684 = arith.constant 0 : i32
        %lt3A_685 = arith.cmpi slt, %select_n3A_675, %lt3A_684 : i32
        %ne3A_686 = vector.broadcast %lt3A_685 : i1 to vector<16xi1>
        %ne3A_687 = vector.broadcast %ne3A_686 : vector<16xi1> to vector<16xi1>
        %ne3A_688 = arith.xori %lt3A_683, %ne3A_687 : vector<16xi1>
        %and3A_689 = arith.andi %ne3A_688, %ne3A_680 : vector<16xi1>
        %add3A_690 = vector.broadcast %select_n3A_675 : i32 to vector<16xi32>
        %add3A_691 = arith.addi %rem3A_677, %add3A_690 : vector<16xi32>
        %select_n3A_692 = arith.select %and3A_689, %add3A_691, %rem3A_677 : vector<16xi1>, vector<16xi32>
        %reshape3A_693 = vector.shape_cast %select_n3A_692 : vector<16xi32> to vector<16x1xi32>
        %gather3A_694 = vector.shape_cast %reshape3A_693 : vector<16x1xi32> to vector<16xi32>
        %gather3A_695 = tpu.dynamic_gather %add3A_667[%gather3A_694] in [0] : vector<16xf32>, vector<16xi32> -> vector<16xf32>
        %add3A_696 = arith.addf %add3A_667, %gather3A_695 : vector<16xf32>
        %select_n3A_697 = arith.select %eq3A_579, %add3A_696, %scan3A_375 : vector<16xi1>, vector<16xf32>
        scf.yield %select_n3A_697 : vector<16xf32>
      }
      %scan3A_364 = arith.constant 16 : i32
      %mul3A_365 = arith.constant 16 : i32
      %mul3A_366 = arith.muli %scan3A_355, %mul3A_365 : i32
      %add3A_367 = arith.constant 128 : i32
      %add3A_368 = arith.addi %add3A_367, %mul3A_366 : i32
      %swap3A_369 = arith.index_cast %add3A_368 : i32 to index
      %swap3A_370 = tpu.vector_load %arg22[%swap3A_369] {strides = array<i32>} : memref<512xf32, #tpu.memory_space<vmem>>, vector<16xf32>,
      %swap3A_371 = vector.shape_cast %swap3A_370 : vector<16xf32> to vector<16xf32>
      %swap3A_372 = vector.shape_cast %scan3A_363 : vector<16xf32> to vector<16xf32>
      tpu.vector_store %arg22[%swap3A_369], %swap3A_372 {strides = array<i32>} : memref<512xf32, #tpu.memory_space<vmem>>, vector<16xf32>,
      %scan3A_373 = arith.constant 0 : i32
      scf.yield %scan3A_373 : i32
    }
    %scan3A_276 = arith.constant 8 : i32
    %dma_start3A_277 = arith.constant 384 : i32
    %dma_start3A_278 = tpu.memref_slice %arg11[%dma_start3A_277] : memref<512xi32, #tpu.memory_space<vmem>> -> memref<128xi32, #tpu.memory_space<vmem>>
    %dma_start3A_279 = arith.constant 0 : i32
    %dma_start3A_280 = arith.constant 0 : i32
    %dma_start3A_281 = tpu.memref_slice %arg4[%dma_start3A_279, %dma_start3A_280] : memref<1000x64xf32, #tpu.memory_space<hbm>> -> memref<1000x64xf32, #tpu.memory_space<hbm>>
    tpu.enqueue_indirect_dma source(%dma_start3A_281 : memref<1000x64xf32, #tpu.memory_space<hbm>>) target(%arg18 : memref<128x64xf32, #tpu.memory_space<vmem>>) offsets(%dma_start3A_278 : memref<128xi32, #tpu.memory_space<vmem>>) semaphore(%arg26 : memref<!tpu.dma_semaphore, #tpu.memory_space<semaphore_mem>>)
    %dma_start3A_282 = arith.constant 384 : i32
    %dma_start3A_283 = tpu.memref_slice %arg13[%dma_start3A_282] : memref<512xi32, #tpu.memory_space<vmem>> -> memref<128xi32, #tpu.memory_space<vmem>>
    %dma_start3A_284 = arith.constant 0 : i32
    %dma_start3A_285 = arith.constant 0 : i32
    %dma_start3A_286 = tpu.memref_slice %arg4[%dma_start3A_284, %dma_start3A_285] : memref<1000x64xf32, #tpu.memory_space<hbm>> -> memref<1000x64xf32, #tpu.memory_space<hbm>>
    tpu.enqueue_indirect_dma source(%dma_start3A_286 : memref<1000x64xf32, #tpu.memory_space<hbm>>) target(%arg19 : memref<128x64xf32, #tpu.memory_space<vmem>>) offsets(%dma_start3A_283 : memref<128xi32, #tpu.memory_space<vmem>>) semaphore(%arg26 : memref<!tpu.dma_semaphore, #tpu.memory_space<semaphore_mem>>)
    %dma_start3A_287 = arith.constant 384 : i32
    %dma_start3A_288 = tpu.memref_slice %arg12[%dma_start3A_287] : memref<512xi32, #tpu.memory_space<vmem>> -> memref<128xi32, #tpu.memory_space<vmem>>
    %dma_start3A_289 = arith.constant 0 : i32
    %dma_start3A_290 = arith.constant 0 : i32
    %dma_start3A_291 = tpu.memref_slice %arg5[%dma_start3A_289, %dma_start3A_290] : memref<1000x128xf32, #tpu.memory_space<hbm>> -> memref<1000x128xf32, #tpu.memory_space<hbm>>
    tpu.enqueue_indirect_dma source(%dma_start3A_291 : memref<1000x128xf32, #tpu.memory_space<hbm>>) target(%arg20 : memref<128x128xf32, #tpu.memory_space<vmem>>) offsets(%dma_start3A_288 : memref<128xi32, #tpu.memory_space<vmem>>) semaphore(%arg26 : memref<!tpu.dma_semaphore, #tpu.memory_space<semaphore_mem>>)
    %dma_wait3A_292 = arith.constant 256 : i32
    %dma_wait3A_293 = tpu.memref_slice %arg11[%dma_wait3A_292] : memref<512xi32, #tpu.memory_space<vmem>> -> memref<128xi32, #tpu.memory_space<vmem>>
    %dma_wait3A_294 = arith.constant 0 : i32
    %dma_wait3A_295 = arith.constant 0 : i32
    %dma_wait3A_296 = tpu.memref_slice %arg4[%dma_wait3A_294, %dma_wait3A_295] : memref<1000x64xf32, #tpu.memory_space<hbm>> -> memref<1000x64xf32, #tpu.memory_space<hbm>>
    tpu.wait_indirect_dma semaphore(%arg25 : memref<!tpu.dma_semaphore, #tpu.memory_space<semaphore_mem>>) src(%dma_wait3A_296 : memref<1000x64xf32, #tpu.memory_space<hbm>>) dst(%arg15 : memref<128x64xf32, #tpu.memory_space<vmem>>)
    %dma_wait3A_297 = arith.constant 256 : i32
    %dma_wait3A_298 = tpu.memref_slice %arg13[%dma_wait3A_297] : memref<512xi32, #tpu.memory_space<vmem>> -> memref<128xi32, #tpu.memory_space<vmem>>
    %dma_wait3A_299 = arith.constant 0 : i32
    %dma_wait3A_300 = arith.constant 0 : i32
    %dma_wait3A_301 = tpu.memref_slice %arg4[%dma_wait3A_299, %dma_wait3A_300] : memref<1000x64xf32, #tpu.memory_space<hbm>> -> memref<1000x64xf32, #tpu.memory_space<hbm>>
    tpu.wait_indirect_dma semaphore(%arg25 : memref<!tpu.dma_semaphore, #tpu.memory_space<semaphore_mem>>) src(%dma_wait3A_301 : memref<1000x64xf32, #tpu.memory_space<hbm>>) dst(%arg16 : memref<128x64xf32, #tpu.memory_space<vmem>>)
    %dma_wait3A_302 = arith.constant 256 : i32
    %dma_wait3A_303 = tpu.memref_slice %arg12[%dma_wait3A_302] : memref<512xi32, #tpu.memory_space<vmem>> -> memref<128xi32, #tpu.memory_space<vmem>>
    %dma_wait3A_304 = arith.constant 0 : i32
    %dma_wait3A_305 = arith.constant 0 : i32
    %dma_wait3A_306 = tpu.memref_slice %arg5[%dma_wait3A_304, %dma_wait3A_305] : memref<1000x128xf32, #tpu.memory_space<hbm>> -> memref<1000x128xf32, #tpu.memory_space<hbm>>
    tpu.wait_indirect_dma semaphore(%arg25 : memref<!tpu.dma_semaphore, #tpu.memory_space<semaphore_mem>>) src(%dma_wait3A_306 : memref<1000x128xf32, #tpu.memory_space<hbm>>) dst(%arg17 : memref<128x128xf32, #tpu.memory_space<vmem>>)
    %scan3A_307 = arith.constant 0 : i32
    %scan3A_308 = arith.constant 0 : i32
    %scan3A_309 = arith.constant 8 : i32
    %scan3A_310 = arith.addi %scan3A_308, %scan3A_309 : i32
    %scan3A_311 = arith.constant 1 : i32
    %scan3A_312 = scf.for %scan3A_355 = %scan3A_308 to %scan3A_310 step %scan3A_311 iter_args(%scan3A_356 = %scan3A_307) -> (i32)  : i32 {
      %broadcast_in_dim3A_357 = arith.constant 0.000000e+00 : f32
      %broadcast_in_dim3A_358 = vector.broadcast %broadcast_in_dim3A_357 : f32 to vector<16xf32>
      %scan3A_359 = arith.constant 0 : i32
      %scan3A_360 = arith.constant 16 : i32
      %scan3A_361 = arith.addi %scan3A_359, %scan3A_360 : i32
      %scan3A_362 = arith.constant 1 : i32
      %scan3A_363 = scf.for %scan3A_374 = %scan3A_359 to %scan3A_361 step %scan3A_362 iter_args(%scan3A_375 = %broadcast_in_dim3A_358) -> (vector<16xf32>)  : i32 {
        %mul3A_376 = arith.constant 16 : i32
        %mul3A_377 = arith.muli %scan3A_355, %mul3A_376 : i32
        %add3A_378 = arith.addi %mul3A_377, %scan3A_374 : i32
        %get3A = arith.index_cast %add3A_378 : i32 to index
        %get3A_379 = arith.constant 0 : index
        %get3A_380 = tpu.vector_load %arg15[%get3A, %get3A_379] {strides = array<i32>} : memref<128x64xf32, #tpu.memory_space<vmem>>, vector<1x16xf32>,
        %get3A_381 = vector.shape_cast %get3A_380 : vector<1x16xf32> to vector<16xf32>
        %get3A_382 = arith.index_cast %add3A_378 : i32 to index
        %get3A_383 = arith.constant 16 : index
        %get3A_384 = tpu.vector_load %arg15[%get3A_382, %get3A_383] {strides = array<i32>} : memref<128x64xf32, #tpu.memory_space<vmem>>, vector<1x16xf32>,
        %get3A_385 = vector.shape_cast %get3A_384 : vector<1x16xf32> to vector<16xf32>
        %get3A_386 = arith.index_cast %add3A_378 : i32 to index
        %get3A_387 = arith.constant 32 : index
        %get3A_388 = tpu.vector_load %arg15[%get3A_386, %get3A_387] {strides = array<i32>} : memref<128x64xf32, #tpu.memory_space<vmem>>, vector<1x16xf32>,
        %get3A_389 = vector.shape_cast %get3A_388 : vector<1x16xf32> to vector<16xf32>
        %get3A_390 = arith.index_cast %add3A_378 : i32 to index
        %get3A_391 = arith.constant 48 : index
        %get3A_392 = tpu.vector_load %arg15[%get3A_390, %get3A_391] {strides = array<i32>} : memref<128x64xf32, #tpu.memory_space<vmem>>, vector<1x16xf32>,
        %get3A_393 = vector.shape_cast %get3A_392 : vector<1x16xf32> to vector<16xf32>
        %get3A_394 = arith.index_cast %add3A_378 : i32 to index
        %get3A_395 = arith.constant 0 : index
        %get3A_396 = tpu.vector_load %arg16[%get3A_394, %get3A_395] {strides = array<i32>} : memref<128x64xf32, #tpu.memory_space<vmem>>, vector<1x16xf32>,
        %get3A_397 = vector.shape_cast %get3A_396 : vector<1x16xf32> to vector<16xf32>
        %get3A_398 = arith.index_cast %add3A_378 : i32 to index
        %get3A_399 = arith.constant 16 : index
        %get3A_400 = tpu.vector_load %arg16[%get3A_398, %get3A_399] {strides = array<i32>} : memref<128x64xf32, #tpu.memory_space<vmem>>, vector<1x16xf32>,
        %get3A_401 = vector.shape_cast %get3A_400 : vector<1x16xf32> to vector<16xf32>
        %get3A_402 = arith.index_cast %add3A_378 : i32 to index
        %get3A_403 = arith.constant 32 : index
        %get3A_404 = tpu.vector_load %arg16[%get3A_402, %get3A_403] {strides = array<i32>} : memref<128x64xf32, #tpu.memory_space<vmem>>, vector<1x16xf32>,
        %get3A_405 = vector.shape_cast %get3A_404 : vector<1x16xf32> to vector<16xf32>
        %get3A_406 = arith.index_cast %add3A_378 : i32 to index
        %get3A_407 = arith.constant 48 : index
        %get3A_408 = tpu.vector_load %arg16[%get3A_406, %get3A_407] {strides = array<i32>} : memref<128x64xf32, #tpu.memory_space<vmem>>, vector<1x16xf32>,
        %get3A_409 = vector.shape_cast %get3A_408 : vector<1x16xf32> to vector<16xf32>
        %get3A_410 = arith.index_cast %add3A_378 : i32 to index
        %get3A_411 = arith.constant 0 : index
        %get3A_412 = tpu.vector_load %arg17[%get3A_410, %get3A_411] {strides = array<i32>} : memref<128x128xf32, #tpu.memory_space<vmem>>, vector<1x16xf32>,
        %get3A_413 = vector.shape_cast %get3A_412 : vector<1x16xf32> to vector<16xf32>
        %get3A_414 = arith.index_cast %add3A_378 : i32 to index
        %get3A_415 = arith.constant 16 : index
        %get3A_416 = tpu.vector_load %arg17[%get3A_414, %get3A_415] {strides = array<i32>} : memref<128x128xf32, #tpu.memory_space<vmem>>, vector<1x16xf32>,
        %get3A_417 = vector.shape_cast %get3A_416 : vector<1x16xf32> to vector<16xf32>
        %get3A_418 = arith.index_cast %add3A_378 : i32 to index
        %get3A_419 = arith.constant 32 : index
        %get3A_420 = tpu.vector_load %arg17[%get3A_418, %get3A_419] {strides = array<i32>} : memref<128x128xf32, #tpu.memory_space<vmem>>, vector<1x16xf32>,
        %get3A_421 = vector.shape_cast %get3A_420 : vector<1x16xf32> to vector<16xf32>
        %get3A_422 = arith.index_cast %add3A_378 : i32 to index
        %get3A_423 = arith.constant 48 : index
        %get3A_424 = tpu.vector_load %arg17[%get3A_422, %get3A_423] {strides = array<i32>} : memref<128x128xf32, #tpu.memory_space<vmem>>, vector<1x16xf32>,
        %get3A_425 = vector.shape_cast %get3A_424 : vector<1x16xf32> to vector<16xf32>
        %get3A_426 = arith.index_cast %add3A_378 : i32 to index
        %get3A_427 = arith.constant 64 : index
        %get3A_428 = tpu.vector_load %arg17[%get3A_426, %get3A_427] {strides = array<i32>} : memref<128x128xf32, #tpu.memory_space<vmem>>, vector<1x16xf32>,
        %get3A_429 = vector.shape_cast %get3A_428 : vector<1x16xf32> to vector<16xf32>
        %get3A_430 = arith.index_cast %add3A_378 : i32 to index
        %get3A_431 = arith.constant 80 : index
        %get3A_432 = tpu.vector_load %arg17[%get3A_430, %get3A_431] {strides = array<i32>} : memref<128x128xf32, #tpu.memory_space<vmem>>, vector<1x16xf32>,
        %get3A_433 = vector.shape_cast %get3A_432 : vector<1x16xf32> to vector<16xf32>
        %get3A_434 = arith.index_cast %add3A_378 : i32 to index
        %get3A_435 = arith.constant 96 : index
        %get3A_436 = tpu.vector_load %arg17[%get3A_434, %get3A_435] {strides = array<i32>} : memref<128x128xf32, #tpu.memory_space<vmem>>, vector<1x16xf32>,
        %get3A_437 = vector.shape_cast %get3A_436 : vector<1x16xf32> to vector<16xf32>
        %get3A_438 = arith.index_cast %add3A_378 : i32 to index
        %get3A_439 = arith.constant 112 : index
        %get3A_440 = tpu.vector_load %arg17[%get3A_438, %get3A_439] {strides = array<i32>} : memref<128x128xf32, #tpu.memory_space<vmem>>, vector<1x16xf32>,
        %get3A_441 = vector.shape_cast %get3A_440 : vector<1x16xf32> to vector<16xf32>
        %sub3A = arith.subf %get3A_381, %get3A_397 : vector<16xf32>
        %sub3A_442 = arith.subf %get3A_385, %get3A_401 : vector<16xf32>
        %sub3A_443 = arith.subf %get3A_389, %get3A_405 : vector<16xf32>
        %sub3A_444 = arith.subf %get3A_393, %get3A_409 : vector<16xf32>
        %mul3A_445 = arith.mulf %sub3A, %get3A_429 : vector<16xf32>
        %mul3A_446 = arith.mulf %sub3A_442, %get3A_433 : vector<16xf32>
        %add3A_447 = arith.addf %mul3A_445, %mul3A_446 : vector<16xf32>
        %mul3A_448 = arith.mulf %sub3A_443, %get3A_437 : vector<16xf32>
        %add3A_449 = arith.addf %add3A_447, %mul3A_448 : vector<16xf32>
        %mul3A_450 = arith.mulf %sub3A_444, %get3A_441 : vector<16xf32>
        %add3A_451 = arith.addf %add3A_449, %mul3A_450 : vector<16xf32>
        %iota3A_452 = tpu.iota {dimensions = array<i32: 0>} : vector<16xi32>
        %add3A_453 = arith.constant 8 : i32
        %add3A_454 = vector.broadcast %add3A_453 : i32 to vector<16xi32>
        %add3A_455 = arith.addi %iota3A_452, %add3A_454 : vector<16xi32>
        %jit3A = arith.constant 16 : i32
        %eq3A = arith.constant 0 : i32
        %eq3A_456 = arith.cmpi eq, %jit3A, %eq3A : i32
        %jit3A_457 = arith.constant 1 : i32
        %select_n3A = arith.select %eq3A_456, %jit3A_457, %jit3A : i32
        %rem3A = vector.broadcast %select_n3A : i32 to vector<16xi32>
        %rem3A_458 = arith.remsi %add3A_455, %rem3A : vector<16xi32>
        %ne3A = arith.constant 0 : i32
        %ne3A_459 = vector.broadcast %ne3A : i32 to vector<16xi32>
        %ne3A_460 = arith.cmpi ne, %rem3A_458, %ne3A_459 : vector<16xi32>
        %lt3A = arith.constant 0 : i32
        %lt3A_461 = vector.broadcast %lt3A : i32 to vector<16xi32>
        %lt3A_462 = arith.cmpi slt, %rem3A_458, %lt3A_461 : vector<16xi32>
        %lt3A_463 = arith.constant 0 : i32
        %lt3A_464 = arith.cmpi slt, %select_n3A, %lt3A_463 : i32
        %ne3A_465 = vector.broadcast %lt3A_464 : i1 to vector<16xi1>
        %ne3A_466 = vector.broadcast %ne3A_465 : vector<16xi1> to vector<16xi1>
        %ne3A_467 = arith.xori %lt3A_462, %ne3A_466 : vector<16xi1>
        %and3A = arith.andi %ne3A_467, %ne3A_460 : vector<16xi1>
        %add3A_468 = vector.broadcast %select_n3A : i32 to vector<16xi32>
        %add3A_469 = arith.addi %rem3A_458, %add3A_468 : vector<16xi32>
        %select_n3A_470 = arith.select %and3A, %add3A_469, %rem3A_458 : vector<16xi1>, vector<16xi32>
        %reshape3A = vector.shape_cast %select_n3A_470 : vector<16xi32> to vector<16x1xi32>
        %gather3A = vector.shape_cast %reshape3A : vector<16x1xi32> to vector<16xi32>
        %gather3A_471 = tpu.dynamic_gather %add3A_451[%gather3A] in [0] : vector<16xf32>, vector<16xi32> -> vector<16xf32>
        %add3A_472 = arith.addf %add3A_451, %gather3A_471 : vector<16xf32>
        %add3A_473 = arith.constant 4 : i32
        %add3A_474 = vector.broadcast %add3A_473 : i32 to vector<16xi32>
        %add3A_475 = arith.addi %iota3A_452, %add3A_474 : vector<16xi32>
        %jit3A_476 = arith.constant 16 : i32
        %eq3A_477 = arith.constant 0 : i32
        %eq3A_478 = arith.cmpi eq, %jit3A_476, %eq3A_477 : i32
        %jit3A_479 = arith.constant 1 : i32
        %select_n3A_480 = arith.select %eq3A_478, %jit3A_479, %jit3A_476 : i32
        %rem3A_481 = vector.broadcast %select_n3A_480 : i32 to vector<16xi32>
        %rem3A_482 = arith.remsi %add3A_475, %rem3A_481 : vector<16xi32>
        %ne3A_483 = arith.constant 0 : i32
        %ne3A_484 = vector.broadcast %ne3A_483 : i32 to vector<16xi32>
        %ne3A_485 = arith.cmpi ne, %rem3A_482, %ne3A_484 : vector<16xi32>
        %lt3A_486 = arith.constant 0 : i32
        %lt3A_487 = vector.broadcast %lt3A_486 : i32 to vector<16xi32>
        %lt3A_488 = arith.cmpi slt, %rem3A_482, %lt3A_487 : vector<16xi32>
        %lt3A_489 = arith.constant 0 : i32
        %lt3A_490 = arith.cmpi slt, %select_n3A_480, %lt3A_489 : i32
        %ne3A_491 = vector.broadcast %lt3A_490 : i1 to vector<16xi1>
        %ne3A_492 = vector.broadcast %ne3A_491 : vector<16xi1> to vector<16xi1>
        %ne3A_493 = arith.xori %lt3A_488, %ne3A_492 : vector<16xi1>
        %and3A_494 = arith.andi %ne3A_493, %ne3A_485 : vector<16xi1>
        %add3A_495 = vector.broadcast %select_n3A_480 : i32 to vector<16xi32>
        %add3A_496 = arith.addi %rem3A_482, %add3A_495 : vector<16xi32>
        %select_n3A_497 = arith.select %and3A_494, %add3A_496, %rem3A_482 : vector<16xi1>, vector<16xi32>
        %reshape3A_498 = vector.shape_cast %select_n3A_497 : vector<16xi32> to vector<16x1xi32>
        %gather3A_499 = vector.shape_cast %reshape3A_498 : vector<16x1xi32> to vector<16xi32>
        %gather3A_500 = tpu.dynamic_gather %add3A_472[%gather3A_499] in [0] : vector<16xf32>, vector<16xi32> -> vector<16xf32>
        %add3A_501 = arith.addf %add3A_472, %gather3A_500 : vector<16xf32>
        %add3A_502 = arith.constant 2 : i32
        %add3A_503 = vector.broadcast %add3A_502 : i32 to vector<16xi32>
        %add3A_504 = arith.addi %iota3A_452, %add3A_503 : vector<16xi32>
        %jit3A_505 = arith.constant 16 : i32
        %eq3A_506 = arith.constant 0 : i32
        %eq3A_507 = arith.cmpi eq, %jit3A_505, %eq3A_506 : i32
        %jit3A_508 = arith.constant 1 : i32
        %select_n3A_509 = arith.select %eq3A_507, %jit3A_508, %jit3A_505 : i32
        %rem3A_510 = vector.broadcast %select_n3A_509 : i32 to vector<16xi32>
        %rem3A_511 = arith.remsi %add3A_504, %rem3A_510 : vector<16xi32>
        %ne3A_512 = arith.constant 0 : i32
        %ne3A_513 = vector.broadcast %ne3A_512 : i32 to vector<16xi32>
        %ne3A_514 = arith.cmpi ne, %rem3A_511, %ne3A_513 : vector<16xi32>
        %lt3A_515 = arith.constant 0 : i32
        %lt3A_516 = vector.broadcast %lt3A_515 : i32 to vector<16xi32>
        %lt3A_517 = arith.cmpi slt, %rem3A_511, %lt3A_516 : vector<16xi32>
        %lt3A_518 = arith.constant 0 : i32
        %lt3A_519 = arith.cmpi slt, %select_n3A_509, %lt3A_518 : i32
        %ne3A_520 = vector.broadcast %lt3A_519 : i1 to vector<16xi1>
        %ne3A_521 = vector.broadcast %ne3A_520 : vector<16xi1> to vector<16xi1>
        %ne3A_522 = arith.xori %lt3A_517, %ne3A_521 : vector<16xi1>
        %and3A_523 = arith.andi %ne3A_522, %ne3A_514 : vector<16xi1>
        %add3A_524 = vector.broadcast %select_n3A_509 : i32 to vector<16xi32>
        %add3A_525 = arith.addi %rem3A_511, %add3A_524 : vector<16xi32>
        %select_n3A_526 = arith.select %and3A_523, %add3A_525, %rem3A_511 : vector<16xi1>, vector<16xi32>
        %reshape3A_527 = vector.shape_cast %select_n3A_526 : vector<16xi32> to vector<16x1xi32>
        %gather3A_528 = vector.shape_cast %reshape3A_527 : vector<16x1xi32> to vector<16xi32>
        %gather3A_529 = tpu.dynamic_gather %add3A_501[%gather3A_528] in [0] : vector<16xf32>, vector<16xi32> -> vector<16xf32>
        %add3A_530 = arith.addf %add3A_501, %gather3A_529 : vector<16xf32>
        %add3A_531 = arith.constant 1 : i32
        %add3A_532 = vector.broadcast %add3A_531 : i32 to vector<16xi32>
        %add3A_533 = arith.addi %iota3A_452, %add3A_532 : vector<16xi32>
        %jit3A_534 = arith.constant 16 : i32
        %eq3A_535 = arith.constant 0 : i32
        %eq3A_536 = arith.cmpi eq, %jit3A_534, %eq3A_535 : i32
        %jit3A_537 = arith.constant 1 : i32
        %select_n3A_538 = arith.select %eq3A_536, %jit3A_537, %jit3A_534 : i32
        %rem3A_539 = vector.broadcast %select_n3A_538 : i32 to vector<16xi32>
        %rem3A_540 = arith.remsi %add3A_533, %rem3A_539 : vector<16xi32>
        %ne3A_541 = arith.constant 0 : i32
        %ne3A_542 = vector.broadcast %ne3A_541 : i32 to vector<16xi32>
        %ne3A_543 = arith.cmpi ne, %rem3A_540, %ne3A_542 : vector<16xi32>
        %lt3A_544 = arith.constant 0 : i32
        %lt3A_545 = vector.broadcast %lt3A_544 : i32 to vector<16xi32>
        %lt3A_546 = arith.cmpi slt, %rem3A_540, %lt3A_545 : vector<16xi32>
        %lt3A_547 = arith.constant 0 : i32
        %lt3A_548 = arith.cmpi slt, %select_n3A_538, %lt3A_547 : i32
        %ne3A_549 = vector.broadcast %lt3A_548 : i1 to vector<16xi1>
        %ne3A_550 = vector.broadcast %ne3A_549 : vector<16xi1> to vector<16xi1>
        %ne3A_551 = arith.xori %lt3A_546, %ne3A_550 : vector<16xi1>
        %and3A_552 = arith.andi %ne3A_551, %ne3A_543 : vector<16xi1>
        %add3A_553 = vector.broadcast %select_n3A_538 : i32 to vector<16xi32>
        %add3A_554 = arith.addi %rem3A_540, %add3A_553 : vector<16xi32>
        %select_n3A_555 = arith.select %and3A_552, %add3A_554, %rem3A_540 : vector<16xi1>, vector<16xi32>
        %reshape3A_556 = vector.shape_cast %select_n3A_555 : vector<16xi32> to vector<16x1xi32>
        %gather3A_557 = vector.shape_cast %reshape3A_556 : vector<16x1xi32> to vector<16xi32>
        %gather3A_558 = tpu.dynamic_gather %add3A_530[%gather3A_557] in [0] : vector<16xf32>, vector<16xi32> -> vector<16xf32>
        %add3A_559 = arith.addf %add3A_530, %gather3A_558 : vector<16xf32>
        %add3A_560 = arith.addf %sub3A, %get3A_413 : vector<16xf32>
        %mul3A_561 = arith.mulf %add3A_559, %get3A_429 : vector<16xf32>
        %sub3A_562 = arith.subf %add3A_560, %mul3A_561 : vector<16xf32>
        %abs3A = math.absf %sub3A_562 : vector<16xf32>
        %add3A_563 = arith.addf %sub3A_442, %get3A_417 : vector<16xf32>
        %mul3A_564 = arith.mulf %add3A_559, %get3A_433 : vector<16xf32>
        %sub3A_565 = arith.subf %add3A_563, %mul3A_564 : vector<16xf32>
        %abs3A_566 = math.absf %sub3A_565 : vector<16xf32>
        %add3A_567 = arith.addf %abs3A, %abs3A_566 : vector<16xf32>
        %add3A_568 = arith.addf %sub3A_443, %get3A_421 : vector<16xf32>
        %mul3A_569 = arith.mulf %add3A_559, %get3A_437 : vector<16xf32>
        %sub3A_570 = arith.subf %add3A_568, %mul3A_569 : vector<16xf32>
        %abs3A_571 = math.absf %sub3A_570 : vector<16xf32>
        %add3A_572 = arith.addf %add3A_567, %abs3A_571 : vector<16xf32>
        %add3A_573 = arith.addf %sub3A_444, %get3A_425 : vector<16xf32>
        %mul3A_574 = arith.mulf %add3A_559, %get3A_441 : vector<16xf32>
        %sub3A_575 = arith.subf %add3A_573, %mul3A_574 : vector<16xf32>
        %abs3A_576 = math.absf %sub3A_575 : vector<16xf32>
        %add3A_577 = arith.addf %add3A_572, %abs3A_576 : vector<16xf32>
        %eq3A_578 = vector.broadcast %scan3A_374 : i32 to vector<16xi32>
        %eq3A_579 = arith.cmpi eq, %iota3A, %eq3A_578 : vector<16xi32>
        %iota3A_580 = tpu.iota {dimensions = array<i32: 0>} : vector<16xi32>
        %add3A_581 = arith.constant 8 : i32
        %add3A_582 = vector.broadcast %add3A_581 : i32 to vector<16xi32>
        %add3A_583 = arith.addi %iota3A_580, %add3A_582 : vector<16xi32>
        %jit3A_584 = arith.constant 16 : i32
        %eq3A_585 = arith.constant 0 : i32
        %eq3A_586 = arith.cmpi eq, %jit3A_584, %eq3A_585 : i32
        %jit3A_587 = arith.constant 1 : i32
        %select_n3A_588 = arith.select %eq3A_586, %jit3A_587, %jit3A_584 : i32
        %rem3A_589 = vector.broadcast %select_n3A_588 : i32 to vector<16xi32>
        %rem3A_590 = arith.remsi %add3A_583, %rem3A_589 : vector<16xi32>
        %ne3A_591 = arith.constant 0 : i32
        %ne3A_592 = vector.broadcast %ne3A_591 : i32 to vector<16xi32>
        %ne3A_593 = arith.cmpi ne, %rem3A_590, %ne3A_592 : vector<16xi32>
        %lt3A_594 = arith.constant 0 : i32
        %lt3A_595 = vector.broadcast %lt3A_594 : i32 to vector<16xi32>
        %lt3A_596 = arith.cmpi slt, %rem3A_590, %lt3A_595 : vector<16xi32>
        %lt3A_597 = arith.constant 0 : i32
        %lt3A_598 = arith.cmpi slt, %select_n3A_588, %lt3A_597 : i32
        %ne3A_599 = vector.broadcast %lt3A_598 : i1 to vector<16xi1>
        %ne3A_600 = vector.broadcast %ne3A_599 : vector<16xi1> to vector<16xi1>
        %ne3A_601 = arith.xori %lt3A_596, %ne3A_600 : vector<16xi1>
        %and3A_602 = arith.andi %ne3A_601, %ne3A_593 : vector<16xi1>
        %add3A_603 = vector.broadcast %select_n3A_588 : i32 to vector<16xi32>
        %add3A_604 = arith.addi %rem3A_590, %add3A_603 : vector<16xi32>
        %select_n3A_605 = arith.select %and3A_602, %add3A_604, %rem3A_590 : vector<16xi1>, vector<16xi32>
        %reshape3A_606 = vector.shape_cast %select_n3A_605 : vector<16xi32> to vector<16x1xi32>
        %gather3A_607 = vector.shape_cast %reshape3A_606 : vector<16x1xi32> to vector<16xi32>
        %gather3A_608 = tpu.dynamic_gather %add3A_577[%gather3A_607] in [0] : vector<16xf32>, vector<16xi32> -> vector<16xf32>
        %add3A_609 = arith.addf %add3A_577, %gather3A_608 : vector<16xf32>
        %add3A_610 = arith.constant 4 : i32
        %add3A_611 = vector.broadcast %add3A_610 : i32 to vector<16xi32>
        %add3A_612 = arith.addi %iota3A_580, %add3A_611 : vector<16xi32>
        %jit3A_613 = arith.constant 16 : i32
        %eq3A_614 = arith.constant 0 : i32
        %eq3A_615 = arith.cmpi eq, %jit3A_613, %eq3A_614 : i32
        %jit3A_616 = arith.constant 1 : i32
        %select_n3A_617 = arith.select %eq3A_615, %jit3A_616, %jit3A_613 : i32
        %rem3A_618 = vector.broadcast %select_n3A_617 : i32 to vector<16xi32>
        %rem3A_619 = arith.remsi %add3A_612, %rem3A_618 : vector<16xi32>
        %ne3A_620 = arith.constant 0 : i32
        %ne3A_621 = vector.broadcast %ne3A_620 : i32 to vector<16xi32>
        %ne3A_622 = arith.cmpi ne, %rem3A_619, %ne3A_621 : vector<16xi32>
        %lt3A_623 = arith.constant 0 : i32
        %lt3A_624 = vector.broadcast %lt3A_623 : i32 to vector<16xi32>
        %lt3A_625 = arith.cmpi slt, %rem3A_619, %lt3A_624 : vector<16xi32>
        %lt3A_626 = arith.constant 0 : i32
        %lt3A_627 = arith.cmpi slt, %select_n3A_617, %lt3A_626 : i32
        %ne3A_628 = vector.broadcast %lt3A_627 : i1 to vector<16xi1>
        %ne3A_629 = vector.broadcast %ne3A_628 : vector<16xi1> to vector<16xi1>
        %ne3A_630 = arith.xori %lt3A_625, %ne3A_629 : vector<16xi1>
        %and3A_631 = arith.andi %ne3A_630, %ne3A_622 : vector<16xi1>
        %add3A_632 = vector.broadcast %select_n3A_617 : i32 to vector<16xi32>
        %add3A_633 = arith.addi %rem3A_619, %add3A_632 : vector<16xi32>
        %select_n3A_634 = arith.select %and3A_631, %add3A_633, %rem3A_619 : vector<16xi1>, vector<16xi32>
        %reshape3A_635 = vector.shape_cast %select_n3A_634 : vector<16xi32> to vector<16x1xi32>
        %gather3A_636 = vector.shape_cast %reshape3A_635 : vector<16x1xi32> to vector<16xi32>
        %gather3A_637 = tpu.dynamic_gather %add3A_609[%gather3A_636] in [0] : vector<16xf32>, vector<16xi32> -> vector<16xf32>
        %add3A_638 = arith.addf %add3A_609, %gather3A_637 : vector<16xf32>
        %add3A_639 = arith.constant 2 : i32
        %add3A_640 = vector.broadcast %add3A_639 : i32 to vector<16xi32>
        %add3A_641 = arith.addi %iota3A_580, %add3A_640 : vector<16xi32>
        %jit3A_642 = arith.constant 16 : i32
        %eq3A_643 = arith.constant 0 : i32
        %eq3A_644 = arith.cmpi eq, %jit3A_642, %eq3A_643 : i32
        %jit3A_645 = arith.constant 1 : i32
        %select_n3A_646 = arith.select %eq3A_644, %jit3A_645, %jit3A_642 : i32
        %rem3A_647 = vector.broadcast %select_n3A_646 : i32 to vector<16xi32>
        %rem3A_648 = arith.remsi %add3A_641, %rem3A_647 : vector<16xi32>
        %ne3A_649 = arith.constant 0 : i32
        %ne3A_650 = vector.broadcast %ne3A_649 : i32 to vector<16xi32>
        %ne3A_651 = arith.cmpi ne, %rem3A_648, %ne3A_650 : vector<16xi32>
        %lt3A_652 = arith.constant 0 : i32
        %lt3A_653 = vector.broadcast %lt3A_652 : i32 to vector<16xi32>
        %lt3A_654 = arith.cmpi slt, %rem3A_648, %lt3A_653 : vector<16xi32>
        %lt3A_655 = arith.constant 0 : i32
        %lt3A_656 = arith.cmpi slt, %select_n3A_646, %lt3A_655 : i32
        %ne3A_657 = vector.broadcast %lt3A_656 : i1 to vector<16xi1>
        %ne3A_658 = vector.broadcast %ne3A_657 : vector<16xi1> to vector<16xi1>
        %ne3A_659 = arith.xori %lt3A_654, %ne3A_658 : vector<16xi1>
        %and3A_660 = arith.andi %ne3A_659, %ne3A_651 : vector<16xi1>
        %add3A_661 = vector.broadcast %select_n3A_646 : i32 to vector<16xi32>
        %add3A_662 = arith.addi %rem3A_648, %add3A_661 : vector<16xi32>
        %select_n3A_663 = arith.select %and3A_660, %add3A_662, %rem3A_648 : vector<16xi1>, vector<16xi32>
        %reshape3A_664 = vector.shape_cast %select_n3A_663 : vector<16xi32> to vector<16x1xi32>
        %gather3A_665 = vector.shape_cast %reshape3A_664 : vector<16x1xi32> to vector<16xi32>
        %gather3A_666 = tpu.dynamic_gather %add3A_638[%gather3A_665] in [0] : vector<16xf32>, vector<16xi32> -> vector<16xf32>
        %add3A_667 = arith.addf %add3A_638, %gather3A_666 : vector<16xf32>
        %add3A_668 = arith.constant 1 : i32
        %add3A_669 = vector.broadcast %add3A_668 : i32 to vector<16xi32>
        %add3A_670 = arith.addi %iota3A_580, %add3A_669 : vector<16xi32>
        %jit3A_671 = arith.constant 16 : i32
        %eq3A_672 = arith.constant 0 : i32
        %eq3A_673 = arith.cmpi eq, %jit3A_671, %eq3A_672 : i32
        %jit3A_674 = arith.constant 1 : i32
        %select_n3A_675 = arith.select %eq3A_673, %jit3A_674, %jit3A_671 : i32
        %rem3A_676 = vector.broadcast %select_n3A_675 : i32 to vector<16xi32>
        %rem3A_677 = arith.remsi %add3A_670, %rem3A_676 : vector<16xi32>
        %ne3A_678 = arith.constant 0 : i32
        %ne3A_679 = vector.broadcast %ne3A_678 : i32 to vector<16xi32>
        %ne3A_680 = arith.cmpi ne, %rem3A_677, %ne3A_679 : vector<16xi32>
        %lt3A_681 = arith.constant 0 : i32
        %lt3A_682 = vector.broadcast %lt3A_681 : i32 to vector<16xi32>
        %lt3A_683 = arith.cmpi slt, %rem3A_677, %lt3A_682 : vector<16xi32>
        %lt3A_684 = arith.constant 0 : i32
        %lt3A_685 = arith.cmpi slt, %select_n3A_675, %lt3A_684 : i32
        %ne3A_686 = vector.broadcast %lt3A_685 : i1 to vector<16xi1>
        %ne3A_687 = vector.broadcast %ne3A_686 : vector<16xi1> to vector<16xi1>
        %ne3A_688 = arith.xori %lt3A_683, %ne3A_687 : vector<16xi1>
        %and3A_689 = arith.andi %ne3A_688, %ne3A_680 : vector<16xi1>
        %add3A_690 = vector.broadcast %select_n3A_675 : i32 to vector<16xi32>
        %add3A_691 = arith.addi %rem3A_677, %add3A_690 : vector<16xi32>
        %select_n3A_692 = arith.select %and3A_689, %add3A_691, %rem3A_677 : vector<16xi1>, vector<16xi32>
        %reshape3A_693 = vector.shape_cast %select_n3A_692 : vector<16xi32> to vector<16x1xi32>
        %gather3A_694 = vector.shape_cast %reshape3A_693 : vector<16x1xi32> to vector<16xi32>
        %gather3A_695 = tpu.dynamic_gather %add3A_667[%gather3A_694] in [0] : vector<16xf32>, vector<16xi32> -> vector<16xf32>
        %add3A_696 = arith.addf %add3A_667, %gather3A_695 : vector<16xf32>
        %select_n3A_697 = arith.select %eq3A_579, %add3A_696, %scan3A_375 : vector<16xi1>, vector<16xf32>
        scf.yield %select_n3A_697 : vector<16xf32>
      }
      %scan3A_364 = arith.constant 16 : i32
      %mul3A_365 = arith.constant 16 : i32
      %mul3A_366 = arith.muli %scan3A_355, %mul3A_365 : i32
      %add3A_367 = arith.constant 256 : i32
      %add3A_368 = arith.addi %add3A_367, %mul3A_366 : i32
      %swap3A_369 = arith.index_cast %add3A_368 : i32 to index
      %swap3A_370 = tpu.vector_load %arg22[%swap3A_369] {strides = array<i32>} : memref<512xf32, #tpu.memory_space<vmem>>, vector<16xf32>,
      %swap3A_371 = vector.shape_cast %swap3A_370 : vector<16xf32> to vector<16xf32>
      %swap3A_372 = vector.shape_cast %scan3A_363 : vector<16xf32> to vector<16xf32>
      tpu.vector_store %arg22[%swap3A_369], %swap3A_372 {strides = array<i32>} : memref<512xf32, #tpu.memory_space<vmem>>, vector<16xf32>,
      %scan3A_373 = arith.constant 0 : i32
      scf.yield %scan3A_373 : i32
    }
    %scan3A_313 = arith.constant 8 : i32
    %dma_wait3A_314 = arith.constant 384 : i32
    %dma_wait3A_315 = tpu.memref_slice %arg11[%dma_wait3A_314] : memref<512xi32, #tpu.memory_space<vmem>> -> memref<128xi32, #tpu.memory_space<vmem>>
    %dma_wait3A_316 = arith.constant 0 : i32
    %dma_wait3A_317 = arith.constant 0 : i32
    %dma_wait3A_318 = tpu.memref_slice %arg4[%dma_wait3A_316, %dma_wait3A_317] : memref<1000x64xf32, #tpu.memory_space<hbm>> -> memref<1000x64xf32, #tpu.memory_space<hbm>>
    tpu.wait_indirect_dma semaphore(%arg26 : memref<!tpu.dma_semaphore, #tpu.memory_space<semaphore_mem>>) src(%dma_wait3A_318 : memref<1000x64xf32, #tpu.memory_space<hbm>>) dst(%arg18 : memref<128x64xf32, #tpu.memory_space<vmem>>)
    %dma_wait3A_319 = arith.constant 384 : i32
    %dma_wait3A_320 = tpu.memref_slice %arg13[%dma_wait3A_319] : memref<512xi32, #tpu.memory_space<vmem>> -> memref<128xi32, #tpu.memory_space<vmem>>
    %dma_wait3A_321 = arith.constant 0 : i32
    %dma_wait3A_322 = arith.constant 0 : i32
    %dma_wait3A_323 = tpu.memref_slice %arg4[%dma_wait3A_321, %dma_wait3A_322] : memref<1000x64xf32, #tpu.memory_space<hbm>> -> memref<1000x64xf32, #tpu.memory_space<hbm>>
    tpu.wait_indirect_dma semaphore(%arg26 : memref<!tpu.dma_semaphore, #tpu.memory_space<semaphore_mem>>) src(%dma_wait3A_323 : memref<1000x64xf32, #tpu.memory_space<hbm>>) dst(%arg19 : memref<128x64xf32, #tpu.memory_space<vmem>>)
    %dma_wait3A_324 = arith.constant 384 : i32
    %dma_wait3A_325 = tpu.memref_slice %arg12[%dma_wait3A_324] : memref<512xi32, #tpu.memory_space<vmem>> -> memref<128xi32, #tpu.memory_space<vmem>>
    %dma_wait3A_326 = arith.constant 0 : i32
    %dma_wait3A_327 = arith.constant 0 : i32
    %dma_wait3A_328 = tpu.memref_slice %arg5[%dma_wait3A_326, %dma_wait3A_327] : memref<1000x128xf32, #tpu.memory_space<hbm>> -> memref<1000x128xf32, #tpu.memory_space<hbm>>
    tpu.wait_indirect_dma semaphore(%arg26 : memref<!tpu.dma_semaphore, #tpu.memory_space<semaphore_mem>>) src(%dma_wait3A_328 : memref<1000x128xf32, #tpu.memory_space<hbm>>) dst(%arg20 : memref<128x128xf32, #tpu.memory_space<vmem>>)
    %scan3A_329 = arith.constant 0 : i32
    %scan3A_330 = arith.constant 0 : i32
    %scan3A_331 = arith.constant 8 : i32
    %scan3A_332 = arith.addi %scan3A_330, %scan3A_331 : i32
    %scan3A_333 = arith.constant 1 : i32
    %scan3A_334 = scf.for %scan3A_355 = %scan3A_330 to %scan3A_332 step %scan3A_333 iter_args(%scan3A_356 = %scan3A_329) -> (i32)  : i32 {
      %broadcast_in_dim3A_357 = arith.constant 0.000000e+00 : f32
      %broadcast_in_dim3A_358 = vector.broadcast %broadcast_in_dim3A_357 : f32 to vector<16xf32>
      %scan3A_359 = arith.constant 0 : i32
      %scan3A_360 = arith.constant 16 : i32
      %scan3A_361 = arith.addi %scan3A_359, %scan3A_360 : i32
      %scan3A_362 = arith.constant 1 : i32
      %scan3A_363 = scf.for %scan3A_374 = %scan3A_359 to %scan3A_361 step %scan3A_362 iter_args(%scan3A_375 = %broadcast_in_dim3A_358) -> (vector<16xf32>)  : i32 {
        %mul3A_376 = arith.constant 16 : i32
        %mul3A_377 = arith.muli %scan3A_355, %mul3A_376 : i32
        %add3A_378 = arith.addi %mul3A_377, %scan3A_374 : i32
        %get3A = arith.index_cast %add3A_378 : i32 to index
        %get3A_379 = arith.constant 0 : index
        %get3A_380 = tpu.vector_load %arg18[%get3A, %get3A_379] {strides = array<i32>} : memref<128x64xf32, #tpu.memory_space<vmem>>, vector<1x16xf32>,
        %get3A_381 = vector.shape_cast %get3A_380 : vector<1x16xf32> to vector<16xf32>
        %get3A_382 = arith.index_cast %add3A_378 : i32 to index
        %get3A_383 = arith.constant 16 : index
        %get3A_384 = tpu.vector_load %arg18[%get3A_382, %get3A_383] {strides = array<i32>} : memref<128x64xf32, #tpu.memory_space<vmem>>, vector<1x16xf32>,
        %get3A_385 = vector.shape_cast %get3A_384 : vector<1x16xf32> to vector<16xf32>
        %get3A_386 = arith.index_cast %add3A_378 : i32 to index
        %get3A_387 = arith.constant 32 : index
        %get3A_388 = tpu.vector_load %arg18[%get3A_386, %get3A_387] {strides = array<i32>} : memref<128x64xf32, #tpu.memory_space<vmem>>, vector<1x16xf32>,
        %get3A_389 = vector.shape_cast %get3A_388 : vector<1x16xf32> to vector<16xf32>
        %get3A_390 = arith.index_cast %add3A_378 : i32 to index
        %get3A_391 = arith.constant 48 : index
        %get3A_392 = tpu.vector_load %arg18[%get3A_390, %get3A_391] {strides = array<i32>} : memref<128x64xf32, #tpu.memory_space<vmem>>, vector<1x16xf32>,
        %get3A_393 = vector.shape_cast %get3A_392 : vector<1x16xf32> to vector<16xf32>
        %get3A_394 = arith.index_cast %add3A_378 : i32 to index
        %get3A_395 = arith.constant 0 : index
        %get3A_396 = tpu.vector_load %arg19[%get3A_394, %get3A_395] {strides = array<i32>} : memref<128x64xf32, #tpu.memory_space<vmem>>, vector<1x16xf32>,
        %get3A_397 = vector.shape_cast %get3A_396 : vector<1x16xf32> to vector<16xf32>
        %get3A_398 = arith.index_cast %add3A_378 : i32 to index
        %get3A_399 = arith.constant 16 : index
        %get3A_400 = tpu.vector_load %arg19[%get3A_398, %get3A_399] {strides = array<i32>} : memref<128x64xf32, #tpu.memory_space<vmem>>, vector<1x16xf32>,
        %get3A_401 = vector.shape_cast %get3A_400 : vector<1x16xf32> to vector<16xf32>
        %get3A_402 = arith.index_cast %add3A_378 : i32 to index
        %get3A_403 = arith.constant 32 : index
        %get3A_404 = tpu.vector_load %arg19[%get3A_402, %get3A_403] {strides = array<i32>} : memref<128x64xf32, #tpu.memory_space<vmem>>, vector<1x16xf32>,
        %get3A_405 = vector.shape_cast %get3A_404 : vector<1x16xf32> to vector<16xf32>
        %get3A_406 = arith.index_cast %add3A_378 : i32 to index
        %get3A_407 = arith.constant 48 : index
        %get3A_408 = tpu.vector_load %arg19[%get3A_406, %get3A_407] {strides = array<i32>} : memref<128x64xf32, #tpu.memory_space<vmem>>, vector<1x16xf32>,
        %get3A_409 = vector.shape_cast %get3A_408 : vector<1x16xf32> to vector<16xf32>
        %get3A_410 = arith.index_cast %add3A_378 : i32 to index
        %get3A_411 = arith.constant 0 : index
        %get3A_412 = tpu.vector_load %arg20[%get3A_410, %get3A_411] {strides = array<i32>} : memref<128x128xf32, #tpu.memory_space<vmem>>, vector<1x16xf32>,
        %get3A_413 = vector.shape_cast %get3A_412 : vector<1x16xf32> to vector<16xf32>
        %get3A_414 = arith.index_cast %add3A_378 : i32 to index
        %get3A_415 = arith.constant 16 : index
        %get3A_416 = tpu.vector_load %arg20[%get3A_414, %get3A_415] {strides = array<i32>} : memref<128x128xf32, #tpu.memory_space<vmem>>, vector<1x16xf32>,
        %get3A_417 = vector.shape_cast %get3A_416 : vector<1x16xf32> to vector<16xf32>
        %get3A_418 = arith.index_cast %add3A_378 : i32 to index
        %get3A_419 = arith.constant 32 : index
        %get3A_420 = tpu.vector_load %arg20[%get3A_418, %get3A_419] {strides = array<i32>} : memref<128x128xf32, #tpu.memory_space<vmem>>, vector<1x16xf32>,
        %get3A_421 = vector.shape_cast %get3A_420 : vector<1x16xf32> to vector<16xf32>
        %get3A_422 = arith.index_cast %add3A_378 : i32 to index
        %get3A_423 = arith.constant 48 : index
        %get3A_424 = tpu.vector_load %arg20[%get3A_422, %get3A_423] {strides = array<i32>} : memref<128x128xf32, #tpu.memory_space<vmem>>, vector<1x16xf32>,
        %get3A_425 = vector.shape_cast %get3A_424 : vector<1x16xf32> to vector<16xf32>
        %get3A_426 = arith.index_cast %add3A_378 : i32 to index
        %get3A_427 = arith.constant 64 : index
        %get3A_428 = tpu.vector_load %arg20[%get3A_426, %get3A_427] {strides = array<i32>} : memref<128x128xf32, #tpu.memory_space<vmem>>, vector<1x16xf32>,
        %get3A_429 = vector.shape_cast %get3A_428 : vector<1x16xf32> to vector<16xf32>
        %get3A_430 = arith.index_cast %add3A_378 : i32 to index
        %get3A_431 = arith.constant 80 : index
        %get3A_432 = tpu.vector_load %arg20[%get3A_430, %get3A_431] {strides = array<i32>} : memref<128x128xf32, #tpu.memory_space<vmem>>, vector<1x16xf32>,
        %get3A_433 = vector.shape_cast %get3A_432 : vector<1x16xf32> to vector<16xf32>
        %get3A_434 = arith.index_cast %add3A_378 : i32 to index
        %get3A_435 = arith.constant 96 : index
        %get3A_436 = tpu.vector_load %arg20[%get3A_434, %get3A_435] {strides = array<i32>} : memref<128x128xf32, #tpu.memory_space<vmem>>, vector<1x16xf32>,
        %get3A_437 = vector.shape_cast %get3A_436 : vector<1x16xf32> to vector<16xf32>
        %get3A_438 = arith.index_cast %add3A_378 : i32 to index
        %get3A_439 = arith.constant 112 : index
        %get3A_440 = tpu.vector_load %arg20[%get3A_438, %get3A_439] {strides = array<i32>} : memref<128x128xf32, #tpu.memory_space<vmem>>, vector<1x16xf32>,
        %get3A_441 = vector.shape_cast %get3A_440 : vector<1x16xf32> to vector<16xf32>
        %sub3A = arith.subf %get3A_381, %get3A_397 : vector<16xf32>
        %sub3A_442 = arith.subf %get3A_385, %get3A_401 : vector<16xf32>
        %sub3A_443 = arith.subf %get3A_389, %get3A_405 : vector<16xf32>
        %sub3A_444 = arith.subf %get3A_393, %get3A_409 : vector<16xf32>
        %mul3A_445 = arith.mulf %sub3A, %get3A_429 : vector<16xf32>
        %mul3A_446 = arith.mulf %sub3A_442, %get3A_433 : vector<16xf32>
        %add3A_447 = arith.addf %mul3A_445, %mul3A_446 : vector<16xf32>
        %mul3A_448 = arith.mulf %sub3A_443, %get3A_437 : vector<16xf32>
        %add3A_449 = arith.addf %add3A_447, %mul3A_448 : vector<16xf32>
        %mul3A_450 = arith.mulf %sub3A_444, %get3A_441 : vector<16xf32>
        %add3A_451 = arith.addf %add3A_449, %mul3A_450 : vector<16xf32>
        %iota3A_452 = tpu.iota {dimensions = array<i32: 0>} : vector<16xi32>
        %add3A_453 = arith.constant 8 : i32
        %add3A_454 = vector.broadcast %add3A_453 : i32 to vector<16xi32>
        %add3A_455 = arith.addi %iota3A_452, %add3A_454 : vector<16xi32>
        %jit3A = arith.constant 16 : i32
        %eq3A = arith.constant 0 : i32
        %eq3A_456 = arith.cmpi eq, %jit3A, %eq3A : i32
        %jit3A_457 = arith.constant 1 : i32
        %select_n3A = arith.select %eq3A_456, %jit3A_457, %jit3A : i32
        %rem3A = vector.broadcast %select_n3A : i32 to vector<16xi32>
        %rem3A_458 = arith.remsi %add3A_455, %rem3A : vector<16xi32>
        %ne3A = arith.constant 0 : i32
        %ne3A_459 = vector.broadcast %ne3A : i32 to vector<16xi32>
        %ne3A_460 = arith.cmpi ne, %rem3A_458, %ne3A_459 : vector<16xi32>
        %lt3A = arith.constant 0 : i32
        %lt3A_461 = vector.broadcast %lt3A : i32 to vector<16xi32>
        %lt3A_462 = arith.cmpi slt, %rem3A_458, %lt3A_461 : vector<16xi32>
        %lt3A_463 = arith.constant 0 : i32
        %lt3A_464 = arith.cmpi slt, %select_n3A, %lt3A_463 : i32
        %ne3A_465 = vector.broadcast %lt3A_464 : i1 to vector<16xi1>
        %ne3A_466 = vector.broadcast %ne3A_465 : vector<16xi1> to vector<16xi1>
        %ne3A_467 = arith.xori %lt3A_462, %ne3A_466 : vector<16xi1>
        %and3A = arith.andi %ne3A_467, %ne3A_460 : vector<16xi1>
        %add3A_468 = vector.broadcast %select_n3A : i32 to vector<16xi32>
        %add3A_469 = arith.addi %rem3A_458, %add3A_468 : vector<16xi32>
        %select_n3A_470 = arith.select %and3A, %add3A_469, %rem3A_458 : vector<16xi1>, vector<16xi32>
        %reshape3A = vector.shape_cast %select_n3A_470 : vector<16xi32> to vector<16x1xi32>
        %gather3A = vector.shape_cast %reshape3A : vector<16x1xi32> to vector<16xi32>
        %gather3A_471 = tpu.dynamic_gather %add3A_451[%gather3A] in [0] : vector<16xf32>, vector<16xi32> -> vector<16xf32>
        %add3A_472 = arith.addf %add3A_451, %gather3A_471 : vector<16xf32>
        %add3A_473 = arith.constant 4 : i32
        %add3A_474 = vector.broadcast %add3A_473 : i32 to vector<16xi32>
        %add3A_475 = arith.addi %iota3A_452, %add3A_474 : vector<16xi32>
        %jit3A_476 = arith.constant 16 : i32
        %eq3A_477 = arith.constant 0 : i32
        %eq3A_478 = arith.cmpi eq, %jit3A_476, %eq3A_477 : i32
        %jit3A_479 = arith.constant 1 : i32
        %select_n3A_480 = arith.select %eq3A_478, %jit3A_479, %jit3A_476 : i32
        %rem3A_481 = vector.broadcast %select_n3A_480 : i32 to vector<16xi32>
        %rem3A_482 = arith.remsi %add3A_475, %rem3A_481 : vector<16xi32>
        %ne3A_483 = arith.constant 0 : i32
        %ne3A_484 = vector.broadcast %ne3A_483 : i32 to vector<16xi32>
        %ne3A_485 = arith.cmpi ne, %rem3A_482, %ne3A_484 : vector<16xi32>
        %lt3A_486 = arith.constant 0 : i32
        %lt3A_487 = vector.broadcast %lt3A_486 : i32 to vector<16xi32>
        %lt3A_488 = arith.cmpi slt, %rem3A_482, %lt3A_487 : vector<16xi32>
        %lt3A_489 = arith.constant 0 : i32
        %lt3A_490 = arith.cmpi slt, %select_n3A_480, %lt3A_489 : i32
        %ne3A_491 = vector.broadcast %lt3A_490 : i1 to vector<16xi1>
        %ne3A_492 = vector.broadcast %ne3A_491 : vector<16xi1> to vector<16xi1>
        %ne3A_493 = arith.xori %lt3A_488, %ne3A_492 : vector<16xi1>
        %and3A_494 = arith.andi %ne3A_493, %ne3A_485 : vector<16xi1>
        %add3A_495 = vector.broadcast %select_n3A_480 : i32 to vector<16xi32>
        %add3A_496 = arith.addi %rem3A_482, %add3A_495 : vector<16xi32>
        %select_n3A_497 = arith.select %and3A_494, %add3A_496, %rem3A_482 : vector<16xi1>, vector<16xi32>
        %reshape3A_498 = vector.shape_cast %select_n3A_497 : vector<16xi32> to vector<16x1xi32>
        %gather3A_499 = vector.shape_cast %reshape3A_498 : vector<16x1xi32> to vector<16xi32>
        %gather3A_500 = tpu.dynamic_gather %add3A_472[%gather3A_499] in [0] : vector<16xf32>, vector<16xi32> -> vector<16xf32>
        %add3A_501 = arith.addf %add3A_472, %gather3A_500 : vector<16xf32>
        %add3A_502 = arith.constant 2 : i32
        %add3A_503 = vector.broadcast %add3A_502 : i32 to vector<16xi32>
        %add3A_504 = arith.addi %iota3A_452, %add3A_503 : vector<16xi32>
        %jit3A_505 = arith.constant 16 : i32
        %eq3A_506 = arith.constant 0 : i32
        %eq3A_507 = arith.cmpi eq, %jit3A_505, %eq3A_506 : i32
        %jit3A_508 = arith.constant 1 : i32
        %select_n3A_509 = arith.select %eq3A_507, %jit3A_508, %jit3A_505 : i32
        %rem3A_510 = vector.broadcast %select_n3A_509 : i32 to vector<16xi32>
        %rem3A_511 = arith.remsi %add3A_504, %rem3A_510 : vector<16xi32>
        %ne3A_512 = arith.constant 0 : i32
        %ne3A_513 = vector.broadcast %ne3A_512 : i32 to vector<16xi32>
        %ne3A_514 = arith.cmpi ne, %rem3A_511, %ne3A_513 : vector<16xi32>
        %lt3A_515 = arith.constant 0 : i32
        %lt3A_516 = vector.broadcast %lt3A_515 : i32 to vector<16xi32>
        %lt3A_517 = arith.cmpi slt, %rem3A_511, %lt3A_516 : vector<16xi32>
        %lt3A_518 = arith.constant 0 : i32
        %lt3A_519 = arith.cmpi slt, %select_n3A_509, %lt3A_518 : i32
        %ne3A_520 = vector.broadcast %lt3A_519 : i1 to vector<16xi1>
        %ne3A_521 = vector.broadcast %ne3A_520 : vector<16xi1> to vector<16xi1>
        %ne3A_522 = arith.xori %lt3A_517, %ne3A_521 : vector<16xi1>
        %and3A_523 = arith.andi %ne3A_522, %ne3A_514 : vector<16xi1>
        %add3A_524 = vector.broadcast %select_n3A_509 : i32 to vector<16xi32>
        %add3A_525 = arith.addi %rem3A_511, %add3A_524 : vector<16xi32>
        %select_n3A_526 = arith.select %and3A_523, %add3A_525, %rem3A_511 : vector<16xi1>, vector<16xi32>
        %reshape3A_527 = vector.shape_cast %select_n3A_526 : vector<16xi32> to vector<16x1xi32>
        %gather3A_528 = vector.shape_cast %reshape3A_527 : vector<16x1xi32> to vector<16xi32>
        %gather3A_529 = tpu.dynamic_gather %add3A_501[%gather3A_528] in [0] : vector<16xf32>, vector<16xi32> -> vector<16xf32>
        %add3A_530 = arith.addf %add3A_501, %gather3A_529 : vector<16xf32>
        %add3A_531 = arith.constant 1 : i32
        %add3A_532 = vector.broadcast %add3A_531 : i32 to vector<16xi32>
        %add3A_533 = arith.addi %iota3A_452, %add3A_532 : vector<16xi32>
        %jit3A_534 = arith.constant 16 : i32
        %eq3A_535 = arith.constant 0 : i32
        %eq3A_536 = arith.cmpi eq, %jit3A_534, %eq3A_535 : i32
        %jit3A_537 = arith.constant 1 : i32
        %select_n3A_538 = arith.select %eq3A_536, %jit3A_537, %jit3A_534 : i32
        %rem3A_539 = vector.broadcast %select_n3A_538 : i32 to vector<16xi32>
        %rem3A_540 = arith.remsi %add3A_533, %rem3A_539 : vector<16xi32>
        %ne3A_541 = arith.constant 0 : i32
        %ne3A_542 = vector.broadcast %ne3A_541 : i32 to vector<16xi32>
        %ne3A_543 = arith.cmpi ne, %rem3A_540, %ne3A_542 : vector<16xi32>
        %lt3A_544 = arith.constant 0 : i32
        %lt3A_545 = vector.broadcast %lt3A_544 : i32 to vector<16xi32>
        %lt3A_546 = arith.cmpi slt, %rem3A_540, %lt3A_545 : vector<16xi32>
        %lt3A_547 = arith.constant 0 : i32
        %lt3A_548 = arith.cmpi slt, %select_n3A_538, %lt3A_547 : i32
        %ne3A_549 = vector.broadcast %lt3A_548 : i1 to vector<16xi1>
        %ne3A_550 = vector.broadcast %ne3A_549 : vector<16xi1> to vector<16xi1>
        %ne3A_551 = arith.xori %lt3A_546, %ne3A_550 : vector<16xi1>
        %and3A_552 = arith.andi %ne3A_551, %ne3A_543 : vector<16xi1>
        %add3A_553 = vector.broadcast %select_n3A_538 : i32 to vector<16xi32>
        %add3A_554 = arith.addi %rem3A_540, %add3A_553 : vector<16xi32>
        %select_n3A_555 = arith.select %and3A_552, %add3A_554, %rem3A_540 : vector<16xi1>, vector<16xi32>
        %reshape3A_556 = vector.shape_cast %select_n3A_555 : vector<16xi32> to vector<16x1xi32>
        %gather3A_557 = vector.shape_cast %reshape3A_556 : vector<16x1xi32> to vector<16xi32>
        %gather3A_558 = tpu.dynamic_gather %add3A_530[%gather3A_557] in [0] : vector<16xf32>, vector<16xi32> -> vector<16xf32>
        %add3A_559 = arith.addf %add3A_530, %gather3A_558 : vector<16xf32>
        %add3A_560 = arith.addf %sub3A, %get3A_413 : vector<16xf32>
        %mul3A_561 = arith.mulf %add3A_559, %get3A_429 : vector<16xf32>
        %sub3A_562 = arith.subf %add3A_560, %mul3A_561 : vector<16xf32>
        %abs3A = math.absf %sub3A_562 : vector<16xf32>
        %add3A_563 = arith.addf %sub3A_442, %get3A_417 : vector<16xf32>
        %mul3A_564 = arith.mulf %add3A_559, %get3A_433 : vector<16xf32>
        %sub3A_565 = arith.subf %add3A_563, %mul3A_564 : vector<16xf32>
        %abs3A_566 = math.absf %sub3A_565 : vector<16xf32>
        %add3A_567 = arith.addf %abs3A, %abs3A_566 : vector<16xf32>
        %add3A_568 = arith.addf %sub3A_443, %get3A_421 : vector<16xf32>
        %mul3A_569 = arith.mulf %add3A_559, %get3A_437 : vector<16xf32>
        %sub3A_570 = arith.subf %add3A_568, %mul3A_569 : vector<16xf32>
        %abs3A_571 = math.absf %sub3A_570 : vector<16xf32>
        %add3A_572 = arith.addf %add3A_567, %abs3A_571 : vector<16xf32>
        %add3A_573 = arith.addf %sub3A_444, %get3A_425 : vector<16xf32>
        %mul3A_574 = arith.mulf %add3A_559, %get3A_441 : vector<16xf32>
        %sub3A_575 = arith.subf %add3A_573, %mul3A_574 : vector<16xf32>
        %abs3A_576 = math.absf %sub3A_575 : vector<16xf32>
        %add3A_577 = arith.addf %add3A_572, %abs3A_576 : vector<16xf32>
        %eq3A_578 = vector.broadcast %scan3A_374 : i32 to vector<16xi32>
        %eq3A_579 = arith.cmpi eq, %iota3A, %eq3A_578 : vector<16xi32>
        %iota3A_580 = tpu.iota {dimensions = array<i32: 0>} : vector<16xi32>
        %add3A_581 = arith.constant 8 : i32
        %add3A_582 = vector.broadcast %add3A_581 : i32 to vector<16xi32>
        %add3A_583 = arith.addi %iota3A_580, %add3A_582 : vector<16xi32>
        %jit3A_584 = arith.constant 16 : i32
        %eq3A_585 = arith.constant 0 : i32
        %eq3A_586 = arith.cmpi eq, %jit3A_584, %eq3A_585 : i32
        %jit3A_587 = arith.constant 1 : i32
        %select_n3A_588 = arith.select %eq3A_586, %jit3A_587, %jit3A_584 : i32
        %rem3A_589 = vector.broadcast %select_n3A_588 : i32 to vector<16xi32>
        %rem3A_590 = arith.remsi %add3A_583, %rem3A_589 : vector<16xi32>
        %ne3A_591 = arith.constant 0 : i32
        %ne3A_592 = vector.broadcast %ne3A_591 : i32 to vector<16xi32>
        %ne3A_593 = arith.cmpi ne, %rem3A_590, %ne3A_592 : vector<16xi32>
        %lt3A_594 = arith.constant 0 : i32
        %lt3A_595 = vector.broadcast %lt3A_594 : i32 to vector<16xi32>
        %lt3A_596 = arith.cmpi slt, %rem3A_590, %lt3A_595 : vector<16xi32>
        %lt3A_597 = arith.constant 0 : i32
        %lt3A_598 = arith.cmpi slt, %select_n3A_588, %lt3A_597 : i32
        %ne3A_599 = vector.broadcast %lt3A_598 : i1 to vector<16xi1>
        %ne3A_600 = vector.broadcast %ne3A_599 : vector<16xi1> to vector<16xi1>
        %ne3A_601 = arith.xori %lt3A_596, %ne3A_600 : vector<16xi1>
        %and3A_602 = arith.andi %ne3A_601, %ne3A_593 : vector<16xi1>
        %add3A_603 = vector.broadcast %select_n3A_588 : i32 to vector<16xi32>
        %add3A_604 = arith.addi %rem3A_590, %add3A_603 : vector<16xi32>
        %select_n3A_605 = arith.select %and3A_602, %add3A_604, %rem3A_590 : vector<16xi1>, vector<16xi32>
        %reshape3A_606 = vector.shape_cast %select_n3A_605 : vector<16xi32> to vector<16x1xi32>
        %gather3A_607 = vector.shape_cast %reshape3A_606 : vector<16x1xi32> to vector<16xi32>
        %gather3A_608 = tpu.dynamic_gather %add3A_577[%gather3A_607] in [0] : vector<16xf32>, vector<16xi32> -> vector<16xf32>
        %add3A_609 = arith.addf %add3A_577, %gather3A_608 : vector<16xf32>
        %add3A_610 = arith.constant 4 : i32
        %add3A_611 = vector.broadcast %add3A_610 : i32 to vector<16xi32>
        %add3A_612 = arith.addi %iota3A_580, %add3A_611 : vector<16xi32>
        %jit3A_613 = arith.constant 16 : i32
        %eq3A_614 = arith.constant 0 : i32
        %eq3A_615 = arith.cmpi eq, %jit3A_613, %eq3A_614 : i32
        %jit3A_616 = arith.constant 1 : i32
        %select_n3A_617 = arith.select %eq3A_615, %jit3A_616, %jit3A_613 : i32
        %rem3A_618 = vector.broadcast %select_n3A_617 : i32 to vector<16xi32>
        %rem3A_619 = arith.remsi %add3A_612, %rem3A_618 : vector<16xi32>
        %ne3A_620 = arith.constant 0 : i32
        %ne3A_621 = vector.broadcast %ne3A_620 : i32 to vector<16xi32>
        %ne3A_622 = arith.cmpi ne, %rem3A_619, %ne3A_621 : vector<16xi32>
        %lt3A_623 = arith.constant 0 : i32
        %lt3A_624 = vector.broadcast %lt3A_623 : i32 to vector<16xi32>
        %lt3A_625 = arith.cmpi slt, %rem3A_619, %lt3A_624 : vector<16xi32>
        %lt3A_626 = arith.constant 0 : i32
        %lt3A_627 = arith.cmpi slt, %select_n3A_617, %lt3A_626 : i32
        %ne3A_628 = vector.broadcast %lt3A_627 : i1 to vector<16xi1>
        %ne3A_629 = vector.broadcast %ne3A_628 : vector<16xi1> to vector<16xi1>
        %ne3A_630 = arith.xori %lt3A_625, %ne3A_629 : vector<16xi1>
        %and3A_631 = arith.andi %ne3A_630, %ne3A_622 : vector<16xi1>
        %add3A_632 = vector.broadcast %select_n3A_617 : i32 to vector<16xi32>
        %add3A_633 = arith.addi %rem3A_619, %add3A_632 : vector<16xi32>
        %select_n3A_634 = arith.select %and3A_631, %add3A_633, %rem3A_619 : vector<16xi1>, vector<16xi32>
        %reshape3A_635 = vector.shape_cast %select_n3A_634 : vector<16xi32> to vector<16x1xi32>
        %gather3A_636 = vector.shape_cast %reshape3A_635 : vector<16x1xi32> to vector<16xi32>
        %gather3A_637 = tpu.dynamic_gather %add3A_609[%gather3A_636] in [0] : vector<16xf32>, vector<16xi32> -> vector<16xf32>
        %add3A_638 = arith.addf %add3A_609, %gather3A_637 : vector<16xf32>
        %add3A_639 = arith.constant 2 : i32
        %add3A_640 = vector.broadcast %add3A_639 : i32 to vector<16xi32>
        %add3A_641 = arith.addi %iota3A_580, %add3A_640 : vector<16xi32>
        %jit3A_642 = arith.constant 16 : i32
        %eq3A_643 = arith.constant 0 : i32
        %eq3A_644 = arith.cmpi eq, %jit3A_642, %eq3A_643 : i32
        %jit3A_645 = arith.constant 1 : i32
        %select_n3A_646 = arith.select %eq3A_644, %jit3A_645, %jit3A_642 : i32
        %rem3A_647 = vector.broadcast %select_n3A_646 : i32 to vector<16xi32>
        %rem3A_648 = arith.remsi %add3A_641, %rem3A_647 : vector<16xi32>
        %ne3A_649 = arith.constant 0 : i32
        %ne3A_650 = vector.broadcast %ne3A_649 : i32 to vector<16xi32>
        %ne3A_651 = arith.cmpi ne, %rem3A_648, %ne3A_650 : vector<16xi32>
        %lt3A_652 = arith.constant 0 : i32
        %lt3A_653 = vector.broadcast %lt3A_652 : i32 to vector<16xi32>
        %lt3A_654 = arith.cmpi slt, %rem3A_648, %lt3A_653 : vector<16xi32>
        %lt3A_655 = arith.constant 0 : i32
        %lt3A_656 = arith.cmpi slt, %select_n3A_646, %lt3A_655 : i32
        %ne3A_657 = vector.broadcast %lt3A_656 : i1 to vector<16xi1>
        %ne3A_658 = vector.broadcast %ne3A_657 : vector<16xi1> to vector<16xi1>
        %ne3A_659 = arith.xori %lt3A_654, %ne3A_658 : vector<16xi1>
        %and3A_660 = arith.andi %ne3A_659, %ne3A_651 : vector<16xi1>
        %add3A_661 = vector.broadcast %select_n3A_646 : i32 to vector<16xi32>
        %add3A_662 = arith.addi %rem3A_648, %add3A_661 : vector<16xi32>
        %select_n3A_663 = arith.select %and3A_660, %add3A_662, %rem3A_648 : vector<16xi1>, vector<16xi32>
        %reshape3A_664 = vector.shape_cast %select_n3A_663 : vector<16xi32> to vector<16x1xi32>
        %gather3A_665 = vector.shape_cast %reshape3A_664 : vector<16x1xi32> to vector<16xi32>
        %gather3A_666 = tpu.dynamic_gather %add3A_638[%gather3A_665] in [0] : vector<16xf32>, vector<16xi32> -> vector<16xf32>
        %add3A_667 = arith.addf %add3A_638, %gather3A_666 : vector<16xf32>
        %add3A_668 = arith.constant 1 : i32
        %add3A_669 = vector.broadcast %add3A_668 : i32 to vector<16xi32>
        %add3A_670 = arith.addi %iota3A_580, %add3A_669 : vector<16xi32>
        %jit3A_671 = arith.constant 16 : i32
        %eq3A_672 = arith.constant 0 : i32
        %eq3A_673 = arith.cmpi eq, %jit3A_671, %eq3A_672 : i32
        %jit3A_674 = arith.constant 1 : i32
        %select_n3A_675 = arith.select %eq3A_673, %jit3A_674, %jit3A_671 : i32
        %rem3A_676 = vector.broadcast %select_n3A_675 : i32 to vector<16xi32>
        %rem3A_677 = arith.remsi %add3A_670, %rem3A_676 : vector<16xi32>
        %ne3A_678 = arith.constant 0 : i32
        %ne3A_679 = vector.broadcast %ne3A_678 : i32 to vector<16xi32>
        %ne3A_680 = arith.cmpi ne, %rem3A_677, %ne3A_679 : vector<16xi32>
        %lt3A_681 = arith.constant 0 : i32
        %lt3A_682 = vector.broadcast %lt3A_681 : i32 to vector<16xi32>
        %lt3A_683 = arith.cmpi slt, %rem3A_677, %lt3A_682 : vector<16xi32>
        %lt3A_684 = arith.constant 0 : i32
        %lt3A_685 = arith.cmpi slt, %select_n3A_675, %lt3A_684 : i32
        %ne3A_686 = vector.broadcast %lt3A_685 : i1 to vector<16xi1>
        %ne3A_687 = vector.broadcast %ne3A_686 : vector<16xi1> to vector<16xi1>
        %ne3A_688 = arith.xori %lt3A_683, %ne3A_687 : vector<16xi1>
        %and3A_689 = arith.andi %ne3A_688, %ne3A_680 : vector<16xi1>
        %add3A_690 = vector.broadcast %select_n3A_675 : i32 to vector<16xi32>
        %add3A_691 = arith.addi %rem3A_677, %add3A_690 : vector<16xi32>
        %select_n3A_692 = arith.select %and3A_689, %add3A_691, %rem3A_677 : vector<16xi1>, vector<16xi32>
        %reshape3A_693 = vector.shape_cast %select_n3A_692 : vector<16xi32> to vector<16x1xi32>
        %gather3A_694 = vector.shape_cast %reshape3A_693 : vector<16x1xi32> to vector<16xi32>
        %gather3A_695 = tpu.dynamic_gather %add3A_667[%gather3A_694] in [0] : vector<16xf32>, vector<16xi32> -> vector<16xf32>
        %add3A_696 = arith.addf %add3A_667, %gather3A_695 : vector<16xf32>
        %select_n3A_697 = arith.select %eq3A_579, %add3A_696, %scan3A_375 : vector<16xi1>, vector<16xf32>
        scf.yield %select_n3A_697 : vector<16xf32>
      }
      %scan3A_364 = arith.constant 16 : i32
      %mul3A_365 = arith.constant 16 : i32
      %mul3A_366 = arith.muli %scan3A_355, %mul3A_365 : i32
      %add3A_367 = arith.constant 384 : i32
      %add3A_368 = arith.addi %add3A_367, %mul3A_366 : i32
      %swap3A_369 = arith.index_cast %add3A_368 : i32 to index
      %swap3A_370 = tpu.vector_load %arg22[%swap3A_369] {strides = array<i32>} : memref<512xf32, #tpu.memory_space<vmem>>, vector<16xf32>,
      %swap3A_371 = vector.shape_cast %swap3A_370 : vector<16xf32> to vector<16xf32>
      %swap3A_372 = vector.shape_cast %scan3A_363 : vector<16xf32> to vector<16xf32>
      tpu.vector_store %arg22[%swap3A_369], %swap3A_372 {strides = array<i32>} : memref<512xf32, #tpu.memory_space<vmem>>, vector<16xf32>,
      %scan3A_373 = arith.constant 0 : i32
      scf.yield %scan3A_373 : i32
    }
    %scan3A_335 = arith.constant 8 : i32
    %broadcast_in_dim3A = arith.constant 0.000000e+00 : f32
    %broadcast_in_dim3A_336 = vector.broadcast %broadcast_in_dim3A : f32 to vector<16xf32>
    %scan3A_337 = arith.constant 0 : i32
    %scan3A_338 = arith.constant 32 : i32
    %scan3A_339 = arith.addi %scan3A_337, %scan3A_338 : i32
    %scan3A_340 = arith.constant 1 : i32
    %scan3A_341 = scf.for %scan3A_355 = %scan3A_337 to %scan3A_339 step %scan3A_340 iter_args(%scan3A_356 = %broadcast_in_dim3A_336) -> (vector<16xf32>)  : i32 {
      %mul3A_357 = arith.constant 16 : i32
      %mul3A_358 = arith.muli %scan3A_355, %mul3A_357 : i32
      %get3A = arith.index_cast %mul3A_358 : i32 to index
      %get3A_359 = tpu.vector_load %arg21[%get3A] {strides = array<i32>} : memref<512xf32, #tpu.memory_space<vmem>>, vector<16xf32>,
      %get3A_360 = vector.shape_cast %get3A_359 : vector<16xf32> to vector<16xf32>
      %mul3A_361 = arith.constant 16 : i32
      %mul3A_362 = arith.muli %scan3A_355, %mul3A_361 : i32
      %get3A_363 = arith.index_cast %mul3A_362 : i32 to index
      %get3A_364 = tpu.vector_load %arg22[%get3A_363] {strides = array<i32>} : memref<512xf32, #tpu.memory_space<vmem>>, vector<16xf32>,
      %get3A_365 = vector.shape_cast %get3A_364 : vector<16xf32> to vector<16xf32>
      %mul3A_366 = arith.constant 16 : i32
      %mul3A_367 = arith.muli %scan3A_355, %mul3A_366 : i32
      %get3A_368 = arith.index_cast %mul3A_367 : i32 to index
      %get3A_369 = tpu.vector_load %arg14[%get3A_368] {strides = array<i32>} : memref<512xf32, #tpu.memory_space<vmem>>, vector<16xf32>,
      %get3A_370 = vector.shape_cast %get3A_369 : vector<16xf32> to vector<16xf32>
      %sub3A = arith.subf %get3A_360, %get3A_365 : vector<16xf32>
      %add3A_371 = arith.constant 1.000000e+00 : f32
      %add3A_372 = vector.broadcast %add3A_371 : f32 to vector<16xf32>
      %add3A_373 = arith.addf %sub3A, %add3A_372 : vector<16xf32>
      %max3A = arith.constant 0.000000e+00 : f32
      %max3A_374 = vector.broadcast %max3A : f32 to vector<16xf32>
      %max3A_375 = arith.maximumf %add3A_373, %max3A_374 : vector<16xf32>
      %mul3A_376 = arith.mulf %get3A_370, %max3A_375 : vector<16xf32>
      %add3A_377 = arith.addf %scan3A_356, %mul3A_376 : vector<16xf32>
      scf.yield %add3A_377 : vector<16xf32>
    }
    %scan3A_342 = arith.constant 32 : i32
    %swap3A = arith.constant 0 : index
    %swap3A_343 = tpu.vector_load %arg23[%swap3A] {strides = array<i32>} : memref<16xf32, #tpu.memory_space<vmem>>, vector<16xf32>,
    %swap3A_344 = vector.shape_cast %swap3A_343 : vector<16xf32> to vector<16xf32>
    %swap3A_345 = vector.shape_cast %scan3A_341 : vector<16xf32> to vector<16xf32>
    tpu.vector_store %arg23[%swap3A], %swap3A_345 {strides = array<i32>} : memref<16xf32, #tpu.memory_space<vmem>>, vector<16xf32>,
    %scan3A_346 = arith.constant 0 : i32
    %scan3A_347 = arith.constant 0 : i32
    %scan3A_348 = arith.constant 32 : i32
    %scan3A_349 = arith.addi %scan3A_347, %scan3A_348 : i32
    %scan3A_350 = arith.constant 1 : i32
    %scan3A_351 = scf.for %scan3A_355 = %scan3A_347 to %scan3A_349 step %scan3A_350 iter_args(%scan3A_356 = %scan3A_346) -> (i32)  : i32 {
      %mul3A_357 = arith.constant 16 : i32
      %mul3A_358 = arith.muli %scan3A_355, %mul3A_357 : i32
      %get3A = arith.index_cast %mul3A_358 : i32 to index
      %get3A_359 = tpu.vector_load %arg22[%get3A] {strides = array<i32>} : memref<512xf32, #tpu.memory_space<vmem>>, vector<16xf32>,
      %get3A_360 = vector.shape_cast %get3A_359 : vector<16xf32> to vector<16xf32>
      %neg3A = arith.constant 0.000000e+00 : f32
      %neg3A_361 = vector.broadcast %neg3A : f32 to vector<16xf32>
      %neg3A_362 = arith.subf %neg3A_361, %get3A_360 : vector<16xf32>
      %mul3A_363 = arith.constant 16 : i32
      %mul3A_364 = arith.muli %scan3A_355, %mul3A_363 : i32
      %swap3A_365 = arith.index_cast %mul3A_364 : i32 to index
      %swap3A_366 = tpu.vector_load %arg21[%swap3A_365] {strides = array<i32>} : memref<512xf32, #tpu.memory_space<vmem>>, vector<16xf32>,
      %swap3A_367 = vector.shape_cast %swap3A_366 : vector<16xf32> to vector<16xf32>
      %swap3A_368 = vector.shape_cast %neg3A_362 : vector<16xf32> to vector<16xf32>
      tpu.vector_store %arg21[%swap3A_365], %swap3A_368 {strides = array<i32>} : memref<512xf32, #tpu.memory_space<vmem>>, vector<16xf32>,
      %scan3A_369 = arith.constant 0 : i32
      scf.yield %scan3A_369 : i32
    }
    %scan3A_352 = arith.constant 32 : i32
    "tpu.region"() ({
      %run_scoped3A = tpu.sem_alloc : memref<!tpu.dma_semaphore, #tpu.memory_space<semaphore_mem>>
      %dma_start3A_355 = tpu.memref_slice %arg6[%mul3A_2] : memref<16384xf32, #tpu.memory_space<hbm>> -> memref<512xf32, #tpu.memory_space<hbm>>
      %dma_start3A_356 = tpu.memref_slice %arg6[%mul3A_2] : memref<16384xf32, #tpu.memory_space<hbm>> -> memref<512xf32, #tpu.memory_space<hbm>>
      tpu.enqueue_dma source(%arg21 : memref<512xf32, #tpu.memory_space<vmem>>) target(%dma_start3A_356 : memref<512xf32, #tpu.memory_space<hbm>>) target_semaphore(%run_scoped3A : memref<!tpu.dma_semaphore, #tpu.memory_space<semaphore_mem>>)
      %dma_wait3A_357 = tpu.memref_slice %arg6[%mul3A_2] : memref<16384xf32, #tpu.memory_space<hbm>> -> memref<512xf32, #tpu.memory_space<hbm>>
      %dma_wait3A_358 = tpu.memref_slice %arg6[%mul3A_2] : memref<16384xf32, #tpu.memory_space<hbm>> -> memref<512xf32, #tpu.memory_space<hbm>>
      tpu.wait_dma2 semaphore(%run_scoped3A : memref<!tpu.dma_semaphore, #tpu.memory_space<semaphore_mem>>) src(%arg21 : memref<512xf32, #tpu.memory_space<vmem>>) dst(%dma_wait3A_358 : memref<512xf32, #tpu.memory_space<hbm>>)
      tpu.yield
    }) : () -> ()
    %mul3A_353 = arith.constant 16 : i32
    %mul3A_354 = arith.muli %add3A, %mul3A_353 : i32
    "tpu.region"() ({
      %run_scoped3A = tpu.sem_alloc : memref<!tpu.dma_semaphore, #tpu.memory_space<semaphore_mem>>
      %dma_start3A_355 = tpu.memref_slice %arg7[%mul3A_354] : memref<512xf32, #tpu.memory_space<hbm>> -> memref<16xf32, #tpu.memory_space<hbm>>
      %dma_start3A_356 = tpu.memref_slice %arg7[%mul3A_354] : memref<512xf32, #tpu.memory_space<hbm>> -> memref<16xf32, #tpu.memory_space<hbm>>
      tpu.enqueue_dma source(%arg23 : memref<16xf32, #tpu.memory_space<vmem>>) target(%dma_start3A_356 : memref<16xf32, #tpu.memory_space<hbm>>) target_semaphore(%run_scoped3A : memref<!tpu.dma_semaphore, #tpu.memory_space<semaphore_mem>>)
      %dma_wait3A_357 = tpu.memref_slice %arg7[%mul3A_354] : memref<512xf32, #tpu.memory_space<hbm>> -> memref<16xf32, #tpu.memory_space<hbm>>
      %dma_wait3A_358 = tpu.memref_slice %arg7[%mul3A_354] : memref<512xf32, #tpu.memory_space<hbm>> -> memref<16xf32, #tpu.memory_space<hbm>>
      tpu.wait_dma2 semaphore(%run_scoped3A : memref<!tpu.dma_semaphore, #tpu.memory_space<semaphore_mem>>) src(%arg23 : memref<16xf32, #tpu.memory_space<vmem>>) dst(%dma_wait3A_358 : memref<16xf32, #tpu.memory_space<hbm>>)
      tpu.yield
    }) : () -> ()
    return
  }
}

module attributes {stable_mosaic.version = 14 : i64} {
  func.func @_prep_body(%arg0: memref<1000x64xf32, #tpu.memory_space<vmem>>, %arg1: memref<1000x64xf32, #tpu.memory_space<vmem>>, %arg2: memref<1000x64xf32, #tpu.memory_space<vmem>>, %arg3: memref<3x16384xi32, #tpu.memory_space<vmem>>, %arg4: memref<3x16384xi32, #tpu.memory_space<vmem>>, %arg5: memref<16384xi32, #tpu.memory_space<vmem>>, %arg6: memref<1000x64xf32, #tpu.memory_space<vmem>>, %arg7: memref<1000x128xf32, #tpu.memory_space<vmem>>, %arg8: memref<98304xi32, #tpu.memory_space<vmem>>, %arg9: memref<16384xf32, #tpu.memory_space<vmem>>) attributes {dimension_semantics = [], scalar_prefetch = 0 : i64, scratch_operands = 0 : i64, tpu.core_type = #tpu.core_type<tc>} {
    %get3A = arith.constant 0 : index
    %get3A_0 = arith.constant 0 : index
    %get3A_1 = vector.load %arg0[%get3A, %get3A_0] : memref<1000x64xf32, #tpu.memory_space<vmem>>, vector<1000x64xf32>
    %mul3A = arith.mulf %get3A_1, %get3A_1 : vector<1000x64xf32>
    %reduce_sum3A = arith.constant dense<0.000000e+00> : vector<1000xf32>
    %reduce_sum3A_2 = vector.multi_reduction <add>, %mul3A, %reduce_sum3A [1] : vector<1000x64xf32> to vector<1000xf32>
    %broadcast_in_dim3A = vector.shape_cast %reduce_sum3A_2 : vector<1000xf32> to vector<1000x1xf32>
    %sqrt3A = math.sqrt %broadcast_in_dim3A : vector<1000x1xf32>
    %max3A = arith.constant 9.99999996E-13 : f32
    %max3A_3 = vector.broadcast %max3A : f32 to vector<1000x1xf32>
    %max3A_4 = arith.maximumf %sqrt3A, %max3A_3 : vector<1000x1xf32>
    %div3A = vector.broadcast %max3A_4 : vector<1000x1xf32> to vector<1000x64xf32>
    %div3A_5 = arith.divf %get3A_1, %div3A : vector<1000x64xf32>
    %swap3A = arith.constant 0 : index
    %swap3A_6 = arith.constant 0 : index
    %swap3A_7 = vector.load %arg6[%swap3A, %swap3A_6] : memref<1000x64xf32, #tpu.memory_space<vmem>>, vector<1000x64xf32>
    tpu.vector_store %arg6[%swap3A, %swap3A_6], %div3A_5 {strides = array<i32>} : memref<1000x64xf32, #tpu.memory_space<vmem>>, vector<1000x64xf32>,
    %get3A_8 = arith.constant 0 : index
    %get3A_9 = arith.constant 0 : index
    %get3A_10 = vector.load %arg1[%get3A_8, %get3A_9] : memref<1000x64xf32, #tpu.memory_space<vmem>>, vector<1000x64xf32>
    %mul3A_11 = arith.mulf %get3A_10, %get3A_10 : vector<1000x64xf32>
    %reduce_sum3A_12 = arith.constant dense<0.000000e+00> : vector<1000xf32>
    %reduce_sum3A_13 = vector.multi_reduction <add>, %mul3A_11, %reduce_sum3A_12 [1] : vector<1000x64xf32> to vector<1000xf32>
    %broadcast_in_dim3A_14 = vector.shape_cast %reduce_sum3A_13 : vector<1000xf32> to vector<1000x1xf32>
    %sqrt3A_15 = math.sqrt %broadcast_in_dim3A_14 : vector<1000x1xf32>
    %max3A_16 = arith.constant 9.99999996E-13 : f32
    %max3A_17 = vector.broadcast %max3A_16 : f32 to vector<1000x1xf32>
    %max3A_18 = arith.maximumf %sqrt3A_15, %max3A_17 : vector<1000x1xf32>
    %div3A_19 = vector.broadcast %max3A_18 : vector<1000x1xf32> to vector<1000x64xf32>
    %div3A_20 = arith.divf %get3A_10, %div3A_19 : vector<1000x64xf32>
    %swap3A_21 = arith.constant 0 : index
    %swap3A_22 = arith.constant 0 : index
    %swap3A_23 = vector.load %arg7[%swap3A_21, %swap3A_22] : memref<1000x128xf32, #tpu.memory_space<vmem>>, vector<1000x64xf32>
    tpu.vector_store %arg7[%swap3A_21, %swap3A_22], %div3A_20 {strides = array<i32>} : memref<1000x128xf32, #tpu.memory_space<vmem>>, vector<1000x64xf32>,
    %get3A_24 = arith.constant 0 : index
    %get3A_25 = arith.constant 0 : index
    %get3A_26 = vector.load %arg2[%get3A_24, %get3A_25] : memref<1000x64xf32, #tpu.memory_space<vmem>>, vector<1000x64xf32>
    %mul3A_27 = arith.mulf %get3A_26, %get3A_26 : vector<1000x64xf32>
    %reduce_sum3A_28 = arith.constant dense<0.000000e+00> : vector<1000xf32>
    %reduce_sum3A_29 = vector.multi_reduction <add>, %mul3A_27, %reduce_sum3A_28 [1] : vector<1000x64xf32> to vector<1000xf32>
    %broadcast_in_dim3A_30 = vector.shape_cast %reduce_sum3A_29 : vector<1000xf32> to vector<1000x1xf32>
    %sqrt3A_31 = math.sqrt %broadcast_in_dim3A_30 : vector<1000x1xf32>
    %max3A_32 = arith.constant 9.99999996E-13 : f32
    %max3A_33 = vector.broadcast %max3A_32 : f32 to vector<1000x1xf32>
    %max3A_34 = arith.maximumf %sqrt3A_31, %max3A_33 : vector<1000x1xf32>
    %div3A_35 = vector.broadcast %max3A_34 : vector<1000x1xf32> to vector<1000x64xf32>
    %div3A_36 = arith.divf %get3A_26, %div3A_35 : vector<1000x64xf32>
    %swap3A_37 = arith.constant 0 : index
    %swap3A_38 = arith.constant 64 : index
    %swap3A_39 = vector.load %arg7[%swap3A_37, %swap3A_38] : memref<1000x128xf32, #tpu.memory_space<vmem>>, vector<1000x64xf32>
    tpu.vector_store %arg7[%swap3A_37, %swap3A_38], %div3A_36 {strides = array<i32>} : memref<1000x128xf32, #tpu.memory_space<vmem>>, vector<1000x64xf32>,
    %get3A_40 = arith.constant 0 : index
    %get3A_41 = arith.constant 0 : index
    %get3A_42 = vector.load %arg3[%get3A_40, %get3A_41] : memref<3x16384xi32, #tpu.memory_space<vmem>>, vector<1x16384xi32>
    %get3A_43 = vector.shape_cast %get3A_42 : vector<1x16384xi32> to vector<16384xi32>
    %swap3A_44 = arith.constant 0 : index
    %swap3A_45 = vector.load %arg8[%swap3A_44] : memref<98304xi32, #tpu.memory_space<vmem>>, vector<16384xi32>
    tpu.vector_store %arg8[%swap3A_44], %get3A_43 {strides = array<i32>} : memref<98304xi32, #tpu.memory_space<vmem>>, vector<16384xi32>,
    %get3A_46 = arith.constant 0 : index
    %get3A_47 = arith.constant 0 : index
    %get3A_48 = vector.load %arg4[%get3A_46, %get3A_47] : memref<3x16384xi32, #tpu.memory_space<vmem>>, vector<1x16384xi32>
    %get3A_49 = vector.shape_cast %get3A_48 : vector<1x16384xi32> to vector<16384xi32>
    %swap3A_50 = arith.constant 49152 : index
    %swap3A_51 = vector.load %arg8[%swap3A_50] : memref<98304xi32, #tpu.memory_space<vmem>>, vector<16384xi32>
    tpu.vector_store %arg8[%swap3A_50], %get3A_49 {strides = array<i32>} : memref<98304xi32, #tpu.memory_space<vmem>>, vector<16384xi32>,
    %get3A_52 = arith.constant 1 : index
    %get3A_53 = arith.constant 0 : index
    %get3A_54 = vector.load %arg3[%get3A_52, %get3A_53] : memref<3x16384xi32, #tpu.memory_space<vmem>>, vector<1x16384xi32>
    %get3A_55 = vector.shape_cast %get3A_54 : vector<1x16384xi32> to vector<16384xi32>
    %swap3A_56 = arith.constant 16384 : index
    %swap3A_57 = vector.load %arg8[%swap3A_56] : memref<98304xi32, #tpu.memory_space<vmem>>, vector<16384xi32>
    tpu.vector_store %arg8[%swap3A_56], %get3A_55 {strides = array<i32>} : memref<98304xi32, #tpu.memory_space<vmem>>, vector<16384xi32>,
    %get3A_58 = arith.constant 1 : index
    %get3A_59 = arith.constant 0 : index
    %get3A_60 = vector.load %arg4[%get3A_58, %get3A_59] : memref<3x16384xi32, #tpu.memory_space<vmem>>, vector<1x16384xi32>
    %get3A_61 = vector.shape_cast %get3A_60 : vector<1x16384xi32> to vector<16384xi32>
    %swap3A_62 = arith.constant 65536 : index
    %swap3A_63 = vector.load %arg8[%swap3A_62] : memref<98304xi32, #tpu.memory_space<vmem>>, vector<16384xi32>
    tpu.vector_store %arg8[%swap3A_62], %get3A_61 {strides = array<i32>} : memref<98304xi32, #tpu.memory_space<vmem>>, vector<16384xi32>,
    %get3A_64 = arith.constant 2 : index
    %get3A_65 = arith.constant 0 : index
    %get3A_66 = vector.load %arg3[%get3A_64, %get3A_65] : memref<3x16384xi32, #tpu.memory_space<vmem>>, vector<1x16384xi32>
    %get3A_67 = vector.shape_cast %get3A_66 : vector<1x16384xi32> to vector<16384xi32>
    %swap3A_68 = arith.constant 32768 : index
    %swap3A_69 = vector.load %arg8[%swap3A_68] : memref<98304xi32, #tpu.memory_space<vmem>>, vector<16384xi32>
    tpu.vector_store %arg8[%swap3A_68], %get3A_67 {strides = array<i32>} : memref<98304xi32, #tpu.memory_space<vmem>>, vector<16384xi32>,
    %get3A_70 = arith.constant 2 : index
    %get3A_71 = arith.constant 0 : index
    %get3A_72 = vector.load %arg4[%get3A_70, %get3A_71] : memref<3x16384xi32, #tpu.memory_space<vmem>>, vector<1x16384xi32>
    %get3A_73 = vector.shape_cast %get3A_72 : vector<1x16384xi32> to vector<16384xi32>
    %swap3A_74 = arith.constant 81920 : index
    %swap3A_75 = vector.load %arg8[%swap3A_74] : memref<98304xi32, #tpu.memory_space<vmem>>, vector<16384xi32>
    tpu.vector_store %arg8[%swap3A_74], %get3A_73 {strides = array<i32>} : memref<98304xi32, #tpu.memory_space<vmem>>, vector<16384xi32>,
    %get3A_76 = arith.constant 0 : index
    %get3A_77 = vector.load %arg5[%get3A_76] : memref<16384xi32, #tpu.memory_space<vmem>>, vector<16384xi32>
    %get3A_78 = arith.constant dense<0> : vector<16384xi32>
    %get3A_79 = arith.cmpi ne, %get3A_77, %get3A_78 : vector<16384xi32>
    %convert_element_type3A = arith.extui %get3A_79 : vector<16384xi1> to vector<16384xi32>
    %convert_element_type3A_80 = arith.sitofp %convert_element_type3A : vector<16384xi32> to vector<16384xf32>
    %swap3A_81 = arith.constant 0 : index
    %swap3A_82 = vector.load %arg9[%swap3A_81] : memref<16384xf32, #tpu.memory_space<vmem>>, vector<16384xf32>
    tpu.vector_store %arg9[%swap3A_81], %convert_element_type3A_80 {strides = array<i32>} : memref<16384xf32, #tpu.memory_space<vmem>>, vector<16384xf32>,
    return
  }
}

module attributes {stable_mosaic.version = 14 : i64} {
  func.func @_final_body(%arg0: memref<4x128xf32, #tpu.memory_space<vmem>>, %arg1: memref<1x1xf32, #tpu.memory_space<vmem>>) attributes {dimension_semantics = [], scalar_prefetch = 0 : i64, scratch_operands = 0 : i64, tpu.core_type = #tpu.core_type<tc>} {
    %get3A = arith.constant 0 : index
    %get3A_0 = arith.constant 0 : index
    %get3A_1 = vector.load %arg0[%get3A, %get3A_0] : memref<4x128xf32, #tpu.memory_space<vmem>>, vector<4x128xf32>
    %reduce_sum3A = vector.shape_cast %get3A_1 : vector<4x128xf32> to vector<1x4x128xf32>
    %reduce_sum3A_2 = arith.constant dense<0.000000e+00> : vector<1xf32>
    %reduce_sum3A_3 = vector.multi_reduction <add>, %reduce_sum3A, %reduce_sum3A_2 [1, 2] : vector<1x4x128xf32> to vector<1xf32>
    %reduce_sum3A_4 = vector.shape_cast %reduce_sum3A_3 : vector<1xf32> to vector<1x1x1xf32>
    %reduce_sum3A_5 = vector.extract %reduce_sum3A_4[0, 0, 0] : f32 from vector<1x1x1xf32>
    %broadcast_in_dim3A = vector.broadcast %reduce_sum3A_5 : f32 to vector<1x1xf32>
    %swap3A = arith.constant 0 : index
    %swap3A_6 = arith.constant 0 : index
    %swap3A_7 = vector.load %arg1[%swap3A, %swap3A_6] : memref<1x1xf32, #tpu.memory_space<vmem>>, vector<1x1xf32>
    tpu.vector_store %arg1[%swap3A, %swap3A_6], %broadcast_in_dim3A {strides = array<i32>} : memref<1x1xf32, #tpu.memory_space<vmem>>, vector<1x1xf32>,
    return
  }
}

</mosaic_0001>

<sc_bundles>
// kernel: _run.5.cloned.1.call-start
scs
__scs_entry_jumppad:
0x0: {  	(pc) =	sbr.rel $0x88, $3  }
0x1: {  	(tag) =	ssettag $0x0;
	lr =	simm.s32 $0x1  }
0x2: {  	[smem:$0x3F9B] =	sst lr;
	_ =	strace $0xD0000000  }
0x3: {  	_ = 	snop  }
0x4: {  	_ = 	snop  }
0x5: {  	_ = 	snop  }
0x6: {  	_ = 	snop  }
0x7: {  	_ = 	snop  }
__scs_overlays_trampoline_lowered:
0x8: {  	[smem:$0x3FAA] =	sst s0  }
0x9: {  	[smem:$0x3FAB] =	sst s1  }
0xa: {  	[smem:$0x3FAC] =	sst s2  }
0xb: {  	[smem:$0x3FAD] =	sst s3  }
0xc: {  	[smem:$0x3FAE] =	sst s4  }
0xd: {  	[smem:$0x3FAF] =	sst s5  }
0xe: {  	[smem:$0x3FB0] =	sst s6  }
0xf: {  	[smem:$0x3FB1] =	sst s7  }
0x10: {  	[smem:$0x3FB2] =	sst s8  }
0x11: {  	[smem:$0x3FB3] =	sst s9;
	s0 =	simm.s32 @!p0 $0x0  }
0x12: {  	s1 =	sld [smem:$0x3F99];
	s0 =	simm.s32 @p0 $0x1  }
0x13: {  	[smem:$0x3FB4] =	sst s0;
	s0 =	simm.s32 @!p1 $0x0  }
0x14: {  	s2 =	sld [smem:$0x3F98];
	s0 =	simm.s32 @p1 $0x1  }
0x15: {  	[smem:$0x3FB5] =	sst s0;
	s0 =	simm.s32 @!p2 $0x0  }
0x16: {  	s3 =	sld [smem:$0x3FDB];
	s0 =	simm.s32 @p2 $0x1  }
0x17: {  	s4 =	simm.s32 $0x1BF5;
	[smem:$0x3FB7] =	sst s0  }
0x18: {  	s0 =	sld [smem:$0x3F9A];
	_ =	swait.ge [sflag:s4], $0x0  }
0x19: {  	s7 =	sld [smem:$0x3F9B]  }
0x1a: {  	s8 =	sadd.s32 $0xFFFFE003, lr  }
0x1b: {  	s9 =	sadd.s32 $0xFFFFFEF7, lr;
	s5 =	simm.s32 $0xFFFFFFFF;
	p2 =	slt.u32 s8, $0xFFFFF086  }
0x1c: {  	p1 =	slt.u32 s9, $0xF7A;
	s5 =	simm.s32 @!p2 $0x0  }
0x1d: {  	s5 =	simm.s32 @p1 $0x1;
	p0 =	seq.s32 s7, s2  }
0x1e: {  	s7 =	smul.u32 @!p0 $0xF7A, s2;
	p2 =	seq.s32 @!p0 s5, $0x0  }
0x1f: {  	s9 =	smul.u32 $0xF7A, s1;
	s8 =	simm.s32 @!p0 $0x1BF5;
	p2 =	por !p2, p0  }
0x20: {  	[sflag:s8] =	ssyncset.s32 @!p0 $0xFFFFF086;
	s6 =	sadd.s32 @!p0 s3, s7;
	s7 =	simm.s32 @!p0 $0x108  }
0x21: {  	s3 =	sadd.s32 s3, s9;
	s6 =	sadd.s32 @!p0 $0x88, s6;
	s7 =	simm.s32 @p2 $0x1082  }
0x22: {  	[simem:s7], [sflag:s8] =	dma.local @!p0 [hbm:s6], $0xF7A  }
0x23: {  	s9 =	sor.u32 $0xD0000000, s2;
	s6 =	simm.s32 $0x108;
	_ =	swait.ge @!p0 [sflag:s8], $0x0  }
0x24: {  	s3 =	sadd.s32 $0x88, s3;
	s6 =	simm.s32 @!p1 $0x1082;
	[sflag:s4] =	ssyncset.s32 $0xFFFFF086  }
0x25: {  	[simem:s6], [sflag:s4] =	dma.local [hbm:s3], $0xF7A  }
0x26: {  	[smem:$0x3F9B] =	sst s1;
	(tag) =	ssettag s2;
	_ =	strace s9  }
0x27: {  	s1 =	sld [smem:$0x3FAB]  }
0x28: {  	s2 =	sld [smem:$0x3FAC]  }
0x29: {  	s4 =	sld [smem:$0x3FAE]  }
0x2a: {  	p0 =	seq.s32 s5, $0x0;
	s5 =	sld [smem:$0x3FAF]  }
0x2b: {  	s6 =	sld [smem:$0x3FB0]  }
0x2c: {  	s7 =	sld [smem:$0x3FB1]  }
0x2d: {  	s3 =	simm.s32 $0x108;
	s8 =	sld [smem:$0x3FB2]  }
0x2e: {  	s3 =	simm.s32 @!p0 $0x1082;
	s9 =	sld [smem:$0x3FB3]  }
0x2f: {  	lr =	sadd.s32 s0, s3;
	s0 =	sld [smem:$0x3FAA]  }
0x30: {  	s3 =	sld [smem:$0x3FAD]  }
0x31: {  	[smem:$0x3FB6] =	sst s10  }
0x32: {  	s10 =	sld [smem:$0x3FB4];
	_ =	sdelay $0x3  }
0x33: {  	p0 =	seq.s32 s10, $0x1;
	s10 =	sld [smem:$0x3FB6];
	_ =	sdelay $0x3  }
0x34: {  	[smem:$0x3FB6] =	sst s10  }
0x35: {  	s10 =	sld [smem:$0x3FB5];
	_ =	sdelay $0x3  }
0x36: {  	p1 =	seq.s32 s10, $0x1;
	s10 =	sld [smem:$0x3FB6];
	_ =	sdelay $0x3  }
0x37: {  	[smem:$0x3FB6] =	sst s10  }
0x38: {  	s10 =	sld [smem:$0x3FB7]  }
0x39: {  	_ = 	snop;
	(pc) =	sbr.ind lr, $3  }
0x3a: {  	_ = 	snop  }
0x3b: {  	_ = 	snop  }
0x3c: {  	p2 =	seq.s32 s10, $0x1;
	s10 =	sld [smem:$0x3FB6]  }
0x3d: {  	_ =	shalt  }
0x3e: {  	_ =	shalt  }
0x3f: {  	_ =	shalt  }
0x40: {  	_ =	shalt  }
0x41: {  	_ =	shalt  }
0x42: {  	_ =	shalt  }
0x43: {  	_ =	shalt  }
0x44: {  	_ =	shalt  }
0x45: {  	_ =	shalt  }
0x46: {  	_ =	shalt  }
0x47: {  	_ =	shalt  }
0x48: {  	_ =	shalt  }
0x49: {  	_ =	shalt  }
0x4a: {  	_ =	shalt  }
0x4b: {  	_ =	shalt  }
0x4c: {  	_ =	shalt  }
0x4d: {  	_ =	shalt  }
0x4e: {  	_ =	shalt  }
0x4f: {  	_ =	shalt  }
0x50: {  	_ =	shalt  }
0x51: {  	_ =	shalt  }
0x52: {  	_ =	shalt  }
0x53: {  	_ =	shalt  }
0x54: {  	_ =	shalt  }
0x55: {  	_ =	shalt  }
0x56: {  	_ =	shalt  }
0x57: {  	_ =	shalt  }
0x58: {  	_ =	shalt  }
0x59: {  	_ =	shalt  }
0x5a: {  	_ =	shalt  }
0x5b: {  	_ =	shalt  }
0x5c: {  	_ =	shalt  }
0x5d: {  	_ =	shalt  }
0x5e: {  	_ =	shalt  }
0x5f: {  	_ =	shalt  }
0x60: {  	_ =	shalt  }
0x61: {  	_ =	shalt  }
0x62: {  	_ =	shalt  }
0x63: {  	_ =	shalt  }
0x64: {  	_ =	shalt  }
0x65: {  	_ =	shalt  }
0x66: {  	_ =	shalt  }
0x67: {  	_ =	shalt  }
0x68: {  	_ =	shalt  }
0x69: {  	_ =	shalt  }
0x6a: {  	_ =	shalt  }
0x6b: {  	_ =	shalt  }
0x6c: {  	_ =	shalt  }
0x6d: {  	_ =	shalt  }
0x6e: {  	_ =	shalt  }
0x6f: {  	_ =	shalt  }
0x70: {  	_ =	shalt  }
0x71: {  	_ =	shalt  }
0x72: {  	_ =	shalt  }
0x73: {  	_ =	shalt  }
0x74: {  	_ =	shalt  }
0x75: {  	_ =	shalt  }
0x76: {  	_ =	shalt  }
0x77: {  	_ =	shalt  }
0x78: {  	_ =	shalt  }
0x79: {  	_ =	shalt  }
0x7a: {  	_ =	shalt  }
0x7b: {  	_ =	shalt  }
0x7c: {  	_ =	shalt  }
0x7d: {  	_ =	shalt  }
0x7e: {  	_ =	shalt  }
0x7f: {  	_ =	shalt  }
0x80: {  	_ =	shalt  }
0x81: {  	_ =	shalt  }
0x82: {  	_ =	shalt  }
0x83: {  	_ =	shalt  }
0x84: {  	_ =	shalt  }
0x85: {  	_ =	shalt  }
0x86: {  	_ =	shalt  }
0x87: {  	_ =	shalt  }
.Lfunc_end0:
.L_simem_size_0:
called_computation_lowered:
.L_overlay_start_0:
0x88: {  	s2 =	sld [smem:$0x3FD9]  }
0x89: {  	s3 =	sld [smem:$0x3FFE];
	_ =	sdelay $0x1  }
0x8a: {  	s1 =	srdreg.scid  }
0x8b: {  	s0 =	sand.u32 $0x1, s1  }
0x8c: {  	s14 =	sshll.u32 s0, $0xA;
	s2 =	sadd.s32 s3, s2  }
0x8d: {  	s2 =	sadd.s32 s2, s14  }
0x8e: {  	[smem:$0x3FC2] =	sst s2  }
0x8f: {  	_ = 	snop  }
0x90: {  	s2 =	sld [smem:$0x3FD0];
	_ =	sdelay $0x2  }
0x91: {  	s15 =	simm.s32 $0xA;
	s4 =	simm.s32 $0x10  }
0x92: {  	[smem:s4], [sflag:s15] =	dma.local [hbm:s2], $0x1  }
0x93: {  	_ =	swait.eq [sflag:s15], $0x1  }
0x94: {  	[sflag:s15] =	ssyncset.done $0x0  }
0x95: {  	[sflag:s15] =	ssyncadd.s32 $0xFFFFFFFF  }
0x96: {  	s16 =	sld [smem:$0x11];
	(tm) =	ssettm $0x1  }
0x97: {  	s17 =	sld [smem:$0x3FFB];
	_ =	sdelay $0x3  }
0x98: {  	_ =	strace s17  }
0x99: {  	s3 =	sld [smem:$0x3FFC];
	_ =	sdelay $0x3  }
0x9a: {  	_ =	strace s3  }
0x9b: {  	s3 =	sld [smem:$0x3FFD];
	_ =	sdelay $0x3  }
0x9c: {  	_ =	strace s3  }
0x9d: {  	_ =	strace $0x8FFFFFFF  }
0x9e: {  	s18 =	sld [smem:$0x3FDB];
	_ =	sdelay $0x1  }
0x9f: {  	s19 =	simm.s32 $_scs_section_size  }
0xa0: {  	s5 =	simm.s32 $_size__tile_overlayer_lowered;
	s6 =	simm.s32 $_tile_overlayer_lowered  }
0xa1: {  	s22 =	simm.s32 $0x1BFF;
	s21 =	sshll.u32 s6, $0x1;
	s3 =	sadd.s32 s19, s18  }
0xa2: {  	s7 =	simm.s32 $0x0;
	s20 =	sshll.u32 s5, $0x1;
	s5 =	sadd.s32 s21, s3  }
0xa3: {  	[timem:s7], [sflag:s22] =	dma.local [hbm:s5], s20  }
0xa4: {  	_ =	swait.ge [sflag:s22], s20  }
0xa5: {  	s4 =	ssub.s32 $0x0, s20;
	[sflag:s22] =	ssyncset.done $0x0  }
0xa6: {  	[sflag:s22] =	ssyncadd.s32 s4;
	_ =	sdelay $0x1  }
0xa7: {  	s23 =	simm.s32 $0x1B8B  }
0xa8: {  	_ =	swait.ge [sflag:s23], $0x1  }
0xa9: {  	[sflag:s23] =	ssyncset.done $0x0  }
0xaa: {  	s25 =	simm.s32 $0x1B8E;
	s24 =	sld [smem:$0x3FFE];
	[sflag:s23] =	ssyncadd.s32 $0xFFFFFFFF  }
0xab: {  	s26 =	simm.s32 $execute0_lowered;
	[smem:$0x3FD2] =	sst s25  }
0xac: {  	s5 =	sshll.u32 s26, $0x1;
	_ =	strace $0x80000046;
	[dreg:$0x1] =	wrdreg $0xFFFFFFFF  }
0xad: {  	s28 =	simm.s32 $_size_execute0_lowered;
	s3 =	sadd.s32 s3, s5;
	[dreg:$0x0] =	wrdreg $0x0  }
0xae: {  	s5 =	sshll.u32 s28, $0x1;
	[dreg:$0x2] =	wrdreg s3  }
0xaf: {  	[dreg:$0x3] =	wrdreg s5  }
0xb0: {  	[dreg:$0x4] =	wrdreg $0xC0  }
0xb1: {  	_ =	task [dreg:s7], $0x5FFFF  }
0xb2: {  	[dreg:$0x1] =	wrdreg $0xFFFFFFFF  }
0xb3: {  	[dreg:$0x0] =	wrdreg $0x60  }
0xb4: {  	[dreg:$0x2] =	wrdreg s24  }
0xb5: {  	[dreg:$0x3] =	wrdreg s16  }
0xb6: {  	[dreg:$0x4] =	wrdreg $0x9  }
0xb7: {  	_ =	task.clear_ibuf [dreg:s7], $0x5FFFF;
	_ =	strace $0x90000046  }
0xb8: {  	s29 =	simm.s32 $0x9;
	_ =	strace $0x80000048  }
0xb9: {  	_ =	swait.ge [sflag:s29], $0x1  }
0xba: {  	[sflag:s29] =	ssyncadd.s32 $0xFFFFFFFF  }
0xbb: {  	_ =	strace $0x90000048  }
0xbc: {  	_ =	sfence  }
0xbd: {  	s30 =	sld [smem:$0x0];
	_ =	sdelay $0x2  }
0xbe: {  	s31 =	sshll.u32 s1, $0xD;
	s1 =	sshrl.u32 s1, $0x2  }
0xbf: {  	s3 =	sand.u32 $0x4000, s31;
	s1 =	sadd.s32 s1, s30  }
0xc0: {  	s0 =	sor.u32 s3, s0;
	s1 =	sshll.u32 s1, $0x11  }
0xc1: {  	s0 =	sor.u32 s1, s0  }
0xc2: {  	s0 =	sadd.s32 $0x8F2B, s0  }
0xc3: {  	[sflag:s0] =	ssyncadd.remote.s32 $0x1  }
0xc4: {  	_ =	sfence.sel $0xFFFF  }
0xc5: {  	[dreg:$0x0] =	wrdreg $0xFFFFFFFF;
	(pc) =	sbr.abs _section_cstart, $3  }
0xc6: {  	[dreg:$0x1] =	wrdreg $0xFFFFFFFF  }
0xc7: {  	_ =	task.clear_ibuf [dreg:s7], $0x2FFFF;
	_ =	strace $0x9FFFFFFF  }
0xc8: {  	(tm) =	ssettm $0x7FFFFFFF  }
0xc9: {  	_ =	shalt  }
tec
execute0_lowered:
.L_overlay_start_1:
0x0: {  	(tag) =	ssettag $0x1  }
0x1: {  	s0 =	rddreg [dreg:$0x0]  }
0x2: {  	s1 =	srdreg.scid;
	s2 =	stileid.u32  }
0x3: {  	s5 =	rddreg [dreg:$0x1];
	s19 =	simm.s32 $0xE00;
	s20 =	simm.s32 $0x2E00  }
0x4: {  	s29 =	simm.s32 $0xAE00;
	s1 =	sand.u32 $0x1, s1;
	s3 =	sshll.u32 s2, $0x1  }
0x5: {  	v0 =	vimm.s32 $0xFEDCBA98;
	v1 =	vimm.s32 $0x76543210;
	s31 =	simm.s32 $0xCE00;
	s30 =	simm.s32 $0x3;
	s4 =	sor.u32 s1, s3  }
0x6: {  	v2 =	vimm.s32 $0x3210FEDC;
	v3 =	vimm.s32 $0xBA987654;
	v4 =	vimm.s32 $0x10FEDCBA;
	s18 =	simm.s32 $0x4;
	s2 =	simm.s32 $0x0;
	s6 =	sshll.u32 s4, $0x6  }
0x7: {  	v5 =	vimm.s32 $0x98765432;
	v6 =	vimm.s32 $0xFEDCBA9;
	[smem:$0x7FF] =	sst s2;
	s3 =	sadd.s32 $0x8E00, s0;
	s7 =	sadd.s32 s6, s0  }
0x8: {  	v7 =	vimm.s32 $0x87654321;
	s1 =	ssub.s32 $0x2, s1;
	_ =	strace $0x80000047;
	s22 =	sadd.s32 $0x1600, s7  }
0x9: {  	v0 =	vunpack.c.l.s4.s8 v0;
	v1 =	vunpack.c.l.s4.s8 v1;
	v2 =	vunpack.c.l.s4.s8 v2;
	s8 =	sshll.u32 s4, $0x1;
	s23 =	sadd.s32 $0x1E00, s7;
	[dreg:$0x3] =	wrdreg s22  }
0xa: {  	v3 =	vunpack.c.l.s4.s8 v3;
	v4 =	vunpack.c.l.s4.s8 v4;
	v5 =	vunpack.c.l.s4.s8 v5;
	s4 =	sadd.s32 $0x4600, s0;
	s24 =	sadd.s32 $0x2600, s7;
	[dreg:$0x4] =	wrdreg s23  }
0xb: {  	v6 =	vunpack.c.l.s4.s8 v6;
	v7 =	vunpack.c.l.s4.s8 v7;
	s21 =	sshrl.u32 s1, $0x1;
	v0 =	vunpack.c.0.s8.s32 v0;
	s25 =	sadd.s32 $0x2E00, s7;
	[dreg:$0x5] =	wrdreg s24  }
0xc: {  	v2 =	vunpack.c.0.s8.s32 v2;
	v3 =	vunpack.c.0.s8.s32 v3;
	v4 =	vunpack.c.0.s8.s32 v4;
	s0 =	sadd.s32 s8, s0;
	s26 =	sadd.s32 $0x3600, s7;
	[dreg:$0x6] =	wrdreg s25  }
0xd: {  	v5 =	vunpack.c.0.s8.s32 v5;
	v6 =	vunpack.c.0.s8.s32 v6;
	v7 =	vunpack.c.0.s8.s32 v7;
	s1 =	ssub.s32 s1, s21;
	s28 =	sadd.s32 $0x3E00, s7;
	[dreg:$0x7] =	wrdreg s26  }
0xe: {  	v1 =	vunpack.c.0.s8.s32 v1;
	s21 =	simm.s32 $0x4E00;
	s7 =	sadd.s32 $0x8600, s7;
	v2 =	vcombine.low v3, v2;
	[dreg:$0x8] =	wrdreg s28  }
0xf: {  	s12 =	sadd.s32 $0xAE00, s0;
	v3 =	vcombine.low v5, v4;
	v4 =	vcombine.low v7, v6;
	v0 =	vand.u32 $0xF, v0;
	s0 =	simm.s32 $0x0;
	[dreg:$0x9] =	wrdreg s7  }
0x10: {  	s22 =	sadd.s32 s5, s6;
	s23 =	smax.u32 s1, $0x1;
	s24 =	simm.s32 $0x1;
	v0 =	vcombine.low v0, v1;
	v1 =	vand.u32 $0xF, v2  }
0x11: {  	s25 =	simm.s32 $0x80;
	s26 =	simm.s32 $0x8E00;
	s1 =	simm.s32 $0x2;
	v2 =	vand.u32 $0xF, v3;
	v3 =	vand.u32 $0xF, v4;
	v4 =	vlaneseq.u32  }
.LBB2_1:
0x12: {  	s5 =	rddreg [dreg:$0x3]  }
0x13: {  	[tilespmem:s2], [sflag:$0x1] =	stream.linear.gather [hbm4b:s5+s2], $0x200, $0x38;
	[tilespmem:$0x11210] =	vst v63  }
0x14: {  	s15 =	rddreg [dreg:$0x4];
	s6 =	simm.s32 $0x200  }
0x15: {  	[tilespmem:s6], [sflag:$0x1] =	stream.linear.gather [hbm4b:s15+s2], $0x200, $0x38;
	[tilespmem:$0x11210] =	vst v63  }
0x16: {  	s16 =	rddreg [dreg:$0x5];
	s7 =	simm.s32 $0x400  }
0x17: {  	[tilespmem:s7], [sflag:$0x1] =	stream.linear.gather [hbm4b:s16+s2], $0x200, $0x38;
	[tilespmem:$0x11210] =	vst v63  }
0x18: {  	s17 =	rddreg [dreg:$0x6];
	s8 =	simm.s32 $0x600  }
0x19: {  	[tilespmem:s8], [sflag:$0x1] =	stream.linear.gather [hbm4b:s17+s2], $0x200, $0x38;
	[tilespmem:$0x11210] =	vst v63  }
0x1a: {  	s9 =	rddreg [dreg:$0x7];
	s10 =	simm.s32 $0x800  }
0x1b: {  	[tilespmem:s10], [sflag:$0x1] =	stream.linear.gather [hbm4b:s9+s2], $0x200, $0x38;
	[tilespmem:$0x11210] =	vst v63  }
0x1c: {  	s11 =	rddreg [dreg:$0x8];
	s13 =	simm.s32 $0xA00  }
0x1d: {  	[tilespmem:s13], [sflag:$0x1] =	stream.linear.gather [hbm4b:s11+s2], $0x200, $0x38;
	[tilespmem:$0x11210] =	vst v63  }
0x1e: {  	s14 =	rddreg [dreg:$0x9];
	s15 =	simm.s32 $0xC00  }
0x1f: {  	[tilespmem:s15], [sflag:$0x1] =	stream.linear.gather [hbm4b:s14+s2], $0x200, $0x38;
	[tilespmem:$0x11210] =	vst v63  }
0x20: {  	_ =	swait.ge [sflag:s24], $0x200  }
0x21: {  	[sflag:s24] =	ssyncset.done $0x0  }
0x22: {  	[sflag:s24] =	ssyncadd.s32 $0xFFFFFE00  }
0x23: {  	_ =	swait.ge [sflag:s24], $0x200  }
0x24: {  	[sflag:s24] =	ssyncset.done $0x0  }
0x25: {  	[sflag:s24] =	ssyncadd.s32 $0xFFFFFE00  }
0x26: {  	_ =	swait.ge [sflag:s24], $0x200  }
0x27: {  	[sflag:s24] =	ssyncset.done $0x0  }
0x28: {  	[sflag:s24] =	ssyncadd.s32 $0xFFFFFE00  }
0x29: {  	_ =	swait.ge [sflag:s24], $0x200  }
0x2a: {  	[sflag:s24] =	ssyncset.done $0x0  }
0x2b: {  	[sflag:s24] =	ssyncadd.s32 $0xFFFFFE00  }
0x2c: {  	_ =	swait.ge [sflag:s24], $0x200  }
0x2d: {  	[sflag:s24] =	ssyncset.done $0x0  }
0x2e: {  	[sflag:s24] =	ssyncadd.s32 $0xFFFFFE00  }
0x2f: {  	_ =	swait.ge [sflag:s24], $0x200  }
0x30: {  	[sflag:s24] =	ssyncset.done $0x0  }
0x31: {  	[sflag:s24] =	ssyncadd.s32 $0xFFFFFE00  }
0x32: {  	_ =	swait.ge [sflag:s24], $0x200  }
0x33: {  	[sflag:s24] =	ssyncset.done $0x0  }
0x34: {  	[sflag:s24] =	ssyncadd.s32 $0xFFFFFE00  }
0x35: {  	[tilespmem:s19], [sflag:$0x2] =	stream.indirect.gather [hbm4b:s3+s25], $0x40, s2, s25, $0xb8;
	[tilespmem:$0x11210] =	vst v63  }
0x36: {  	_ = 	snop  }
0x37: {  	[tilespmem:s20], [sflag:$0x2] =	stream.indirect.gather [hbm4b:s3+s25], $0x40, s7, s25, $0xb8;
	[tilespmem:$0x11210] =	vst v63  }
0x38: {  	_ = 	snop  }
0x39: {  	[tilespmem:s21], [sflag:$0x2] =	stream.indirect.gather [hbm4b:s4+s25], $0x80, s6, s25, $0xb8;
	[tilespmem:$0x11210] =	vst v63  }
0x3a: {  	_ = 	snop  }
0x3b: {  	[tilespmem:s26], [sflag:$0x3] =	stream.indirect.gather [hbm4b:s3+s25], $0x40, s25, s25, $0xb8;
	[tilespmem:$0x11210] =	vst v63  }
0x3c: {  	s16 =	simm.s32 $0x480  }
0x3d: {  	[tilespmem:s29], [sflag:$0x3] =	stream.indirect.gather [hbm4b:s3+s25], $0x40, s16, s25, $0xb8;
	[tilespmem:$0x11210] =	vst v63  }
0x3e: {  	s17 =	simm.s32 $0x280  }
0x3f: {  	[tilespmem:s31], [sflag:$0x3] =	stream.indirect.gather [hbm4b:s4+s25], $0x80, s17, s25, $0xb8;
	[tilespmem:$0x11210] =	vst v63  }
0x40: {  	_ =	swait.ge [sflag:s1], $0x2000  }
0x41: {  	[sflag:s1] =	ssyncset.done $0x0  }
0x42: {  	[sflag:s1] =	ssyncadd.s32 $0xFFFFE000  }
0x43: {  	_ =	swait.ge [sflag:s1], $0x2000  }
0x44: {  	[sflag:s1] =	ssyncset.done $0x0  }
0x45: {  	[sflag:s1] =	ssyncadd.s32 $0xFFFFE000  }
0x46: {  	_ =	swait.ge [sflag:s1], $0x4000  }
0x47: {  	s28 =	simm.s32 $0x4E40;
	s13 =	simm.s32 $0x2E20;
	[sflag:s1] =	ssyncset.done $0x0  }
0x48: {  	s14 =	simm.s32 $0xE20;
	s15 =	simm.s32 $0x0;
	[sflag:s1] =	ssyncadd.s32 $0xFFFFC000  }
.LBB2_2:
0x49: {  	v5 =	vld [tilespmem:s14+$0x10]  }
0x4a: {  	v6 =	vld [tilespmem:s14+$0x0]  }
0x4b: {  	v7 =	vld [tilespmem:s14+$0xFFFFFFE0]  }
0x4c: {  	v8 =	vld [tilespmem:s13+$0xFFFFFFE0]  }
0x4d: {  	v9 =	vld [tilespmem:s13+$0x0]  }
0x4e: {  	v10 =	vld [tilespmem:s14+$0xFFFFFFF0]  }
0x4f: {  	v11 =	vld [tilespmem:s13+$0xFFFFFFF0]  }
0x50: {  	v12 =	vld [tilespmem:s28+$0x0]  }
0x51: {  	v13 =	vld [tilespmem:s28+$0x10]  }
0x52: {  	v14 =	vld [tilespmem:s13+$0x10]  }
0x53: {  	v15 =	vld [tilespmem:s28+$0x20]  }
0x54: {  	v7 =	vsub.f32 v7, v8;
	v8 =	vsub.f32 v10, v11  }
0x55: {  	v10 =	vld [tilespmem:s28+$0x30]  }
0x56: {  	v6 =	vsub.f32 v6, v9;
	v9 =	vmul.f32 v12, v7;
	v11 =	vmul.f32 v13, v8;
	_ =	sdelay $0x1  }
0x57: {  	v5 =	vsub.f32 v5, v14;
	v9 =	vadd.f32 v11, v9;
	v11 =	vmul.f32 v15, v6  }
0x58: {  	s6 =	sadd.s32 $0x40, s14  }
0x59: {  	v16 =	vld [tilespmem:s6+$0x0];
	v9 =	vadd.f32 v11, v9;
	v11 =	vmul.f32 v10, v5  }
0x5a: {  	s7 =	sadd.s32 $0x40, s13;
	v17 =	vld [tilespmem:s6+$0xFFFFFFE0]  }
0x5b: {  	v18 =	vld [tilespmem:s7+$0x0];
	v9 =	vadd.f32 v11, v9  }
0x5c: {  	v20 =	vld [tilespmem:s6+$0xFFFFFFF0]  }
0x5d: {  	s5 =	sadd.s32 $0x80, s28;
	v21 =	vld [tilespmem:s7+$0xFFFFFFF0];
	v19 =	vperm.xlane v9, v0  }
0x5e: {  	v23 =	vld [tilespmem:s5+$0x0]  }
0x5f: {  	v11 =	vld [tilespmem:s7+$0xFFFFFFE0];
	v9 =	vadd.f32 v9, v19  }
0x60: {  	v24 =	vld [tilespmem:s5+$0x10]  }
0x61: {  	v22 =	vld [tilespmem:s7+$0x10];
	v19 =	vperm.xlane v9, v1  }
0x62: {  	v25 =	vld [tilespmem:s5+$0x20]  }
0x63: {  	v14 =	vld [tilespmem:s6+$0x10];
	v9 =	vadd.f32 v9, v19  }
0x64: {  	v28 =	vld [tilespmem:s5+$0x30];
	v21 =	vsub.f32 v20, v21;
	v17 =	vsub.f32 v17, v11  }
0x65: {  	v31 =	vld [tilespmem:s5+$0xFFFFFFE0];
	v11 =	vperm.xlane v9, v2  }
0x66: {  	v26 =	vsub.f32 v16, v18;
	v20 =	vld [tilespmem:s28+$0xFFFFFFC0];
	v18 =	vmul.f32 v24, v21;
	v16 =	vmul.f32 v23, v17  }
0x67: {  	v19 =	vld [tilespmem:s28+$0xFFFFFFF0];
	v9 =	vadd.f32 v9, v11  }
0x68: {  	v22 =	vsub.f32 v14, v22;
	v14 =	vadd.f32 v18, v16;
	v16 =	vmul.f32 v25, v26;
	v11 =	vld [tilespmem:s28+$0xFFFFFFD0]  }
0x69: {  	s8 =	sadd.s32 $0x40, s6;
	v18 =	vld [tilespmem:s28+$0xFFFFFFE0];
	v27 =	vperm.xlane v9, v3  }
0x6a: {  	v29 =	vld [tilespmem:s8+$0x10];
	v14 =	vadd.f32 v16, v14;
	v16 =	vmul.f32 v28, v22  }
0x6b: {  	v7 =	vadd.f32 v20, v7;
	v20 =	vld [tilespmem:s8+$0xFFFFFFE0];
	v9 =	vadd.f32 v9, v27  }
0x6c: {  	s7 =	sadd.s32 $0x40, s7;
	v5 =	vadd.f32 v19, v5;
	v19 =	vld [tilespmem:s8+$0x0];
	v14 =	vadd.f32 v16, v14  }
0x6d: {  	v16 =	vld [tilespmem:s7+$0x0];
	v8 =	vadd.f32 v11, v8;
	v12 =	vmul.f32 v9, v12;
	v13 =	vmul.f32 v9, v13  }
0x6e: {  	v6 =	vadd.f32 v18, v6;
	v18 =	vld [tilespmem:s8+$0xFFFFFFF0];
	v27 =	vperm.xlane v14, v0  }
0x6f: {  	v11 =	vld [tilespmem:s7+$0xFFFFFFE0];
	v15 =	vmul.f32 v9, v15;
	v12 =	vsub.f32 v7, v12;
	v8 =	vsub.f32 v8, v13  }
0x70: {  	s6 =	sadd.s32 $0x80, s5;
	v14 =	vadd.f32 v14, v27;
	v9 =	vmul.f32 v9, v10;
	v13 =	vld [tilespmem:s7+$0xFFFFFFF0]  }
0x71: {  	v6 =	vsub.f32 v6, v15;
	v7 =	vld [tilespmem:s6+$0x0];
	v10 =	vand.u32 $0x7FFFFFFF, v12;
	v12 =	vand.u32 $0x7FFFFFFF, v8  }
0x72: {  	v15 =	vperm.xlane v14, v1;
	v8 =	vld [tilespmem:s6+$0x10];
	v10 =	vadd.f32 v12, v10  }
0x73: {  	v5 =	vsub.f32 v5, v9;
	v9 =	vld [tilespmem:s6+$0x20];
	v6 =	vand.u32 $0x7FFFFFFF, v6  }
0x74: {  	v15 =	vadd.f32 v14, v15;
	v12 =	vld [tilespmem:s7+$0x10];
	v14 =	vadd.f32 v10, v6  }
0x75: {  	v27 =	vld [tilespmem:s5+$0xFFFFFFC0];
	v11 =	vsub.f32 v20, v11;
	v5 =	vand.u32 $0x7FFFFFFF, v5;
	v10 =	vsub.f32 v18, v13  }
0x76: {  	v6 =	vld [tilespmem:s6+$0x30];
	v18 =	vperm.xlane v15, v2;
	v20 =	vadd.f32 v14, v5  }
0x77: {  	v13 =	vld [tilespmem:s5+$0xFFFFFFF0];
	v14 =	vsub.f32 v19, v16;
	v5 =	vmul.f32 v7, v11;
	v16 =	vmul.f32 v8, v10  }
0x78: {  	v30 =	vld [tilespmem:s5+$0xFFFFFFD0];
	v15 =	vadd.f32 v15, v18;
	v18 =	vperm.xlane v20, v0  }
0x79: {  	v12 =	vsub.f32 v29, v12;
	v19 =	vadd.f32 v16, v5;
	v29 =	vmul.f32 v9, v14  }
0x7a: {  	v31 =	vadd.f32 v31, v26;
	s8 =	sadd.s32 $0x40, s8;
	v32 =	vperm.xlane v15, v3;
	v33 =	vadd.f32 v20, v18  }
0x7b: {  	v17 =	vadd.f32 v27, v17;
	v16 =	vld [tilespmem:s8+$0x10];
	v34 =	vmul.f32 v6, v12;
	v29 =	vadd.f32 v29, v19  }
0x7c: {  	v18 =	vadd.f32 v13, v22;
	v19 =	vld [tilespmem:s8+$0x0];
	v32 =	vadd.f32 v15, v32;
	v15 =	vperm.xlane v33, v1  }
0x7d: {  	s9 =	sadd.s32 $0x40, s7;
	v5 =	vimm.f32 $0.0e+00;
	v20 =	vld [tilespmem:s8+$0xFFFFFFE0];
	v27 =	vadd.f32 v34, v29;
	v29 =	vadd.f32 v30, v21  }
0x7e: {  	s17 =	simm.s32 $0x0;
	v22 =	vld [tilespmem:s9+$0xFFFFFFE0];
	v30 =	vmul.f32 v32, v23;
	v24 =	vmul.f32 v32, v24;
	v15 =	vadd.f32 v33, v15  }
0x7f: {  	v13 =	vmov s17;
	v21 =	vld [tilespmem:s9+$0x0];
	v63 =	vmul.f32 v32, v25;
	v62 =	vperm.xlane v27, v0  }
0x80: {  	s16 =	simm.s32 $0x3;
	s10 =	simm.s32 $0x4;
	v23 =	vld [tilespmem:s8+$0xFFFFFFF0];
	v25 =	vsub.f32 v17, v30;
	v26 =	vsub.f32 v29, v24;
	v17 =	vperm.xlane v15, v2  }
0x81: {  	s7 =	sadd.s32 $0x80, s6;
	s5 =	simm.s32 $0x1;
	s17 =	simm.s32 $0x2;
	v28 =	vmul.f32 v32, v28;
	v29 =	vld [tilespmem:s9+$0xFFFFFFF0];
	v24 =	vadd.f32 v27, v62;
	v27 =	vsub.f32 v31, v63  }
.LBB2_3:
0x82: {  	p0 =	sne.s32 s10, $0xF;
	v30 =	vld [tilespmem:s7+$0x0];
	v25 =	vand.u32 $0x7FFFFFFF, v25;
	v26 =	vand.u32 $0x7FFFFFFF, v26;
	v15 =	vadd.f32 v15, v17;
	v17 =	vmovc v14  }
0x83: {  	v31 =	vld [tilespmem:s7+$0x10];
	v20 =	vsub.f32 v20, v22;
	v14 =	vperm.xlane v24, v1;
	v22 =	vadd.f32 v26, v25  }
0x84: {  	v26 =	vand.u32 $0x7FFFFFFF, v27;
	v18 =	vsub.f32 v18, v28;
	v25 =	vld [tilespmem:s9+$0x10];
	v27 =	vperm.xlane v15, v3  }
0x85: {  	vm0 =	veq.s32 v13, v4;
	v28 =	vld [tilespmem:s7+$0x20];
	v24 =	vadd.f32 v24, v14;
	v22 =	vadd.f32 v22, v26  }
0x86: {  	v18 =	vand.u32 $0x7FFFFFFF, v18;
	v23 =	vsub.f32 v23, v29;
	v13 =	vld [tilespmem:s6+$0xFFFFFFF0];
	v15 =	vadd.f32 v15, v27  }
0x87: {  	v14 =	vsub.f32 v19, v21;
	v32 =	vld [tilespmem:s7+$0x30];
	v19 =	vperm.xlane v24, v2;
	v18 =	vadd.f32 v22, v18  }
0x88: {  	v21 =	vmul.f32 v30, v20;
	v22 =	vmul.f32 v31, v23;
	v26 =	vld [tilespmem:s6+$0xFFFFFFC0];
	v5 =	vsel vm0, v15, v5  }
0x89: {  	v15 =	vld [tilespmem:s6+$0xFFFFFFD0];
	v24 =	vadd.f32 v24, v19;
	v19 =	vperm.xlane v18, v0  }
0x8a: {  	v25 =	vsub.f32 v16, v25;
	v21 =	vadd.f32 v22, v21;
	v22 =	vmul.f32 v28, v14  }
0x8b: {  	s8 =	sadd.s32 $0x40, s8;
	v27 =	vld [tilespmem:s6+$0xFFFFFFE0];
	v29 =	vperm.xlane v24, v3;
	v33 =	vadd.f32 v18, v19;
	s6 =	smov.u32 s7  }
0x8c: {  	v18 =	vadd.f32 v13, v12;
	v12 =	vmovc v25;
	v16 =	vld [tilespmem:s8+$0x10];
	v21 =	vadd.f32 v22, v21;
	v22 =	vmul.f32 v32, v25  }
0x8d: {  	v19 =	vld [tilespmem:s8+$0x0];
	v34 =	vadd.f32 v24, v29;
	v24 =	vadd.f32 v26, v11;
	v25 =	vperm.xlane v33, v1;
	v11 =	vmovc v20  }
.Ltmp0:
0x8e: {  	s9 =	sadd.s32 $0x40, s9;
	v13 =	vmov s5;
	s5 =	smov.u32 s17;
	v20 =	vld [tilespmem:s8+$0xFFFFFFE0];
	v35 =	vadd.f32 v22, v21;
	v26 =	vadd.f32 v15, v10;
	v10 =	vmovc v23;
	(pc) =	sbr.rel @p0 .LBB2_3-.Ltmp0, $4  }
0x8f: {  	s17 =	smov.u32 s16;
	s16 =	smov.u32 s10;
	v22 =	vld [tilespmem:s9+$0xFFFFFFE0];
	v29 =	vmul.f32 v34, v7;
	v36 =	vmul.f32 v34, v8;
	v15 =	vadd.f32 v33, v25;
	v7 =	vmovc v30  }
0x90: {  	v33 =	vmul.f32 v34, v9;
	v8 =	vmovc v31;
	v21 =	vld [tilespmem:s9+$0x0];
	v30 =	vperm.xlane v35, v0;
	v27 =	vadd.f32 v27, v17  }
0x91: {  	v9 =	vmovc v28;
	v23 =	vld [tilespmem:s8+$0xFFFFFFF0];
	v25 =	vsub.f32 v24, v29;
	v26 =	vsub.f32 v26, v36;
	v17 =	vperm.xlane v15, v2  }
0x92: {  	s10 =	sadd.s32 $0x1, s10;
	s7 =	sadd.s32 $0x80, s7;
	v28 =	vmul.f32 v34, v6;
	v6 =	vmovc v32;
	v29 =	vld [tilespmem:s9+$0xFFFFFFF0];
	v24 =	vadd.f32 v35, v30;
	v27 =	vsub.f32 v27, v33  }
0x93: {  	v30 =	vld [tilespmem:s7+$0x0]  }
0x94: {  	v31 =	vld [tilespmem:s7+$0x10]  }
0x95: {  	v32 =	vld [tilespmem:s9+$0x10]  }
0x96: {  	v33 =	vld [tilespmem:s7+$0x20]  }
0x97: {  	v20 =	vsub.f32 v20, v22;
	v52 =	vsub.f32 v23, v29  }
0x98: {  	v53 =	vld [tilespmem:s7+$0x30]  }
0x99: {  	v19 =	vsub.f32 v19, v21;
	v54 =	vmul.f32 v30, v20;
	v29 =	vmul.f32 v31, v52;
	_ =	sdelay $0x1  }
0x9a: {  	v16 =	vsub.f32 v16, v32;
	v55 =	vmul.f32 v33, v19;
	v21 =	vadd.f32 v29, v54;
	_ =	sdelay $0x1  }
0x9b: {  	v56 =	vmul.f32 v53, v16;
	v21 =	vadd.f32 v55, v21;
	_ =	sdelay $0x1  }
0x9c: {  	v21 =	vadd.f32 v56, v21;
	_ =	sdelay $0x1  }
0x9d: {  	v58 =	vperm.xlane v21, v0  }
0x9e: {  	v57 =	vperm.xlane v24, v1  }
0x9f: {  	v21 =	vadd.f32 v21, v58  }
0xa0: {  	v24 =	vadd.f32 v24, v57  }
0xa1: {  	v59 =	vld [tilespmem:s6+$0xFFFFFFF0];
	v32 =	vperm.xlane v21, v1  }
0xa2: {  	v60 =	vld [tilespmem:s6+$0xFFFFFFC0];
	v29 =	vperm.xlane v24, v2  }
0xa3: {  	v25 =	vand.u32 $0x7FFFFFFF, v25;
	v26 =	vand.u32 $0x7FFFFFFF, v26;
	v61 =	vld [tilespmem:s6+$0xFFFFFFD0];
	v21 =	vadd.f32 v21, v32  }
0xa4: {  	v62 =	vld [tilespmem:s6+$0xFFFFFFE0];
	v25 =	vadd.f32 v26, v25;
	v24 =	vadd.f32 v24, v29  }
0xa5: {  	v35 =	vld [tilespmem:s7+$0xFFFFFFC0];
	v27 =	vand.u32 $0x7FFFFFFF, v27;
	v34 =	vperm.xlane v21, v2  }
0xa6: {  	v37 =	vld [tilespmem:s7+$0xFFFFFFE0];
	v18 =	vsub.f32 v18, v28;
	v25 =	vadd.f32 v25, v27;
	v63 =	vperm.xlane v24, v3  }
0xa7: {  	v12 =	vadd.f32 v59, v12;
	v21 =	vadd.f32 v21, v34  }
0xa8: {  	v36 =	vld [tilespmem:s7+$0xFFFFFFD0];
	v18 =	vand.u32 $0x7FFFFFFF, v18;
	v11 =	vadd.f32 v60, v11;
	v24 =	vadd.f32 v24, v63  }
0xa9: {  	v10 =	vadd.f32 v61, v10;
	v14 =	vadd.f32 v62, v14;
	v38 =	vperm.xlane v21, v3  }
0xaa: {  	v41 =	vadd.f32 v35, v20;
	v7 =	vmul.f32 v24, v7;
	v8 =	vmul.f32 v24, v8  }
0xab: {  	v39 =	vld [tilespmem:s7+$0xFFFFFFF0];
	v44 =	vadd.f32 v37, v19;
	v9 =	vmul.f32 v24, v9;
	v40 =	vadd.f32 v21, v38  }
0xac: {  	v6 =	vmul.f32 v24, v6;
	v7 =	vsub.f32 v11, v7;
	v8 =	vsub.f32 v10, v8  }
0xad: {  	v42 =	vadd.f32 v36, v52;
	v21 =	vmul.f32 v40, v30;
	v43 =	vmul.f32 v40, v31  }
0xae: {  	v9 =	vsub.f32 v14, v9;
	v7 =	vand.u32 $0x7FFFFFFF, v7;
	v8 =	vand.u32 $0x7FFFFFFF, v8  }
0xaf: {  	v45 =	vmul.f32 v40, v33;
	v14 =	vsub.f32 v41, v21;
	v20 =	vsub.f32 v42, v43  }
0xb0: {  	v10 =	vadd.f32 v39, v16;
	v7 =	vadd.f32 v8, v7;
	v11 =	vmul.f32 v40, v53  }
0xb1: {  	v8 =	vsub.f32 v44, v45;
	v14 =	vand.u32 $0x7FFFFFFF, v14;
	v46 =	vand.u32 $0x7FFFFFFF, v20  }
0xb2: {  	v6 =	vsub.f32 v12, v6;
	v9 =	vand.u32 $0x7FFFFFFF, v9;
	v47 =	vadd.f32 v46, v14  }
0xb3: {  	v7 =	vadd.f32 v7, v9;
	v48 =	vsub.f32 v10, v11;
	v8 =	vand.u32 $0x7FFFFFFF, v8  }
0xb4: {  	v18 =	vadd.f32 v25, v18;
	v6 =	vand.u32 $0x7FFFFFFF, v6;
	v8 =	vadd.f32 v47, v8  }
0xb5: {  	v6 =	vadd.f32 v7, v6;
	v7 =	vand.u32 $0x7FFFFFFF, v48  }
0xb6: {  	v49 =	vperm.xlane v18, v0;
	v7 =	vadd.f32 v8, v7  }
0xb7: {  	v51 =	vperm.xlane v6, v0  }
0xb8: {  	v50 =	vadd.f32 v18, v49;
	v52 =	vperm.xlane v7, v0  }
0xb9: {  	v6 =	vadd.f32 v6, v51  }
0xba: {  	v53 =	vperm.xlane v50, v1;
	v7 =	vadd.f32 v7, v52  }
0xbb: {  	v9 =	vperm.xlane v6, v1  }
0xbc: {  	v8 =	vadd.f32 v50, v53;
	v10 =	vperm.xlane v7, v1  }
0xbd: {  	v6 =	vadd.f32 v6, v9  }
0xbe: {  	v11 =	vperm.xlane v8, v2;
	v7 =	vadd.f32 v7, v10  }
0xbf: {  	v54 =	vadd.f32 v15, v17;
	v55 =	vperm.xlane v6, v2  }
0xc0: {  	v8 =	vadd.f32 v8, v11;
	v57 =	vperm.xlane v7, v2  }
0xc1: {  	vm0 =	veq.s32 v13, v4;
	v56 =	vperm.xlane v54, v3;
	v6 =	vadd.f32 v6, v55  }
0xc2: {  	v59 =	vmov s5;
	v58 =	vperm.xlane v8, v3;
	v7 =	vadd.f32 v7, v57  }
0xc3: {  	v62 =	vmov s17;
	s17 =	sshll.u32 s15, $0x4;
	s15 =	sadd.s32 $0x1, s15;
	v9 =	vadd.f32 v54, v56;
	v60 =	vperm.xlane v6, v3  }
0xc4: {  	vm13 =	veq.s32 v59, v4;
	p0 =	sne.s32 s15, $0x8;
	v8 =	vadd.f32 v8, v58;
	v61 =	vperm.xlane v7, v3  }
.Ltmp1:
0xc5: {  	vm14 =	veq.s32 v62, v4;
	v5 =	vsel vm0, v9, v5;
	v6 =	vadd.f32 v6, v60;
	(pc) =	sbr.rel @p0 .LBB2_2-.Ltmp1, $4  }
0xc6: {  	v63 =	vmov s16;
	v5 =	vsel vm13, v8, v5;
	v7 =	vadd.f32 v7, v61  }
0xc7: {  	vm15 =	veq.s32 v63, v4;
	v5 =	vsel vm14, v6, v5  }
0xc8: {  	s5 =	sand.u32 $0x3FFFFFF0, s17;
	v5 =	vsel vm15, v7, v5  }
0xc9: {  	s28 =	sadd.s32 $0x800, s28;
	s13 =	sadd.s32 $0x400, s13;
	s14 =	sadd.s32 $0x400, s14;
	[tilespmem:s5+$0x10E00] =	vst v5  }
0xca: {  	s5 =	simm.s32 $0x100  }
0xcb: {  	[tilespmem:s19], [sflag:$0x2] =	stream.indirect.gather [hbm4b:s3+s25], $0x40, s5, s25, $0xb8;
	[tilespmem:$0x11210] =	vst v63  }
0xcc: {  	s16 =	simm.s32 $0x500  }
0xcd: {  	[tilespmem:s20], [sflag:$0x2] =	stream.indirect.gather [hbm4b:s3+s25], $0x40, s16, s25, $0xb8;
	[tilespmem:$0x11210] =	vst v63  }
0xce: {  	s17 =	simm.s32 $0x300  }
0xcf: {  	[tilespmem:s21], [sflag:$0x2] =	stream.indirect.gather [hbm4b:s4+s25], $0x80, s17, s25, $0xb8;
	[tilespmem:$0x11210] =	vst v63  }
0xd0: {  	_ =	swait.ge [sflag:s30], $0x2000  }
0xd1: {  	[sflag:s30] =	ssyncset.done $0x0  }
0xd2: {  	[sflag:s30] =	ssyncadd.s32 $0xFFFFE000  }
0xd3: {  	_ =	swait.ge [sflag:s30], $0x2000  }
0xd4: {  	[sflag:s30] =	ssyncset.done $0x0  }
0xd5: {  	[sflag:s30] =	ssyncadd.s32 $0xFFFFE000  }
0xd6: {  	s28 =	simm.s32 $0x0;
	_ =	swait.ge [sflag:s30], $0x4000  }
0xd7: {  	s13 =	simm.s32 $0xCE40;
	s14 =	simm.s32 $0xAE20;
	[sflag:s30] =	ssyncset.done $0x0  }
0xd8: {  	s15 =	simm.s32 $0x8E20;
	s16 =	simm.s32 $0x0;
	[sflag:s30] =	ssyncadd.s32 $0xFFFFC000  }
.LBB2_6:
0xd9: {  	v5 =	vld [tilespmem:s15+$0x10]  }
0xda: {  	v6 =	vld [tilespmem:s15+$0x0]  }
0xdb: {  	v7 =	vld [tilespmem:s15+$0xFFFFFFE0]  }
0xdc: {  	v8 =	vld [tilespmem:s14+$0xFFFFFFE0]  }
0xdd: {  	v9 =	vld [tilespmem:s14+$0x0]  }
0xde: {  	v10 =	vld [tilespmem:s15+$0xFFFFFFF0]  }
0xdf: {  	v11 =	vld [tilespmem:s14+$0xFFFFFFF0]  }
0xe0: {  	v12 =	vld [tilespmem:s13+$0x0]  }
0xe1: {  	v13 =	vld [tilespmem:s13+$0x10]  }
0xe2: {  	v14 =	vld [tilespmem:s14+$0x10]  }
0xe3: {  	v15 =	vld [tilespmem:s13+$0x20]  }
0xe4: {  	v7 =	vsub.f32 v7, v8;
	v8 =	vsub.f32 v10, v11  }
0xe5: {  	v10 =	vld [tilespmem:s13+$0x30]  }
0xe6: {  	v6 =	vsub.f32 v6, v9;
	v9 =	vmul.f32 v12, v7;
	v11 =	vmul.f32 v13, v8;
	_ =	sdelay $0x1  }
0xe7: {  	v5 =	vsub.f32 v5, v14;
	v9 =	vadd.f32 v11, v9;
	v11 =	vmul.f32 v15, v6  }
0xe8: {  	s6 =	sadd.s32 $0x40, s15  }
0xe9: {  	v16 =	vld [tilespmem:s6+$0x0];
	v9 =	vadd.f32 v11, v9;
	v11 =	vmul.f32 v10, v5  }
0xea: {  	s7 =	sadd.s32 $0x40, s14;
	v17 =	vld [tilespmem:s6+$0xFFFFFFE0]  }
0xeb: {  	v18 =	vld [tilespmem:s7+$0x0];
	v9 =	vadd.f32 v11, v9  }
0xec: {  	v20 =	vld [tilespmem:s6+$0xFFFFFFF0]  }
0xed: {  	s5 =	sadd.s32 $0x80, s13;
	v21 =	vld [tilespmem:s7+$0xFFFFFFF0];
	v19 =	vperm.xlane v9, v0  }
0xee: {  	v23 =	vld [tilespmem:s5+$0x0]  }
0xef: {  	v11 =	vld [tilespmem:s7+$0xFFFFFFE0];
	v9 =	vadd.f32 v9, v19  }
0xf0: {  	v24 =	vld [tilespmem:s5+$0x10]  }
0xf1: {  	v22 =	vld [tilespmem:s7+$0x10];
	v19 =	vperm.xlane v9, v1  }
0xf2: {  	v25 =	vld [tilespmem:s5+$0x20]  }
0xf3: {  	v14 =	vld [tilespmem:s6+$0x10];
	v9 =	vadd.f32 v9, v19  }
0xf4: {  	v28 =	vld [tilespmem:s5+$0x30];
	v21 =	vsub.f32 v20, v21;
	v17 =	vsub.f32 v17, v11  }
0xf5: {  	v31 =	vld [tilespmem:s5+$0xFFFFFFE0];
	v11 =	vperm.xlane v9, v2  }
0xf6: {  	v26 =	vsub.f32 v16, v18;
	v20 =	vld [tilespmem:s13+$0xFFFFFFC0];
	v18 =	vmul.f32 v24, v21;
	v16 =	vmul.f32 v23, v17  }
0xf7: {  	v19 =	vld [tilespmem:s13+$0xFFFFFFF0];
	v9 =	vadd.f32 v9, v11  }
0xf8: {  	v22 =	vsub.f32 v14, v22;
	v14 =	vadd.f32 v18, v16;
	v16 =	vmul.f32 v25, v26;
	v11 =	vld [tilespmem:s13+$0xFFFFFFD0]  }
0xf9: {  	s6 =	sadd.s32 $0x40, s6;
	v18 =	vld [tilespmem:s13+$0xFFFFFFE0];
	v27 =	vperm.xlane v9, v3  }
0xfa: {  	v29 =	vld [tilespmem:s6+$0x10];
	v14 =	vadd.f32 v16, v14;
	v16 =	vmul.f32 v28, v22  }
0xfb: {  	v7 =	vadd.f32 v20, v7;
	v20 =	vld [tilespmem:s6+$0xFFFFFFE0];
	v9 =	vadd.f32 v9, v27  }
0xfc: {  	s8 =	sadd.s32 $0x40, s7;
	v5 =	vadd.f32 v19, v5;
	v19 =	vld [tilespmem:s6+$0x0];
	v14 =	vadd.f32 v16, v14  }
0xfd: {  	v16 =	vld [tilespmem:s8+$0x0];
	v8 =	vadd.f32 v11, v8;
	v12 =	vmul.f32 v9, v12;
	v13 =	vmul.f32 v9, v13  }
0xfe: {  	v6 =	vadd.f32 v18, v6;
	v18 =	vld [tilespmem:s6+$0xFFFFFFF0];
	v27 =	vperm.xlane v14, v0  }
0xff: {  	v11 =	vld [tilespmem:s8+$0xFFFFFFE0];
	v15 =	vmul.f32 v9, v15;
	v12 =	vsub.f32 v7, v12;
	v8 =	vsub.f32 v8, v13  }
0x100: {  	s7 =	sadd.s32 $0x80, s5;
	v14 =	vadd.f32 v14, v27;
	v9 =	vmul.f32 v9, v10;
	v13 =	vld [tilespmem:s8+$0xFFFFFFF0]  }
0x101: {  	v6 =	vsub.f32 v6, v15;
	v7 =	vld [tilespmem:s7+$0x0];
	v10 =	vand.u32 $0x7FFFFFFF, v12;
	v12 =	vand.u32 $0x7FFFFFFF, v8  }
0x102: {  	v15 =	vperm.xlane v14, v1;
	v8 =	vld [tilespmem:s7+$0x10];
	v10 =	vadd.f32 v12, v10  }
0x103: {  	v5 =	vsub.f32 v5, v9;
	v9 =	vld [tilespmem:s7+$0x20];
	v6 =	vand.u32 $0x7FFFFFFF, v6  }
0x104: {  	v15 =	vadd.f32 v14, v15;
	v12 =	vld [tilespmem:s8+$0x10];
	v14 =	vadd.f32 v10, v6  }
0x105: {  	v27 =	vld [tilespmem:s5+$0xFFFFFFC0];
	v11 =	vsub.f32 v20, v11;
	v5 =	vand.u32 $0x7FFFFFFF, v5;
	v10 =	vsub.f32 v18, v13  }
0x106: {  	v6 =	vld [tilespmem:s7+$0x30];
	v18 =	vperm.xlane v15, v2;
	v20 =	vadd.f32 v14, v5  }
0x107: {  	v13 =	vld [tilespmem:s5+$0xFFFFFFF0];
	v14 =	vsub.f32 v19, v16;
	v5 =	vmul.f32 v7, v11;
	v16 =	vmul.f32 v8, v10  }
0x108: {  	v30 =	vld [tilespmem:s5+$0xFFFFFFD0];
	v15 =	vadd.f32 v15, v18;
	v18 =	vperm.xlane v20, v0  }
0x109: {  	v12 =	vsub.f32 v29, v12;
	v19 =	vadd.f32 v16, v5;
	v29 =	vmul.f32 v9, v14  }
0x10a: {  	s9 =	sadd.s32 $0x40, s6;
	v31 =	vadd.f32 v31, v26;
	v32 =	vperm.xlane v15, v3;
	v33 =	vadd.f32 v20, v18  }
0x10b: {  	v17 =	vadd.f32 v27, v17;
	v16 =	vld [tilespmem:s9+$0x10];
	v34 =	vmul.f32 v6, v12;
	v29 =	vadd.f32 v29, v19  }
0x10c: {  	v18 =	vadd.f32 v13, v22;
	v19 =	vld [tilespmem:s9+$0x0];
	v32 =	vadd.f32 v15, v32;
	v15 =	vperm.xlane v33, v1  }
0x10d: {  	s10 =	sadd.s32 $0x40, s8;
	v5 =	vimm.f32 $0.0e+00;
	v20 =	vld [tilespmem:s9+$0xFFFFFFE0];
	v27 =	vadd.f32 v34, v29;
	v29 =	vadd.f32 v30, v21  }
0x10e: {  	v22 =	vld [tilespmem:s10+$0xFFFFFFE0];
	v30 =	vmul.f32 v32, v23;
	v24 =	vmul.f32 v32, v24;
	v15 =	vadd.f32 v33, v15  }
0x10f: {  	v13 =	vmov s28;
	v21 =	vld [tilespmem:s10+$0x0];
	v63 =	vmul.f32 v32, v25;
	v62 =	vperm.xlane v27, v0  }
0x110: {  	s17 =	simm.s32 $0x3;
	s11 =	simm.s32 $0x4;
	v23 =	vld [tilespmem:s9+$0xFFFFFFF0];
	v25 =	vsub.f32 v17, v30;
	v26 =	vsub.f32 v29, v24;
	v17 =	vperm.xlane v15, v2  }
0x111: {  	s6 =	simm.s32 $0x1;
	s8 =	sadd.s32 $0x80, s7;
	s5 =	simm.s32 $0x2;
	v28 =	vmul.f32 v32, v28;
	v29 =	vld [tilespmem:s10+$0xFFFFFFF0];
	v24 =	vadd.f32 v27, v62;
	v27 =	vsub.f32 v31, v63  }
.LBB2_7:
0x112: {  	p0 =	sne.s32 s11, $0xF;
	v30 =	vld [tilespmem:s8+$0x0];
	v25 =	vand.u32 $0x7FFFFFFF, v25;
	v26 =	vand.u32 $0x7FFFFFFF, v26;
	v15 =	vadd.f32 v15, v17;
	v17 =	vmovc v14  }
0x113: {  	v31 =	vld [tilespmem:s8+$0x10];
	v20 =	vsub.f32 v20, v22;
	v14 =	vperm.xlane v24, v1;
	v22 =	vadd.f32 v26, v25  }
0x114: {  	v26 =	vand.u32 $0x7FFFFFFF, v27;
	v18 =	vsub.f32 v18, v28;
	v25 =	vld [tilespmem:s10+$0x10];
	v27 =	vperm.xlane v15, v3  }
0x115: {  	vm0 =	veq.s32 v13, v4;
	v28 =	vld [tilespmem:s8+$0x20];
	v24 =	vadd.f32 v24, v14;
	v22 =	vadd.f32 v22, v26  }
0x116: {  	v18 =	vand.u32 $0x7FFFFFFF, v18;
	v23 =	vsub.f32 v23, v29;
	v13 =	vld [tilespmem:s7+$0xFFFFFFF0];
	v15 =	vadd.f32 v15, v27  }
0x117: {  	v14 =	vsub.f32 v19, v21;
	v32 =	vld [tilespmem:s8+$0x30];
	v19 =	vperm.xlane v24, v2;
	v18 =	vadd.f32 v22, v18  }
0x118: {  	v21 =	vmul.f32 v30, v20;
	v22 =	vmul.f32 v31, v23;
	v26 =	vld [tilespmem:s7+$0xFFFFFFC0];
	v5 =	vsel vm0, v15, v5  }
0x119: {  	v15 =	vld [tilespmem:s7+$0xFFFFFFD0];
	v24 =	vadd.f32 v24, v19;
	v19 =	vperm.xlane v18, v0  }
0x11a: {  	v25 =	vsub.f32 v16, v25;
	v21 =	vadd.f32 v22, v21;
	v22 =	vmul.f32 v28, v14  }
0x11b: {  	s9 =	sadd.s32 $0x40, s9;
	v27 =	vld [tilespmem:s7+$0xFFFFFFE0];
	v29 =	vperm.xlane v24, v3;
	v33 =	vadd.f32 v18, v19;
	s7 =	smov.u32 s8  }
0x11c: {  	v18 =	vadd.f32 v13, v12;
	v12 =	vmovc v25;
	v16 =	vld [tilespmem:s9+$0x10];
	v21 =	vadd.f32 v22, v21;
	v22 =	vmul.f32 v32, v25  }
0x11d: {  	v19 =	vld [tilespmem:s9+$0x0];
	v34 =	vadd.f32 v24, v29;
	v24 =	vadd.f32 v26, v11;
	v25 =	vperm.xlane v33, v1;
	v11 =	vmovc v20  }
.Ltmp2:
0x11e: {  	s10 =	sadd.s32 $0x40, s10;
	v13 =	vmov s6;
	s6 =	smov.u32 s5;
	v20 =	vld [tilespmem:s9+$0xFFFFFFE0];
	v35 =	vadd.f32 v22, v21;
	v26 =	vadd.f32 v15, v10;
	v10 =	vmovc v23;
	(pc) =	sbr.rel @p0 .LBB2_7-.Ltmp2, $4  }
0x11f: {  	s5 =	smov.u32 s17;
	s17 =	smov.u32 s11;
	v22 =	vld [tilespmem:s10+$0xFFFFFFE0];
	v29 =	vmul.f32 v34, v7;
	v36 =	vmul.f32 v34, v8;
	v15 =	vadd.f32 v33, v25;
	v7 =	vmovc v30  }
0x120: {  	v33 =	vmul.f32 v34, v9;
	v8 =	vmovc v31;
	v21 =	vld [tilespmem:s10+$0x0];
	v30 =	vperm.xlane v35, v0;
	v27 =	vadd.f32 v27, v17  }
0x121: {  	v9 =	vmovc v28;
	v23 =	vld [tilespmem:s9+$0xFFFFFFF0];
	v25 =	vsub.f32 v24, v29;
	v26 =	vsub.f32 v26, v36;
	v17 =	vperm.xlane v15, v2  }
0x122: {  	s11 =	sadd.s32 $0x1, s11;
	s8 =	sadd.s32 $0x80, s8;
	v28 =	vmul.f32 v34, v6;
	v6 =	vmovc v32;
	v29 =	vld [tilespmem:s10+$0xFFFFFFF0];
	v24 =	vadd.f32 v35, v30;
	v27 =	vsub.f32 v27, v33  }
0x123: {  	v30 =	vld [tilespmem:s8+$0x0]  }
0x124: {  	v31 =	vld [tilespmem:s8+$0x10]  }
0x125: {  	v32 =	vld [tilespmem:s10+$0x10]  }
0x126: {  	v33 =	vld [tilespmem:s8+$0x20]  }
0x127: {  	v20 =	vsub.f32 v20, v22;
	v52 =	vsub.f32 v23, v29  }
0x128: {  	v53 =	vld [tilespmem:s8+$0x30]  }
0x129: {  	v19 =	vsub.f32 v19, v21;
	v54 =	vmul.f32 v30, v20;
	v29 =	vmul.f32 v31, v52;
	_ =	sdelay $0x1  }
0x12a: {  	v16 =	vsub.f32 v16, v32;
	v55 =	vmul.f32 v33, v19;
	v21 =	vadd.f32 v29, v54;
	_ =	sdelay $0x1  }
0x12b: {  	v56 =	vmul.f32 v53, v16;
	v21 =	vadd.f32 v55, v21;
	_ =	sdelay $0x1  }
0x12c: {  	v21 =	vadd.f32 v56, v21;
	_ =	sdelay $0x1  }
0x12d: {  	v58 =	vperm.xlane v21, v0  }
0x12e: {  	v57 =	vperm.xlane v24, v1  }
0x12f: {  	v21 =	vadd.f32 v21, v58  }
0x130: {  	v24 =	vadd.f32 v24, v57  }
0x131: {  	v59 =	vld [tilespmem:s7+$0xFFFFFFF0];
	v32 =	vperm.xlane v21, v1  }
0x132: {  	v60 =	vld [tilespmem:s7+$0xFFFFFFC0];
	v29 =	vperm.xlane v24, v2  }
0x133: {  	v25 =	vand.u32 $0x7FFFFFFF, v25;
	v26 =	vand.u32 $0x7FFFFFFF, v26;
	v61 =	vld [tilespmem:s7+$0xFFFFFFD0];
	v21 =	vadd.f32 v21, v32  }
0x134: {  	v62 =	vld [tilespmem:s7+$0xFFFFFFE0];
	v25 =	vadd.f32 v26, v25;
	v24 =	vadd.f32 v24, v29  }
0x135: {  	v35 =	vld [tilespmem:s8+$0xFFFFFFC0];
	v27 =	vand.u32 $0x7FFFFFFF, v27;
	v34 =	vperm.xlane v21, v2  }
0x136: {  	v37 =	vld [tilespmem:s8+$0xFFFFFFE0];
	v18 =	vsub.f32 v18, v28;
	v25 =	vadd.f32 v25, v27;
	v63 =	vperm.xlane v24, v3  }
0x137: {  	v12 =	vadd.f32 v59, v12;
	v21 =	vadd.f32 v21, v34  }
0x138: {  	v36 =	vld [tilespmem:s8+$0xFFFFFFD0];
	v18 =	vand.u32 $0x7FFFFFFF, v18;
	v11 =	vadd.f32 v60, v11;
	v24 =	vadd.f32 v24, v63  }
0x139: {  	v10 =	vadd.f32 v61, v10;
	v14 =	vadd.f32 v62, v14;
	v38 =	vperm.xlane v21, v3  }
0x13a: {  	v41 =	vadd.f32 v35, v20;
	v7 =	vmul.f32 v24, v7;
	v8 =	vmul.f32 v24, v8  }
0x13b: {  	v39 =	vld [tilespmem:s8+$0xFFFFFFF0];
	v44 =	vadd.f32 v37, v19;
	v9 =	vmul.f32 v24, v9;
	v40 =	vadd.f32 v21, v38  }
0x13c: {  	v6 =	vmul.f32 v24, v6;
	v7 =	vsub.f32 v11, v7;
	v8 =	vsub.f32 v10, v8  }
0x13d: {  	v42 =	vadd.f32 v36, v52;
	v21 =	vmul.f32 v40, v30;
	v43 =	vmul.f32 v40, v31  }
0x13e: {  	v9 =	vsub.f32 v14, v9;
	v7 =	vand.u32 $0x7FFFFFFF, v7;
	v8 =	vand.u32 $0x7FFFFFFF, v8  }
0x13f: {  	v45 =	vmul.f32 v40, v33;
	v14 =	vsub.f32 v41, v21;
	v20 =	vsub.f32 v42, v43  }
0x140: {  	v10 =	vadd.f32 v39, v16;
	v7 =	vadd.f32 v8, v7;
	v11 =	vmul.f32 v40, v53  }
0x141: {  	v8 =	vsub.f32 v44, v45;
	v14 =	vand.u32 $0x7FFFFFFF, v14;
	v46 =	vand.u32 $0x7FFFFFFF, v20  }
0x142: {  	v6 =	vsub.f32 v12, v6;
	v9 =	vand.u32 $0x7FFFFFFF, v9;
	v47 =	vadd.f32 v46, v14  }
0x143: {  	v7 =	vadd.f32 v7, v9;
	v48 =	vsub.f32 v10, v11;
	v8 =	vand.u32 $0x7FFFFFFF, v8  }
0x144: {  	v18 =	vadd.f32 v25, v18;
	v6 =	vand.u32 $0x7FFFFFFF, v6;
	v8 =	vadd.f32 v47, v8  }
0x145: {  	v6 =	vadd.f32 v7, v6;
	v7 =	vand.u32 $0x7FFFFFFF, v48  }
0x146: {  	v49 =	vperm.xlane v18, v0;
	v7 =	vadd.f32 v8, v7  }
0x147: {  	v51 =	vperm.xlane v6, v0  }
0x148: {  	v50 =	vadd.f32 v18, v49;
	v52 =	vperm.xlane v7, v0  }
0x149: {  	v6 =	vadd.f32 v6, v51  }
0x14a: {  	v53 =	vperm.xlane v50, v1;
	v7 =	vadd.f32 v7, v52  }
0x14b: {  	v9 =	vperm.xlane v6, v1  }
0x14c: {  	v8 =	vadd.f32 v50, v53;
	v10 =	vperm.xlane v7, v1  }
0x14d: {  	v6 =	vadd.f32 v6, v9  }
0x14e: {  	v11 =	vperm.xlane v8, v2;
	v7 =	vadd.f32 v7, v10  }
0x14f: {  	v54 =	vadd.f32 v15, v17;
	v55 =	vperm.xlane v6, v2  }
0x150: {  	v8 =	vadd.f32 v8, v11;
	v57 =	vperm.xlane v7, v2  }
0x151: {  	vm0 =	veq.s32 v13, v4;
	v56 =	vperm.xlane v54, v3;
	v6 =	vadd.f32 v6, v55  }
0x152: {  	v59 =	vmov s6;
	v58 =	vperm.xlane v8, v3;
	v7 =	vadd.f32 v7, v57  }
0x153: {  	v63 =	vmov s17;
	s17 =	sshll.u32 s16, $0x4;
	s16 =	sadd.s32 $0x1, s16;
	v9 =	vadd.f32 v54, v56;
	v60 =	vperm.xlane v6, v3  }
0x154: {  	v62 =	vmov s5;
	p0 =	sne.s32 s16, $0x8;
	v8 =	vadd.f32 v8, v58;
	v61 =	vperm.xlane v7, v3  }
.Ltmp3:
0x155: {  	vm13 =	veq.s32 v59, v4;
	v5 =	vsel vm0, v9, v5;
	v6 =	vadd.f32 v6, v60;
	(pc) =	sbr.rel @p0 .LBB2_6-.Ltmp3, $4  }
0x156: {  	vm14 =	veq.s32 v62, v4;
	v5 =	vsel vm13, v8, v5;
	v7 =	vadd.f32 v7, v61  }
0x157: {  	vm15 =	veq.s32 v63, v4;
	v5 =	vsel vm14, v6, v5  }
0x158: {  	s5 =	sand.u32 $0x3FFFFFF0, s17;
	v5 =	vsel vm15, v7, v5  }
0x159: {  	s13 =	sadd.s32 $0x800, s13;
	s14 =	sadd.s32 $0x400, s14;
	s15 =	sadd.s32 $0x400, s15;
	[tilespmem:s5+$0x10E80] =	vst v5  }
0x15a: {  	s5 =	simm.s32 $0x180  }
0x15b: {  	[tilespmem:s26], [sflag:$0x3] =	stream.indirect.gather [hbm4b:s3+s25], $0x40, s5, s25, $0xb8;
	[tilespmem:$0x11210] =	vst v63  }
0x15c: {  	s16 =	simm.s32 $0x580  }
0x15d: {  	[tilespmem:s29], [sflag:$0x3] =	stream.indirect.gather [hbm4b:s3+s25], $0x40, s16, s25, $0xb8;
	[tilespmem:$0x11210] =	vst v63  }
0x15e: {  	s17 =	simm.s32 $0x380  }
0x15f: {  	[tilespmem:s31], [sflag:$0x3] =	stream.indirect.gather [hbm4b:s4+s25], $0x80, s17, s25, $0xb8;
	[tilespmem:$0x11210] =	vst v63  }
0x160: {  	_ =	swait.ge [sflag:s1], $0x2000  }
0x161: {  	[sflag:s1] =	ssyncset.done $0x0  }
0x162: {  	[sflag:s1] =	ssyncadd.s32 $0xFFFFE000  }
0x163: {  	_ =	swait.ge [sflag:s1], $0x2000  }
0x164: {  	[sflag:s1] =	ssyncset.done $0x0  }
0x165: {  	[sflag:s1] =	ssyncadd.s32 $0xFFFFE000  }
0x166: {  	s28 =	simm.s32 $0x0;
	_ =	swait.ge [sflag:s1], $0x4000  }
0x167: {  	s13 =	simm.s32 $0x4E40;
	s14 =	simm.s32 $0x2E20;
	[sflag:s1] =	ssyncset.done $0x0  }
0x168: {  	s15 =	simm.s32 $0xE20;
	s16 =	simm.s32 $0x0;
	[sflag:s1] =	ssyncadd.s32 $0xFFFFC000  }
.LBB2_10:
0x169: {  	v5 =	vld [tilespmem:s15+$0x10]  }
0x16a: {  	v6 =	vld [tilespmem:s15+$0x0]  }
0x16b: {  	v7 =	vld [tilespmem:s15+$0xFFFFFFE0]  }
0x16c: {  	v8 =	vld [tilespmem:s14+$0xFFFFFFE0]  }
0x16d: {  	v9 =	vld [tilespmem:s14+$0x0]  }
0x16e: {  	v10 =	vld [tilespmem:s15+$0xFFFFFFF0]  }
0x16f: {  	v11 =	vld [tilespmem:s14+$0xFFFFFFF0]  }
0x170: {  	v12 =	vld [tilespmem:s13+$0x0]  }
0x171: {  	v13 =	vld [tilespmem:s13+$0x10]  }
0x172: {  	v14 =	vld [tilespmem:s14+$0x10]  }
0x173: {  	v15 =	vld [tilespmem:s13+$0x20]  }
0x174: {  	v7 =	vsub.f32 v7, v8;
	v8 =	vsub.f32 v10, v11  }
0x175: {  	v10 =	vld [tilespmem:s13+$0x30]  }
0x176: {  	v6 =	vsub.f32 v6, v9;
	v9 =	vmul.f32 v12, v7;
	v11 =	vmul.f32 v13, v8;
	_ =	sdelay $0x1  }
0x177: {  	v5 =	vsub.f32 v5, v14;
	v9 =	vadd.f32 v11, v9;
	v11 =	vmul.f32 v15, v6  }
0x178: {  	s6 =	sadd.s32 $0x40, s15  }
0x179: {  	v16 =	vld [tilespmem:s6+$0x0];
	v9 =	vadd.f32 v11, v9;
	v11 =	vmul.f32 v10, v5  }
0x17a: {  	s7 =	sadd.s32 $0x40, s14;
	v17 =	vld [tilespmem:s6+$0xFFFFFFE0]  }
0x17b: {  	v18 =	vld [tilespmem:s7+$0x0];
	v9 =	vadd.f32 v11, v9  }
0x17c: {  	v20 =	vld [tilespmem:s6+$0xFFFFFFF0]  }
0x17d: {  	s5 =	sadd.s32 $0x80, s13;
	v21 =	vld [tilespmem:s7+$0xFFFFFFF0];
	v19 =	vperm.xlane v9, v0  }
0x17e: {  	v23 =	vld [tilespmem:s5+$0x0]  }
0x17f: {  	v11 =	vld [tilespmem:s7+$0xFFFFFFE0];
	v9 =	vadd.f32 v9, v19  }
0x180: {  	v24 =	vld [tilespmem:s5+$0x10]  }
0x181: {  	v22 =	vld [tilespmem:s7+$0x10];
	v19 =	vperm.xlane v9, v1  }
0x182: {  	v25 =	vld [tilespmem:s5+$0x20]  }
0x183: {  	v14 =	vld [tilespmem:s6+$0x10];
	v9 =	vadd.f32 v9, v19  }
0x184: {  	v28 =	vld [tilespmem:s5+$0x30];
	v21 =	vsub.f32 v20, v21;
	v17 =	vsub.f32 v17, v11  }
0x185: {  	v31 =	vld [tilespmem:s5+$0xFFFFFFE0];
	v11 =	vperm.xlane v9, v2  }
0x186: {  	v26 =	vsub.f32 v16, v18;
	v20 =	vld [tilespmem:s13+$0xFFFFFFC0];
	v18 =	vmul.f32 v24, v21;
	v16 =	vmul.f32 v23, v17  }
0x187: {  	v19 =	vld [tilespmem:s13+$0xFFFFFFF0];
	v9 =	vadd.f32 v9, v11  }
0x188: {  	v22 =	vsub.f32 v14, v22;
	v14 =	vadd.f32 v18, v16;
	v16 =	vmul.f32 v25, v26;
	v11 =	vld [tilespmem:s13+$0xFFFFFFD0]  }
0x189: {  	s6 =	sadd.s32 $0x40, s6;
	v18 =	vld [tilespmem:s13+$0xFFFFFFE0];
	v27 =	vperm.xlane v9, v3  }
0x18a: {  	v29 =	vld [tilespmem:s6+$0x10];
	v14 =	vadd.f32 v16, v14;
	v16 =	vmul.f32 v28, v22  }
0x18b: {  	v7 =	vadd.f32 v20, v7;
	v20 =	vld [tilespmem:s6+$0xFFFFFFE0];
	v9 =	vadd.f32 v9, v27  }
0x18c: {  	s8 =	sadd.s32 $0x40, s7;
	v5 =	vadd.f32 v19, v5;
	v19 =	vld [tilespmem:s6+$0x0];
	v14 =	vadd.f32 v16, v14  }
0x18d: {  	v16 =	vld [tilespmem:s8+$0x0];
	v8 =	vadd.f32 v11, v8;
	v12 =	vmul.f32 v9, v12;
	v13 =	vmul.f32 v9, v13  }
0x18e: {  	v6 =	vadd.f32 v18, v6;
	v18 =	vld [tilespmem:s6+$0xFFFFFFF0];
	v27 =	vperm.xlane v14, v0  }
0x18f: {  	v11 =	vld [tilespmem:s8+$0xFFFFFFE0];
	v15 =	vmul.f32 v9, v15;
	v12 =	vsub.f32 v7, v12;
	v8 =	vsub.f32 v8, v13  }
0x190: {  	s7 =	sadd.s32 $0x80, s5;
	v14 =	vadd.f32 v14, v27;
	v9 =	vmul.f32 v9, v10;
	v13 =	vld [tilespmem:s8+$0xFFFFFFF0]  }
0x191: {  	v6 =	vsub.f32 v6, v15;
	v7 =	vld [tilespmem:s7+$0x0];
	v10 =	vand.u32 $0x7FFFFFFF, v12;
	v12 =	vand.u32 $0x7FFFFFFF, v8  }
0x192: {  	v15 =	vperm.xlane v14, v1;
	v8 =	vld [tilespmem:s7+$0x10];
	v10 =	vadd.f32 v12, v10  }
0x193: {  	v5 =	vsub.f32 v5, v9;
	v9 =	vld [tilespmem:s7+$0x20];
	v6 =	vand.u32 $0x7FFFFFFF, v6  }
0x194: {  	v15 =	vadd.f32 v14, v15;
	v12 =	vld [tilespmem:s8+$0x10];
	v14 =	vadd.f32 v10, v6  }
0x195: {  	v27 =	vld [tilespmem:s5+$0xFFFFFFC0];
	v11 =	vsub.f32 v20, v11;
	v5 =	vand.u32 $0x7FFFFFFF, v5;
	v10 =	vsub.f32 v18, v13  }
0x196: {  	v6 =	vld [tilespmem:s7+$0x30];
	v18 =	vperm.xlane v15, v2;
	v20 =	vadd.f32 v14, v5  }
0x197: {  	v13 =	vld [tilespmem:s5+$0xFFFFFFF0];
	v14 =	vsub.f32 v19, v16;
	v5 =	vmul.f32 v7, v11;
	v16 =	vmul.f32 v8, v10  }
0x198: {  	v30 =	vld [tilespmem:s5+$0xFFFFFFD0];
	v15 =	vadd.f32 v15, v18;
	v18 =	vperm.xlane v20, v0  }
0x199: {  	v12 =	vsub.f32 v29, v12;
	v19 =	vadd.f32 v16, v5;
	v29 =	vmul.f32 v9, v14  }
0x19a: {  	s9 =	sadd.s32 $0x40, s6;
	v31 =	vadd.f32 v31, v26;
	v32 =	vperm.xlane v15, v3;
	v33 =	vadd.f32 v20, v18  }
0x19b: {  	v17 =	vadd.f32 v27, v17;
	v16 =	vld [tilespmem:s9+$0x10];
	v34 =	vmul.f32 v6, v12;
	v29 =	vadd.f32 v29, v19  }
0x19c: {  	v18 =	vadd.f32 v13, v22;
	v19 =	vld [tilespmem:s9+$0x0];
	v32 =	vadd.f32 v15, v32;
	v15 =	vperm.xlane v33, v1  }
0x19d: {  	s10 =	sadd.s32 $0x40, s8;
	v5 =	vimm.f32 $0.0e+00;
	v20 =	vld [tilespmem:s9+$0xFFFFFFE0];
	v27 =	vadd.f32 v34, v29;
	v29 =	vadd.f32 v30, v21  }
0x19e: {  	v22 =	vld [tilespmem:s10+$0xFFFFFFE0];
	v30 =	vmul.f32 v32, v23;
	v24 =	vmul.f32 v32, v24;
	v15 =	vadd.f32 v33, v15  }
0x19f: {  	v13 =	vmov s28;
	v21 =	vld [tilespmem:s10+$0x0];
	v63 =	vmul.f32 v32, v25;
	v62 =	vperm.xlane v27, v0  }
0x1a0: {  	s17 =	simm.s32 $0x3;
	s11 =	simm.s32 $0x4;
	v23 =	vld [tilespmem:s9+$0xFFFFFFF0];
	v25 =	vsub.f32 v17, v30;
	v26 =	vsub.f32 v29, v24;
	v17 =	vperm.xlane v15, v2  }
0x1a1: {  	s6 =	simm.s32 $0x1;
	s8 =	sadd.s32 $0x80, s7;
	s5 =	simm.s32 $0x2;
	v28 =	vmul.f32 v32, v28;
	v29 =	vld [tilespmem:s10+$0xFFFFFFF0];
	v24 =	vadd.f32 v27, v62;
	v27 =	vsub.f32 v31, v63  }
.LBB2_11:
0x1a2: {  	p0 =	sne.s32 s11, $0xF;
	v30 =	vld [tilespmem:s8+$0x0];
	v25 =	vand.u32 $0x7FFFFFFF, v25;
	v26 =	vand.u32 $0x7FFFFFFF, v26;
	v15 =	vadd.f32 v15, v17;
	v17 =	vmovc v14  }
0x1a3: {  	v31 =	vld [tilespmem:s8+$0x10];
	v20 =	vsub.f32 v20, v22;
	v14 =	vperm.xlane v24, v1;
	v22 =	vadd.f32 v26, v25  }
0x1a4: {  	v26 =	vand.u32 $0x7FFFFFFF, v27;
	v18 =	vsub.f32 v18, v28;
	v25 =	vld [tilespmem:s10+$0x10];
	v27 =	vperm.xlane v15, v3  }
0x1a5: {  	vm0 =	veq.s32 v13, v4;
	v28 =	vld [tilespmem:s8+$0x20];
	v24 =	vadd.f32 v24, v14;
	v22 =	vadd.f32 v22, v26  }
0x1a6: {  	v18 =	vand.u32 $0x7FFFFFFF, v18;
	v23 =	vsub.f32 v23, v29;
	v13 =	vld [tilespmem:s7+$0xFFFFFFF0];
	v15 =	vadd.f32 v15, v27  }
0x1a7: {  	v14 =	vsub.f32 v19, v21;
	v32 =	vld [tilespmem:s8+$0x30];
	v19 =	vperm.xlane v24, v2;
	v18 =	vadd.f32 v22, v18  }
0x1a8: {  	v21 =	vmul.f32 v30, v20;
	v22 =	vmul.f32 v31, v23;
	v26 =	vld [tilespmem:s7+$0xFFFFFFC0];
	v5 =	vsel vm0, v15, v5  }
0x1a9: {  	v15 =	vld [tilespmem:s7+$0xFFFFFFD0];
	v24 =	vadd.f32 v24, v19;
	v19 =	vperm.xlane v18, v0  }
0x1aa: {  	v25 =	vsub.f32 v16, v25;
	v21 =	vadd.f32 v22, v21;
	v22 =	vmul.f32 v28, v14  }
0x1ab: {  	s9 =	sadd.s32 $0x40, s9;
	v27 =	vld [tilespmem:s7+$0xFFFFFFE0];
	v29 =	vperm.xlane v24, v3;
	v33 =	vadd.f32 v18, v19;
	s7 =	smov.u32 s8  }
0x1ac: {  	v18 =	vadd.f32 v13, v12;
	v12 =	vmovc v25;
	v16 =	vld [tilespmem:s9+$0x10];
	v21 =	vadd.f32 v22, v21;
	v22 =	vmul.f32 v32, v25  }
0x1ad: {  	v19 =	vld [tilespmem:s9+$0x0];
	v34 =	vadd.f32 v24, v29;
	v24 =	vadd.f32 v26, v11;
	v25 =	vperm.xlane v33, v1;
	v11 =	vmovc v20  }
.Ltmp4:
0x1ae: {  	s10 =	sadd.s32 $0x40, s10;
	v13 =	vmov s6;
	s6 =	smov.u32 s5;
	v20 =	vld [tilespmem:s9+$0xFFFFFFE0];
	v35 =	vadd.f32 v22, v21;
	v26 =	vadd.f32 v15, v10;
	v10 =	vmovc v23;
	(pc) =	sbr.rel @p0 .LBB2_11-.Ltmp4, $4  }
0x1af: {  	s5 =	smov.u32 s17;
	s17 =	smov.u32 s11;
	v22 =	vld [tilespmem:s10+$0xFFFFFFE0];
	v29 =	vmul.f32 v34, v7;
	v36 =	vmul.f32 v34, v8;
	v15 =	vadd.f32 v33, v25;
	v7 =	vmovc v30  }
0x1b0: {  	v33 =	vmul.f32 v34, v9;
	v8 =	vmovc v31;
	v21 =	vld [tilespmem:s10+$0x0];
	v30 =	vperm.xlane v35, v0;
	v27 =	vadd.f32 v27, v17  }
0x1b1: {  	v9 =	vmovc v28;
	v23 =	vld [tilespmem:s9+$0xFFFFFFF0];
	v25 =	vsub.f32 v24, v29;
	v26 =	vsub.f32 v26, v36;
	v17 =	vperm.xlane v15, v2  }
0x1b2: {  	s11 =	sadd.s32 $0x1, s11;
	s8 =	sadd.s32 $0x80, s8;
	v28 =	vmul.f32 v34, v6;
	v6 =	vmovc v32;
	v29 =	vld [tilespmem:s10+$0xFFFFFFF0];
	v24 =	vadd.f32 v35, v30;
	v27 =	vsub.f32 v27, v33  }
0x1b3: {  	v30 =	vld [tilespmem:s8+$0x0]  }
0x1b4: {  	v31 =	vld [tilespmem:s8+$0x10]  }
0x1b5: {  	v32 =	vld [tilespmem:s10+$0x10]  }
0x1b6: {  	v33 =	vld [tilespmem:s8+$0x20]  }
0x1b7: {  	v20 =	vsub.f32 v20, v22;
	v52 =	vsub.f32 v23, v29  }
0x1b8: {  	v53 =	vld [tilespmem:s8+$0x30]  }
0x1b9: {  	v19 =	vsub.f32 v19, v21;
	v54 =	vmul.f32 v30, v20;
	v29 =	vmul.f32 v31, v52;
	_ =	sdelay $0x1  }
0x1ba: {  	v16 =	vsub.f32 v16, v32;
	v55 =	vmul.f32 v33, v19;
	v21 =	vadd.f32 v29, v54;
	_ =	sdelay $0x1  }
0x1bb: {  	v56 =	vmul.f32 v53, v16;
	v21 =	vadd.f32 v55, v21;
	_ =	sdelay $0x1  }
0x1bc: {  	v21 =	vadd.f32 v56, v21;
	_ =	sdelay $0x1  }
0x1bd: {  	v58 =	vperm.xlane v21, v0  }
0x1be: {  	v57 =	vperm.xlane v24, v1  }
0x1bf: {  	v21 =	vadd.f32 v21, v58  }
0x1c0: {  	v24 =	vadd.f32 v24, v57  }
0x1c1: {  	v59 =	vld [tilespmem:s7+$0xFFFFFFF0];
	v32 =	vperm.xlane v21, v1  }
0x1c2: {  	v60 =	vld [tilespmem:s7+$0xFFFFFFC0];
	v29 =	vperm.xlane v24, v2  }
0x1c3: {  	v25 =	vand.u32 $0x7FFFFFFF, v25;
	v26 =	vand.u32 $0x7FFFFFFF, v26;
	v61 =	vld [tilespmem:s7+$0xFFFFFFD0];
	v21 =	vadd.f32 v21, v32  }
0x1c4: {  	v62 =	vld [tilespmem:s7+$0xFFFFFFE0];
	v25 =	vadd.f32 v26, v25;
	v24 =	vadd.f32 v24, v29  }
0x1c5: {  	v35 =	vld [tilespmem:s8+$0xFFFFFFC0];
	v27 =	vand.u32 $0x7FFFFFFF, v27;
	v34 =	vperm.xlane v21, v2  }
0x1c6: {  	v37 =	vld [tilespmem:s8+$0xFFFFFFE0];
	v18 =	vsub.f32 v18, v28;
	v25 =	vadd.f32 v25, v27;
	v63 =	vperm.xlane v24, v3  }
0x1c7: {  	v12 =	vadd.f32 v59, v12;
	v21 =	vadd.f32 v21, v34  }
0x1c8: {  	v36 =	vld [tilespmem:s8+$0xFFFFFFD0];
	v18 =	vand.u32 $0x7FFFFFFF, v18;
	v11 =	vadd.f32 v60, v11;
	v24 =	vadd.f32 v24, v63  }
0x1c9: {  	v10 =	vadd.f32 v61, v10;
	v14 =	vadd.f32 v62, v14;
	v38 =	vperm.xlane v21, v3  }
0x1ca: {  	v41 =	vadd.f32 v35, v20;
	v7 =	vmul.f32 v24, v7;
	v8 =	vmul.f32 v24, v8  }
0x1cb: {  	v39 =	vld [tilespmem:s8+$0xFFFFFFF0];
	v44 =	vadd.f32 v37, v19;
	v9 =	vmul.f32 v24, v9;
	v40 =	vadd.f32 v21, v38  }
0x1cc: {  	v6 =	vmul.f32 v24, v6;
	v7 =	vsub.f32 v11, v7;
	v8 =	vsub.f32 v10, v8  }
0x1cd: {  	v42 =	vadd.f32 v36, v52;
	v21 =	vmul.f32 v40, v30;
	v43 =	vmul.f32 v40, v31  }
0x1ce: {  	v9 =	vsub.f32 v14, v9;
	v7 =	vand.u32 $0x7FFFFFFF, v7;
	v8 =	vand.u32 $0x7FFFFFFF, v8  }
0x1cf: {  	v45 =	vmul.f32 v40, v33;
	v14 =	vsub.f32 v41, v21;
	v20 =	vsub.f32 v42, v43  }
0x1d0: {  	v10 =	vadd.f32 v39, v16;
	v7 =	vadd.f32 v8, v7;
	v11 =	vmul.f32 v40, v53  }
0x1d1: {  	v8 =	vsub.f32 v44, v45;
	v14 =	vand.u32 $0x7FFFFFFF, v14;
	v46 =	vand.u32 $0x7FFFFFFF, v20  }
0x1d2: {  	v6 =	vsub.f32 v12, v6;
	v9 =	vand.u32 $0x7FFFFFFF, v9;
	v47 =	vadd.f32 v46, v14  }
0x1d3: {  	v7 =	vadd.f32 v7, v9;
	v48 =	vsub.f32 v10, v11;
	v8 =	vand.u32 $0x7FFFFFFF, v8  }
0x1d4: {  	v18 =	vadd.f32 v25, v18;
	v6 =	vand.u32 $0x7FFFFFFF, v6;
	v8 =	vadd.f32 v47, v8  }
0x1d5: {  	v6 =	vadd.f32 v7, v6;
	v7 =	vand.u32 $0x7FFFFFFF, v48  }
0x1d6: {  	v49 =	vperm.xlane v18, v0;
	v7 =	vadd.f32 v8, v7  }
0x1d7: {  	v51 =	vperm.xlane v6, v0  }
0x1d8: {  	v50 =	vadd.f32 v18, v49;
	v52 =	vperm.xlane v7, v0  }
0x1d9: {  	v6 =	vadd.f32 v6, v51  }
0x1da: {  	v53 =	vperm.xlane v50, v1;
	v7 =	vadd.f32 v7, v52  }
0x1db: {  	v9 =	vperm.xlane v6, v1  }
0x1dc: {  	v8 =	vadd.f32 v50, v53;
	v10 =	vperm.xlane v7, v1  }
0x1dd: {  	v6 =	vadd.f32 v6, v9  }
0x1de: {  	v11 =	vperm.xlane v8, v2;
	v7 =	vadd.f32 v7, v10  }
0x1df: {  	v54 =	vadd.f32 v15, v17;
	v55 =	vperm.xlane v6, v2  }
0x1e0: {  	v8 =	vadd.f32 v8, v11;
	v57 =	vperm.xlane v7, v2  }
0x1e1: {  	vm0 =	veq.s32 v13, v4;
	v56 =	vperm.xlane v54, v3;
	v6 =	vadd.f32 v6, v55  }
0x1e2: {  	v59 =	vmov s6;
	v58 =	vperm.xlane v8, v3;
	v7 =	vadd.f32 v7, v57  }
0x1e3: {  	v63 =	vmov s17;
	s17 =	sshll.u32 s16, $0x4;
	s16 =	sadd.s32 $0x1, s16;
	v9 =	vadd.f32 v54, v56;
	v60 =	vperm.xlane v6, v3  }
0x1e4: {  	v62 =	vmov s5;
	p0 =	sne.s32 s16, $0x8;
	v8 =	vadd.f32 v8, v58;
	v61 =	vperm.xlane v7, v3  }
.Ltmp5:
0x1e5: {  	vm13 =	veq.s32 v59, v4;
	v5 =	vsel vm0, v9, v5;
	v6 =	vadd.f32 v6, v60;
	(pc) =	sbr.rel @p0 .LBB2_10-.Ltmp5, $4  }
0x1e6: {  	vm14 =	veq.s32 v62, v4;
	v5 =	vsel vm13, v8, v5;
	v7 =	vadd.f32 v7, v61  }
0x1e7: {  	vm15 =	veq.s32 v63, v4;
	v5 =	vsel vm14, v6, v5  }
0x1e8: {  	s5 =	sand.u32 $0x3FFFFFF0, s17;
	v5 =	vsel vm15, v7, v5  }
0x1e9: {  	s13 =	sadd.s32 $0x800, s13;
	s14 =	sadd.s32 $0x400, s14;
	s15 =	sadd.s32 $0x400, s15;
	[tilespmem:s5+$0x10F00] =	vst v5  }
0x1ea: {  	s5 =	simm.s32 $0x600  }
0x1eb: {  	[tilespmem:s19], [sflag:$0x2] =	stream.indirect.gather [hbm4b:s3+s25], $0x40, s5, s25, $0xb8;
	[tilespmem:$0x11210] =	vst v63  }
0x1ec: {  	s16 =	simm.s32 $0xA00  }
0x1ed: {  	[tilespmem:s20], [sflag:$0x2] =	stream.indirect.gather [hbm4b:s3+s25], $0x40, s16, s25, $0xb8;
	[tilespmem:$0x11210] =	vst v63  }
0x1ee: {  	s17 =	simm.s32 $0x800  }
0x1ef: {  	[tilespmem:s21], [sflag:$0x2] =	stream.indirect.gather [hbm4b:s4+s25], $0x80, s17, s25, $0xb8;
	[tilespmem:$0x11210] =	vst v63  }
0x1f0: {  	_ =	swait.ge [sflag:s30], $0x2000  }
0x1f1: {  	[sflag:s30] =	ssyncset.done $0x0  }
0x1f2: {  	[sflag:s30] =	ssyncadd.s32 $0xFFFFE000  }
0x1f3: {  	_ =	swait.ge [sflag:s30], $0x2000  }
0x1f4: {  	[sflag:s30] =	ssyncset.done $0x0  }
0x1f5: {  	[sflag:s30] =	ssyncadd.s32 $0xFFFFE000  }
0x1f6: {  	s28 =	simm.s32 $0x0;
	_ =	swait.ge [sflag:s30], $0x4000  }
0x1f7: {  	s13 =	simm.s32 $0xCE40;
	s14 =	simm.s32 $0xAE20;
	[sflag:s30] =	ssyncset.done $0x0  }
0x1f8: {  	s15 =	simm.s32 $0x8E20;
	s16 =	simm.s32 $0x0;
	[sflag:s30] =	ssyncadd.s32 $0xFFFFC000  }
.LBB2_14:
0x1f9: {  	v5 =	vld [tilespmem:s15+$0x10]  }
0x1fa: {  	v6 =	vld [tilespmem:s15+$0x0]  }
0x1fb: {  	v7 =	vld [tilespmem:s15+$0xFFFFFFE0]  }
0x1fc: {  	v8 =	vld [tilespmem:s14+$0xFFFFFFE0]  }
0x1fd: {  	v9 =	vld [tilespmem:s14+$0x0]  }
0x1fe: {  	v10 =	vld [tilespmem:s15+$0xFFFFFFF0]  }
0x1ff: {  	v11 =	vld [tilespmem:s14+$0xFFFFFFF0]  }
0x200: {  	v12 =	vld [tilespmem:s13+$0x0]  }
0x201: {  	v13 =	vld [tilespmem:s13+$0x10]  }
0x202: {  	v14 =	vld [tilespmem:s14+$0x10]  }
0x203: {  	v15 =	vld [tilespmem:s13+$0x20]  }
0x204: {  	v7 =	vsub.f32 v7, v8;
	v8 =	vsub.f32 v10, v11  }
0x205: {  	v10 =	vld [tilespmem:s13+$0x30]  }
0x206: {  	v6 =	vsub.f32 v6, v9;
	v9 =	vmul.f32 v12, v7;
	v11 =	vmul.f32 v13, v8;
	_ =	sdelay $0x1  }
0x207: {  	v5 =	vsub.f32 v5, v14;
	v9 =	vadd.f32 v11, v9;
	v11 =	vmul.f32 v15, v6  }
0x208: {  	s6 =	sadd.s32 $0x40, s15  }
0x209: {  	v16 =	vld [tilespmem:s6+$0x0];
	v9 =	vadd.f32 v11, v9;
	v11 =	vmul.f32 v10, v5  }
0x20a: {  	s7 =	sadd.s32 $0x40, s14;
	v17 =	vld [tilespmem:s6+$0xFFFFFFE0]  }
0x20b: {  	v18 =	vld [tilespmem:s7+$0x0];
	v9 =	vadd.f32 v11, v9  }
0x20c: {  	v20 =	vld [tilespmem:s6+$0xFFFFFFF0]  }
0x20d: {  	s5 =	sadd.s32 $0x80, s13;
	v21 =	vld [tilespmem:s7+$0xFFFFFFF0];
	v19 =	vperm.xlane v9, v0  }
0x20e: {  	v23 =	vld [tilespmem:s5+$0x0]  }
0x20f: {  	v11 =	vld [tilespmem:s7+$0xFFFFFFE0];
	v9 =	vadd.f32 v9, v19  }
0x210: {  	v24 =	vld [tilespmem:s5+$0x10]  }
0x211: {  	v22 =	vld [tilespmem:s7+$0x10];
	v19 =	vperm.xlane v9, v1  }
0x212: {  	v25 =	vld [tilespmem:s5+$0x20]  }
0x213: {  	v14 =	vld [tilespmem:s6+$0x10];
	v9 =	vadd.f32 v9, v19  }
0x214: {  	v28 =	vld [tilespmem:s5+$0x30];
	v21 =	vsub.f32 v20, v21;
	v17 =	vsub.f32 v17, v11  }
0x215: {  	v31 =	vld [tilespmem:s5+$0xFFFFFFE0];
	v11 =	vperm.xlane v9, v2  }
0x216: {  	v26 =	vsub.f32 v16, v18;
	v20 =	vld [tilespmem:s13+$0xFFFFFFC0];
	v18 =	vmul.f32 v24, v21;
	v16 =	vmul.f32 v23, v17  }
0x217: {  	v19 =	vld [tilespmem:s13+$0xFFFFFFF0];
	v9 =	vadd.f32 v9, v11  }
0x218: {  	v22 =	vsub.f32 v14, v22;
	v14 =	vadd.f32 v18, v16;
	v16 =	vmul.f32 v25, v26;
	v11 =	vld [tilespmem:s13+$0xFFFFFFD0]  }
0x219: {  	s6 =	sadd.s32 $0x40, s6;
	v18 =	vld [tilespmem:s13+$0xFFFFFFE0];
	v27 =	vperm.xlane v9, v3  }
0x21a: {  	v29 =	vld [tilespmem:s6+$0x10];
	v14 =	vadd.f32 v16, v14;
	v16 =	vmul.f32 v28, v22  }
0x21b: {  	v7 =	vadd.f32 v20, v7;
	v20 =	vld [tilespmem:s6+$0xFFFFFFE0];
	v9 =	vadd.f32 v9, v27  }
0x21c: {  	s8 =	sadd.s32 $0x40, s7;
	v5 =	vadd.f32 v19, v5;
	v19 =	vld [tilespmem:s6+$0x0];
	v14 =	vadd.f32 v16, v14  }
0x21d: {  	v16 =	vld [tilespmem:s8+$0x0];
	v8 =	vadd.f32 v11, v8;
	v12 =	vmul.f32 v9, v12;
	v13 =	vmul.f32 v9, v13  }
0x21e: {  	v6 =	vadd.f32 v18, v6;
	v18 =	vld [tilespmem:s6+$0xFFFFFFF0];
	v27 =	vperm.xlane v14, v0  }
0x21f: {  	v11 =	vld [tilespmem:s8+$0xFFFFFFE0];
	v15 =	vmul.f32 v9, v15;
	v12 =	vsub.f32 v7, v12;
	v8 =	vsub.f32 v8, v13  }
0x220: {  	s7 =	sadd.s32 $0x80, s5;
	v14 =	vadd.f32 v14, v27;
	v9 =	vmul.f32 v9, v10;
	v13 =	vld [tilespmem:s8+$0xFFFFFFF0]  }
0x221: {  	v6 =	vsub.f32 v6, v15;
	v7 =	vld [tilespmem:s7+$0x0];
	v10 =	vand.u32 $0x7FFFFFFF, v12;
	v12 =	vand.u32 $0x7FFFFFFF, v8  }
0x222: {  	v15 =	vperm.xlane v14, v1;
	v8 =	vld [tilespmem:s7+$0x10];
	v10 =	vadd.f32 v12, v10  }
0x223: {  	v5 =	vsub.f32 v5, v9;
	v9 =	vld [tilespmem:s7+$0x20];
	v6 =	vand.u32 $0x7FFFFFFF, v6  }
0x224: {  	v15 =	vadd.f32 v14, v15;
	v12 =	vld [tilespmem:s8+$0x10];
	v14 =	vadd.f32 v10, v6  }
0x225: {  	v27 =	vld [tilespmem:s5+$0xFFFFFFC0];
	v11 =	vsub.f32 v20, v11;
	v5 =	vand.u32 $0x7FFFFFFF, v5;
	v10 =	vsub.f32 v18, v13  }
0x226: {  	v6 =	vld [tilespmem:s7+$0x30];
	v18 =	vperm.xlane v15, v2;
	v20 =	vadd.f32 v14, v5  }
0x227: {  	v13 =	vld [tilespmem:s5+$0xFFFFFFF0];
	v14 =	vsub.f32 v19, v16;
	v5 =	vmul.f32 v7, v11;
	v16 =	vmul.f32 v8, v10  }
0x228: {  	v30 =	vld [tilespmem:s5+$0xFFFFFFD0];
	v15 =	vadd.f32 v15, v18;
	v18 =	vperm.xlane v20, v0  }
0x229: {  	v12 =	vsub.f32 v29, v12;
	v19 =	vadd.f32 v16, v5;
	v29 =	vmul.f32 v9, v14  }
0x22a: {  	s9 =	sadd.s32 $0x40, s6;
	v31 =	vadd.f32 v31, v26;
	v32 =	vperm.xlane v15, v3;
	v33 =	vadd.f32 v20, v18  }
0x22b: {  	v17 =	vadd.f32 v27, v17;
	v16 =	vld [tilespmem:s9+$0x10];
	v34 =	vmul.f32 v6, v12;
	v29 =	vadd.f32 v29, v19  }
0x22c: {  	v18 =	vadd.f32 v13, v22;
	v19 =	vld [tilespmem:s9+$0x0];
	v32 =	vadd.f32 v15, v32;
	v15 =	vperm.xlane v33, v1  }
0x22d: {  	s10 =	sadd.s32 $0x40, s8;
	v5 =	vimm.f32 $0.0e+00;
	v20 =	vld [tilespmem:s9+$0xFFFFFFE0];
	v27 =	vadd.f32 v34, v29;
	v29 =	vadd.f32 v30, v21  }
0x22e: {  	v22 =	vld [tilespmem:s10+$0xFFFFFFE0];
	v30 =	vmul.f32 v32, v23;
	v24 =	vmul.f32 v32, v24;
	v15 =	vadd.f32 v33, v15  }
0x22f: {  	v13 =	vmov s28;
	v21 =	vld [tilespmem:s10+$0x0];
	v63 =	vmul.f32 v32, v25;
	v62 =	vperm.xlane v27, v0  }
0x230: {  	s17 =	simm.s32 $0x3;
	s11 =	simm.s32 $0x4;
	v23 =	vld [tilespmem:s9+$0xFFFFFFF0];
	v25 =	vsub.f32 v17, v30;
	v26 =	vsub.f32 v29, v24;
	v17 =	vperm.xlane v15, v2  }
0x231: {  	s6 =	simm.s32 $0x1;
	s8 =	sadd.s32 $0x80, s7;
	s5 =	simm.s32 $0x2;
	v28 =	vmul.f32 v32, v28;
	v29 =	vld [tilespmem:s10+$0xFFFFFFF0];
	v24 =	vadd.f32 v27, v62;
	v27 =	vsub.f32 v31, v63  }
.LBB2_15:
0x232: {  	p0 =	sne.s32 s11, $0xF;
	v30 =	vld [tilespmem:s8+$0x0];
	v25 =	vand.u32 $0x7FFFFFFF, v25;
	v26 =	vand.u32 $0x7FFFFFFF, v26;
	v15 =	vadd.f32 v15, v17;
	v17 =	vmovc v14  }
0x233: {  	v31 =	vld [tilespmem:s8+$0x10];
	v20 =	vsub.f32 v20, v22;
	v14 =	vperm.xlane v24, v1;
	v22 =	vadd.f32 v26, v25  }
0x234: {  	v26 =	vand.u32 $0x7FFFFFFF, v27;
	v18 =	vsub.f32 v18, v28;
	v25 =	vld [tilespmem:s10+$0x10];
	v27 =	vperm.xlane v15, v3  }
0x235: {  	vm0 =	veq.s32 v13, v4;
	v28 =	vld [tilespmem:s8+$0x20];
	v24 =	vadd.f32 v24, v14;
	v22 =	vadd.f32 v22, v26  }
0x236: {  	v18 =	vand.u32 $0x7FFFFFFF, v18;
	v23 =	vsub.f32 v23, v29;
	v13 =	vld [tilespmem:s7+$0xFFFFFFF0];
	v15 =	vadd.f32 v15, v27  }
0x237: {  	v14 =	vsub.f32 v19, v21;
	v32 =	vld [tilespmem:s8+$0x30];
	v19 =	vperm.xlane v24, v2;
	v18 =	vadd.f32 v22, v18  }
0x238: {  	v21 =	vmul.f32 v30, v20;
	v22 =	vmul.f32 v31, v23;
	v26 =	vld [tilespmem:s7+$0xFFFFFFC0];
	v5 =	vsel vm0, v15, v5  }
0x239: {  	v15 =	vld [tilespmem:s7+$0xFFFFFFD0];
	v24 =	vadd.f32 v24, v19;
	v19 =	vperm.xlane v18, v0  }
0x23a: {  	v25 =	vsub.f32 v16, v25;
	v21 =	vadd.f32 v22, v21;
	v22 =	vmul.f32 v28, v14  }
0x23b: {  	s9 =	sadd.s32 $0x40, s9;
	v27 =	vld [tilespmem:s7+$0xFFFFFFE0];
	v29 =	vperm.xlane v24, v3;
	v33 =	vadd.f32 v18, v19;
	s7 =	smov.u32 s8  }
0x23c: {  	v18 =	vadd.f32 v13, v12;
	v12 =	vmovc v25;
	v16 =	vld [tilespmem:s9+$0x10];
	v21 =	vadd.f32 v22, v21;
	v22 =	vmul.f32 v32, v25  }
0x23d: {  	v19 =	vld [tilespmem:s9+$0x0];
	v34 =	vadd.f32 v24, v29;
	v24 =	vadd.f32 v26, v11;
	v25 =	vperm.xlane v33, v1;
	v11 =	vmovc v20  }
.Ltmp6:
0x23e: {  	s10 =	sadd.s32 $0x40, s10;
	v13 =	vmov s6;
	s6 =	smov.u32 s5;
	v20 =	vld [tilespmem:s9+$0xFFFFFFE0];
	v35 =	vadd.f32 v22, v21;
	v26 =	vadd.f32 v15, v10;
	v10 =	vmovc v23;
	(pc) =	sbr.rel @p0 .LBB2_15-.Ltmp6, $4  }
0x23f: {  	s5 =	smov.u32 s17;
	s17 =	smov.u32 s11;
	v22 =	vld [tilespmem:s10+$0xFFFFFFE0];
	v29 =	vmul.f32 v34, v7;
	v36 =	vmul.f32 v34, v8;
	v15 =	vadd.f32 v33, v25;
	v7 =	vmovc v30  }
0x240: {  	v33 =	vmul.f32 v34, v9;
	v8 =	vmovc v31;
	v21 =	vld [tilespmem:s10+$0x0];
	v30 =	vperm.xlane v35, v0;
	v27 =	vadd.f32 v27, v17  }
0x241: {  	v9 =	vmovc v28;
	v23 =	vld [tilespmem:s9+$0xFFFFFFF0];
	v25 =	vsub.f32 v24, v29;
	v26 =	vsub.f32 v26, v36;
	v17 =	vperm.xlane v15, v2  }
0x242: {  	s11 =	sadd.s32 $0x1, s11;
	s8 =	sadd.s32 $0x80, s8;
	v28 =	vmul.f32 v34, v6;
	v6 =	vmovc v32;
	v29 =	vld [tilespmem:s10+$0xFFFFFFF0];
	v24 =	vadd.f32 v35, v30;
	v27 =	vsub.f32 v27, v33  }
0x243: {  	v30 =	vld [tilespmem:s8+$0x0]  }
0x244: {  	v31 =	vld [tilespmem:s8+$0x10]  }
0x245: {  	v32 =	vld [tilespmem:s10+$0x10]  }
0x246: {  	v33 =	vld [tilespmem:s8+$0x20]  }
0x247: {  	v20 =	vsub.f32 v20, v22;
	v52 =	vsub.f32 v23, v29  }
0x248: {  	v53 =	vld [tilespmem:s8+$0x30]  }
0x249: {  	v19 =	vsub.f32 v19, v21;
	v54 =	vmul.f32 v30, v20;
	v29 =	vmul.f32 v31, v52;
	_ =	sdelay $0x1  }
0x24a: {  	v16 =	vsub.f32 v16, v32;
	v55 =	vmul.f32 v33, v19;
	v21 =	vadd.f32 v29, v54;
	_ =	sdelay $0x1  }
0x24b: {  	v56 =	vmul.f32 v53, v16;
	v21 =	vadd.f32 v55, v21;
	_ =	sdelay $0x1  }
0x24c: {  	v21 =	vadd.f32 v56, v21;
	_ =	sdelay $0x1  }
0x24d: {  	v58 =	vperm.xlane v21, v0  }
0x24e: {  	v57 =	vperm.xlane v24, v1  }
0x24f: {  	v21 =	vadd.f32 v21, v58  }
0x250: {  	v24 =	vadd.f32 v24, v57  }
0x251: {  	v59 =	vld [tilespmem:s7+$0xFFFFFFF0];
	v32 =	vperm.xlane v21, v1  }
0x252: {  	v60 =	vld [tilespmem:s7+$0xFFFFFFC0];
	v29 =	vperm.xlane v24, v2  }
0x253: {  	v25 =	vand.u32 $0x7FFFFFFF, v25;
	v26 =	vand.u32 $0x7FFFFFFF, v26;
	v61 =	vld [tilespmem:s7+$0xFFFFFFD0];
	v21 =	vadd.f32 v21, v32  }
0x254: {  	v62 =	vld [tilespmem:s7+$0xFFFFFFE0];
	v25 =	vadd.f32 v26, v25;
	v24 =	vadd.f32 v24, v29  }
0x255: {  	v35 =	vld [tilespmem:s8+$0xFFFFFFC0];
	v27 =	vand.u32 $0x7FFFFFFF, v27;
	v34 =	vperm.xlane v21, v2  }
0x256: {  	v37 =	vld [tilespmem:s8+$0xFFFFFFE0];
	v18 =	vsub.f32 v18, v28;
	v25 =	vadd.f32 v25, v27;
	v63 =	vperm.xlane v24, v3  }
0x257: {  	v12 =	vadd.f32 v59, v12;
	v21 =	vadd.f32 v21, v34  }
0x258: {  	v36 =	vld [tilespmem:s8+$0xFFFFFFD0];
	v18 =	vand.u32 $0x7FFFFFFF, v18;
	v11 =	vadd.f32 v60, v11;
	v24 =	vadd.f32 v24, v63  }
0x259: {  	v10 =	vadd.f32 v61, v10;
	v14 =	vadd.f32 v62, v14;
	v38 =	vperm.xlane v21, v3  }
0x25a: {  	v41 =	vadd.f32 v35, v20;
	v7 =	vmul.f32 v24, v7;
	v8 =	vmul.f32 v24, v8  }
0x25b: {  	v39 =	vld [tilespmem:s8+$0xFFFFFFF0];
	v44 =	vadd.f32 v37, v19;
	v9 =	vmul.f32 v24, v9;
	v40 =	vadd.f32 v21, v38  }
0x25c: {  	v6 =	vmul.f32 v24, v6;
	v7 =	vsub.f32 v11, v7;
	v8 =	vsub.f32 v10, v8  }
0x25d: {  	v42 =	vadd.f32 v36, v52;
	v21 =	vmul.f32 v40, v30;
	v43 =	vmul.f32 v40, v31  }
0x25e: {  	v9 =	vsub.f32 v14, v9;
	v7 =	vand.u32 $0x7FFFFFFF, v7;
	v8 =	vand.u32 $0x7FFFFFFF, v8  }
0x25f: {  	v45 =	vmul.f32 v40, v33;
	v14 =	vsub.f32 v41, v21;
	v20 =	vsub.f32 v42, v43  }
0x260: {  	v10 =	vadd.f32 v39, v16;
	v7 =	vadd.f32 v8, v7;
	v11 =	vmul.f32 v40, v53  }
0x261: {  	v8 =	vsub.f32 v44, v45;
	v14 =	vand.u32 $0x7FFFFFFF, v14;
	v46 =	vand.u32 $0x7FFFFFFF, v20  }
0x262: {  	v6 =	vsub.f32 v12, v6;
	v9 =	vand.u32 $0x7FFFFFFF, v9;
	v47 =	vadd.f32 v46, v14  }
0x263: {  	v7 =	vadd.f32 v7, v9;
	v48 =	vsub.f32 v10, v11;
	v8 =	vand.u32 $0x7FFFFFFF, v8  }
0x264: {  	v18 =	vadd.f32 v25, v18;
	v6 =	vand.u32 $0x7FFFFFFF, v6;
	v8 =	vadd.f32 v47, v8  }
0x265: {  	v6 =	vadd.f32 v7, v6;
	v7 =	vand.u32 $0x7FFFFFFF, v48  }
0x266: {  	v49 =	vperm.xlane v18, v0;
	v7 =	vadd.f32 v8, v7  }
0x267: {  	v51 =	vperm.xlane v6, v0  }
0x268: {  	v50 =	vadd.f32 v18, v49;
	v52 =	vperm.xlane v7, v0  }
0x269: {  	v6 =	vadd.f32 v6, v51  }
0x26a: {  	v53 =	vperm.xlane v50, v1;
	v7 =	vadd.f32 v7, v52  }
0x26b: {  	v9 =	vperm.xlane v6, v1  }
0x26c: {  	v8 =	vadd.f32 v50, v53;
	v10 =	vperm.xlane v7, v1  }
0x26d: {  	v6 =	vadd.f32 v6, v9  }
0x26e: {  	v11 =	vperm.xlane v8, v2;
	v7 =	vadd.f32 v7, v10  }
0x26f: {  	v54 =	vadd.f32 v15, v17;
	v55 =	vperm.xlane v6, v2  }
0x270: {  	v8 =	vadd.f32 v8, v11;
	v57 =	vperm.xlane v7, v2  }
0x271: {  	vm0 =	veq.s32 v13, v4;
	v56 =	vperm.xlane v54, v3;
	v6 =	vadd.f32 v6, v55  }
0x272: {  	v59 =	vmov s6;
	v58 =	vperm.xlane v8, v3;
	v7 =	vadd.f32 v7, v57  }
0x273: {  	v63 =	vmov s17;
	s17 =	sshll.u32 s16, $0x4;
	s16 =	sadd.s32 $0x1, s16;
	v9 =	vadd.f32 v54, v56;
	v60 =	vperm.xlane v6, v3  }
0x274: {  	v62 =	vmov s5;
	p0 =	sne.s32 s16, $0x8;
	v8 =	vadd.f32 v8, v58;
	v61 =	vperm.xlane v7, v3  }
.Ltmp7:
0x275: {  	vm13 =	veq.s32 v59, v4;
	v5 =	vsel vm0, v9, v5;
	v6 =	vadd.f32 v6, v60;
	(pc) =	sbr.rel @p0 .LBB2_14-.Ltmp7, $4  }
0x276: {  	vm14 =	veq.s32 v62, v4;
	v5 =	vsel vm13, v8, v5;
	v7 =	vadd.f32 v7, v61  }
0x277: {  	vm15 =	veq.s32 v63, v4;
	v5 =	vsel vm14, v6, v5  }
0x278: {  	s5 =	sand.u32 $0x3FFFFFF0, s17;
	v5 =	vsel vm15, v7, v5  }
0x279: {  	s13 =	sadd.s32 $0x800, s13;
	s14 =	sadd.s32 $0x400, s14;
	s15 =	sadd.s32 $0x400, s15;
	[tilespmem:s5+$0x10F80] =	vst v5  }
0x27a: {  	s5 =	simm.s32 $0x680  }
0x27b: {  	[tilespmem:s26], [sflag:$0x3] =	stream.indirect.gather [hbm4b:s3+s25], $0x40, s5, s25, $0xb8;
	[tilespmem:$0x11210] =	vst v63  }
0x27c: {  	s16 =	simm.s32 $0xA80  }
0x27d: {  	[tilespmem:s29], [sflag:$0x3] =	stream.indirect.gather [hbm4b:s3+s25], $0x40, s16, s25, $0xb8;
	[tilespmem:$0x11210] =	vst v63  }
0x27e: {  	s17 =	simm.s32 $0x880  }
0x27f: {  	[tilespmem:s31], [sflag:$0x3] =	stream.indirect.gather [hbm4b:s4+s25], $0x80, s17, s25, $0xb8;
	[tilespmem:$0x11210] =	vst v63  }
0x280: {  	_ =	swait.ge [sflag:s1], $0x2000  }
0x281: {  	[sflag:s1] =	ssyncset.done $0x0  }
0x282: {  	[sflag:s1] =	ssyncadd.s32 $0xFFFFE000  }
0x283: {  	_ =	swait.ge [sflag:s1], $0x2000  }
0x284: {  	[sflag:s1] =	ssyncset.done $0x0  }
0x285: {  	[sflag:s1] =	ssyncadd.s32 $0xFFFFE000  }
0x286: {  	s28 =	simm.s32 $0x0;
	_ =	swait.ge [sflag:s1], $0x4000  }
0x287: {  	s13 =	simm.s32 $0x4E40;
	s14 =	simm.s32 $0x2E20;
	[sflag:s1] =	ssyncset.done $0x0  }
0x288: {  	s15 =	simm.s32 $0xE20;
	s16 =	simm.s32 $0x0;
	[sflag:s1] =	ssyncadd.s32 $0xFFFFC000  }
.LBB2_18:
0x289: {  	v5 =	vld [tilespmem:s15+$0x10]  }
0x28a: {  	v6 =	vld [tilespmem:s15+$0x0]  }
0x28b: {  	v7 =	vld [tilespmem:s15+$0xFFFFFFE0]  }
0x28c: {  	v8 =	vld [tilespmem:s14+$0xFFFFFFE0]  }
0x28d: {  	v9 =	vld [tilespmem:s14+$0x0]  }
0x28e: {  	v10 =	vld [tilespmem:s15+$0xFFFFFFF0]  }
0x28f: {  	v11 =	vld [tilespmem:s14+$0xFFFFFFF0]  }
0x290: {  	v12 =	vld [tilespmem:s13+$0x0]  }
0x291: {  	v13 =	vld [tilespmem:s13+$0x10]  }
0x292: {  	v14 =	vld [tilespmem:s14+$0x10]  }
0x293: {  	v15 =	vld [tilespmem:s13+$0x20]  }
0x294: {  	v7 =	vsub.f32 v7, v8;
	v8 =	vsub.f32 v10, v11  }
0x295: {  	v10 =	vld [tilespmem:s13+$0x30]  }
0x296: {  	v6 =	vsub.f32 v6, v9;
	v9 =	vmul.f32 v12, v7;
	v11 =	vmul.f32 v13, v8;
	_ =	sdelay $0x1  }
0x297: {  	v5 =	vsub.f32 v5, v14;
	v9 =	vadd.f32 v11, v9;
	v11 =	vmul.f32 v15, v6  }
0x298: {  	s6 =	sadd.s32 $0x40, s15  }
0x299: {  	v16 =	vld [tilespmem:s6+$0x0];
	v9 =	vadd.f32 v11, v9;
	v11 =	vmul.f32 v10, v5  }
0x29a: {  	s7 =	sadd.s32 $0x40, s14;
	v17 =	vld [tilespmem:s6+$0xFFFFFFE0]  }
0x29b: {  	v18 =	vld [tilespmem:s7+$0x0];
	v9 =	vadd.f32 v11, v9  }
0x29c: {  	v20 =	vld [tilespmem:s6+$0xFFFFFFF0]  }
0x29d: {  	s5 =	sadd.s32 $0x80, s13;
	v21 =	vld [tilespmem:s7+$0xFFFFFFF0];
	v19 =	vperm.xlane v9, v0  }
0x29e: {  	v23 =	vld [tilespmem:s5+$0x0]  }
0x29f: {  	v11 =	vld [tilespmem:s7+$0xFFFFFFE0];
	v9 =	vadd.f32 v9, v19  }
0x2a0: {  	v24 =	vld [tilespmem:s5+$0x10]  }
0x2a1: {  	v22 =	vld [tilespmem:s7+$0x10];
	v19 =	vperm.xlane v9, v1  }
0x2a2: {  	v25 =	vld [tilespmem:s5+$0x20]  }
0x2a3: {  	v14 =	vld [tilespmem:s6+$0x10];
	v9 =	vadd.f32 v9, v19  }
0x2a4: {  	v28 =	vld [tilespmem:s5+$0x30];
	v21 =	vsub.f32 v20, v21;
	v17 =	vsub.f32 v17, v11  }
0x2a5: {  	v31 =	vld [tilespmem:s5+$0xFFFFFFE0];
	v11 =	vperm.xlane v9, v2  }
0x2a6: {  	v26 =	vsub.f32 v16, v18;
	v20 =	vld [tilespmem:s13+$0xFFFFFFC0];
	v18 =	vmul.f32 v24, v21;
	v16 =	vmul.f32 v23, v17  }
0x2a7: {  	v19 =	vld [tilespmem:s13+$0xFFFFFFF0];
	v9 =	vadd.f32 v9, v11  }
0x2a8: {  	v22 =	vsub.f32 v14, v22;
	v14 =	vadd.f32 v18, v16;
	v16 =	vmul.f32 v25, v26;
	v11 =	vld [tilespmem:s13+$0xFFFFFFD0]  }
0x2a9: {  	s6 =	sadd.s32 $0x40, s6;
	v18 =	vld [tilespmem:s13+$0xFFFFFFE0];
	v27 =	vperm.xlane v9, v3  }
0x2aa: {  	v29 =	vld [tilespmem:s6+$0x10];
	v14 =	vadd.f32 v16, v14;
	v16 =	vmul.f32 v28, v22  }
0x2ab: {  	v7 =	vadd.f32 v20, v7;
	v20 =	vld [tilespmem:s6+$0xFFFFFFE0];
	v9 =	vadd.f32 v9, v27  }
0x2ac: {  	s8 =	sadd.s32 $0x40, s7;
	v5 =	vadd.f32 v19, v5;
	v19 =	vld [tilespmem:s6+$0x0];
	v14 =	vadd.f32 v16, v14  }
0x2ad: {  	v16 =	vld [tilespmem:s8+$0x0];
	v8 =	vadd.f32 v11, v8;
	v12 =	vmul.f32 v9, v12;
	v13 =	vmul.f32 v9, v13  }
0x2ae: {  	v6 =	vadd.f32 v18, v6;
	v18 =	vld [tilespmem:s6+$0xFFFFFFF0];
	v27 =	vperm.xlane v14, v0  }
0x2af: {  	v11 =	vld [tilespmem:s8+$0xFFFFFFE0];
	v15 =	vmul.f32 v9, v15;
	v12 =	vsub.f32 v7, v12;
	v8 =	vsub.f32 v8, v13  }
0x2b0: {  	s7 =	sadd.s32 $0x80, s5;
	v14 =	vadd.f32 v14, v27;
	v9 =	vmul.f32 v9, v10;
	v13 =	vld [tilespmem:s8+$0xFFFFFFF0]  }
0x2b1: {  	v6 =	vsub.f32 v6, v15;
	v7 =	vld [tilespmem:s7+$0x0];
	v10 =	vand.u32 $0x7FFFFFFF, v12;
	v12 =	vand.u32 $0x7FFFFFFF, v8  }
0x2b2: {  	v15 =	vperm.xlane v14, v1;
	v8 =	vld [tilespmem:s7+$0x10];
	v10 =	vadd.f32 v12, v10  }
0x2b3: {  	v5 =	vsub.f32 v5, v9;
	v9 =	vld [tilespmem:s7+$0x20];
	v6 =	vand.u32 $0x7FFFFFFF, v6  }
0x2b4: {  	v15 =	vadd.f32 v14, v15;
	v12 =	vld [tilespmem:s8+$0x10];
	v14 =	vadd.f32 v10, v6  }
0x2b5: {  	v27 =	vld [tilespmem:s5+$0xFFFFFFC0];
	v11 =	vsub.f32 v20, v11;
	v5 =	vand.u32 $0x7FFFFFFF, v5;
	v10 =	vsub.f32 v18, v13  }
0x2b6: {  	v6 =	vld [tilespmem:s7+$0x30];
	v18 =	vperm.xlane v15, v2;
	v20 =	vadd.f32 v14, v5  }
0x2b7: {  	v13 =	vld [tilespmem:s5+$0xFFFFFFF0];
	v14 =	vsub.f32 v19, v16;
	v5 =	vmul.f32 v7, v11;
	v16 =	vmul.f32 v8, v10  }
0x2b8: {  	v30 =	vld [tilespmem:s5+$0xFFFFFFD0];
	v15 =	vadd.f32 v15, v18;
	v18 =	vperm.xlane v20, v0  }
0x2b9: {  	v12 =	vsub.f32 v29, v12;
	v19 =	vadd.f32 v16, v5;
	v29 =	vmul.f32 v9, v14  }
0x2ba: {  	s9 =	sadd.s32 $0x40, s6;
	v31 =	vadd.f32 v31, v26;
	v32 =	vperm.xlane v15, v3;
	v33 =	vadd.f32 v20, v18  }
0x2bb: {  	v17 =	vadd.f32 v27, v17;
	v16 =	vld [tilespmem:s9+$0x10];
	v34 =	vmul.f32 v6, v12;
	v29 =	vadd.f32 v29, v19  }
0x2bc: {  	v18 =	vadd.f32 v13, v22;
	v19 =	vld [tilespmem:s9+$0x0];
	v32 =	vadd.f32 v15, v32;
	v15 =	vperm.xlane v33, v1  }
0x2bd: {  	s10 =	sadd.s32 $0x40, s8;
	v5 =	vimm.f32 $0.0e+00;
	v20 =	vld [tilespmem:s9+$0xFFFFFFE0];
	v27 =	vadd.f32 v34, v29;
	v29 =	vadd.f32 v30, v21  }
0x2be: {  	v22 =	vld [tilespmem:s10+$0xFFFFFFE0];
	v30 =	vmul.f32 v32, v23;
	v24 =	vmul.f32 v32, v24;
	v15 =	vadd.f32 v33, v15  }
0x2bf: {  	v13 =	vmov s28;
	v21 =	vld [tilespmem:s10+$0x0];
	v63 =	vmul.f32 v32, v25;
	v62 =	vperm.xlane v27, v0  }
0x2c0: {  	s17 =	simm.s32 $0x3;
	s11 =	simm.s32 $0x4;
	v23 =	vld [tilespmem:s9+$0xFFFFFFF0];
	v25 =	vsub.f32 v17, v30;
	v26 =	vsub.f32 v29, v24;
	v17 =	vperm.xlane v15, v2  }
0x2c1: {  	s6 =	simm.s32 $0x1;
	s8 =	sadd.s32 $0x80, s7;
	s5 =	simm.s32 $0x2;
	v28 =	vmul.f32 v32, v28;
	v29 =	vld [tilespmem:s10+$0xFFFFFFF0];
	v24 =	vadd.f32 v27, v62;
	v27 =	vsub.f32 v31, v63  }
.LBB2_19:
0x2c2: {  	p0 =	sne.s32 s11, $0xF;
	v30 =	vld [tilespmem:s8+$0x0];
	v25 =	vand.u32 $0x7FFFFFFF, v25;
	v26 =	vand.u32 $0x7FFFFFFF, v26;
	v15 =	vadd.f32 v15, v17;
	v17 =	vmovc v14  }
0x2c3: {  	v31 =	vld [tilespmem:s8+$0x10];
	v20 =	vsub.f32 v20, v22;
	v14 =	vperm.xlane v24, v1;
	v22 =	vadd.f32 v26, v25  }
0x2c4: {  	v26 =	vand.u32 $0x7FFFFFFF, v27;
	v18 =	vsub.f32 v18, v28;
	v25 =	vld [tilespmem:s10+$0x10];
	v27 =	vperm.xlane v15, v3  }
0x2c5: {  	vm0 =	veq.s32 v13, v4;
	v28 =	vld [tilespmem:s8+$0x20];
	v24 =	vadd.f32 v24, v14;
	v22 =	vadd.f32 v22, v26  }
0x2c6: {  	v18 =	vand.u32 $0x7FFFFFFF, v18;
	v23 =	vsub.f32 v23, v29;
	v13 =	vld [tilespmem:s7+$0xFFFFFFF0];
	v15 =	vadd.f32 v15, v27  }
0x2c7: {  	v14 =	vsub.f32 v19, v21;
	v32 =	vld [tilespmem:s8+$0x30];
	v19 =	vperm.xlane v24, v2;
	v18 =	vadd.f32 v22, v18  }
0x2c8: {  	v21 =	vmul.f32 v30, v20;
	v22 =	vmul.f32 v31, v23;
	v26 =	vld [tilespmem:s7+$0xFFFFFFC0];
	v5 =	vsel vm0, v15, v5  }
0x2c9: {  	v15 =	vld [tilespmem:s7+$0xFFFFFFD0];
	v24 =	vadd.f32 v24, v19;
	v19 =	vperm.xlane v18, v0  }
0x2ca: {  	v25 =	vsub.f32 v16, v25;
	v21 =	vadd.f32 v22, v21;
	v22 =	vmul.f32 v28, v14  }
0x2cb: {  	s9 =	sadd.s32 $0x40, s9;
	v27 =	vld [tilespmem:s7+$0xFFFFFFE0];
	v29 =	vperm.xlane v24, v3;
	v33 =	vadd.f32 v18, v19;
	s7 =	smov.u32 s8  }
0x2cc: {  	v18 =	vadd.f32 v13, v12;
	v12 =	vmovc v25;
	v16 =	vld [tilespmem:s9+$0x10];
	v21 =	vadd.f32 v22, v21;
	v22 =	vmul.f32 v32, v25  }
0x2cd: {  	v19 =	vld [tilespmem:s9+$0x0];
	v34 =	vadd.f32 v24, v29;
	v24 =	vadd.f32 v26, v11;
	v25 =	vperm.xlane v33, v1;
	v11 =	vmovc v20  }
.Ltmp8:
0x2ce: {  	s10 =	sadd.s32 $0x40, s10;
	v13 =	vmov s6;
	s6 =	smov.u32 s5;
	v20 =	vld [tilespmem:s9+$0xFFFFFFE0];
	v35 =	vadd.f32 v22, v21;
	v26 =	vadd.f32 v15, v10;
	v10 =	vmovc v23;
	(pc) =	sbr.rel @p0 .LBB2_19-.Ltmp8, $4  }
0x2cf: {  	s5 =	smov.u32 s17;
	s17 =	smov.u32 s11;
	v22 =	vld [tilespmem:s10+$0xFFFFFFE0];
	v29 =	vmul.f32 v34, v7;
	v36 =	vmul.f32 v34, v8;
	v15 =	vadd.f32 v33, v25;
	v7 =	vmovc v30  }
0x2d0: {  	v33 =	vmul.f32 v34, v9;
	v8 =	vmovc v31;
	v21 =	vld [tilespmem:s10+$0x0];
	v30 =	vperm.xlane v35, v0;
	v27 =	vadd.f32 v27, v17  }
0x2d1: {  	v9 =	vmovc v28;
	v23 =	vld [tilespmem:s9+$0xFFFFFFF0];
	v25 =	vsub.f32 v24, v29;
	v26 =	vsub.f32 v26, v36;
	v17 =	vperm.xlane v15, v2  }
0x2d2: {  	s11 =	sadd.s32 $0x1, s11;
	s8 =	sadd.s32 $0x80, s8;
	v28 =	vmul.f32 v34, v6;
	v6 =	vmovc v32;
	v29 =	vld [tilespmem:s10+$0xFFFFFFF0];
	v24 =	vadd.f32 v35, v30;
	v27 =	vsub.f32 v27, v33  }
0x2d3: {  	v30 =	vld [tilespmem:s8+$0x0]  }
0x2d4: {  	v31 =	vld [tilespmem:s8+$0x10]  }
0x2d5: {  	v32 =	vld [tilespmem:s10+$0x10]  }
0x2d6: {  	v33 =	vld [tilespmem:s8+$0x20]  }
0x2d7: {  	v20 =	vsub.f32 v20, v22;
	v52 =	vsub.f32 v23, v29  }
0x2d8: {  	v53 =	vld [tilespmem:s8+$0x30]  }
0x2d9: {  	v19 =	vsub.f32 v19, v21;
	v54 =	vmul.f32 v30, v20;
	v29 =	vmul.f32 v31, v52;
	_ =	sdelay $0x1  }
0x2da: {  	v16 =	vsub.f32 v16, v32;
	v55 =	vmul.f32 v33, v19;
	v21 =	vadd.f32 v29, v54;
	_ =	sdelay $0x1  }
0x2db: {  	v56 =	vmul.f32 v53, v16;
	v21 =	vadd.f32 v55, v21;
	_ =	sdelay $0x1  }
0x2dc: {  	v21 =	vadd.f32 v56, v21;
	_ =	sdelay $0x1  }
0x2dd: {  	v58 =	vperm.xlane v21, v0  }
0x2de: {  	v57 =	vperm.xlane v24, v1  }
0x2df: {  	v21 =	vadd.f32 v21, v58  }
0x2e0: {  	v24 =	vadd.f32 v24, v57  }
0x2e1: {  	v59 =	vld [tilespmem:s7+$0xFFFFFFF0];
	v32 =	vperm.xlane v21, v1  }
0x2e2: {  	v60 =	vld [tilespmem:s7+$0xFFFFFFC0];
	v29 =	vperm.xlane v24, v2  }
0x2e3: {  	v25 =	vand.u32 $0x7FFFFFFF, v25;
	v26 =	vand.u32 $0x7FFFFFFF, v26;
	v61 =	vld [tilespmem:s7+$0xFFFFFFD0];
	v21 =	vadd.f32 v21, v32  }
0x2e4: {  	v62 =	vld [tilespmem:s7+$0xFFFFFFE0];
	v25 =	vadd.f32 v26, v25;
	v24 =	vadd.f32 v24, v29  }
0x2e5: {  	v35 =	vld [tilespmem:s8+$0xFFFFFFC0];
	v27 =	vand.u32 $0x7FFFFFFF, v27;
	v34 =	vperm.xlane v21, v2  }
0x2e6: {  	v37 =	vld [tilespmem:s8+$0xFFFFFFE0];
	v18 =	vsub.f32 v18, v28;
	v25 =	vadd.f32 v25, v27;
	v63 =	vperm.xlane v24, v3  }
0x2e7: {  	v12 =	vadd.f32 v59, v12;
	v21 =	vadd.f32 v21, v34  }
0x2e8: {  	v36 =	vld [tilespmem:s8+$0xFFFFFFD0];
	v18 =	vand.u32 $0x7FFFFFFF, v18;
	v11 =	vadd.f32 v60, v11;
	v24 =	vadd.f32 v24, v63  }
0x2e9: {  	v10 =	vadd.f32 v61, v10;
	v14 =	vadd.f32 v62, v14;
	v38 =	vperm.xlane v21, v3  }
0x2ea: {  	v41 =	vadd.f32 v35, v20;
	v7 =	vmul.f32 v24, v7;
	v8 =	vmul.f32 v24, v8  }
0x2eb: {  	v39 =	vld [tilespmem:s8+$0xFFFFFFF0];
	v44 =	vadd.f32 v37, v19;
	v9 =	vmul.f32 v24, v9;
	v40 =	vadd.f32 v21, v38  }
0x2ec: {  	v6 =	vmul.f32 v24, v6;
	v7 =	vsub.f32 v11, v7;
	v8 =	vsub.f32 v10, v8  }
0x2ed: {  	v42 =	vadd.f32 v36, v52;
	v21 =	vmul.f32 v40, v30;
	v43 =	vmul.f32 v40, v31  }
0x2ee: {  	v9 =	vsub.f32 v14, v9;
	v7 =	vand.u32 $0x7FFFFFFF, v7;
	v8 =	vand.u32 $0x7FFFFFFF, v8  }
0x2ef: {  	v45 =	vmul.f32 v40, v33;
	v14 =	vsub.f32 v41, v21;
	v20 =	vsub.f32 v42, v43  }
0x2f0: {  	v10 =	vadd.f32 v39, v16;
	v7 =	vadd.f32 v8, v7;
	v11 =	vmul.f32 v40, v53  }
0x2f1: {  	v8 =	vsub.f32 v44, v45;
	v14 =	vand.u32 $0x7FFFFFFF, v14;
	v46 =	vand.u32 $0x7FFFFFFF, v20  }
0x2f2: {  	v6 =	vsub.f32 v12, v6;
	v9 =	vand.u32 $0x7FFFFFFF, v9;
	v47 =	vadd.f32 v46, v14  }
0x2f3: {  	v7 =	vadd.f32 v7, v9;
	v48 =	vsub.f32 v10, v11;
	v8 =	vand.u32 $0x7FFFFFFF, v8  }
0x2f4: {  	v18 =	vadd.f32 v25, v18;
	v6 =	vand.u32 $0x7FFFFFFF, v6;
	v8 =	vadd.f32 v47, v8  }
0x2f5: {  	v6 =	vadd.f32 v7, v6;
	v7 =	vand.u32 $0x7FFFFFFF, v48  }
0x2f6: {  	v49 =	vperm.xlane v18, v0;
	v7 =	vadd.f32 v8, v7  }
0x2f7: {  	v51 =	vperm.xlane v6, v0  }
0x2f8: {  	v50 =	vadd.f32 v18, v49;
	v52 =	vperm.xlane v7, v0  }
0x2f9: {  	v6 =	vadd.f32 v6, v51  }
0x2fa: {  	v53 =	vperm.xlane v50, v1;
	v7 =	vadd.f32 v7, v52  }
0x2fb: {  	v9 =	vperm.xlane v6, v1  }
0x2fc: {  	v8 =	vadd.f32 v50, v53;
	v10 =	vperm.xlane v7, v1  }
0x2fd: {  	v6 =	vadd.f32 v6, v9  }
0x2fe: {  	v11 =	vperm.xlane v8, v2;
	v7 =	vadd.f32 v7, v10  }
0x2ff: {  	v54 =	vadd.f32 v15, v17;
	v55 =	vperm.xlane v6, v2  }
0x300: {  	v8 =	vadd.f32 v8, v11;
	v57 =	vperm.xlane v7, v2  }
0x301: {  	vm0 =	veq.s32 v13, v4;
	v56 =	vperm.xlane v54, v3;
	v6 =	vadd.f32 v6, v55  }
0x302: {  	v59 =	vmov s6;
	v58 =	vperm.xlane v8, v3;
	v7 =	vadd.f32 v7, v57  }
0x303: {  	v63 =	vmov s17;
	s17 =	sshll.u32 s16, $0x4;
	s16 =	sadd.s32 $0x1, s16;
	v9 =	vadd.f32 v54, v56;
	v60 =	vperm.xlane v6, v3  }
0x304: {  	v62 =	vmov s5;
	p0 =	sne.s32 s16, $0x8;
	v8 =	vadd.f32 v8, v58;
	v61 =	vperm.xlane v7, v3  }
.Ltmp9:
0x305: {  	vm13 =	veq.s32 v59, v4;
	v5 =	vsel vm0, v9, v5;
	v6 =	vadd.f32 v6, v60;
	(pc) =	sbr.rel @p0 .LBB2_18-.Ltmp9, $4  }
0x306: {  	vm14 =	veq.s32 v62, v4;
	v5 =	vsel vm13, v8, v5;
	v7 =	vadd.f32 v7, v61  }
0x307: {  	vm15 =	veq.s32 v63, v4;
	v5 =	vsel vm14, v6, v5  }
0x308: {  	s5 =	sand.u32 $0x3FFFFFF0, s17;
	v5 =	vsel vm15, v7, v5  }
0x309: {  	s13 =	sadd.s32 $0x800, s13;
	s14 =	sadd.s32 $0x400, s14;
	s15 =	sadd.s32 $0x400, s15;
	[tilespmem:s5+$0x11000] =	vst v5  }
0x30a: {  	s5 =	simm.s32 $0x700  }
0x30b: {  	[tilespmem:s19], [sflag:$0x2] =	stream.indirect.gather [hbm4b:s3+s25], $0x40, s5, s25, $0xb8;
	[tilespmem:$0x11210] =	vst v63  }
0x30c: {  	s16 =	simm.s32 $0xB00  }
0x30d: {  	[tilespmem:s20], [sflag:$0x2] =	stream.indirect.gather [hbm4b:s3+s25], $0x40, s16, s25, $0xb8;
	[tilespmem:$0x11210] =	vst v63  }
0x30e: {  	s17 =	simm.s32 $0x900  }
0x30f: {  	[tilespmem:s21], [sflag:$0x2] =	stream.indirect.gather [hbm4b:s4+s25], $0x80, s17, s25, $0xb8;
	[tilespmem:$0x11210] =	vst v63  }
0x310: {  	_ =	swait.ge [sflag:s30], $0x2000  }
0x311: {  	[sflag:s30] =	ssyncset.done $0x0  }
0x312: {  	[sflag:s30] =	ssyncadd.s32 $0xFFFFE000  }
0x313: {  	_ =	swait.ge [sflag:s30], $0x2000  }
0x314: {  	[sflag:s30] =	ssyncset.done $0x0  }
0x315: {  	[sflag:s30] =	ssyncadd.s32 $0xFFFFE000  }
0x316: {  	s28 =	simm.s32 $0x0;
	_ =	swait.ge [sflag:s30], $0x4000  }
0x317: {  	s13 =	simm.s32 $0xCE40;
	s14 =	simm.s32 $0xAE20;
	[sflag:s30] =	ssyncset.done $0x0  }
0x318: {  	s15 =	simm.s32 $0x8E20;
	s16 =	simm.s32 $0x0;
	[sflag:s30] =	ssyncadd.s32 $0xFFFFC000  }
.LBB2_22:
0x319: {  	v5 =	vld [tilespmem:s15+$0x10]  }
0x31a: {  	v6 =	vld [tilespmem:s15+$0x0]  }
0x31b: {  	v7 =	vld [tilespmem:s15+$0xFFFFFFE0]  }
0x31c: {  	v8 =	vld [tilespmem:s14+$0xFFFFFFE0]  }
0x31d: {  	v9 =	vld [tilespmem:s14+$0x0]  }
0x31e: {  	v10 =	vld [tilespmem:s15+$0xFFFFFFF0]  }
0x31f: {  	v11 =	vld [tilespmem:s14+$0xFFFFFFF0]  }
0x320: {  	v12 =	vld [tilespmem:s13+$0x0]  }
0x321: {  	v13 =	vld [tilespmem:s13+$0x10]  }
0x322: {  	v14 =	vld [tilespmem:s14+$0x10]  }
0x323: {  	v15 =	vld [tilespmem:s13+$0x20]  }
0x324: {  	v7 =	vsub.f32 v7, v8;
	v8 =	vsub.f32 v10, v11  }
0x325: {  	v10 =	vld [tilespmem:s13+$0x30]  }
0x326: {  	v6 =	vsub.f32 v6, v9;
	v9 =	vmul.f32 v12, v7;
	v11 =	vmul.f32 v13, v8;
	_ =	sdelay $0x1  }
0x327: {  	v5 =	vsub.f32 v5, v14;
	v9 =	vadd.f32 v11, v9;
	v11 =	vmul.f32 v15, v6  }
0x328: {  	s6 =	sadd.s32 $0x40, s15  }
0x329: {  	v16 =	vld [tilespmem:s6+$0x0];
	v9 =	vadd.f32 v11, v9;
	v11 =	vmul.f32 v10, v5  }
0x32a: {  	s7 =	sadd.s32 $0x40, s14;
	v17 =	vld [tilespmem:s6+$0xFFFFFFE0]  }
0x32b: {  	v18 =	vld [tilespmem:s7+$0x0];
	v9 =	vadd.f32 v11, v9  }
0x32c: {  	v20 =	vld [tilespmem:s6+$0xFFFFFFF0]  }
0x32d: {  	s5 =	sadd.s32 $0x80, s13;
	v21 =	vld [tilespmem:s7+$0xFFFFFFF0];
	v19 =	vperm.xlane v9, v0  }
0x32e: {  	v23 =	vld [tilespmem:s5+$0x0]  }
0x32f: {  	v11 =	vld [tilespmem:s7+$0xFFFFFFE0];
	v9 =	vadd.f32 v9, v19  }
0x330: {  	v24 =	vld [tilespmem:s5+$0x10]  }
0x331: {  	v22 =	vld [tilespmem:s7+$0x10];
	v19 =	vperm.xlane v9, v1  }
0x332: {  	v25 =	vld [tilespmem:s5+$0x20]  }
0x333: {  	v14 =	vld [tilespmem:s6+$0x10];
	v9 =	vadd.f32 v9, v19  }
0x334: {  	v28 =	vld [tilespmem:s5+$0x30];
	v21 =	vsub.f32 v20, v21;
	v17 =	vsub.f32 v17, v11  }
0x335: {  	v31 =	vld [tilespmem:s5+$0xFFFFFFE0];
	v11 =	vperm.xlane v9, v2  }
0x336: {  	v26 =	vsub.f32 v16, v18;
	v20 =	vld [tilespmem:s13+$0xFFFFFFC0];
	v18 =	vmul.f32 v24, v21;
	v16 =	vmul.f32 v23, v17  }
0x337: {  	v19 =	vld [tilespmem:s13+$0xFFFFFFF0];
	v9 =	vadd.f32 v9, v11  }
0x338: {  	v22 =	vsub.f32 v14, v22;
	v14 =	vadd.f32 v18, v16;
	v16 =	vmul.f32 v25, v26;
	v11 =	vld [tilespmem:s13+$0xFFFFFFD0]  }
0x339: {  	s6 =	sadd.s32 $0x40, s6;
	v18 =	vld [tilespmem:s13+$0xFFFFFFE0];
	v27 =	vperm.xlane v9, v3  }
0x33a: {  	v29 =	vld [tilespmem:s6+$0x10];
	v14 =	vadd.f32 v16, v14;
	v16 =	vmul.f32 v28, v22  }
0x33b: {  	v7 =	vadd.f32 v20, v7;
	v20 =	vld [tilespmem:s6+$0xFFFFFFE0];
	v9 =	vadd.f32 v9, v27  }
0x33c: {  	s8 =	sadd.s32 $0x40, s7;
	v5 =	vadd.f32 v19, v5;
	v19 =	vld [tilespmem:s6+$0x0];
	v14 =	vadd.f32 v16, v14  }
0x33d: {  	v16 =	vld [tilespmem:s8+$0x0];
	v8 =	vadd.f32 v11, v8;
	v12 =	vmul.f32 v9, v12;
	v13 =	vmul.f32 v9, v13  }
0x33e: {  	v6 =	vadd.f32 v18, v6;
	v18 =	vld [tilespmem:s6+$0xFFFFFFF0];
	v27 =	vperm.xlane v14, v0  }
0x33f: {  	v11 =	vld [tilespmem:s8+$0xFFFFFFE0];
	v15 =	vmul.f32 v9, v15;
	v12 =	vsub.f32 v7, v12;
	v8 =	vsub.f32 v8, v13  }
0x340: {  	s7 =	sadd.s32 $0x80, s5;
	v14 =	vadd.f32 v14, v27;
	v9 =	vmul.f32 v9, v10;
	v13 =	vld [tilespmem:s8+$0xFFFFFFF0]  }
0x341: {  	v6 =	vsub.f32 v6, v15;
	v7 =	vld [tilespmem:s7+$0x0];
	v10 =	vand.u32 $0x7FFFFFFF, v12;
	v12 =	vand.u32 $0x7FFFFFFF, v8  }
0x342: {  	v15 =	vperm.xlane v14, v1;
	v8 =	vld [tilespmem:s7+$0x10];
	v10 =	vadd.f32 v12, v10  }
0x343: {  	v5 =	vsub.f32 v5, v9;
	v9 =	vld [tilespmem:s7+$0x20];
	v6 =	vand.u32 $0x7FFFFFFF, v6  }
0x344: {  	v15 =	vadd.f32 v14, v15;
	v12 =	vld [tilespmem:s8+$0x10];
	v14 =	vadd.f32 v10, v6  }
0x345: {  	v27 =	vld [tilespmem:s5+$0xFFFFFFC0];
	v11 =	vsub.f32 v20, v11;
	v5 =	vand.u32 $0x7FFFFFFF, v5;
	v10 =	vsub.f32 v18, v13  }
0x346: {  	v6 =	vld [tilespmem:s7+$0x30];
	v18 =	vperm.xlane v15, v2;
	v20 =	vadd.f32 v14, v5  }
0x347: {  	v13 =	vld [tilespmem:s5+$0xFFFFFFF0];
	v14 =	vsub.f32 v19, v16;
	v5 =	vmul.f32 v7, v11;
	v16 =	vmul.f32 v8, v10  }
0x348: {  	v30 =	vld [tilespmem:s5+$0xFFFFFFD0];
	v15 =	vadd.f32 v15, v18;
	v18 =	vperm.xlane v20, v0  }
0x349: {  	v12 =	vsub.f32 v29, v12;
	v19 =	vadd.f32 v16, v5;
	v29 =	vmul.f32 v9, v14  }
0x34a: {  	s9 =	sadd.s32 $0x40, s6;
	v31 =	vadd.f32 v31, v26;
	v32 =	vperm.xlane v15, v3;
	v33 =	vadd.f32 v20, v18  }
0x34b: {  	v17 =	vadd.f32 v27, v17;
	v16 =	vld [tilespmem:s9+$0x10];
	v34 =	vmul.f32 v6, v12;
	v29 =	vadd.f32 v29, v19  }
0x34c: {  	v18 =	vadd.f32 v13, v22;
	v19 =	vld [tilespmem:s9+$0x0];
	v32 =	vadd.f32 v15, v32;
	v15 =	vperm.xlane v33, v1  }
0x34d: {  	s10 =	sadd.s32 $0x40, s8;
	v5 =	vimm.f32 $0.0e+00;
	v20 =	vld [tilespmem:s9+$0xFFFFFFE0];
	v27 =	vadd.f32 v34, v29;
	v29 =	vadd.f32 v30, v21  }
0x34e: {  	v22 =	vld [tilespmem:s10+$0xFFFFFFE0];
	v30 =	vmul.f32 v32, v23;
	v24 =	vmul.f32 v32, v24;
	v15 =	vadd.f32 v33, v15  }
0x34f: {  	v13 =	vmov s28;
	v21 =	vld [tilespmem:s10+$0x0];
	v63 =	vmul.f32 v32, v25;
	v62 =	vperm.xlane v27, v0  }
0x350: {  	s17 =	simm.s32 $0x3;
	s11 =	simm.s32 $0x4;
	v23 =	vld [tilespmem:s9+$0xFFFFFFF0];
	v25 =	vsub.f32 v17, v30;
	v26 =	vsub.f32 v29, v24;
	v17 =	vperm.xlane v15, v2  }
0x351: {  	s6 =	simm.s32 $0x1;
	s8 =	sadd.s32 $0x80, s7;
	s5 =	simm.s32 $0x2;
	v28 =	vmul.f32 v32, v28;
	v29 =	vld [tilespmem:s10+$0xFFFFFFF0];
	v24 =	vadd.f32 v27, v62;
	v27 =	vsub.f32 v31, v63  }
.LBB2_23:
0x352: {  	p0 =	sne.s32 s11, $0xF;
	v30 =	vld [tilespmem:s8+$0x0];
	v25 =	vand.u32 $0x7FFFFFFF, v25;
	v26 =	vand.u32 $0x7FFFFFFF, v26;
	v15 =	vadd.f32 v15, v17;
	v17 =	vmovc v14  }
0x353: {  	v31 =	vld [tilespmem:s8+$0x10];
	v20 =	vsub.f32 v20, v22;
	v14 =	vperm.xlane v24, v1;
	v22 =	vadd.f32 v26, v25  }
0x354: {  	v26 =	vand.u32 $0x7FFFFFFF, v27;
	v18 =	vsub.f32 v18, v28;
	v25 =	vld [tilespmem:s10+$0x10];
	v27 =	vperm.xlane v15, v3  }
0x355: {  	vm0 =	veq.s32 v13, v4;
	v28 =	vld [tilespmem:s8+$0x20];
	v24 =	vadd.f32 v24, v14;
	v22 =	vadd.f32 v22, v26  }
0x356: {  	v18 =	vand.u32 $0x7FFFFFFF, v18;
	v23 =	vsub.f32 v23, v29;
	v13 =	vld [tilespmem:s7+$0xFFFFFFF0];
	v15 =	vadd.f32 v15, v27  }
0x357: {  	v14 =	vsub.f32 v19, v21;
	v32 =	vld [tilespmem:s8+$0x30];
	v19 =	vperm.xlane v24, v2;
	v18 =	vadd.f32 v22, v18  }
0x358: {  	v21 =	vmul.f32 v30, v20;
	v22 =	vmul.f32 v31, v23;
	v26 =	vld [tilespmem:s7+$0xFFFFFFC0];
	v5 =	vsel vm0, v15, v5  }
0x359: {  	v15 =	vld [tilespmem:s7+$0xFFFFFFD0];
	v24 =	vadd.f32 v24, v19;
	v19 =	vperm.xlane v18, v0  }
0x35a: {  	v25 =	vsub.f32 v16, v25;
	v21 =	vadd.f32 v22, v21;
	v22 =	vmul.f32 v28, v14  }
0x35b: {  	s9 =	sadd.s32 $0x40, s9;
	v27 =	vld [tilespmem:s7+$0xFFFFFFE0];
	v29 =	vperm.xlane v24, v3;
	v33 =	vadd.f32 v18, v19;
	s7 =	smov.u32 s8  }
0x35c: {  	v18 =	vadd.f32 v13, v12;
	v12 =	vmovc v25;
	v16 =	vld [tilespmem:s9+$0x10];
	v21 =	vadd.f32 v22, v21;
	v22 =	vmul.f32 v32, v25  }
0x35d: {  	v19 =	vld [tilespmem:s9+$0x0];
	v34 =	vadd.f32 v24, v29;
	v24 =	vadd.f32 v26, v11;
	v25 =	vperm.xlane v33, v1;
	v11 =	vmovc v20  }
.Ltmp10:
0x35e: {  	s10 =	sadd.s32 $0x40, s10;
	v13 =	vmov s6;
	s6 =	smov.u32 s5;
	v20 =	vld [tilespmem:s9+$0xFFFFFFE0];
	v35 =	vadd.f32 v22, v21;
	v26 =	vadd.f32 v15, v10;
	v10 =	vmovc v23;
	(pc) =	sbr.rel @p0 .LBB2_23-.Ltmp10, $4  }
0x35f: {  	s5 =	smov.u32 s17;
	s17 =	smov.u32 s11;
	v22 =	vld [tilespmem:s10+$0xFFFFFFE0];
	v29 =	vmul.f32 v34, v7;
	v36 =	vmul.f32 v34, v8;
	v15 =	vadd.f32 v33, v25;
	v7 =	vmovc v30  }
0x360: {  	v33 =	vmul.f32 v34, v9;
	v8 =	vmovc v31;
	v21 =	vld [tilespmem:s10+$0x0];
	v30 =	vperm.xlane v35, v0;
	v27 =	vadd.f32 v27, v17  }
0x361: {  	v9 =	vmovc v28;
	v23 =	vld [tilespmem:s9+$0xFFFFFFF0];
	v25 =	vsub.f32 v24, v29;
	v26 =	vsub.f32 v26, v36;
	v17 =	vperm.xlane v15, v2  }
0x362: {  	s11 =	sadd.s32 $0x1, s11;
	s8 =	sadd.s32 $0x80, s8;
	v28 =	vmul.f32 v34, v6;
	v6 =	vmovc v32;
	v29 =	vld [tilespmem:s10+$0xFFFFFFF0];
	v24 =	vadd.f32 v35, v30;
	v27 =	vsub.f32 v27, v33  }
0x363: {  	v30 =	vld [tilespmem:s8+$0x0]  }
0x364: {  	v31 =	vld [tilespmem:s8+$0x10]  }
0x365: {  	v32 =	vld [tilespmem:s10+$0x10]  }
0x366: {  	v33 =	vld [tilespmem:s8+$0x20]  }
0x367: {  	v20 =	vsub.f32 v20, v22;
	v52 =	vsub.f32 v23, v29  }
0x368: {  	v53 =	vld [tilespmem:s8+$0x30]  }
0x369: {  	v19 =	vsub.f32 v19, v21;
	v54 =	vmul.f32 v30, v20;
	v29 =	vmul.f32 v31, v52;
	_ =	sdelay $0x1  }
0x36a: {  	v16 =	vsub.f32 v16, v32;
	v55 =	vmul.f32 v33, v19;
	v21 =	vadd.f32 v29, v54;
	_ =	sdelay $0x1  }
0x36b: {  	v56 =	vmul.f32 v53, v16;
	v21 =	vadd.f32 v55, v21;
	_ =	sdelay $0x1  }
0x36c: {  	v21 =	vadd.f32 v56, v21;
	_ =	sdelay $0x1  }
0x36d: {  	v58 =	vperm.xlane v21, v0  }
0x36e: {  	v57 =	vperm.xlane v24, v1  }
0x36f: {  	v21 =	vadd.f32 v21, v58  }
0x370: {  	v24 =	vadd.f32 v24, v57  }
0x371: {  	v59 =	vld [tilespmem:s7+$0xFFFFFFF0];
	v32 =	vperm.xlane v21, v1  }
0x372: {  	v60 =	vld [tilespmem:s7+$0xFFFFFFC0];
	v29 =	vperm.xlane v24, v2  }
0x373: {  	v25 =	vand.u32 $0x7FFFFFFF, v25;
	v26 =	vand.u32 $0x7FFFFFFF, v26;
	v61 =	vld [tilespmem:s7+$0xFFFFFFD0];
	v21 =	vadd.f32 v21, v32  }
0x374: {  	v62 =	vld [tilespmem:s7+$0xFFFFFFE0];
	v25 =	vadd.f32 v26, v25;
	v24 =	vadd.f32 v24, v29  }
0x375: {  	v35 =	vld [tilespmem:s8+$0xFFFFFFC0];
	v27 =	vand.u32 $0x7FFFFFFF, v27;
	v34 =	vperm.xlane v21, v2  }
0x376: {  	v37 =	vld [tilespmem:s8+$0xFFFFFFE0];
	v18 =	vsub.f32 v18, v28;
	v25 =	vadd.f32 v25, v27;
	v63 =	vperm.xlane v24, v3  }
0x377: {  	v12 =	vadd.f32 v59, v12;
	v21 =	vadd.f32 v21, v34  }
0x378: {  	v36 =	vld [tilespmem:s8+$0xFFFFFFD0];
	v18 =	vand.u32 $0x7FFFFFFF, v18;
	v11 =	vadd.f32 v60, v11;
	v24 =	vadd.f32 v24, v63  }
0x379: {  	v10 =	vadd.f32 v61, v10;
	v14 =	vadd.f32 v62, v14;
	v38 =	vperm.xlane v21, v3  }
0x37a: {  	v41 =	vadd.f32 v35, v20;
	v7 =	vmul.f32 v24, v7;
	v8 =	vmul.f32 v24, v8  }
0x37b: {  	v39 =	vld [tilespmem:s8+$0xFFFFFFF0];
	v44 =	vadd.f32 v37, v19;
	v9 =	vmul.f32 v24, v9;
	v40 =	vadd.f32 v21, v38  }
0x37c: {  	v6 =	vmul.f32 v24, v6;
	v7 =	vsub.f32 v11, v7;
	v8 =	vsub.f32 v10, v8  }
0x37d: {  	v42 =	vadd.f32 v36, v52;
	v21 =	vmul.f32 v40, v30;
	v43 =	vmul.f32 v40, v31  }
0x37e: {  	v9 =	vsub.f32 v14, v9;
	v7 =	vand.u32 $0x7FFFFFFF, v7;
	v8 =	vand.u32 $0x7FFFFFFF, v8  }
0x37f: {  	v45 =	vmul.f32 v40, v33;
	v14 =	vsub.f32 v41, v21;
	v20 =	vsub.f32 v42, v43  }
0x380: {  	v10 =	vadd.f32 v39, v16;
	v7 =	vadd.f32 v8, v7;
	v11 =	vmul.f32 v40, v53  }
0x381: {  	v8 =	vsub.f32 v44, v45;
	v14 =	vand.u32 $0x7FFFFFFF, v14;
	v46 =	vand.u32 $0x7FFFFFFF, v20  }
0x382: {  	v6 =	vsub.f32 v12, v6;
	v9 =	vand.u32 $0x7FFFFFFF, v9;
	v47 =	vadd.f32 v46, v14  }
0x383: {  	v7 =	vadd.f32 v7, v9;
	v48 =	vsub.f32 v10, v11;
	v8 =	vand.u32 $0x7FFFFFFF, v8  }
0x384: {  	v18 =	vadd.f32 v25, v18;
	v6 =	vand.u32 $0x7FFFFFFF, v6;
	v8 =	vadd.f32 v47, v8  }
0x385: {  	v6 =	vadd.f32 v7, v6;
	v7 =	vand.u32 $0x7FFFFFFF, v48  }
0x386: {  	v49 =	vperm.xlane v18, v0;
	v7 =	vadd.f32 v8, v7  }
0x387: {  	v51 =	vperm.xlane v6, v0  }
0x388: {  	v50 =	vadd.f32 v18, v49;
	v52 =	vperm.xlane v7, v0  }
0x389: {  	v6 =	vadd.f32 v6, v51  }
0x38a: {  	v53 =	vperm.xlane v50, v1;
	v7 =	vadd.f32 v7, v52  }
0x38b: {  	v9 =	vperm.xlane v6, v1  }
0x38c: {  	v8 =	vadd.f32 v50, v53;
	v10 =	vperm.xlane v7, v1  }
0x38d: {  	v6 =	vadd.f32 v6, v9  }
0x38e: {  	v11 =	vperm.xlane v8, v2;
	v7 =	vadd.f32 v7, v10  }
0x38f: {  	v54 =	vadd.f32 v15, v17;
	v55 =	vperm.xlane v6, v2  }
0x390: {  	v8 =	vadd.f32 v8, v11;
	v57 =	vperm.xlane v7, v2  }
0x391: {  	vm0 =	veq.s32 v13, v4;
	v56 =	vperm.xlane v54, v3;
	v6 =	vadd.f32 v6, v55  }
0x392: {  	v59 =	vmov s6;
	v58 =	vperm.xlane v8, v3;
	v7 =	vadd.f32 v7, v57  }
0x393: {  	v63 =	vmov s17;
	s17 =	sshll.u32 s16, $0x4;
	s16 =	sadd.s32 $0x1, s16;
	v9 =	vadd.f32 v54, v56;
	v60 =	vperm.xlane v6, v3  }
0x394: {  	v62 =	vmov s5;
	p0 =	sne.s32 s16, $0x8;
	v8 =	vadd.f32 v8, v58;
	v61 =	vperm.xlane v7, v3  }
.Ltmp11:
0x395: {  	vm13 =	veq.s32 v59, v4;
	v5 =	vsel vm0, v9, v5;
	v6 =	vadd.f32 v6, v60;
	(pc) =	sbr.rel @p0 .LBB2_22-.Ltmp11, $4  }
0x396: {  	vm14 =	veq.s32 v62, v4;
	v5 =	vsel vm13, v8, v5;
	v7 =	vadd.f32 v7, v61  }
0x397: {  	vm15 =	veq.s32 v63, v4;
	v5 =	vsel vm14, v6, v5  }
0x398: {  	s5 =	sand.u32 $0x3FFFFFF0, s17;
	v5 =	vsel vm15, v7, v5  }
0x399: {  	s13 =	sadd.s32 $0x800, s13;
	s14 =	sadd.s32 $0x400, s14;
	s15 =	sadd.s32 $0x400, s15;
	[tilespmem:s5+$0x11080] =	vst v5  }
0x39a: {  	s5 =	simm.s32 $0x780  }
0x39b: {  	[tilespmem:s26], [sflag:$0x3] =	stream.indirect.gather [hbm4b:s3+s25], $0x40, s5, s25, $0xb8;
	[tilespmem:$0x11210] =	vst v63  }
0x39c: {  	s16 =	simm.s32 $0xB80  }
0x39d: {  	[tilespmem:s29], [sflag:$0x3] =	stream.indirect.gather [hbm4b:s3+s25], $0x40, s16, s25, $0xb8;
	[tilespmem:$0x11210] =	vst v63  }
0x39e: {  	s17 =	simm.s32 $0x980  }
0x39f: {  	[tilespmem:s31], [sflag:$0x3] =	stream.indirect.gather [hbm4b:s4+s25], $0x80, s17, s25, $0xb8;
	[tilespmem:$0x11210] =	vst v63  }
0x3a0: {  	_ =	swait.ge [sflag:s1], $0x2000  }
0x3a1: {  	[sflag:s1] =	ssyncset.done $0x0  }
0x3a2: {  	[sflag:s1] =	ssyncadd.s32 $0xFFFFE000  }
0x3a3: {  	_ =	swait.ge [sflag:s1], $0x2000  }
0x3a4: {  	[sflag:s1] =	ssyncset.done $0x0  }
0x3a5: {  	[sflag:s1] =	ssyncadd.s32 $0xFFFFE000  }
0x3a6: {  	s28 =	simm.s32 $0x0;
	_ =	swait.ge [sflag:s1], $0x4000  }
0x3a7: {  	s13 =	simm.s32 $0x4E40;
	s14 =	simm.s32 $0x2E20;
	[sflag:s1] =	ssyncset.done $0x0  }
0x3a8: {  	s15 =	simm.s32 $0xE20;
	s16 =	simm.s32 $0x0;
	[sflag:s1] =	ssyncadd.s32 $0xFFFFC000  }
.LBB2_26:
0x3a9: {  	v5 =	vld [tilespmem:s15+$0x10]  }
0x3aa: {  	v6 =	vld [tilespmem:s15+$0x0]  }
0x3ab: {  	v7 =	vld [tilespmem:s15+$0xFFFFFFE0]  }
0x3ac: {  	v8 =	vld [tilespmem:s14+$0xFFFFFFE0]  }
0x3ad: {  	v9 =	vld [tilespmem:s14+$0x0]  }
0x3ae: {  	v10 =	vld [tilespmem:s15+$0xFFFFFFF0]  }
0x3af: {  	v11 =	vld [tilespmem:s14+$0xFFFFFFF0]  }
0x3b0: {  	v12 =	vld [tilespmem:s13+$0x0]  }
0x3b1: {  	v13 =	vld [tilespmem:s13+$0x10]  }
0x3b2: {  	v14 =	vld [tilespmem:s14+$0x10]  }
0x3b3: {  	v15 =	vld [tilespmem:s13+$0x20]  }
0x3b4: {  	v7 =	vsub.f32 v7, v8;
	v8 =	vsub.f32 v10, v11  }
0x3b5: {  	v10 =	vld [tilespmem:s13+$0x30]  }
0x3b6: {  	v6 =	vsub.f32 v6, v9;
	v9 =	vmul.f32 v12, v7;
	v11 =	vmul.f32 v13, v8;
	_ =	sdelay $0x1  }
0x3b7: {  	v5 =	vsub.f32 v5, v14;
	v9 =	vadd.f32 v11, v9;
	v11 =	vmul.f32 v15, v6  }
0x3b8: {  	s6 =	sadd.s32 $0x40, s15  }
0x3b9: {  	v16 =	vld [tilespmem:s6+$0x0];
	v9 =	vadd.f32 v11, v9;
	v11 =	vmul.f32 v10, v5  }
0x3ba: {  	s7 =	sadd.s32 $0x40, s14;
	v17 =	vld [tilespmem:s6+$0xFFFFFFE0]  }
0x3bb: {  	v18 =	vld [tilespmem:s7+$0x0];
	v9 =	vadd.f32 v11, v9  }
0x3bc: {  	v20 =	vld [tilespmem:s6+$0xFFFFFFF0]  }
0x3bd: {  	s5 =	sadd.s32 $0x80, s13;
	v21 =	vld [tilespmem:s7+$0xFFFFFFF0];
	v19 =	vperm.xlane v9, v0  }
0x3be: {  	v23 =	vld [tilespmem:s5+$0x0]  }
0x3bf: {  	v11 =	vld [tilespmem:s7+$0xFFFFFFE0];
	v9 =	vadd.f32 v9, v19  }
0x3c0: {  	v24 =	vld [tilespmem:s5+$0x10]  }
0x3c1: {  	v22 =	vld [tilespmem:s7+$0x10];
	v19 =	vperm.xlane v9, v1  }
0x3c2: {  	v25 =	vld [tilespmem:s5+$0x20]  }
0x3c3: {  	v14 =	vld [tilespmem:s6+$0x10];
	v9 =	vadd.f32 v9, v19  }
0x3c4: {  	v28 =	vld [tilespmem:s5+$0x30];
	v21 =	vsub.f32 v20, v21;
	v17 =	vsub.f32 v17, v11  }
0x3c5: {  	v31 =	vld [tilespmem:s5+$0xFFFFFFE0];
	v11 =	vperm.xlane v9, v2  }
0x3c6: {  	v26 =	vsub.f32 v16, v18;
	v20 =	vld [tilespmem:s13+$0xFFFFFFC0];
	v18 =	vmul.f32 v24, v21;
	v16 =	vmul.f32 v23, v17  }
0x3c7: {  	v19 =	vld [tilespmem:s13+$0xFFFFFFF0];
	v9 =	vadd.f32 v9, v11  }
0x3c8: {  	v22 =	vsub.f32 v14, v22;
	v14 =	vadd.f32 v18, v16;
	v16 =	vmul.f32 v25, v26;
	v11 =	vld [tilespmem:s13+$0xFFFFFFD0]  }
0x3c9: {  	s6 =	sadd.s32 $0x40, s6;
	v18 =	vld [tilespmem:s13+$0xFFFFFFE0];
	v27 =	vperm.xlane v9, v3  }
0x3ca: {  	v29 =	vld [tilespmem:s6+$0x10];
	v14 =	vadd.f32 v16, v14;
	v16 =	vmul.f32 v28, v22  }
0x3cb: {  	v7 =	vadd.f32 v20, v7;
	v20 =	vld [tilespmem:s6+$0xFFFFFFE0];
	v9 =	vadd.f32 v9, v27  }
0x3cc: {  	s8 =	sadd.s32 $0x40, s7;
	v5 =	vadd.f32 v19, v5;
	v19 =	vld [tilespmem:s6+$0x0];
	v14 =	vadd.f32 v16, v14  }
0x3cd: {  	v16 =	vld [tilespmem:s8+$0x0];
	v8 =	vadd.f32 v11, v8;
	v12 =	vmul.f32 v9, v12;
	v13 =	vmul.f32 v9, v13  }
0x3ce: {  	v6 =	vadd.f32 v18, v6;
	v18 =	vld [tilespmem:s6+$0xFFFFFFF0];
	v27 =	vperm.xlane v14, v0  }
0x3cf: {  	v11 =	vld [tilespmem:s8+$0xFFFFFFE0];
	v15 =	vmul.f32 v9, v15;
	v12 =	vsub.f32 v7, v12;
	v8 =	vsub.f32 v8, v13  }
0x3d0: {  	s7 =	sadd.s32 $0x80, s5;
	v14 =	vadd.f32 v14, v27;
	v9 =	vmul.f32 v9, v10;
	v13 =	vld [tilespmem:s8+$0xFFFFFFF0]  }
0x3d1: {  	v6 =	vsub.f32 v6, v15;
	v7 =	vld [tilespmem:s7+$0x0];
	v10 =	vand.u32 $0x7FFFFFFF, v12;
	v12 =	vand.u32 $0x7FFFFFFF, v8  }
0x3d2: {  	v15 =	vperm.xlane v14, v1;
	v8 =	vld [tilespmem:s7+$0x10];
	v10 =	vadd.f32 v12, v10  }
0x3d3: {  	v5 =	vsub.f32 v5, v9;
	v9 =	vld [tilespmem:s7+$0x20];
	v6 =	vand.u32 $0x7FFFFFFF, v6  }
0x3d4: {  	v15 =	vadd.f32 v14, v15;
	v12 =	vld [tilespmem:s8+$0x10];
	v14 =	vadd.f32 v10, v6  }
0x3d5: {  	v27 =	vld [tilespmem:s5+$0xFFFFFFC0];
	v11 =	vsub.f32 v20, v11;
	v5 =	vand.u32 $0x7FFFFFFF, v5;
	v10 =	vsub.f32 v18, v13  }
0x3d6: {  	v6 =	vld [tilespmem:s7+$0x30];
	v18 =	vperm.xlane v15, v2;
	v20 =	vadd.f32 v14, v5  }
0x3d7: {  	v13 =	vld [tilespmem:s5+$0xFFFFFFF0];
	v14 =	vsub.f32 v19, v16;
	v5 =	vmul.f32 v7, v11;
	v16 =	vmul.f32 v8, v10  }
0x3d8: {  	v30 =	vld [tilespmem:s5+$0xFFFFFFD0];
	v15 =	vadd.f32 v15, v18;
	v18 =	vperm.xlane v20, v0  }
0x3d9: {  	v12 =	vsub.f32 v29, v12;
	v19 =	vadd.f32 v16, v5;
	v29 =	vmul.f32 v9, v14  }
0x3da: {  	s9 =	sadd.s32 $0x40, s6;
	v31 =	vadd.f32 v31, v26;
	v32 =	vperm.xlane v15, v3;
	v33 =	vadd.f32 v20, v18  }
0x3db: {  	v17 =	vadd.f32 v27, v17;
	v16 =	vld [tilespmem:s9+$0x10];
	v34 =	vmul.f32 v6, v12;
	v29 =	vadd.f32 v29, v19  }
0x3dc: {  	v18 =	vadd.f32 v13, v22;
	v19 =	vld [tilespmem:s9+$0x0];
	v32 =	vadd.f32 v15, v32;
	v15 =	vperm.xlane v33, v1  }
0x3dd: {  	s10 =	sadd.s32 $0x40, s8;
	v5 =	vimm.f32 $0.0e+00;
	v20 =	vld [tilespmem:s9+$0xFFFFFFE0];
	v27 =	vadd.f32 v34, v29;
	v29 =	vadd.f32 v30, v21  }
0x3de: {  	v22 =	vld [tilespmem:s10+$0xFFFFFFE0];
	v30 =	vmul.f32 v32, v23;
	v24 =	vmul.f32 v32, v24;
	v15 =	vadd.f32 v33, v15  }
0x3df: {  	v13 =	vmov s28;
	v21 =	vld [tilespmem:s10+$0x0];
	v63 =	vmul.f32 v32, v25;
	v62 =	vperm.xlane v27, v0  }
0x3e0: {  	s17 =	simm.s32 $0x3;
	s11 =	simm.s32 $0x4;
	v23 =	vld [tilespmem:s9+$0xFFFFFFF0];
	v25 =	vsub.f32 v17, v30;
	v26 =	vsub.f32 v29, v24;
	v17 =	vperm.xlane v15, v2  }
0x3e1: {  	s6 =	simm.s32 $0x1;
	s8 =	sadd.s32 $0x80, s7;
	s5 =	simm.s32 $0x2;
	v28 =	vmul.f32 v32, v28;
	v29 =	vld [tilespmem:s10+$0xFFFFFFF0];
	v24 =	vadd.f32 v27, v62;
	v27 =	vsub.f32 v31, v63  }
.LBB2_27:
0x3e2: {  	p0 =	sne.s32 s11, $0xF;
	v30 =	vld [tilespmem:s8+$0x0];
	v25 =	vand.u32 $0x7FFFFFFF, v25;
	v26 =	vand.u32 $0x7FFFFFFF, v26;
	v15 =	vadd.f32 v15, v17;
	v17 =	vmovc v14  }
0x3e3: {  	v31 =	vld [tilespmem:s8+$0x10];
	v20 =	vsub.f32 v20, v22;
	v14 =	vperm.xlane v24, v1;
	v22 =	vadd.f32 v26, v25  }
0x3e4: {  	v26 =	vand.u32 $0x7FFFFFFF, v27;
	v18 =	vsub.f32 v18, v28;
	v25 =	vld [tilespmem:s10+$0x10];
	v27 =	vperm.xlane v15, v3  }
0x3e5: {  	vm0 =	veq.s32 v13, v4;
	v28 =	vld [tilespmem:s8+$0x20];
	v24 =	vadd.f32 v24, v14;
	v22 =	vadd.f32 v22, v26  }
0x3e6: {  	v18 =	vand.u32 $0x7FFFFFFF, v18;
	v23 =	vsub.f32 v23, v29;
	v13 =	vld [tilespmem:s7+$0xFFFFFFF0];
	v15 =	vadd.f32 v15, v27  }
0x3e7: {  	v14 =	vsub.f32 v19, v21;
	v32 =	vld [tilespmem:s8+$0x30];
	v19 =	vperm.xlane v24, v2;
	v18 =	vadd.f32 v22, v18  }
0x3e8: {  	v21 =	vmul.f32 v30, v20;
	v22 =	vmul.f32 v31, v23;
	v26 =	vld [tilespmem:s7+$0xFFFFFFC0];
	v5 =	vsel vm0, v15, v5  }
0x3e9: {  	v15 =	vld [tilespmem:s7+$0xFFFFFFD0];
	v24 =	vadd.f32 v24, v19;
	v19 =	vperm.xlane v18, v0  }
0x3ea: {  	v25 =	vsub.f32 v16, v25;
	v21 =	vadd.f32 v22, v21;
	v22 =	vmul.f32 v28, v14  }
0x3eb: {  	s9 =	sadd.s32 $0x40, s9;
	v27 =	vld [tilespmem:s7+$0xFFFFFFE0];
	v29 =	vperm.xlane v24, v3;
	v33 =	vadd.f32 v18, v19;
	s7 =	smov.u32 s8  }
0x3ec: {  	v18 =	vadd.f32 v13, v12;
	v12 =	vmovc v25;
	v16 =	vld [tilespmem:s9+$0x10];
	v21 =	vadd.f32 v22, v21;
	v22 =	vmul.f32 v32, v25  }
0x3ed: {  	v19 =	vld [tilespmem:s9+$0x0];
	v34 =	vadd.f32 v24, v29;
	v24 =	vadd.f32 v26, v11;
	v25 =	vperm.xlane v33, v1;
	v11 =	vmovc v20  }
.Ltmp12:
0x3ee: {  	s10 =	sadd.s32 $0x40, s10;
	v13 =	vmov s6;
	s6 =	smov.u32 s5;
	v20 =	vld [tilespmem:s9+$0xFFFFFFE0];
	v35 =	vadd.f32 v22, v21;
	v26 =	vadd.f32 v15, v10;
	v10 =	vmovc v23;
	(pc) =	sbr.rel @p0 .LBB2_27-.Ltmp12, $4  }
0x3ef: {  	s5 =	smov.u32 s17;
	s17 =	smov.u32 s11;
	v22 =	vld [tilespmem:s10+$0xFFFFFFE0];
	v29 =	vmul.f32 v34, v7;
	v36 =	vmul.f32 v34, v8;
	v15 =	vadd.f32 v33, v25;
	v7 =	vmovc v30  }
0x3f0: {  	v33 =	vmul.f32 v34, v9;
	v8 =	vmovc v31;
	v21 =	vld [tilespmem:s10+$0x0];
	v30 =	vperm.xlane v35, v0;
	v27 =	vadd.f32 v27, v17  }
0x3f1: {  	v9 =	vmovc v28;
	v23 =	vld [tilespmem:s9+$0xFFFFFFF0];
	v25 =	vsub.f32 v24, v29;
	v26 =	vsub.f32 v26, v36;
	v17 =	vperm.xlane v15, v2  }
0x3f2: {  	s11 =	sadd.s32 $0x1, s11;
	s8 =	sadd.s32 $0x80, s8;
	v28 =	vmul.f32 v34, v6;
	v6 =	vmovc v32;
	v29 =	vld [tilespmem:s10+$0xFFFFFFF0];
	v24 =	vadd.f32 v35, v30;
	v27 =	vsub.f32 v27, v33  }
0x3f3: {  	v30 =	vld [tilespmem:s8+$0x0]  }
0x3f4: {  	v31 =	vld [tilespmem:s8+$0x10]  }
0x3f5: {  	v32 =	vld [tilespmem:s10+$0x10]  }
0x3f6: {  	v33 =	vld [tilespmem:s8+$0x20]  }
0x3f7: {  	v20 =	vsub.f32 v20, v22;
	v52 =	vsub.f32 v23, v29  }
0x3f8: {  	v53 =	vld [tilespmem:s8+$0x30]  }
0x3f9: {  	v19 =	vsub.f32 v19, v21;
	v54 =	vmul.f32 v30, v20;
	v29 =	vmul.f32 v31, v52;
	_ =	sdelay $0x1  }
0x3fa: {  	v16 =	vsub.f32 v16, v32;
	v55 =	vmul.f32 v33, v19;
	v21 =	vadd.f32 v29, v54;
	_ =	sdelay $0x1  }
0x3fb: {  	v56 =	vmul.f32 v53, v16;
	v21 =	vadd.f32 v55, v21;
	_ =	sdelay $0x1  }
0x3fc: {  	v21 =	vadd.f32 v56, v21;
	_ =	sdelay $0x1  }
0x3fd: {  	v58 =	vperm.xlane v21, v0  }
0x3fe: {  	v57 =	vperm.xlane v24, v1  }
0x3ff: {  	v21 =	vadd.f32 v21, v58  }
0x400: {  	v24 =	vadd.f32 v24, v57  }
0x401: {  	v59 =	vld [tilespmem:s7+$0xFFFFFFF0];
	v32 =	vperm.xlane v21, v1  }
0x402: {  	v60 =	vld [tilespmem:s7+$0xFFFFFFC0];
	v29 =	vperm.xlane v24, v2  }
0x403: {  	v25 =	vand.u32 $0x7FFFFFFF, v25;
	v26 =	vand.u32 $0x7FFFFFFF, v26;
	v61 =	vld [tilespmem:s7+$0xFFFFFFD0];
	v21 =	vadd.f32 v21, v32  }
0x404: {  	v62 =	vld [tilespmem:s7+$0xFFFFFFE0];
	v25 =	vadd.f32 v26, v25;
	v24 =	vadd.f32 v24, v29  }
0x405: {  	v35 =	vld [tilespmem:s8+$0xFFFFFFC0];
	v27 =	vand.u32 $0x7FFFFFFF, v27;
	v34 =	vperm.xlane v21, v2  }
0x406: {  	v37 =	vld [tilespmem:s8+$0xFFFFFFE0];
	v18 =	vsub.f32 v18, v28;
	v25 =	vadd.f32 v25, v27;
	v63 =	vperm.xlane v24, v3  }
0x407: {  	v12 =	vadd.f32 v59, v12;
	v21 =	vadd.f32 v21, v34  }
0x408: {  	v36 =	vld [tilespmem:s8+$0xFFFFFFD0];
	v18 =	vand.u32 $0x7FFFFFFF, v18;
	v11 =	vadd.f32 v60, v11;
	v24 =	vadd.f32 v24, v63  }
0x409: {  	v10 =	vadd.f32 v61, v10;
	v14 =	vadd.f32 v62, v14;
	v38 =	vperm.xlane v21, v3  }
0x40a: {  	v41 =	vadd.f32 v35, v20;
	v7 =	vmul.f32 v24, v7;
	v8 =	vmul.f32 v24, v8  }
0x40b: {  	v39 =	vld [tilespmem:s8+$0xFFFFFFF0];
	v44 =	vadd.f32 v37, v19;
	v9 =	vmul.f32 v24, v9;
	v40 =	vadd.f32 v21, v38  }
0x40c: {  	v6 =	vmul.f32 v24, v6;
	v7 =	vsub.f32 v11, v7;
	v8 =	vsub.f32 v10, v8  }
0x40d: {  	v42 =	vadd.f32 v36, v52;
	v21 =	vmul.f32 v40, v30;
	v43 =	vmul.f32 v40, v31  }
0x40e: {  	v9 =	vsub.f32 v14, v9;
	v7 =	vand.u32 $0x7FFFFFFF, v7;
	v8 =	vand.u32 $0x7FFFFFFF, v8  }
0x40f: {  	v45 =	vmul.f32 v40, v33;
	v14 =	vsub.f32 v41, v21;
	v20 =	vsub.f32 v42, v43  }
0x410: {  	v10 =	vadd.f32 v39, v16;
	v7 =	vadd.f32 v8, v7;
	v11 =	vmul.f32 v40, v53  }
0x411: {  	v8 =	vsub.f32 v44, v45;
	v14 =	vand.u32 $0x7FFFFFFF, v14;
	v46 =	vand.u32 $0x7FFFFFFF, v20  }
0x412: {  	v6 =	vsub.f32 v12, v6;
	v9 =	vand.u32 $0x7FFFFFFF, v9;
	v47 =	vadd.f32 v46, v14  }
0x413: {  	v7 =	vadd.f32 v7, v9;
	v48 =	vsub.f32 v10, v11;
	v8 =	vand.u32 $0x7FFFFFFF, v8  }
0x414: {  	v18 =	vadd.f32 v25, v18;
	v6 =	vand.u32 $0x7FFFFFFF, v6;
	v8 =	vadd.f32 v47, v8  }
0x415: {  	v6 =	vadd.f32 v7, v6;
	v7 =	vand.u32 $0x7FFFFFFF, v48  }
0x416: {  	v49 =	vperm.xlane v18, v0;
	v7 =	vadd.f32 v8, v7  }
0x417: {  	v51 =	vperm.xlane v6, v0  }
0x418: {  	v50 =	vadd.f32 v18, v49;
	v52 =	vperm.xlane v7, v0  }
0x419: {  	v6 =	vadd.f32 v6, v51  }
0x41a: {  	v53 =	vperm.xlane v50, v1;
	v7 =	vadd.f32 v7, v52  }
0x41b: {  	v9 =	vperm.xlane v6, v1  }
0x41c: {  	v8 =	vadd.f32 v50, v53;
	v10 =	vperm.xlane v7, v1  }
0x41d: {  	v6 =	vadd.f32 v6, v9  }
0x41e: {  	v11 =	vperm.xlane v8, v2;
	v7 =	vadd.f32 v7, v10  }
0x41f: {  	v54 =	vadd.f32 v15, v17;
	v55 =	vperm.xlane v6, v2  }
0x420: {  	v8 =	vadd.f32 v8, v11;
	v57 =	vperm.xlane v7, v2  }
0x421: {  	vm0 =	veq.s32 v13, v4;
	v56 =	vperm.xlane v54, v3;
	v6 =	vadd.f32 v6, v55  }
0x422: {  	v59 =	vmov s6;
	v58 =	vperm.xlane v8, v3;
	v7 =	vadd.f32 v7, v57  }
0x423: {  	v63 =	vmov s17;
	s17 =	sshll.u32 s16, $0x4;
	s16 =	sadd.s32 $0x1, s16;
	v9 =	vadd.f32 v54, v56;
	v60 =	vperm.xlane v6, v3  }
0x424: {  	v62 =	vmov s5;
	p0 =	sne.s32 s16, $0x8;
	v8 =	vadd.f32 v8, v58;
	v61 =	vperm.xlane v7, v3  }
.Ltmp13:
0x425: {  	vm13 =	veq.s32 v59, v4;
	v5 =	vsel vm0, v9, v5;
	v6 =	vadd.f32 v6, v60;
	(pc) =	sbr.rel @p0 .LBB2_26-.Ltmp13, $4  }
0x426: {  	vm14 =	veq.s32 v62, v4;
	v5 =	vsel vm13, v8, v5;
	v7 =	vadd.f32 v7, v61  }
0x427: {  	vm15 =	veq.s32 v63, v4;
	v5 =	vsel vm14, v6, v5  }
0x428: {  	s5 =	sand.u32 $0x3FFFFFF0, s17;
	v5 =	vsel vm15, v7, v5  }
0x429: {  	s13 =	sadd.s32 $0x800, s13;
	s14 =	sadd.s32 $0x400, s14;
	s15 =	sadd.s32 $0x400, s15;
	[tilespmem:s5+$0x11100] =	vst v5  }
0x42a: {  	_ =	swait.ge [sflag:s30], $0x2000  }
0x42b: {  	[sflag:s30] =	ssyncset.done $0x0  }
0x42c: {  	[sflag:s30] =	ssyncadd.s32 $0xFFFFE000  }
0x42d: {  	_ =	swait.ge [sflag:s30], $0x2000  }
0x42e: {  	[sflag:s30] =	ssyncset.done $0x0  }
0x42f: {  	[sflag:s30] =	ssyncadd.s32 $0xFFFFE000  }
0x430: {  	s28 =	simm.s32 $0x0;
	_ =	swait.ge [sflag:s30], $0x4000  }
0x431: {  	s13 =	simm.s32 $0xCE40;
	s14 =	simm.s32 $0xAE20;
	[sflag:s30] =	ssyncset.done $0x0  }
0x432: {  	s15 =	simm.s32 $0x8E20;
	s16 =	simm.s32 $0x0;
	[sflag:s30] =	ssyncadd.s32 $0xFFFFC000  }
.LBB2_30:
0x433: {  	v5 =	vld [tilespmem:s15+$0x10]  }
0x434: {  	v6 =	vld [tilespmem:s15+$0x0]  }
0x435: {  	v7 =	vld [tilespmem:s15+$0xFFFFFFE0]  }
0x436: {  	v8 =	vld [tilespmem:s14+$0xFFFFFFE0]  }
0x437: {  	v9 =	vld [tilespmem:s14+$0x0]  }
0x438: {  	v10 =	vld [tilespmem:s15+$0xFFFFFFF0]  }
0x439: {  	v11 =	vld [tilespmem:s14+$0xFFFFFFF0]  }
0x43a: {  	v12 =	vld [tilespmem:s13+$0x0]  }
0x43b: {  	v13 =	vld [tilespmem:s13+$0x10]  }
0x43c: {  	v14 =	vld [tilespmem:s14+$0x10]  }
0x43d: {  	v15 =	vld [tilespmem:s13+$0x20]  }
0x43e: {  	v7 =	vsub.f32 v7, v8;
	v8 =	vsub.f32 v10, v11  }
0x43f: {  	v10 =	vld [tilespmem:s13+$0x30]  }
0x440: {  	v6 =	vsub.f32 v6, v9;
	v9 =	vmul.f32 v12, v7;
	v11 =	vmul.f32 v13, v8;
	_ =	sdelay $0x1  }
0x441: {  	v5 =	vsub.f32 v5, v14;
	v9 =	vadd.f32 v11, v9;
	v11 =	vmul.f32 v15, v6  }
0x442: {  	s6 =	sadd.s32 $0x40, s15  }
0x443: {  	v16 =	vld [tilespmem:s6+$0x0];
	v9 =	vadd.f32 v11, v9;
	v11 =	vmul.f32 v10, v5  }
0x444: {  	s7 =	sadd.s32 $0x40, s14;
	v17 =	vld [tilespmem:s6+$0xFFFFFFE0]  }
0x445: {  	v18 =	vld [tilespmem:s7+$0x0];
	v9 =	vadd.f32 v11, v9  }
0x446: {  	v20 =	vld [tilespmem:s6+$0xFFFFFFF0]  }
0x447: {  	s5 =	sadd.s32 $0x80, s13;
	v21 =	vld [tilespmem:s7+$0xFFFFFFF0];
	v19 =	vperm.xlane v9, v0  }
0x448: {  	v23 =	vld [tilespmem:s5+$0x0]  }
0x449: {  	v11 =	vld [tilespmem:s7+$0xFFFFFFE0];
	v9 =	vadd.f32 v9, v19  }
0x44a: {  	v24 =	vld [tilespmem:s5+$0x10]  }
0x44b: {  	v22 =	vld [tilespmem:s7+$0x10];
	v19 =	vperm.xlane v9, v1  }
0x44c: {  	v25 =	vld [tilespmem:s5+$0x20]  }
0x44d: {  	v14 =	vld [tilespmem:s6+$0x10];
	v9 =	vadd.f32 v9, v19  }
0x44e: {  	v28 =	vld [tilespmem:s5+$0x30];
	v21 =	vsub.f32 v20, v21;
	v17 =	vsub.f32 v17, v11  }
0x44f: {  	v31 =	vld [tilespmem:s5+$0xFFFFFFE0];
	v11 =	vperm.xlane v9, v2  }
0x450: {  	v26 =	vsub.f32 v16, v18;
	v20 =	vld [tilespmem:s13+$0xFFFFFFC0];
	v18 =	vmul.f32 v24, v21;
	v16 =	vmul.f32 v23, v17  }
0x451: {  	v19 =	vld [tilespmem:s13+$0xFFFFFFF0];
	v9 =	vadd.f32 v9, v11  }
0x452: {  	v22 =	vsub.f32 v14, v22;
	v14 =	vadd.f32 v18, v16;
	v16 =	vmul.f32 v25, v26;
	v11 =	vld [tilespmem:s13+$0xFFFFFFD0]  }
0x453: {  	s6 =	sadd.s32 $0x40, s6;
	v18 =	vld [tilespmem:s13+$0xFFFFFFE0];
	v27 =	vperm.xlane v9, v3  }
0x454: {  	v29 =	vld [tilespmem:s6+$0x10];
	v14 =	vadd.f32 v16, v14;
	v16 =	vmul.f32 v28, v22  }
0x455: {  	v7 =	vadd.f32 v20, v7;
	v20 =	vld [tilespmem:s6+$0xFFFFFFE0];
	v9 =	vadd.f32 v9, v27  }
0x456: {  	s8 =	sadd.s32 $0x40, s7;
	v5 =	vadd.f32 v19, v5;
	v19 =	vld [tilespmem:s6+$0x0];
	v14 =	vadd.f32 v16, v14  }
0x457: {  	v16 =	vld [tilespmem:s8+$0x0];
	v8 =	vadd.f32 v11, v8;
	v12 =	vmul.f32 v9, v12;
	v13 =	vmul.f32 v9, v13  }
0x458: {  	v6 =	vadd.f32 v18, v6;
	v18 =	vld [tilespmem:s6+$0xFFFFFFF0];
	v27 =	vperm.xlane v14, v0  }
0x459: {  	v11 =	vld [tilespmem:s8+$0xFFFFFFE0];
	v15 =	vmul.f32 v9, v15;
	v12 =	vsub.f32 v7, v12;
	v8 =	vsub.f32 v8, v13  }
0x45a: {  	s7 =	sadd.s32 $0x80, s5;
	v14 =	vadd.f32 v14, v27;
	v9 =	vmul.f32 v9, v10;
	v13 =	vld [tilespmem:s8+$0xFFFFFFF0]  }
0x45b: {  	v6 =	vsub.f32 v6, v15;
	v7 =	vld [tilespmem:s7+$0x0];
	v10 =	vand.u32 $0x7FFFFFFF, v12;
	v12 =	vand.u32 $0x7FFFFFFF, v8  }
0x45c: {  	v15 =	vperm.xlane v14, v1;
	v8 =	vld [tilespmem:s7+$0x10];
	v10 =	vadd.f32 v12, v10  }
0x45d: {  	v5 =	vsub.f32 v5, v9;
	v9 =	vld [tilespmem:s7+$0x20];
	v6 =	vand.u32 $0x7FFFFFFF, v6  }
0x45e: {  	v15 =	vadd.f32 v14, v15;
	v12 =	vld [tilespmem:s8+$0x10];
	v14 =	vadd.f32 v10, v6  }
0x45f: {  	v27 =	vld [tilespmem:s5+$0xFFFFFFC0];
	v11 =	vsub.f32 v20, v11;
	v5 =	vand.u32 $0x7FFFFFFF, v5;
	v10 =	vsub.f32 v18, v13  }
0x460: {  	v6 =	vld [tilespmem:s7+$0x30];
	v18 =	vperm.xlane v15, v2;
	v20 =	vadd.f32 v14, v5  }
0x461: {  	v13 =	vld [tilespmem:s5+$0xFFFFFFF0];
	v14 =	vsub.f32 v19, v16;
	v5 =	vmul.f32 v7, v11;
	v16 =	vmul.f32 v8, v10  }
0x462: {  	v30 =	vld [tilespmem:s5+$0xFFFFFFD0];
	v15 =	vadd.f32 v15, v18;
	v18 =	vperm.xlane v20, v0  }
0x463: {  	v12 =	vsub.f32 v29, v12;
	v19 =	vadd.f32 v16, v5;
	v29 =	vmul.f32 v9, v14  }
0x464: {  	s9 =	sadd.s32 $0x40, s6;
	v31 =	vadd.f32 v31, v26;
	v32 =	vperm.xlane v15, v3;
	v33 =	vadd.f32 v20, v18  }
0x465: {  	v17 =	vadd.f32 v27, v17;
	v16 =	vld [tilespmem:s9+$0x10];
	v34 =	vmul.f32 v6, v12;
	v29 =	vadd.f32 v29, v19  }
0x466: {  	v18 =	vadd.f32 v13, v22;
	v19 =	vld [tilespmem:s9+$0x0];
	v32 =	vadd.f32 v15, v32;
	v15 =	vperm.xlane v33, v1  }
0x467: {  	s10 =	sadd.s32 $0x40, s8;
	v5 =	vimm.f32 $0.0e+00;
	v20 =	vld [tilespmem:s9+$0xFFFFFFE0];
	v27 =	vadd.f32 v34, v29;
	v29 =	vadd.f32 v30, v21  }
0x468: {  	v22 =	vld [tilespmem:s10+$0xFFFFFFE0];
	v30 =	vmul.f32 v32, v23;
	v24 =	vmul.f32 v32, v24;
	v15 =	vadd.f32 v33, v15  }
0x469: {  	v13 =	vmov s28;
	v21 =	vld [tilespmem:s10+$0x0];
	v63 =	vmul.f32 v32, v25;
	v62 =	vperm.xlane v27, v0  }
0x46a: {  	s17 =	simm.s32 $0x3;
	s11 =	simm.s32 $0x4;
	v23 =	vld [tilespmem:s9+$0xFFFFFFF0];
	v25 =	vsub.f32 v17, v30;
	v26 =	vsub.f32 v29, v24;
	v17 =	vperm.xlane v15, v2  }
0x46b: {  	s6 =	simm.s32 $0x1;
	s8 =	sadd.s32 $0x80, s7;
	s5 =	simm.s32 $0x2;
	v28 =	vmul.f32 v32, v28;
	v29 =	vld [tilespmem:s10+$0xFFFFFFF0];
	v24 =	vadd.f32 v27, v62;
	v27 =	vsub.f32 v31, v63  }
.LBB2_31:
0x46c: {  	p0 =	sne.s32 s11, $0xF;
	v30 =	vld [tilespmem:s8+$0x0];
	v25 =	vand.u32 $0x7FFFFFFF, v25;
	v26 =	vand.u32 $0x7FFFFFFF, v26;
	v15 =	vadd.f32 v15, v17;
	v17 =	vmovc v14  }
0x46d: {  	v31 =	vld [tilespmem:s8+$0x10];
	v20 =	vsub.f32 v20, v22;
	v14 =	vperm.xlane v24, v1;
	v22 =	vadd.f32 v26, v25  }
0x46e: {  	v26 =	vand.u32 $0x7FFFFFFF, v27;
	v18 =	vsub.f32 v18, v28;
	v25 =	vld [tilespmem:s10+$0x10];
	v27 =	vperm.xlane v15, v3  }
0x46f: {  	vm0 =	veq.s32 v13, v4;
	v28 =	vld [tilespmem:s8+$0x20];
	v24 =	vadd.f32 v24, v14;
	v22 =	vadd.f32 v22, v26  }
0x470: {  	v18 =	vand.u32 $0x7FFFFFFF, v18;
	v23 =	vsub.f32 v23, v29;
	v13 =	vld [tilespmem:s7+$0xFFFFFFF0];
	v15 =	vadd.f32 v15, v27  }
0x471: {  	v14 =	vsub.f32 v19, v21;
	v32 =	vld [tilespmem:s8+$0x30];
	v19 =	vperm.xlane v24, v2;
	v18 =	vadd.f32 v22, v18  }
0x472: {  	v21 =	vmul.f32 v30, v20;
	v22 =	vmul.f32 v31, v23;
	v26 =	vld [tilespmem:s7+$0xFFFFFFC0];
	v5 =	vsel vm0, v15, v5  }
0x473: {  	v15 =	vld [tilespmem:s7+$0xFFFFFFD0];
	v24 =	vadd.f32 v24, v19;
	v19 =	vperm.xlane v18, v0  }
0x474: {  	v25 =	vsub.f32 v16, v25;
	v21 =	vadd.f32 v22, v21;
	v22 =	vmul.f32 v28, v14  }
0x475: {  	s9 =	sadd.s32 $0x40, s9;
	v27 =	vld [tilespmem:s7+$0xFFFFFFE0];
	v29 =	vperm.xlane v24, v3;
	v33 =	vadd.f32 v18, v19;
	s7 =	smov.u32 s8  }
0x476: {  	v18 =	vadd.f32 v13, v12;
	v12 =	vmovc v25;
	v16 =	vld [tilespmem:s9+$0x10];
	v21 =	vadd.f32 v22, v21;
	v22 =	vmul.f32 v32, v25  }
0x477: {  	v19 =	vld [tilespmem:s9+$0x0];
	v34 =	vadd.f32 v24, v29;
	v24 =	vadd.f32 v26, v11;
	v25 =	vperm.xlane v33, v1;
	v11 =	vmovc v20  }
.Ltmp14:
0x478: {  	s10 =	sadd.s32 $0x40, s10;
	v13 =	vmov s6;
	s6 =	smov.u32 s5;
	v20 =	vld [tilespmem:s9+$0xFFFFFFE0];
	v35 =	vadd.f32 v22, v21;
	v26 =	vadd.f32 v15, v10;
	v10 =	vmovc v23;
	(pc) =	sbr.rel @p0 .LBB2_31-.Ltmp14, $4  }
0x479: {  	s5 =	smov.u32 s17;
	s17 =	smov.u32 s11;
	v22 =	vld [tilespmem:s10+$0xFFFFFFE0];
	v29 =	vmul.f32 v34, v7;
	v36 =	vmul.f32 v34, v8;
	v15 =	vadd.f32 v33, v25;
	v7 =	vmovc v30  }
0x47a: {  	v33 =	vmul.f32 v34, v9;
	v8 =	vmovc v31;
	v21 =	vld [tilespmem:s10+$0x0];
	v30 =	vperm.xlane v35, v0;
	v27 =	vadd.f32 v27, v17  }
0x47b: {  	v9 =	vmovc v28;
	v23 =	vld [tilespmem:s9+$0xFFFFFFF0];
	v25 =	vsub.f32 v24, v29;
	v26 =	vsub.f32 v26, v36;
	v17 =	vperm.xlane v15, v2  }
0x47c: {  	s11 =	sadd.s32 $0x1, s11;
	s8 =	sadd.s32 $0x80, s8;
	v28 =	vmul.f32 v34, v6;
	v6 =	vmovc v32;
	v29 =	vld [tilespmem:s10+$0xFFFFFFF0];
	v24 =	vadd.f32 v35, v30;
	v27 =	vsub.f32 v27, v33  }
0x47d: {  	v30 =	vld [tilespmem:s8+$0x0]  }
0x47e: {  	v31 =	vld [tilespmem:s8+$0x10]  }
0x47f: {  	v32 =	vld [tilespmem:s10+$0x10]  }
0x480: {  	v33 =	vld [tilespmem:s8+$0x20]  }
0x481: {  	v20 =	vsub.f32 v20, v22;
	v52 =	vsub.f32 v23, v29  }
0x482: {  	v53 =	vld [tilespmem:s8+$0x30]  }
0x483: {  	v19 =	vsub.f32 v19, v21;
	v54 =	vmul.f32 v30, v20;
	v29 =	vmul.f32 v31, v52;
	_ =	sdelay $0x1  }
0x484: {  	v16 =	vsub.f32 v16, v32;
	v55 =	vmul.f32 v33, v19;
	v21 =	vadd.f32 v29, v54;
	_ =	sdelay $0x1  }
0x485: {  	v56 =	vmul.f32 v53, v16;
	v21 =	vadd.f32 v55, v21;
	_ =	sdelay $0x1  }
0x486: {  	v21 =	vadd.f32 v56, v21;
	_ =	sdelay $0x1  }
0x487: {  	v58 =	vperm.xlane v21, v0  }
0x488: {  	v57 =	vperm.xlane v24, v1  }
0x489: {  	v21 =	vadd.f32 v21, v58  }
0x48a: {  	v24 =	vadd.f32 v24, v57  }
0x48b: {  	v59 =	vld [tilespmem:s7+$0xFFFFFFF0];
	v32 =	vperm.xlane v21, v1  }
0x48c: {  	v60 =	vld [tilespmem:s7+$0xFFFFFFC0];
	v29 =	vperm.xlane v24, v2  }
0x48d: {  	v25 =	vand.u32 $0x7FFFFFFF, v25;
	v26 =	vand.u32 $0x7FFFFFFF, v26;
	v61 =	vld [tilespmem:s7+$0xFFFFFFD0];
	v21 =	vadd.f32 v21, v32  }
0x48e: {  	v62 =	vld [tilespmem:s7+$0xFFFFFFE0];
	v25 =	vadd.f32 v26, v25;
	v24 =	vadd.f32 v24, v29  }
0x48f: {  	v35 =	vld [tilespmem:s8+$0xFFFFFFC0];
	v27 =	vand.u32 $0x7FFFFFFF, v27;
	v34 =	vperm.xlane v21, v2  }
0x490: {  	v37 =	vld [tilespmem:s8+$0xFFFFFFE0];
	v18 =	vsub.f32 v18, v28;
	v25 =	vadd.f32 v25, v27;
	v63 =	vperm.xlane v24, v3  }
0x491: {  	v12 =	vadd.f32 v59, v12;
	v21 =	vadd.f32 v21, v34  }
0x492: {  	v36 =	vld [tilespmem:s8+$0xFFFFFFD0];
	v18 =	vand.u32 $0x7FFFFFFF, v18;
	v11 =	vadd.f32 v60, v11;
	v24 =	vadd.f32 v24, v63  }
0x493: {  	v10 =	vadd.f32 v61, v10;
	v14 =	vadd.f32 v62, v14;
	v38 =	vperm.xlane v21, v3  }
0x494: {  	v41 =	vadd.f32 v35, v20;
	v7 =	vmul.f32 v24, v7;
	v8 =	vmul.f32 v24, v8  }
0x495: {  	v39 =	vld [tilespmem:s8+$0xFFFFFFF0];
	v44 =	vadd.f32 v37, v19;
	v9 =	vmul.f32 v24, v9;
	v40 =	vadd.f32 v21, v38  }
0x496: {  	v6 =	vmul.f32 v24, v6;
	v7 =	vsub.f32 v11, v7;
	v8 =	vsub.f32 v10, v8  }
0x497: {  	v42 =	vadd.f32 v36, v52;
	v21 =	vmul.f32 v40, v30;
	v43 =	vmul.f32 v40, v31  }
0x498: {  	v9 =	vsub.f32 v14, v9;
	v7 =	vand.u32 $0x7FFFFFFF, v7;
	v8 =	vand.u32 $0x7FFFFFFF, v8  }
0x499: {  	v45 =	vmul.f32 v40, v33;
	v14 =	vsub.f32 v41, v21;
	v20 =	vsub.f32 v42, v43  }
0x49a: {  	v10 =	vadd.f32 v39, v16;
	v7 =	vadd.f32 v8, v7;
	v11 =	vmul.f32 v40, v53  }
0x49b: {  	v8 =	vsub.f32 v44, v45;
	v14 =	vand.u32 $0x7FFFFFFF, v14;
	v46 =	vand.u32 $0x7FFFFFFF, v20  }
0x49c: {  	v6 =	vsub.f32 v12, v6;
	v9 =	vand.u32 $0x7FFFFFFF, v9;
	v47 =	vadd.f32 v46, v14  }
0x49d: {  	v7 =	vadd.f32 v7, v9;
	v48 =	vsub.f32 v10, v11;
	v8 =	vand.u32 $0x7FFFFFFF, v8  }
0x49e: {  	v18 =	vadd.f32 v25, v18;
	v6 =	vand.u32 $0x7FFFFFFF, v6;
	v8 =	vadd.f32 v47, v8  }
0x49f: {  	v6 =	vadd.f32 v7, v6;
	v7 =	vand.u32 $0x7FFFFFFF, v48  }
0x4a0: {  	v49 =	vperm.xlane v18, v0;
	v7 =	vadd.f32 v8, v7  }
0x4a1: {  	v51 =	vperm.xlane v6, v0  }
0x4a2: {  	v50 =	vadd.f32 v18, v49;
	v52 =	vperm.xlane v7, v0  }
0x4a3: {  	v6 =	vadd.f32 v6, v51  }
0x4a4: {  	v53 =	vperm.xlane v50, v1;
	v7 =	vadd.f32 v7, v52  }
0x4a5: {  	v9 =	vperm.xlane v6, v1  }
0x4a6: {  	v8 =	vadd.f32 v50, v53;
	v10 =	vperm.xlane v7, v1  }
0x4a7: {  	v6 =	vadd.f32 v6, v9  }
0x4a8: {  	v11 =	vperm.xlane v8, v2;
	v7 =	vadd.f32 v7, v10  }
0x4a9: {  	v54 =	vadd.f32 v15, v17;
	v55 =	vperm.xlane v6, v2  }
0x4aa: {  	v8 =	vadd.f32 v8, v11;
	v57 =	vperm.xlane v7, v2  }
0x4ab: {  	vm0 =	veq.s32 v13, v4;
	v56 =	vperm.xlane v54, v3;
	v6 =	vadd.f32 v6, v55  }
0x4ac: {  	v59 =	vmov s6;
	v58 =	vperm.xlane v8, v3;
	v7 =	vadd.f32 v7, v57  }
0x4ad: {  	v63 =	vmov s17;
	s17 =	sshll.u32 s16, $0x4;
	s16 =	sadd.s32 $0x1, s16;
	v9 =	vadd.f32 v54, v56;
	v60 =	vperm.xlane v6, v3  }
0x4ae: {  	v62 =	vmov s5;
	p0 =	sne.s32 s16, $0x8;
	v8 =	vadd.f32 v8, v58;
	v61 =	vperm.xlane v7, v3  }
.Ltmp15:
0x4af: {  	vm13 =	veq.s32 v59, v4;
	v5 =	vsel vm0, v9, v5;
	v6 =	vadd.f32 v6, v60;
	(pc) =	sbr.rel @p0 .LBB2_30-.Ltmp15, $4  }
0x4b0: {  	vm14 =	veq.s32 v62, v4;
	v5 =	vsel vm13, v8, v5;
	v7 =	vadd.f32 v7, v61  }
0x4b1: {  	vm15 =	veq.s32 v63, v4;
	v5 =	vsel vm14, v6, v5  }
0x4b2: {  	s5 =	sand.u32 $0x3FFFFFF0, s17;
	v5 =	vsel vm15, v7, v5  }
0x4b3: {  	s13 =	sadd.s32 $0x800, s13;
	s14 =	sadd.s32 $0x400, s14;
	s15 =	sadd.s32 $0x400, s15;
	[tilespmem:s5+$0x11180] =	vst v5  }
0x4b4: {  	s6 =	simm.s32 $0x0  }
0x4b5: {  	v5 =	vld [tilespmem:s6+$0x10E00]  }
0x4b6: {  	v6 =	vld [tilespmem:s6+$0x11000];
	_ =	sdelay $0x2  }
0x4b7: {  	s5 =	simm.s32 $0x10  }
0x4b8: {  	v7 =	vld [tilespmem:s5+$0x10E00]  }
0x4b9: {  	v6 =	vsub.f32 v5, v6;
	v5 =	vld [tilespmem:s6+$0xC00]  }
0x4ba: {  	v8 =	vld [tilespmem:s5+$0x11000]  }
0x4bb: {  	v9 =	vadd.f32 $1.000000000e+00, v6;
	_ =	sdelay $0x1  }
0x4bc: {  	s6 =	simm.s32 $0x80;
	v6 =	vimm.f32 $0.0e+00;
	v9 =	vmax.f32 v9, $0.0e+00  }
.LBB2_34:
0x4bd: {  	v9 =	vmul.f32 v9, v5;
	v5 =	vld [tilespmem:s5+$0xC00];
	s5 =	sshra.s32 s6, $0x2;
	p0 =	sne.s32 s6, $0x7C0  }
.Ltmp16:
0x4be: {  	s6 =	sadd.s32 $0x40, s6;
	v10 =	vsub.f32 v7, v8;
	v7 =	vld [tilespmem:s5+$0x10E00];
	(pc) =	sbr.rel @p0 .LBB2_34-.Ltmp16, $3  }
0x4bf: {  	v8 =	vld [tilespmem:s5+$0x11000];
	v6 =	vadd.f32 v9, v6  }
0x4c0: {  	v9 =	vadd.f32 $1.000000000e+00, v10;
	_ =	sdelay $0x1  }
0x4c1: {  	v9 =	vmax.f32 v9, $0.0e+00  }
0x4c2: {  	_ = 	snop  }
0x4c3: {  	v10 =	vld [tilespmem:s5+$0xC00];
	v7 =	vsub.f32 v7, v8;
	_ =	sdelay $0x1  }
0x4c4: {  	v7 =	vadd.f32 $1.000000000e+00, v7  }
0x4c5: {  	v5 =	vmul.f32 v9, v5  }
0x4c6: {  	v7 =	vmax.f32 v7, $0.0e+00  }
0x4c7: {  	v5 =	vadd.f32 v5, v6;
	v6 =	vmul.f32 v7, v10;
	_ =	sdelay $0x1  }
0x4c8: {  	v5 =	vadd.f32 v6, v5;
	_ =	sdelay $0x1  }
0x4c9: {  	s5 =	simm.s32 $0x0;
	[tilespmem:$0x11200] =	vst v5  }
0x4ca: {  	v5 =	vld [tilespmem:s5+$0x11000]  }
0x4cb: {  	s6 =	simm.s32 $0x40  }
.LBB2_36:
0x4cc: {  	p0 =	sne.s32 s6, $0x7C0  }
.Ltmp17:
0x4cd: {  	_ = 	snop;
	(pc) =	sbr.rel @p0 .LBB2_36-.Ltmp17, $4  }
0x4ce: {  	_ = 	snop  }
0x4cf: {  	s7 =	sshra.s32 s6, $0x2;
	s6 =	sadd.s32 $0x40, s6;
	v6 =	vsub.f32 $0.0e+00, v5  }
0x4d0: {  	v5 =	vld [tilespmem:s7+$0x11000]  }
0x4d1: {  	[tilespmem:s5+$0x10E00] =	vst v6;
	s5 =	smov.u32 s7  }
0x4d2: {  	_ =	sdelay $0x2  }
0x4d3: {  	v5 =	vsub.f32 $0.0e+00, v5;
	_ =	sdelay $0x1  }
0x4d4: {  	s17 =	simm.s32 $0x10E00;
	[tilespmem:s5+$0x10E00] =	vst v5  }
0x4d5: {  	[hbm4b:s22+s2] =	stream.linear.scatter [tilespmem:s17], [sflag:$0x4], $0x200, $0x38;
	[tilespmem:$0x11210] =	vst v63  }
0x4d6: {  	s0 =	sadd.s32 $0x1, s0;
	_ =	swait.ge [sflag:s18], $0x200  }
0x4d7: {  	p0 =	sne.s32 s0, s23;
	[sflag:s18] =	ssyncset.done $0x0  }
.Ltmp18:
0x4d8: {  	s28 =	simm.s32 $0x11200;
	[sflag:s18] =	ssyncadd.s32 $0xFFFFFE00;
	(pc) =	sbr.rel @p0 .LBB2_1-.Ltmp18, $4  }
0x4d9: {  	[hbm4b:s12+s2] =	stream.linear.scatter [tilespmem:s28], [sflag:$0x4], $0x10, $0x38;
	[tilespmem:$0x11210] =	vst v63  }
0x4da: {  	_ =	swait.ge [sflag:s18], $0x10  }
0x4db: {  	[sflag:s18] =	ssyncset.done $0x0  }
0x4dc: {  	[sflag:s18] =	ssyncadd.s32 $0xFFFFFFF0  }
0x4dd: {  	_ =	sfence.sel $0x180000  }
0x4de: {  	[bflag:$0x0] =	sbarrier.arrive $0xFFFF  }
0x4df: {  	_ =	strace $0x90000047  }
0x4e0: {  	s0 =	stileid.u32;
	[bflag:$0x2] =	sbarrier.arrive $0xFFFF  }
0x4e1: {  	p0 =	sne.s32 s0, $0x0;
	s0 =	rddreg [dreg:$0x2]  }
0x4e2: {  	s0 =	sadd.s32 @!p0 $0x100000, s0  }
0x4e3: {  	[sflag:s0] =	ssyncadd.tile.s32 @!p0 $0x1;
	_ =	shalt  }
.Lfunc_end2:
_tile_overlayer_lowered:
.L_overlay_start_2:
0x4e4: {  	(tag) =	ssettag $0x2  }
0x4e5: {  	s0 =	rddreg [dreg:$0x0];
	s2 =	stileid.u32  }
0x4e6: {  	s1 =	rddreg [dreg:$0x1];
	p0 =	sne.s32 s2, $0x0  }
0x4e7: {  	s3 =	rddreg [dreg:$0x2];
	[bflag:$0x3] =	sbarrier.arrive $0xFFFF;
	s2 =	simm.s32 @!p0 $0x1C04  }
0x4e8: {  	[timem:s3], [sflag:s2] =	dma.local @!p0 [hbm:s0], s1  }
0x4e9: {  	s0 =	simm.s32 @!p0 $0x4  }
0x4ea: {  	_ =	swait.ge @!p0 [sflag:s0], s1  }
0x4eb: {  	s1 =	ssub.s32 @!p0 $0x0, s1;
	[sflag:s0] =	ssyncset.done @!p0 $0x0  }
0x4ec: {  	[sflag:s0] =	ssyncadd.s32 @!p0 s1  }
0x4ed: {  	[bflag:$0x3] =	sbarrier.arrive $0xFFFF  }
0x4ee: {  	_ =	shalt  }

</sc_bundles>
